<compile_context>
chip_gen: v7x
topology: tpu7x:2x2x1
jax: 0.10.2.dev20260603
libtpu: 0.0.44.dev20260713+nightly
codegen_flags: <defaults>
</compile_context>

<pallas_src>
import jax
import jax.numpy as jnp
from jax import lax
from jax.experimental import pallas as pl
from jax.experimental.pallas import tpu as pltpu
from jax.experimental.pallas import tpu_sc as plsc

D_ = 64
BATCH_ = 4096
HIST_ = 200
NW_ = 32
BL_ = BATCH_ // NW_
NB_ = 4


def _emb_body(words_hbm, table_hbm, out_hbm, widx_v, hidx_v, g_v, t_v,
              gsem, ssem):
    wid = lax.axis_index("s") * 2 + lax.axis_index("c")

    pltpu.sync_copy(words_hbm.at[pl.ds(wid * BL_, BL_)], widx_v)

    iota = lax.iota(jnp.int32, 16)

    def idx_transpose(h):
        hvec = jnp.full((16,), h, jnp.int32)
        for grp in range(8):
            blvec = iota + (grp * 16)
            vals = plsc.load_gather(widx_v, [blvec, hvec])
            hidx_v[h, pl.ds(grp * 16, 16)] = vals

    pl.loop(0, HIST_, step=1)(idx_transpose)

    def gather(h, buf):
        return pltpu.make_async_copy(
            table_hbm.at[hidx_v.at[h]],
            g_v.at[buf],
            gsem,
        )

    def store(h, tb):
        return pltpu.make_async_copy(
            t_v.at[tb, :, :, pl.ds(0, BL_)],
            out_hbm.at[h, :, wid],
            ssem,
        )

    for h in range(NB_ - 1):
        gather(h, h).start()

    def step(g):
        for b in range(NB_):
            h = g + b
            tb = b % 2
            gather(h, b).wait()

            @pl.when(h + NB_ - 1 < HIST_)
            def _():
                gather(h + NB_ - 1, (b + NB_ - 1) % NB_).start()

            @pl.when(h >= 2)
            def _():
                store(h, tb).wait()

            cbvecs = [(iota + cg * 16) // 8 for cg in range(4)]
            ccvecs = [(iota + cg * 16) % 8 for cg in range(4)]
            tbvec = jnp.full((16,), tb, jnp.int32)

            @plsc.parallel_loop(0, BL_, step=4, unroll=2)
            def tpose(bl0):
                for dbl in range(4):
                    blc = bl0 + dbl
                    blvec = jnp.full((16,), blc, jnp.int32)
                    for cg in range(4):
                        vals = g_v[b, blc, pl.ds(cg * 16, 16)]
                        plsc.store_scatter(
                            t_v, [tbvec, cbvecs[cg], ccvecs[cg], blvec], vals
                        )

            store(h, tb).start()

    pl.loop(0, HIST_, step=NB_)(step)

    for tb in range(2):
        store(0, tb).wait()


@jax.jit
def kernel(words, weight):
    mesh = plsc.VectorSubcoreMesh(core_axis_name="c", subcore_axis_name="s")
    out5 = pl.kernel(
        _emb_body,
        mesh=mesh,
        out_type=jax.ShapeDtypeStruct((HIST_, 8, NW_, 8, BL_), jnp.float32),
        scratch_types=[
            pltpu.VMEM((BL_, HIST_), jnp.int32),
            pltpu.VMEM((HIST_, BL_), jnp.int32),
            pltpu.VMEM((NB_, BL_, D_), jnp.float32),
            pltpu.VMEM((2, 8, 8, BL_ + 1), jnp.float32),
            pltpu.SemaphoreType.DMA,
            pltpu.SemaphoreType.DMA,
        ],
        compiler_params=pltpu.CompilerParams(
            use_tc_tiling_on_sc=False, needs_layout_passes=False
        ),
    )(words, weight)
    return out5.transpose(2, 4, 0, 1, 3).reshape(BATCH_, HIST_, D_)

# --- scband reference (transcript-rebuilt; emitter-appended) ---
"""Pipeline reference for scband-embedding-dropout-49692771615013 (READ-ONLY COPY).

The authoritative reference and input builder live on the scoring server;
editing this copy changes nothing except your own understanding.
"""

import jax, jax.numpy as jnp
import numpy as np

VOCAB = 100000
EMBED_DIM = 64
BATCH = 4096
HIST = 200
PAD_IDX = 0

def setup_inputs(seed: int = 0) -> dict:
    key = jax.random.key(seed)
    k1, k2 = jax.random.split(key)
    words = jax.random.randint(k1, (BATCH, HIST), 0, VOCAB, dtype=jnp.int32)
    weight = jax.random.normal(k2, (VOCAB, EMBED_DIM), dtype=jnp.float32)
    return {"words": words, "weight": weight}

def reference(words, weight):
    # Eval-mode EmbeddingDropout: embed_p dropout mask is skipped (self.training is False),
    # scale is None, so masked_embed == weight and the forward is a plain embedding gather.
    # F.embedding(words, masked_embed, pad_idx) -> gather rows of the table.
    out = jnp.take(weight, words, axis=0)
    return out

if __name__ == "__main__":
    import jax
    _d = setup_inputs()
    print(jax.jit(kernel)(*tuple(_d.values())))

</pallas_src>

<mosaic_0001>
#map = affine_map<(d0, d1) -> (0, 0)>
#map1 = affine_map<(d0, d1) -> (0, 0, 0, 0, 0)>
module attributes {stable_mosaic.version = 14 : i64} {
  func.func @_emb_body(%arg0: i32, %arg1: i32, %arg2: memref<4096x200xi32, #tpu.memory_space<hbm>>, %arg3: memref<100000x64xf32, #tpu.memory_space<hbm>>, %arg4: memref<200x8x32x8x128xf32, #tpu.memory_space<hbm>>, %arg5: memref<128x200xi32, #tpu.memory_space<vmem>>, %arg6: memref<200x128xi32, #tpu.memory_space<vmem>>, %arg7: memref<4x128x64xf32, #tpu.memory_space<vmem>>, %arg8: memref<2x8x8x129xf32, #tpu.memory_space<vmem>>, %arg9: memref<!tpu.dma_semaphore, #tpu.memory_space<semaphore_mem>>, %arg10: memref<!tpu.dma_semaphore, #tpu.memory_space<semaphore_mem>>) attributes {dimension_semantics = [#tpu.dimension_semantics<core_parallel>, #tpu.dimension_semantics<subcore_parallel>], iteration_bounds = array<i64: 2, 16>, scalar_prefetch = 0 : i64, scratch_operands = 6 : i64, tpu.core_type = #tpu.core_type<sc_vector_subcore>, window_params = [{transform_indices = #map}, {transform_indices = #map}, {transform_indices = #map1}]} {
    %mul3A = arith.constant 2 : i32
    %mul3A_0 = arith.muli %arg1, %mul3A : i32
    %add3A = arith.addi %mul3A_0, %arg0 : i32
    %mul3A_1 = arith.constant 128 : i32
    %mul3A_2 = arith.muli %add3A, %mul3A_1 : i32
    "tpu.region"() ({
      %run_scoped3A = tpu.sem_alloc : memref<!tpu.dma_semaphore, #tpu.memory_space<semaphore_mem>>
      %dma_start3A_90 = arith.constant 0 : i32
      %dma_start3A_91 = tpu.memref_slice %arg2[%mul3A_2, %dma_start3A_90] : memref<4096x200xi32, #tpu.memory_space<hbm>> -> memref<128x200xi32, #tpu.memory_space<hbm>>
      %dma_start3A_92 = arith.constant 0 : i32
      %dma_start3A_93 = tpu.memref_slice %arg2[%mul3A_2, %dma_start3A_92] : memref<4096x200xi32, #tpu.memory_space<hbm>> -> memref<128x200xi32, #tpu.memory_space<hbm>>
      tpu.enqueue_dma source(%dma_start3A_93 : memref<128x200xi32, #tpu.memory_space<hbm>>) target(%arg5 : memref<128x200xi32, #tpu.memory_space<vmem>>) target_semaphore(%run_scoped3A : memref<!tpu.dma_semaphore, #tpu.memory_space<semaphore_mem>>)
      %dma_wait3A_94 = arith.constant 0 : i32
      %dma_wait3A_95 = tpu.memref_slice %arg2[%mul3A_2, %dma_wait3A_94] : memref<4096x200xi32, #tpu.memory_space<hbm>> -> memref<128x200xi32, #tpu.memory_space<hbm>>
      %dma_wait3A_96 = arith.constant 0 : i32
      %dma_wait3A_97 = tpu.memref_slice %arg2[%mul3A_2, %dma_wait3A_96] : memref<4096x200xi32, #tpu.memory_space<hbm>> -> memref<128x200xi32, #tpu.memory_space<hbm>>
      tpu.wait_dma2 semaphore(%run_scoped3A : memref<!tpu.dma_semaphore, #tpu.memory_space<semaphore_mem>>) src(%dma_wait3A_97 : memref<128x200xi32, #tpu.memory_space<hbm>>) dst(%arg5 : memref<128x200xi32, #tpu.memory_space<vmem>>)
      tpu.yield
    }) : () -> ()
    %iota3A = tpu.iota {dimensions = array<i32: 0>} : vector<16xi32>
    %scan3A = arith.constant 0 : i32
    %scan3A_3 = arith.constant 200 : i32
    %scan3A_4 = arith.addi %scan3A, %scan3A_3 : i32
    %scan3A_5 = arith.constant 1 : i32
    scf.for %scan3A_90 = %scan3A to %scan3A_4 step %scan3A_5  : i32 {
      %mul3A_91 = arith.constant 1 : i32
      %mul3A_92 = arith.muli %scan3A_90, %mul3A_91 : i32
      %add3A_93 = arith.constant 0 : i32
      %add3A_94 = arith.addi %add3A_93, %mul3A_92 : i32
      %broadcast_in_dim3A = vector.broadcast %add3A_94 : i32 to vector<16xi32>
      %add3A_95 = arith.constant 0 : i32
      %add3A_96 = vector.broadcast %add3A_95 : i32 to vector<16xi32>
      %add3A_97 = arith.addi %iota3A, %add3A_96 : vector<16xi32>
      %gather3A = tpu.vector_load_idx %arg5[%add3A_97, %broadcast_in_dim3A] : memref<128x200xi32, #tpu.memory_space<vmem>>[vector<16xi32>, vector<16xi32>], vector<16xi32>,
      %swap3A = arith.index_cast %add3A_94 : i32 to index
      %swap3A_98 = arith.constant 0 : index
      %swap3A_99 = tpu.vector_load %arg6[%swap3A, %swap3A_98] {strides = array<i32>} : memref<200x128xi32, #tpu.memory_space<vmem>>, vector<16xi32>,
      tpu.vector_store %arg6[%swap3A, %swap3A_98], %gather3A {strides = array<i32>} : memref<200x128xi32, #tpu.memory_space<vmem>>, vector<16xi32>,
      %add3A_100 = arith.constant 16 : i32
      %add3A_101 = vector.broadcast %add3A_100 : i32 to vector<16xi32>
      %add3A_102 = arith.addi %iota3A, %add3A_101 : vector<16xi32>
      %gather3A_103 = tpu.vector_load_idx %arg5[%add3A_102, %broadcast_in_dim3A] : memref<128x200xi32, #tpu.memory_space<vmem>>[vector<16xi32>, vector<16xi32>], vector<16xi32>,
      %swap3A_104 = arith.index_cast %add3A_94 : i32 to index
      %swap3A_105 = arith.constant 16 : index
      %swap3A_106 = tpu.vector_load %arg6[%swap3A_104, %swap3A_105] {strides = array<i32>} : memref<200x128xi32, #tpu.memory_space<vmem>>, vector<16xi32>,
      tpu.vector_store %arg6[%swap3A_104, %swap3A_105], %gather3A_103 {strides = array<i32>} : memref<200x128xi32, #tpu.memory_space<vmem>>, vector<16xi32>,
      %add3A_107 = arith.constant 32 : i32
      %add3A_108 = vector.broadcast %add3A_107 : i32 to vector<16xi32>
      %add3A_109 = arith.addi %iota3A, %add3A_108 : vector<16xi32>
      %gather3A_110 = tpu.vector_load_idx %arg5[%add3A_109, %broadcast_in_dim3A] : memref<128x200xi32, #tpu.memory_space<vmem>>[vector<16xi32>, vector<16xi32>], vector<16xi32>,
      %swap3A_111 = arith.index_cast %add3A_94 : i32 to index
      %swap3A_112 = arith.constant 32 : index
      %swap3A_113 = tpu.vector_load %arg6[%swap3A_111, %swap3A_112] {strides = array<i32>} : memref<200x128xi32, #tpu.memory_space<vmem>>, vector<16xi32>,
      tpu.vector_store %arg6[%swap3A_111, %swap3A_112], %gather3A_110 {strides = array<i32>} : memref<200x128xi32, #tpu.memory_space<vmem>>, vector<16xi32>,
      %add3A_114 = arith.constant 48 : i32
      %add3A_115 = vector.broadcast %add3A_114 : i32 to vector<16xi32>
      %add3A_116 = arith.addi %iota3A, %add3A_115 : vector<16xi32>
      %gather3A_117 = tpu.vector_load_idx %arg5[%add3A_116, %broadcast_in_dim3A] : memref<128x200xi32, #tpu.memory_space<vmem>>[vector<16xi32>, vector<16xi32>], vector<16xi32>,
      %swap3A_118 = arith.index_cast %add3A_94 : i32 to index
      %swap3A_119 = arith.constant 48 : index
      %swap3A_120 = tpu.vector_load %arg6[%swap3A_118, %swap3A_119] {strides = array<i32>} : memref<200x128xi32, #tpu.memory_space<vmem>>, vector<16xi32>,
      tpu.vector_store %arg6[%swap3A_118, %swap3A_119], %gather3A_117 {strides = array<i32>} : memref<200x128xi32, #tpu.memory_space<vmem>>, vector<16xi32>,
      %add3A_121 = arith.constant 64 : i32
      %add3A_122 = vector.broadcast %add3A_121 : i32 to vector<16xi32>
      %add3A_123 = arith.addi %iota3A, %add3A_122 : vector<16xi32>
      %gather3A_124 = tpu.vector_load_idx %arg5[%add3A_123, %broadcast_in_dim3A] : memref<128x200xi32, #tpu.memory_space<vmem>>[vector<16xi32>, vector<16xi32>], vector<16xi32>,
      %swap3A_125 = arith.index_cast %add3A_94 : i32 to index
      %swap3A_126 = arith.constant 64 : index
      %swap3A_127 = tpu.vector_load %arg6[%swap3A_125, %swap3A_126] {strides = array<i32>} : memref<200x128xi32, #tpu.memory_space<vmem>>, vector<16xi32>,
      tpu.vector_store %arg6[%swap3A_125, %swap3A_126], %gather3A_124 {strides = array<i32>} : memref<200x128xi32, #tpu.memory_space<vmem>>, vector<16xi32>,
      %add3A_128 = arith.constant 80 : i32
      %add3A_129 = vector.broadcast %add3A_128 : i32 to vector<16xi32>
      %add3A_130 = arith.addi %iota3A, %add3A_129 : vector<16xi32>
      %gather3A_131 = tpu.vector_load_idx %arg5[%add3A_130, %broadcast_in_dim3A] : memref<128x200xi32, #tpu.memory_space<vmem>>[vector<16xi32>, vector<16xi32>], vector<16xi32>,
      %swap3A_132 = arith.index_cast %add3A_94 : i32 to index
      %swap3A_133 = arith.constant 80 : index
      %swap3A_134 = tpu.vector_load %arg6[%swap3A_132, %swap3A_133] {strides = array<i32>} : memref<200x128xi32, #tpu.memory_space<vmem>>, vector<16xi32>,
      tpu.vector_store %arg6[%swap3A_132, %swap3A_133], %gather3A_131 {strides = array<i32>} : memref<200x128xi32, #tpu.memory_space<vmem>>, vector<16xi32>,
      %add3A_135 = arith.constant 96 : i32
      %add3A_136 = vector.broadcast %add3A_135 : i32 to vector<16xi32>
      %add3A_137 = arith.addi %iota3A, %add3A_136 : vector<16xi32>
      %gather3A_138 = tpu.vector_load_idx %arg5[%add3A_137, %broadcast_in_dim3A] : memref<128x200xi32, #tpu.memory_space<vmem>>[vector<16xi32>, vector<16xi32>], vector<16xi32>,
      %swap3A_139 = arith.index_cast %add3A_94 : i32 to index
      %swap3A_140 = arith.constant 96 : index
      %swap3A_141 = tpu.vector_load %arg6[%swap3A_139, %swap3A_140] {strides = array<i32>} : memref<200x128xi32, #tpu.memory_space<vmem>>, vector<16xi32>,
      tpu.vector_store %arg6[%swap3A_139, %swap3A_140], %gather3A_138 {strides = array<i32>} : memref<200x128xi32, #tpu.memory_space<vmem>>, vector<16xi32>,
      %add3A_142 = arith.constant 112 : i32
      %add3A_143 = vector.broadcast %add3A_142 : i32 to vector<16xi32>
      %add3A_144 = arith.addi %iota3A, %add3A_143 : vector<16xi32>
      %gather3A_145 = tpu.vector_load_idx %arg5[%add3A_144, %broadcast_in_dim3A] : memref<128x200xi32, #tpu.memory_space<vmem>>[vector<16xi32>, vector<16xi32>], vector<16xi32>,
      %swap3A_146 = arith.index_cast %add3A_94 : i32 to index
      %swap3A_147 = arith.constant 112 : index
      %swap3A_148 = tpu.vector_load %arg6[%swap3A_146, %swap3A_147] {strides = array<i32>} : memref<200x128xi32, #tpu.memory_space<vmem>>, vector<16xi32>,
      tpu.vector_store %arg6[%swap3A_146, %swap3A_147], %gather3A_145 {strides = array<i32>} : memref<200x128xi32, #tpu.memory_space<vmem>>, vector<16xi32>,
    }
    %scan3A_6 = arith.constant 200 : i32
    %dma_start3A = arith.constant 0 : i32
    %dma_start3A_7 = arith.constant 0 : i32
    %dma_start3A_8 = arith.constant 0 : i32
    %dma_start3A_9 = arith.constant 0 : i32
    %dma_start3A_10 = tpu.memref_slice %arg7[%dma_start3A_7, %dma_start3A_8, %dma_start3A_9] : memref<4x128x64xf32, #tpu.memory_space<vmem>> -> memref<1x128x64xf32, #tpu.memory_space<vmem>>
    %dma_start3A_11 = tpu.memref_squeeze %dma_start3A_10 : memref<1x128x64xf32, #tpu.memory_space<vmem>> -> memref<128x64xf32, #tpu.memory_space<vmem>>
    %dma_start3A_12 = arith.constant 0 : i32
    %dma_start3A_13 = tpu.memref_slice %arg6[%dma_start3A, %dma_start3A_12] : memref<200x128xi32, #tpu.memory_space<vmem>> -> memref<1x128xi32, #tpu.memory_space<vmem>>
    %dma_start3A_14 = tpu.memref_squeeze %dma_start3A_13 : memref<1x128xi32, #tpu.memory_space<vmem>> -> memref<128xi32, #tpu.memory_space<vmem>>
    %dma_start3A_15 = arith.constant 0 : i32
    %dma_start3A_16 = arith.constant 0 : i32
    %dma_start3A_17 = tpu.memref_slice %arg3[%dma_start3A_15, %dma_start3A_16] : memref<100000x64xf32, #tpu.memory_space<hbm>> -> memref<100000x64xf32, #tpu.memory_space<hbm>>
    tpu.enqueue_indirect_dma source(%dma_start3A_17 : memref<100000x64xf32, #tpu.memory_space<hbm>>) target(%dma_start3A_11 : memref<128x64xf32, #tpu.memory_space<vmem>>) offsets(%dma_start3A_14 : memref<128xi32, #tpu.memory_space<vmem>>) semaphore(%arg9 : memref<!tpu.dma_semaphore, #tpu.memory_space<semaphore_mem>>)
    %dma_start3A_18 = arith.constant 1 : i32
    %dma_start3A_19 = arith.constant 1 : i32
    %dma_start3A_20 = arith.constant 0 : i32
    %dma_start3A_21 = arith.constant 0 : i32
    %dma_start3A_22 = tpu.memref_slice %arg7[%dma_start3A_19, %dma_start3A_20, %dma_start3A_21] : memref<4x128x64xf32, #tpu.memory_space<vmem>> -> memref<1x128x64xf32, #tpu.memory_space<vmem>>
    %dma_start3A_23 = tpu.memref_squeeze %dma_start3A_22 : memref<1x128x64xf32, #tpu.memory_space<vmem>> -> memref<128x64xf32, #tpu.memory_space<vmem>>
    %dma_start3A_24 = arith.constant 0 : i32
    %dma_start3A_25 = tpu.memref_slice %arg6[%dma_start3A_18, %dma_start3A_24] : memref<200x128xi32, #tpu.memory_space<vmem>> -> memref<1x128xi32, #tpu.memory_space<vmem>>
    %dma_start3A_26 = tpu.memref_squeeze %dma_start3A_25 : memref<1x128xi32, #tpu.memory_space<vmem>> -> memref<128xi32, #tpu.memory_space<vmem>>
    %dma_start3A_27 = arith.constant 0 : i32
    %dma_start3A_28 = arith.constant 0 : i32
    %dma_start3A_29 = tpu.memref_slice %arg3[%dma_start3A_27, %dma_start3A_28] : memref<100000x64xf32, #tpu.memory_space<hbm>> -> memref<100000x64xf32, #tpu.memory_space<hbm>>
    tpu.enqueue_indirect_dma source(%dma_start3A_29 : memref<100000x64xf32, #tpu.memory_space<hbm>>) target(%dma_start3A_23 : memref<128x64xf32, #tpu.memory_space<vmem>>) offsets(%dma_start3A_26 : memref<128xi32, #tpu.memory_space<vmem>>) semaphore(%arg9 : memref<!tpu.dma_semaphore, #tpu.memory_space<semaphore_mem>>)
    %dma_start3A_30 = arith.constant 2 : i32
    %dma_start3A_31 = arith.constant 2 : i32
    %dma_start3A_32 = arith.constant 0 : i32
    %dma_start3A_33 = arith.constant 0 : i32
    %dma_start3A_34 = tpu.memref_slice %arg7[%dma_start3A_31, %dma_start3A_32, %dma_start3A_33] : memref<4x128x64xf32, #tpu.memory_space<vmem>> -> memref<1x128x64xf32, #tpu.memory_space<vmem>>
    %dma_start3A_35 = tpu.memref_squeeze %dma_start3A_34 : memref<1x128x64xf32, #tpu.memory_space<vmem>> -> memref<128x64xf32, #tpu.memory_space<vmem>>
    %dma_start3A_36 = arith.constant 0 : i32
    %dma_start3A_37 = tpu.memref_slice %arg6[%dma_start3A_30, %dma_start3A_36] : memref<200x128xi32, #tpu.memory_space<vmem>> -> memref<1x128xi32, #tpu.memory_space<vmem>>
    %dma_start3A_38 = tpu.memref_squeeze %dma_start3A_37 : memref<1x128xi32, #tpu.memory_space<vmem>> -> memref<128xi32, #tpu.memory_space<vmem>>
    %dma_start3A_39 = arith.constant 0 : i32
    %dma_start3A_40 = arith.constant 0 : i32
    %dma_start3A_41 = tpu.memref_slice %arg3[%dma_start3A_39, %dma_start3A_40] : memref<100000x64xf32, #tpu.memory_space<hbm>> -> memref<100000x64xf32, #tpu.memory_space<hbm>>
    tpu.enqueue_indirect_dma source(%dma_start3A_41 : memref<100000x64xf32, #tpu.memory_space<hbm>>) target(%dma_start3A_35 : memref<128x64xf32, #tpu.memory_space<vmem>>) offsets(%dma_start3A_38 : memref<128xi32, #tpu.memory_space<vmem>>) semaphore(%arg9 : memref<!tpu.dma_semaphore, #tpu.memory_space<semaphore_mem>>)
    %scan3A_42 = arith.constant 0 : i32
    %scan3A_43 = arith.constant 50 : i32
    %scan3A_44 = arith.addi %scan3A_42, %scan3A_43 : i32
    %scan3A_45 = arith.constant 1 : i32
    scf.for %scan3A_90 = %scan3A_42 to %scan3A_44 step %scan3A_45  : i32 {
      %mul3A_91 = arith.constant 4 : i32
      %mul3A_92 = arith.muli %scan3A_90, %mul3A_91 : i32
      %add3A_93 = arith.constant 0 : i32
      %add3A_94 = arith.addi %add3A_93, %mul3A_92 : i32
      %add3A_95 = arith.constant 0 : i32
      %add3A_96 = arith.addi %add3A_94, %add3A_95 : i32
      %dma_wait3A_97 = arith.constant 0 : i32
      %dma_wait3A_98 = arith.constant 0 : i32
      %dma_wait3A_99 = arith.constant 0 : i32
      %dma_wait3A_100 = tpu.memref_slice %arg7[%dma_wait3A_97, %dma_wait3A_98, %dma_wait3A_99] : memref<4x128x64xf32, #tpu.memory_space<vmem>> -> memref<1x128x64xf32, #tpu.memory_space<vmem>>
      %dma_wait3A_101 = tpu.memref_squeeze %dma_wait3A_100 : memref<1x128x64xf32, #tpu.memory_space<vmem>> -> memref<128x64xf32, #tpu.memory_space<vmem>>
      %dma_wait3A_102 = arith.constant 0 : i32
      %dma_wait3A_103 = tpu.memref_slice %arg6[%add3A_96, %dma_wait3A_102] : memref<200x128xi32, #tpu.memory_space<vmem>> -> memref<1x128xi32, #tpu.memory_space<vmem>>
      %dma_wait3A_104 = tpu.memref_squeeze %dma_wait3A_103 : memref<1x128xi32, #tpu.memory_space<vmem>> -> memref<128xi32, #tpu.memory_space<vmem>>
      %dma_wait3A_105 = arith.constant 0 : i32
      %dma_wait3A_106 = arith.constant 0 : i32
      %dma_wait3A_107 = tpu.memref_slice %arg3[%dma_wait3A_105, %dma_wait3A_106] : memref<100000x64xf32, #tpu.memory_space<hbm>> -> memref<100000x64xf32, #tpu.memory_space<hbm>>
      tpu.wait_indirect_dma semaphore(%arg9 : memref<!tpu.dma_semaphore, #tpu.memory_space<semaphore_mem>>) src(%dma_wait3A_107 : memref<100000x64xf32, #tpu.memory_space<hbm>>) dst(%dma_wait3A_101 : memref<128x64xf32, #tpu.memory_space<vmem>>)
      %add3A_108 = arith.constant 4 : i32
      %add3A_109 = arith.addi %add3A_96, %add3A_108 : i32
      %sub3A = arith.constant 1 : i32
      %sub3A_110 = arith.subi %add3A_109, %sub3A : i32
      %lt3A = arith.constant 200 : i32
      %lt3A_111 = arith.cmpi slt, %sub3A_110, %lt3A : i32
      %convert_element_type3A = arith.extui %lt3A_111 : i1 to i32
      %cond3A = arith.constant 0 : i32
      %cond3A_112 = arith.cmpi ne, %convert_element_type3A, %cond3A : i32
      scf.if %cond3A_112 {
        %add3A_1236 = arith.constant 4 : i32
        %add3A_1237 = arith.addi %add3A_96, %add3A_1236 : i32
        %sub3A_1238 = arith.constant 1 : i32
        %sub3A_1239 = arith.subi %add3A_1237, %sub3A_1238 : i32
        %dma_start3A_1240 = arith.constant 3 : i32
        %dma_start3A_1241 = arith.constant 0 : i32
        %dma_start3A_1242 = arith.constant 0 : i32
        %dma_start3A_1243 = tpu.memref_slice %arg7[%dma_start3A_1240, %dma_start3A_1241, %dma_start3A_1242] : memref<4x128x64xf32, #tpu.memory_space<vmem>> -> memref<1x128x64xf32, #tpu.memory_space<vmem>>
        %dma_start3A_1244 = tpu.memref_squeeze %dma_start3A_1243 : memref<1x128x64xf32, #tpu.memory_space<vmem>> -> memref<128x64xf32, #tpu.memory_space<vmem>>
        %dma_start3A_1245 = arith.constant 0 : i32
        %dma_start3A_1246 = tpu.memref_slice %arg6[%sub3A_1239, %dma_start3A_1245] : memref<200x128xi32, #tpu.memory_space<vmem>> -> memref<1x128xi32, #tpu.memory_space<vmem>>
        %dma_start3A_1247 = tpu.memref_squeeze %dma_start3A_1246 : memref<1x128xi32, #tpu.memory_space<vmem>> -> memref<128xi32, #tpu.memory_space<vmem>>
        %dma_start3A_1248 = arith.constant 0 : i32
        %dma_start3A_1249 = arith.constant 0 : i32
        %dma_start3A_1250 = tpu.memref_slice %arg3[%dma_start3A_1248, %dma_start3A_1249] : memref<100000x64xf32, #tpu.memory_space<hbm>> -> memref<100000x64xf32, #tpu.memory_space<hbm>>
        tpu.enqueue_indirect_dma source(%dma_start3A_1250 : memref<100000x64xf32, #tpu.memory_space<hbm>>) target(%dma_start3A_1244 : memref<128x64xf32, #tpu.memory_space<vmem>>) offsets(%dma_start3A_1247 : memref<128xi32, #tpu.memory_space<vmem>>) semaphore(%arg9 : memref<!tpu.dma_semaphore, #tpu.memory_space<semaphore_mem>>)
      } else {
      }
      %ge3A = arith.constant 2 : i32
      %ge3A_113 = arith.cmpi sge, %add3A_96, %ge3A : i32
      %convert_element_type3A_114 = arith.extui %ge3A_113 : i1 to i32
      %cond3A_115 = arith.constant 0 : i32
      %cond3A_116 = arith.cmpi ne, %convert_element_type3A_114, %cond3A_115 : i32
      scf.if %cond3A_116 {
        %dma_wait3A_1236 = arith.constant 0 : i32
        %dma_wait3A_1237 = arith.constant 0 : i32
        %dma_wait3A_1238 = arith.constant 0 : i32
        %dma_wait3A_1239 = arith.constant 0 : i32
        %dma_wait3A_1240 = tpu.memref_slice %arg8[%dma_wait3A_1236, %dma_wait3A_1237, %dma_wait3A_1238, %dma_wait3A_1239] : memref<2x8x8x129xf32, #tpu.memory_space<vmem>> -> memref<1x8x8x128xf32, #tpu.memory_space<vmem>>
        %dma_wait3A_1241 = tpu.memref_squeeze %dma_wait3A_1240 : memref<1x8x8x128xf32, #tpu.memory_space<vmem>> -> memref<8x8x128xf32, #tpu.memory_space<vmem>>
        %dma_wait3A_1242 = arith.constant 0 : i32
        %dma_wait3A_1243 = arith.constant 0 : i32
        %dma_wait3A_1244 = arith.constant 0 : i32
        %dma_wait3A_1245 = tpu.memref_slice %arg4[%add3A_96, %dma_wait3A_1242, %add3A, %dma_wait3A_1243, %dma_wait3A_1244] : memref<200x8x32x8x128xf32, #tpu.memory_space<hbm>> -> memref<1x8x1x8x128xf32, #tpu.memory_space<hbm>>
        %dma_wait3A_1246 = tpu.memref_squeeze %dma_wait3A_1245 : memref<1x8x1x8x128xf32, #tpu.memory_space<hbm>> -> memref<8x8x128xf32, #tpu.memory_space<hbm>>
        %dma_wait3A_1247 = arith.constant 0 : i32
        %dma_wait3A_1248 = arith.constant 0 : i32
        %dma_wait3A_1249 = arith.constant 0 : i32
        %dma_wait3A_1250 = tpu.memref_slice %arg4[%add3A_96, %dma_wait3A_1247, %add3A, %dma_wait3A_1248, %dma_wait3A_1249] : memref<200x8x32x8x128xf32, #tpu.memory_space<hbm>> -> memref<1x8x1x8x128xf32, #tpu.memory_space<hbm>>
        %dma_wait3A_1251 = tpu.memref_squeeze %dma_wait3A_1250 : memref<1x8x1x8x128xf32, #tpu.memory_space<hbm>> -> memref<8x8x128xf32, #tpu.memory_space<hbm>>
        %dma_wait3A_1252 = arith.constant 0 : i32
        %dma_wait3A_1253 = arith.constant 0 : i32
        %dma_wait3A_1254 = arith.constant 0 : i32
        %dma_wait3A_1255 = tpu.memref_slice %arg8[%dma_wait3A_1236, %dma_wait3A_1252, %dma_wait3A_1253, %dma_wait3A_1254] : memref<2x8x8x129xf32, #tpu.memory_space<vmem>> -> memref<1x8x8x128xf32, #tpu.memory_space<vmem>>
        %dma_wait3A_1256 = tpu.memref_squeeze %dma_wait3A_1255 : memref<1x8x8x128xf32, #tpu.memory_space<vmem>> -> memref<8x8x128xf32, #tpu.memory_space<vmem>>
        tpu.wait_dma2 semaphore(%arg10 : memref<!tpu.dma_semaphore, #tpu.memory_space<semaphore_mem>>) src(%dma_wait3A_1256 : memref<8x8x128xf32, #tpu.memory_space<vmem>>) dst(%dma_wait3A_1251 : memref<8x8x128xf32, #tpu.memory_space<hbm>>)
      } else {
      }
      %add3A_117 = arith.constant 0 : i32
      %add3A_118 = vector.broadcast %add3A_117 : i32 to vector<16xi32>
      %add3A_119 = arith.addi %iota3A, %add3A_118 : vector<16xi32>
      %jit3A = arith.constant 8 : i32
      %div3A = vector.broadcast %jit3A : i32 to vector<16xi32>
      %div3A_120 = arith.divsi %add3A_119, %div3A : vector<16xi32>
      %sign3A = arith.constant 0 : i32
      %sign3A_121 = vector.broadcast %sign3A : i32 to vector<16xi32>
      %sign3A_122 = arith.cmpi sgt, %add3A_119, %sign3A_121 : vector<16xi32>
      %sign3A_123 = arith.extui %sign3A_122 : vector<16xi1> to vector<16xi32>
      %sign3A_124 = arith.constant 0 : i32
      %sign3A_125 = vector.broadcast %sign3A_124 : i32 to vector<16xi32>
      %sign3A_126 = arith.cmpi slt, %add3A_119, %sign3A_125 : vector<16xi32>
      %sign3A_127 = arith.extui %sign3A_126 : vector<16xi1> to vector<16xi32>
      %sign3A_128 = arith.subi %sign3A_123, %sign3A_127 : vector<16xi32>
      %sign3A_129 = arith.constant 0 : i32
      %sign3A_130 = arith.cmpi sgt, %jit3A, %sign3A_129 : i32
      %sign3A_131 = arith.extui %sign3A_130 : i1 to i32
      %sign3A_132 = arith.constant 0 : i32
      %sign3A_133 = arith.cmpi slt, %jit3A, %sign3A_132 : i32
      %sign3A_134 = arith.extui %sign3A_133 : i1 to i32
      %sign3A_135 = arith.subi %sign3A_131, %sign3A_134 : i32
      %ne3A = vector.broadcast %sign3A_135 : i32 to vector<16xi32>
      %ne3A_136 = arith.cmpi ne, %sign3A_128, %ne3A : vector<16xi32>
      %rem3A = vector.broadcast %jit3A : i32 to vector<16xi32>
      %rem3A_137 = arith.remsi %add3A_119, %rem3A : vector<16xi32>
      %ne3A_138 = arith.constant 0 : i32
      %ne3A_139 = vector.broadcast %ne3A_138 : i32 to vector<16xi32>
      %ne3A_140 = arith.cmpi ne, %rem3A_137, %ne3A_139 : vector<16xi32>
      %and3A = arith.andi %ne3A_136, %ne3A_140 : vector<16xi1>
      %sub3A_141 = arith.constant 1 : i32
      %sub3A_142 = vector.broadcast %sub3A_141 : i32 to vector<16xi32>
      %sub3A_143 = arith.subi %div3A_120, %sub3A_142 : vector<16xi32>
      %select_n3A = arith.select %and3A, %sub3A_143, %div3A_120 : vector<16xi1>, vector<16xi32>
      %add3A_144 = arith.constant 16 : i32
      %add3A_145 = vector.broadcast %add3A_144 : i32 to vector<16xi32>
      %add3A_146 = arith.addi %iota3A, %add3A_145 : vector<16xi32>
      %jit3A_147 = arith.constant 8 : i32
      %div3A_148 = vector.broadcast %jit3A_147 : i32 to vector<16xi32>
      %div3A_149 = arith.divsi %add3A_146, %div3A_148 : vector<16xi32>
      %sign3A_150 = arith.constant 0 : i32
      %sign3A_151 = vector.broadcast %sign3A_150 : i32 to vector<16xi32>
      %sign3A_152 = arith.cmpi sgt, %add3A_146, %sign3A_151 : vector<16xi32>
      %sign3A_153 = arith.extui %sign3A_152 : vector<16xi1> to vector<16xi32>
      %sign3A_154 = arith.constant 0 : i32
      %sign3A_155 = vector.broadcast %sign3A_154 : i32 to vector<16xi32>
      %sign3A_156 = arith.cmpi slt, %add3A_146, %sign3A_155 : vector<16xi32>
      %sign3A_157 = arith.extui %sign3A_156 : vector<16xi1> to vector<16xi32>
      %sign3A_158 = arith.subi %sign3A_153, %sign3A_157 : vector<16xi32>
      %sign3A_159 = arith.constant 0 : i32
      %sign3A_160 = arith.cmpi sgt, %jit3A_147, %sign3A_159 : i32
      %sign3A_161 = arith.extui %sign3A_160 : i1 to i32
      %sign3A_162 = arith.constant 0 : i32
      %sign3A_163 = arith.cmpi slt, %jit3A_147, %sign3A_162 : i32
      %sign3A_164 = arith.extui %sign3A_163 : i1 to i32
      %sign3A_165 = arith.subi %sign3A_161, %sign3A_164 : i32
      %ne3A_166 = vector.broadcast %sign3A_165 : i32 to vector<16xi32>
      %ne3A_167 = arith.cmpi ne, %sign3A_158, %ne3A_166 : vector<16xi32>
      %rem3A_168 = vector.broadcast %jit3A_147 : i32 to vector<16xi32>
      %rem3A_169 = arith.remsi %add3A_146, %rem3A_168 : vector<16xi32>
      %ne3A_170 = arith.constant 0 : i32
      %ne3A_171 = vector.broadcast %ne3A_170 : i32 to vector<16xi32>
      %ne3A_172 = arith.cmpi ne, %rem3A_169, %ne3A_171 : vector<16xi32>
      %and3A_173 = arith.andi %ne3A_167, %ne3A_172 : vector<16xi1>
      %sub3A_174 = arith.constant 1 : i32
      %sub3A_175 = vector.broadcast %sub3A_174 : i32 to vector<16xi32>
      %sub3A_176 = arith.subi %div3A_149, %sub3A_175 : vector<16xi32>
      %select_n3A_177 = arith.select %and3A_173, %sub3A_176, %div3A_149 : vector<16xi1>, vector<16xi32>
      %add3A_178 = arith.constant 32 : i32
      %add3A_179 = vector.broadcast %add3A_178 : i32 to vector<16xi32>
      %add3A_180 = arith.addi %iota3A, %add3A_179 : vector<16xi32>
      %jit3A_181 = arith.constant 8 : i32
      %div3A_182 = vector.broadcast %jit3A_181 : i32 to vector<16xi32>
      %div3A_183 = arith.divsi %add3A_180, %div3A_182 : vector<16xi32>
      %sign3A_184 = arith.constant 0 : i32
      %sign3A_185 = vector.broadcast %sign3A_184 : i32 to vector<16xi32>
      %sign3A_186 = arith.cmpi sgt, %add3A_180, %sign3A_185 : vector<16xi32>
      %sign3A_187 = arith.extui %sign3A_186 : vector<16xi1> to vector<16xi32>
      %sign3A_188 = arith.constant 0 : i32
      %sign3A_189 = vector.broadcast %sign3A_188 : i32 to vector<16xi32>
      %sign3A_190 = arith.cmpi slt, %add3A_180, %sign3A_189 : vector<16xi32>
      %sign3A_191 = arith.extui %sign3A_190 : vector<16xi1> to vector<16xi32>
      %sign3A_192 = arith.subi %sign3A_187, %sign3A_191 : vector<16xi32>
      %sign3A_193 = arith.constant 0 : i32
      %sign3A_194 = arith.cmpi sgt, %jit3A_181, %sign3A_193 : i32
      %sign3A_195 = arith.extui %sign3A_194 : i1 to i32
      %sign3A_196 = arith.constant 0 : i32
      %sign3A_197 = arith.cmpi slt, %jit3A_181, %sign3A_196 : i32
      %sign3A_198 = arith.extui %sign3A_197 : i1 to i32
      %sign3A_199 = arith.subi %sign3A_195, %sign3A_198 : i32
      %ne3A_200 = vector.broadcast %sign3A_199 : i32 to vector<16xi32>
      %ne3A_201 = arith.cmpi ne, %sign3A_192, %ne3A_200 : vector<16xi32>
      %rem3A_202 = vector.broadcast %jit3A_181 : i32 to vector<16xi32>
      %rem3A_203 = arith.remsi %add3A_180, %rem3A_202 : vector<16xi32>
      %ne3A_204 = arith.constant 0 : i32
      %ne3A_205 = vector.broadcast %ne3A_204 : i32 to vector<16xi32>
      %ne3A_206 = arith.cmpi ne, %rem3A_203, %ne3A_205 : vector<16xi32>
      %and3A_207 = arith.andi %ne3A_201, %ne3A_206 : vector<16xi1>
      %sub3A_208 = arith.constant 1 : i32
      %sub3A_209 = vector.broadcast %sub3A_208 : i32 to vector<16xi32>
      %sub3A_210 = arith.subi %div3A_183, %sub3A_209 : vector<16xi32>
      %select_n3A_211 = arith.select %and3A_207, %sub3A_210, %div3A_183 : vector<16xi1>, vector<16xi32>
      %add3A_212 = arith.constant 48 : i32
      %add3A_213 = vector.broadcast %add3A_212 : i32 to vector<16xi32>
      %add3A_214 = arith.addi %iota3A, %add3A_213 : vector<16xi32>
      %jit3A_215 = arith.constant 8 : i32
      %div3A_216 = vector.broadcast %jit3A_215 : i32 to vector<16xi32>
      %div3A_217 = arith.divsi %add3A_214, %div3A_216 : vector<16xi32>
      %sign3A_218 = arith.constant 0 : i32
      %sign3A_219 = vector.broadcast %sign3A_218 : i32 to vector<16xi32>
      %sign3A_220 = arith.cmpi sgt, %add3A_214, %sign3A_219 : vector<16xi32>
      %sign3A_221 = arith.extui %sign3A_220 : vector<16xi1> to vector<16xi32>
      %sign3A_222 = arith.constant 0 : i32
      %sign3A_223 = vector.broadcast %sign3A_222 : i32 to vector<16xi32>
      %sign3A_224 = arith.cmpi slt, %add3A_214, %sign3A_223 : vector<16xi32>
      %sign3A_225 = arith.extui %sign3A_224 : vector<16xi1> to vector<16xi32>
      %sign3A_226 = arith.subi %sign3A_221, %sign3A_225 : vector<16xi32>
      %sign3A_227 = arith.constant 0 : i32
      %sign3A_228 = arith.cmpi sgt, %jit3A_215, %sign3A_227 : i32
      %sign3A_229 = arith.extui %sign3A_228 : i1 to i32
      %sign3A_230 = arith.constant 0 : i32
      %sign3A_231 = arith.cmpi slt, %jit3A_215, %sign3A_230 : i32
      %sign3A_232 = arith.extui %sign3A_231 : i1 to i32
      %sign3A_233 = arith.subi %sign3A_229, %sign3A_232 : i32
      %ne3A_234 = vector.broadcast %sign3A_233 : i32 to vector<16xi32>
      %ne3A_235 = arith.cmpi ne, %sign3A_226, %ne3A_234 : vector<16xi32>
      %rem3A_236 = vector.broadcast %jit3A_215 : i32 to vector<16xi32>
      %rem3A_237 = arith.remsi %add3A_214, %rem3A_236 : vector<16xi32>
      %ne3A_238 = arith.constant 0 : i32
      %ne3A_239 = vector.broadcast %ne3A_238 : i32 to vector<16xi32>
      %ne3A_240 = arith.cmpi ne, %rem3A_237, %ne3A_239 : vector<16xi32>
      %and3A_241 = arith.andi %ne3A_235, %ne3A_240 : vector<16xi1>
      %sub3A_242 = arith.constant 1 : i32
      %sub3A_243 = vector.broadcast %sub3A_242 : i32 to vector<16xi32>
      %sub3A_244 = arith.subi %div3A_217, %sub3A_243 : vector<16xi32>
      %select_n3A_245 = arith.select %and3A_241, %sub3A_244, %div3A_217 : vector<16xi1>, vector<16xi32>
      %add3A_246 = arith.constant 0 : i32
      %add3A_247 = vector.broadcast %add3A_246 : i32 to vector<16xi32>
      %add3A_248 = arith.addi %iota3A, %add3A_247 : vector<16xi32>
      %jit3A_249 = arith.constant 8 : i32
      %eq3A = arith.constant 0 : i32
      %eq3A_250 = arith.cmpi eq, %jit3A_249, %eq3A : i32
      %jit3A_251 = arith.constant 1 : i32
      %select_n3A_252 = arith.select %eq3A_250, %jit3A_251, %jit3A_249 : i32
      %rem3A_253 = vector.broadcast %select_n3A_252 : i32 to vector<16xi32>
      %rem3A_254 = arith.remsi %add3A_248, %rem3A_253 : vector<16xi32>
      %ne3A_255 = arith.constant 0 : i32
      %ne3A_256 = vector.broadcast %ne3A_255 : i32 to vector<16xi32>
      %ne3A_257 = arith.cmpi ne, %rem3A_254, %ne3A_256 : vector<16xi32>
      %lt3A_258 = arith.constant 0 : i32
      %lt3A_259 = vector.broadcast %lt3A_258 : i32 to vector<16xi32>
      %lt3A_260 = arith.cmpi slt, %rem3A_254, %lt3A_259 : vector<16xi32>
      %lt3A_261 = arith.constant 0 : i32
      %lt3A_262 = arith.cmpi slt, %select_n3A_252, %lt3A_261 : i32
      %ne3A_263 = vector.broadcast %lt3A_262 : i1 to vector<16xi1>
      %ne3A_264 = vector.broadcast %ne3A_263 : vector<16xi1> to vector<16xi1>
      %ne3A_265 = arith.xori %lt3A_260, %ne3A_264 : vector<16xi1>
      %and3A_266 = arith.andi %ne3A_265, %ne3A_257 : vector<16xi1>
      %add3A_267 = vector.broadcast %select_n3A_252 : i32 to vector<16xi32>
      %add3A_268 = arith.addi %rem3A_254, %add3A_267 : vector<16xi32>
      %select_n3A_269 = arith.select %and3A_266, %add3A_268, %rem3A_254 : vector<16xi1>, vector<16xi32>
      %add3A_270 = arith.constant 16 : i32
      %add3A_271 = vector.broadcast %add3A_270 : i32 to vector<16xi32>
      %add3A_272 = arith.addi %iota3A, %add3A_271 : vector<16xi32>
      %jit3A_273 = arith.constant 8 : i32
      %eq3A_274 = arith.constant 0 : i32
      %eq3A_275 = arith.cmpi eq, %jit3A_273, %eq3A_274 : i32
      %jit3A_276 = arith.constant 1 : i32
      %select_n3A_277 = arith.select %eq3A_275, %jit3A_276, %jit3A_273 : i32
      %rem3A_278 = vector.broadcast %select_n3A_277 : i32 to vector<16xi32>
      %rem3A_279 = arith.remsi %add3A_272, %rem3A_278 : vector<16xi32>
      %ne3A_280 = arith.constant 0 : i32
      %ne3A_281 = vector.broadcast %ne3A_280 : i32 to vector<16xi32>
      %ne3A_282 = arith.cmpi ne, %rem3A_279, %ne3A_281 : vector<16xi32>
      %lt3A_283 = arith.constant 0 : i32
      %lt3A_284 = vector.broadcast %lt3A_283 : i32 to vector<16xi32>
      %lt3A_285 = arith.cmpi slt, %rem3A_279, %lt3A_284 : vector<16xi32>
      %lt3A_286 = arith.constant 0 : i32
      %lt3A_287 = arith.cmpi slt, %select_n3A_277, %lt3A_286 : i32
      %ne3A_288 = vector.broadcast %lt3A_287 : i1 to vector<16xi1>
      %ne3A_289 = vector.broadcast %ne3A_288 : vector<16xi1> to vector<16xi1>
      %ne3A_290 = arith.xori %lt3A_285, %ne3A_289 : vector<16xi1>
      %and3A_291 = arith.andi %ne3A_290, %ne3A_282 : vector<16xi1>
      %add3A_292 = vector.broadcast %select_n3A_277 : i32 to vector<16xi32>
      %add3A_293 = arith.addi %rem3A_279, %add3A_292 : vector<16xi32>
      %select_n3A_294 = arith.select %and3A_291, %add3A_293, %rem3A_279 : vector<16xi1>, vector<16xi32>
      %add3A_295 = arith.constant 32 : i32
      %add3A_296 = vector.broadcast %add3A_295 : i32 to vector<16xi32>
      %add3A_297 = arith.addi %iota3A, %add3A_296 : vector<16xi32>
      %jit3A_298 = arith.constant 8 : i32
      %eq3A_299 = arith.constant 0 : i32
      %eq3A_300 = arith.cmpi eq, %jit3A_298, %eq3A_299 : i32
      %jit3A_301 = arith.constant 1 : i32
      %select_n3A_302 = arith.select %eq3A_300, %jit3A_301, %jit3A_298 : i32
      %rem3A_303 = vector.broadcast %select_n3A_302 : i32 to vector<16xi32>
      %rem3A_304 = arith.remsi %add3A_297, %rem3A_303 : vector<16xi32>
      %ne3A_305 = arith.constant 0 : i32
      %ne3A_306 = vector.broadcast %ne3A_305 : i32 to vector<16xi32>
      %ne3A_307 = arith.cmpi ne, %rem3A_304, %ne3A_306 : vector<16xi32>
      %lt3A_308 = arith.constant 0 : i32
      %lt3A_309 = vector.broadcast %lt3A_308 : i32 to vector<16xi32>
      %lt3A_310 = arith.cmpi slt, %rem3A_304, %lt3A_309 : vector<16xi32>
      %lt3A_311 = arith.constant 0 : i32
      %lt3A_312 = arith.cmpi slt, %select_n3A_302, %lt3A_311 : i32
      %ne3A_313 = vector.broadcast %lt3A_312 : i1 to vector<16xi1>
      %ne3A_314 = vector.broadcast %ne3A_313 : vector<16xi1> to vector<16xi1>
      %ne3A_315 = arith.xori %lt3A_310, %ne3A_314 : vector<16xi1>
      %and3A_316 = arith.andi %ne3A_315, %ne3A_307 : vector<16xi1>
      %add3A_317 = vector.broadcast %select_n3A_302 : i32 to vector<16xi32>
      %add3A_318 = arith.addi %rem3A_304, %add3A_317 : vector<16xi32>
      %select_n3A_319 = arith.select %and3A_316, %add3A_318, %rem3A_304 : vector<16xi1>, vector<16xi32>
      %add3A_320 = arith.constant 48 : i32
      %add3A_321 = vector.broadcast %add3A_320 : i32 to vector<16xi32>
      %add3A_322 = arith.addi %iota3A, %add3A_321 : vector<16xi32>
      %jit3A_323 = arith.constant 8 : i32
      %eq3A_324 = arith.constant 0 : i32
      %eq3A_325 = arith.cmpi eq, %jit3A_323, %eq3A_324 : i32
      %jit3A_326 = arith.constant 1 : i32
      %select_n3A_327 = arith.select %eq3A_325, %jit3A_326, %jit3A_323 : i32
      %rem3A_328 = vector.broadcast %select_n3A_327 : i32 to vector<16xi32>
      %rem3A_329 = arith.remsi %add3A_322, %rem3A_328 : vector<16xi32>
      %ne3A_330 = arith.constant 0 : i32
      %ne3A_331 = vector.broadcast %ne3A_330 : i32 to vector<16xi32>
      %ne3A_332 = arith.cmpi ne, %rem3A_329, %ne3A_331 : vector<16xi32>
      %lt3A_333 = arith.constant 0 : i32
      %lt3A_334 = vector.broadcast %lt3A_333 : i32 to vector<16xi32>
      %lt3A_335 = arith.cmpi slt, %rem3A_329, %lt3A_334 : vector<16xi32>
      %lt3A_336 = arith.constant 0 : i32
      %lt3A_337 = arith.cmpi slt, %select_n3A_327, %lt3A_336 : i32
      %ne3A_338 = vector.broadcast %lt3A_337 : i1 to vector<16xi1>
      %ne3A_339 = vector.broadcast %ne3A_338 : vector<16xi1> to vector<16xi1>
      %ne3A_340 = arith.xori %lt3A_335, %ne3A_339 : vector<16xi1>
      %and3A_341 = arith.andi %ne3A_340, %ne3A_332 : vector<16xi1>
      %add3A_342 = vector.broadcast %select_n3A_327 : i32 to vector<16xi32>
      %add3A_343 = arith.addi %rem3A_329, %add3A_342 : vector<16xi32>
      %select_n3A_344 = arith.select %and3A_341, %add3A_343, %rem3A_329 : vector<16xi1>, vector<16xi32>
      %broadcast_in_dim3A = arith.constant 0 : i32
      %broadcast_in_dim3A_345 = vector.broadcast %broadcast_in_dim3A : i32 to vector<16xi32>
      %parallel_loop3A = arith.constant 0 : i32
      %parallel_loop3A_346 = arith.constant 128 : i32
      %parallel_loop3A_347 = arith.constant 4 : i32
      scf.for %parallel_loop3A_1236 = %parallel_loop3A to %parallel_loop3A_346 step %parallel_loop3A_347  : i32 {
        %parallel_loop3A_1237 = arith.constant 0 : i32
        %parallel_loop3A_1238 = arith.addi %parallel_loop3A_1236, %parallel_loop3A_1237 : i32
        %parallel_loop3A_1239 = vector.broadcast %parallel_loop3A_1238 : i32 to vector<16xi32>
        %parallel_loop3A_1240 = arith.constant 0 : i32
        %parallel_loop3A_1241 = arith.index_cast %parallel_loop3A_1240 : i32 to index
        %parallel_loop3A_1242 = arith.index_cast %parallel_loop3A_1238 : i32 to index
        %parallel_loop3A_1243 = arith.constant 0 : index
        %parallel_loop3A_1244 = tpu.vector_load %arg7[%parallel_loop3A_1241, %parallel_loop3A_1242, %parallel_loop3A_1243] {strides = array<i32>} : memref<4x128x64xf32, #tpu.memory_space<vmem>>, vector<16xf32>,
        tpu.vector_store_idx %arg8[%broadcast_in_dim3A_345, %select_n3A, %select_n3A_269, %parallel_loop3A_1239], %parallel_loop3A_1244 : memref<2x8x8x129xf32, #tpu.memory_space<vmem>>[vector<16xi32>, vector<16xi32>, vector<16xi32>, vector<16xi32>], vector<16xf32>,
        %parallel_loop3A_1245 = arith.constant 0 : i32
        %parallel_loop3A_1246 = arith.index_cast %parallel_loop3A_1245 : i32 to index
        %parallel_loop3A_1247 = arith.index_cast %parallel_loop3A_1238 : i32 to index
        %parallel_loop3A_1248 = arith.constant 16 : index
        %parallel_loop3A_1249 = tpu.vector_load %arg7[%parallel_loop3A_1246, %parallel_loop3A_1247, %parallel_loop3A_1248] {strides = array<i32>} : memref<4x128x64xf32, #tpu.memory_space<vmem>>, vector<16xf32>,
        tpu.vector_store_idx %arg8[%broadcast_in_dim3A_345, %select_n3A_177, %select_n3A_294, %parallel_loop3A_1239], %parallel_loop3A_1249 : memref<2x8x8x129xf32, #tpu.memory_space<vmem>>[vector<16xi32>, vector<16xi32>, vector<16xi32>, vector<16xi32>], vector<16xf32>,
        %parallel_loop3A_1250 = arith.constant 0 : i32
        %parallel_loop3A_1251 = arith.index_cast %parallel_loop3A_1250 : i32 to index
        %parallel_loop3A_1252 = arith.index_cast %parallel_loop3A_1238 : i32 to index
        %parallel_loop3A_1253 = arith.constant 32 : index
        %parallel_loop3A_1254 = tpu.vector_load %arg7[%parallel_loop3A_1251, %parallel_loop3A_1252, %parallel_loop3A_1253] {strides = array<i32>} : memref<4x128x64xf32, #tpu.memory_space<vmem>>, vector<16xf32>,
        tpu.vector_store_idx %arg8[%broadcast_in_dim3A_345, %select_n3A_211, %select_n3A_319, %parallel_loop3A_1239], %parallel_loop3A_1254 : memref<2x8x8x129xf32, #tpu.memory_space<vmem>>[vector<16xi32>, vector<16xi32>, vector<16xi32>, vector<16xi32>], vector<16xf32>,
        %parallel_loop3A_1255 = arith.constant 0 : i32
        %parallel_loop3A_1256 = arith.index_cast %parallel_loop3A_1255 : i32 to index
        %parallel_loop3A_1257 = arith.index_cast %parallel_loop3A_1238 : i32 to index
        %parallel_loop3A_1258 = arith.constant 48 : index
        %parallel_loop3A_1259 = tpu.vector_load %arg7[%parallel_loop3A_1256, %parallel_loop3A_1257, %parallel_loop3A_1258] {strides = array<i32>} : memref<4x128x64xf32, #tpu.memory_space<vmem>>, vector<16xf32>,
        tpu.vector_store_idx %arg8[%broadcast_in_dim3A_345, %select_n3A_245, %select_n3A_344, %parallel_loop3A_1239], %parallel_loop3A_1259 : memref<2x8x8x129xf32, #tpu.memory_space<vmem>>[vector<16xi32>, vector<16xi32>, vector<16xi32>, vector<16xi32>], vector<16xf32>,
        %parallel_loop3A_1260 = arith.constant 1 : i32
        %parallel_loop3A_1261 = arith.addi %parallel_loop3A_1236, %parallel_loop3A_1260 : i32
        %parallel_loop3A_1262 = vector.broadcast %parallel_loop3A_1261 : i32 to vector<16xi32>
        %parallel_loop3A_1263 = arith.constant 0 : i32
        %parallel_loop3A_1264 = arith.index_cast %parallel_loop3A_1263 : i32 to index
        %parallel_loop3A_1265 = arith.index_cast %parallel_loop3A_1261 : i32 to index
        %parallel_loop3A_1266 = arith.constant 0 : index
        %parallel_loop3A_1267 = tpu.vector_load %arg7[%parallel_loop3A_1264, %parallel_loop3A_1265, %parallel_loop3A_1266] {strides = array<i32>} : memref<4x128x64xf32, #tpu.memory_space<vmem>>, vector<16xf32>,
        tpu.vector_store_idx %arg8[%broadcast_in_dim3A_345, %select_n3A, %select_n3A_269, %parallel_loop3A_1262], %parallel_loop3A_1267 : memref<2x8x8x129xf32, #tpu.memory_space<vmem>>[vector<16xi32>, vector<16xi32>, vector<16xi32>, vector<16xi32>], vector<16xf32>,
        %parallel_loop3A_1268 = arith.constant 0 : i32
        %parallel_loop3A_1269 = arith.index_cast %parallel_loop3A_1268 : i32 to index
        %parallel_loop3A_1270 = arith.index_cast %parallel_loop3A_1261 : i32 to index
        %parallel_loop3A_1271 = arith.constant 16 : index
        %parallel_loop3A_1272 = tpu.vector_load %arg7[%parallel_loop3A_1269, %parallel_loop3A_1270, %parallel_loop3A_1271] {strides = array<i32>} : memref<4x128x64xf32, #tpu.memory_space<vmem>>, vector<16xf32>,
        tpu.vector_store_idx %arg8[%broadcast_in_dim3A_345, %select_n3A_177, %select_n3A_294, %parallel_loop3A_1262], %parallel_loop3A_1272 : memref<2x8x8x129xf32, #tpu.memory_space<vmem>>[vector<16xi32>, vector<16xi32>, vector<16xi32>, vector<16xi32>], vector<16xf32>,
        %parallel_loop3A_1273 = arith.constant 0 : i32
        %parallel_loop3A_1274 = arith.index_cast %parallel_loop3A_1273 : i32 to index
        %parallel_loop3A_1275 = arith.index_cast %parallel_loop3A_1261 : i32 to index
        %parallel_loop3A_1276 = arith.constant 32 : index
        %parallel_loop3A_1277 = tpu.vector_load %arg7[%parallel_loop3A_1274, %parallel_loop3A_1275, %parallel_loop3A_1276] {strides = array<i32>} : memref<4x128x64xf32, #tpu.memory_space<vmem>>, vector<16xf32>,
        tpu.vector_store_idx %arg8[%broadcast_in_dim3A_345, %select_n3A_211, %select_n3A_319, %parallel_loop3A_1262], %parallel_loop3A_1277 : memref<2x8x8x129xf32, #tpu.memory_space<vmem>>[vector<16xi32>, vector<16xi32>, vector<16xi32>, vector<16xi32>], vector<16xf32>,
        %parallel_loop3A_1278 = arith.constant 0 : i32
        %parallel_loop3A_1279 = arith.index_cast %parallel_loop3A_1278 : i32 to index
        %parallel_loop3A_1280 = arith.index_cast %parallel_loop3A_1261 : i32 to index
        %parallel_loop3A_1281 = arith.constant 48 : index
        %parallel_loop3A_1282 = tpu.vector_load %arg7[%parallel_loop3A_1279, %parallel_loop3A_1280, %parallel_loop3A_1281] {strides = array<i32>} : memref<4x128x64xf32, #tpu.memory_space<vmem>>, vector<16xf32>,
        tpu.vector_store_idx %arg8[%broadcast_in_dim3A_345, %select_n3A_245, %select_n3A_344, %parallel_loop3A_1262], %parallel_loop3A_1282 : memref<2x8x8x129xf32, #tpu.memory_space<vmem>>[vector<16xi32>, vector<16xi32>, vector<16xi32>, vector<16xi32>], vector<16xf32>,
        %parallel_loop3A_1283 = arith.constant 2 : i32
        %parallel_loop3A_1284 = arith.addi %parallel_loop3A_1236, %parallel_loop3A_1283 : i32
        %parallel_loop3A_1285 = vector.broadcast %parallel_loop3A_1284 : i32 to vector<16xi32>
        %parallel_loop3A_1286 = arith.constant 0 : i32
        %parallel_loop3A_1287 = arith.index_cast %parallel_loop3A_1286 : i32 to index
        %parallel_loop3A_1288 = arith.index_cast %parallel_loop3A_1284 : i32 to index
        %parallel_loop3A_1289 = arith.constant 0 : index
        %parallel_loop3A_1290 = tpu.vector_load %arg7[%parallel_loop3A_1287, %parallel_loop3A_1288, %parallel_loop3A_1289] {strides = array<i32>} : memref<4x128x64xf32, #tpu.memory_space<vmem>>, vector<16xf32>,
        tpu.vector_store_idx %arg8[%broadcast_in_dim3A_345, %select_n3A, %select_n3A_269, %parallel_loop3A_1285], %parallel_loop3A_1290 : memref<2x8x8x129xf32, #tpu.memory_space<vmem>>[vector<16xi32>, vector<16xi32>, vector<16xi32>, vector<16xi32>], vector<16xf32>,
        %parallel_loop3A_1291 = arith.constant 0 : i32
        %parallel_loop3A_1292 = arith.index_cast %parallel_loop3A_1291 : i32 to index
        %parallel_loop3A_1293 = arith.index_cast %parallel_loop3A_1284 : i32 to index
        %parallel_loop3A_1294 = arith.constant 16 : index
        %parallel_loop3A_1295 = tpu.vector_load %arg7[%parallel_loop3A_1292, %parallel_loop3A_1293, %parallel_loop3A_1294] {strides = array<i32>} : memref<4x128x64xf32, #tpu.memory_space<vmem>>, vector<16xf32>,
        tpu.vector_store_idx %arg8[%broadcast_in_dim3A_345, %select_n3A_177, %select_n3A_294, %parallel_loop3A_1285], %parallel_loop3A_1295 : memref<2x8x8x129xf32, #tpu.memory_space<vmem>>[vector<16xi32>, vector<16xi32>, vector<16xi32>, vector<16xi32>], vector<16xf32>,
        %parallel_loop3A_1296 = arith.constant 0 : i32
        %parallel_loop3A_1297 = arith.index_cast %parallel_loop3A_1296 : i32 to index
        %parallel_loop3A_1298 = arith.index_cast %parallel_loop3A_1284 : i32 to index
        %parallel_loop3A_1299 = arith.constant 32 : index
        %parallel_loop3A_1300 = tpu.vector_load %arg7[%parallel_loop3A_1297, %parallel_loop3A_1298, %parallel_loop3A_1299] {strides = array<i32>} : memref<4x128x64xf32, #tpu.memory_space<vmem>>, vector<16xf32>,
        tpu.vector_store_idx %arg8[%broadcast_in_dim3A_345, %select_n3A_211, %select_n3A_319, %parallel_loop3A_1285], %parallel_loop3A_1300 : memref<2x8x8x129xf32, #tpu.memory_space<vmem>>[vector<16xi32>, vector<16xi32>, vector<16xi32>, vector<16xi32>], vector<16xf32>,
        %parallel_loop3A_1301 = arith.constant 0 : i32
        %parallel_loop3A_1302 = arith.index_cast %parallel_loop3A_1301 : i32 to index
        %parallel_loop3A_1303 = arith.index_cast %parallel_loop3A_1284 : i32 to index
        %parallel_loop3A_1304 = arith.constant 48 : index
        %parallel_loop3A_1305 = tpu.vector_load %arg7[%parallel_loop3A_1302, %parallel_loop3A_1303, %parallel_loop3A_1304] {strides = array<i32>} : memref<4x128x64xf32, #tpu.memory_space<vmem>>, vector<16xf32>,
        tpu.vector_store_idx %arg8[%broadcast_in_dim3A_345, %select_n3A_245, %select_n3A_344, %parallel_loop3A_1285], %parallel_loop3A_1305 : memref<2x8x8x129xf32, #tpu.memory_space<vmem>>[vector<16xi32>, vector<16xi32>, vector<16xi32>, vector<16xi32>], vector<16xf32>,
        %parallel_loop3A_1306 = arith.constant 3 : i32
        %parallel_loop3A_1307 = arith.addi %parallel_loop3A_1236, %parallel_loop3A_1306 : i32
        %parallel_loop3A_1308 = vector.broadcast %parallel_loop3A_1307 : i32 to vector<16xi32>
        %parallel_loop3A_1309 = arith.constant 0 : i32
        %parallel_loop3A_1310 = arith.index_cast %parallel_loop3A_1309 : i32 to index
        %parallel_loop3A_1311 = arith.index_cast %parallel_loop3A_1307 : i32 to index
        %parallel_loop3A_1312 = arith.constant 0 : index
        %parallel_loop3A_1313 = tpu.vector_load %arg7[%parallel_loop3A_1310, %parallel_loop3A_1311, %parallel_loop3A_1312] {strides = array<i32>} : memref<4x128x64xf32, #tpu.memory_space<vmem>>, vector<16xf32>,
        tpu.vector_store_idx %arg8[%broadcast_in_dim3A_345, %select_n3A, %select_n3A_269, %parallel_loop3A_1308], %parallel_loop3A_1313 : memref<2x8x8x129xf32, #tpu.memory_space<vmem>>[vector<16xi32>, vector<16xi32>, vector<16xi32>, vector<16xi32>], vector<16xf32>,
        %parallel_loop3A_1314 = arith.constant 0 : i32
        %parallel_loop3A_1315 = arith.index_cast %parallel_loop3A_1314 : i32 to index
        %parallel_loop3A_1316 = arith.index_cast %parallel_loop3A_1307 : i32 to index
        %parallel_loop3A_1317 = arith.constant 16 : index
        %parallel_loop3A_1318 = tpu.vector_load %arg7[%parallel_loop3A_1315, %parallel_loop3A_1316, %parallel_loop3A_1317] {strides = array<i32>} : memref<4x128x64xf32, #tpu.memory_space<vmem>>, vector<16xf32>,
        tpu.vector_store_idx %arg8[%broadcast_in_dim3A_345, %select_n3A_177, %select_n3A_294, %parallel_loop3A_1308], %parallel_loop3A_1318 : memref<2x8x8x129xf32, #tpu.memory_space<vmem>>[vector<16xi32>, vector<16xi32>, vector<16xi32>, vector<16xi32>], vector<16xf32>,
        %parallel_loop3A_1319 = arith.constant 0 : i32
        %parallel_loop3A_1320 = arith.index_cast %parallel_loop3A_1319 : i32 to index
        %parallel_loop3A_1321 = arith.index_cast %parallel_loop3A_1307 : i32 to index
        %parallel_loop3A_1322 = arith.constant 32 : index
        %parallel_loop3A_1323 = tpu.vector_load %arg7[%parallel_loop3A_1320, %parallel_loop3A_1321, %parallel_loop3A_1322] {strides = array<i32>} : memref<4x128x64xf32, #tpu.memory_space<vmem>>, vector<16xf32>,
        tpu.vector_store_idx %arg8[%broadcast_in_dim3A_345, %select_n3A_211, %select_n3A_319, %parallel_loop3A_1308], %parallel_loop3A_1323 : memref<2x8x8x129xf32, #tpu.memory_space<vmem>>[vector<16xi32>, vector<16xi32>, vector<16xi32>, vector<16xi32>], vector<16xf32>,
        %parallel_loop3A_1324 = arith.constant 0 : i32
        %parallel_loop3A_1325 = arith.index_cast %parallel_loop3A_1324 : i32 to index
        %parallel_loop3A_1326 = arith.index_cast %parallel_loop3A_1307 : i32 to index
        %parallel_loop3A_1327 = arith.constant 48 : index
        %parallel_loop3A_1328 = tpu.vector_load %arg7[%parallel_loop3A_1325, %parallel_loop3A_1326, %parallel_loop3A_1327] {strides = array<i32>} : memref<4x128x64xf32, #tpu.memory_space<vmem>>, vector<16xf32>,
        tpu.vector_store_idx %arg8[%broadcast_in_dim3A_345, %select_n3A_245, %select_n3A_344, %parallel_loop3A_1308], %parallel_loop3A_1328 : memref<2x8x8x129xf32, #tpu.memory_space<vmem>>[vector<16xi32>, vector<16xi32>, vector<16xi32>, vector<16xi32>], vector<16xf32>,
      } {sc.loop_unroll_factor = 2 : i64, sc.parallel_access}
      %dma_start3A_348 = arith.constant 0 : i32
      %dma_start3A_349 = arith.constant 0 : i32
      %dma_start3A_350 = arith.constant 0 : i32
      %dma_start3A_351 = arith.constant 0 : i32
      %dma_start3A_352 = tpu.memref_slice %arg8[%dma_start3A_348, %dma_start3A_349, %dma_start3A_350, %dma_start3A_351] : memref<2x8x8x129xf32, #tpu.memory_space<vmem>> -> memref<1x8x8x128xf32, #tpu.memory_space<vmem>>
      %dma_start3A_353 = tpu.memref_squeeze %dma_start3A_352 : memref<1x8x8x128xf32, #tpu.memory_space<vmem>> -> memref<8x8x128xf32, #tpu.memory_space<vmem>>
      %dma_start3A_354 = arith.constant 0 : i32
      %dma_start3A_355 = arith.constant 0 : i32
      %dma_start3A_356 = arith.constant 0 : i32
      %dma_start3A_357 = tpu.memref_slice %arg4[%add3A_96, %dma_start3A_354, %add3A, %dma_start3A_355, %dma_start3A_356] : memref<200x8x32x8x128xf32, #tpu.memory_space<hbm>> -> memref<1x8x1x8x128xf32, #tpu.memory_space<hbm>>
      %dma_start3A_358 = tpu.memref_squeeze %dma_start3A_357 : memref<1x8x1x8x128xf32, #tpu.memory_space<hbm>> -> memref<8x8x128xf32, #tpu.memory_space<hbm>>
      %dma_start3A_359 = arith.constant 0 : i32
      %dma_start3A_360 = arith.constant 0 : i32
      %dma_start3A_361 = arith.constant 0 : i32
      %dma_start3A_362 = tpu.memref_slice %arg4[%add3A_96, %dma_start3A_359, %add3A, %dma_start3A_360, %dma_start3A_361] : memref<200x8x32x8x128xf32, #tpu.memory_space<hbm>> -> memref<1x8x1x8x128xf32, #tpu.memory_space<hbm>>
      %dma_start3A_363 = tpu.memref_squeeze %dma_start3A_362 : memref<1x8x1x8x128xf32, #tpu.memory_space<hbm>> -> memref<8x8x128xf32, #tpu.memory_space<hbm>>
      %dma_start3A_364 = arith.constant 0 : i32
      %dma_start3A_365 = arith.constant 0 : i32
      %dma_start3A_366 = arith.constant 0 : i32
      %dma_start3A_367 = tpu.memref_slice %arg8[%dma_start3A_348, %dma_start3A_364, %dma_start3A_365, %dma_start3A_366] : memref<2x8x8x129xf32, #tpu.memory_space<vmem>> -> memref<1x8x8x128xf32, #tpu.memory_space<vmem>>
      %dma_start3A_368 = tpu.memref_squeeze %dma_start3A_367 : memref<1x8x8x128xf32, #tpu.memory_space<vmem>> -> memref<8x8x128xf32, #tpu.memory_space<vmem>>
      tpu.enqueue_dma source(%dma_start3A_368 : memref<8x8x128xf32, #tpu.memory_space<vmem>>) target(%dma_start3A_363 : memref<8x8x128xf32, #tpu.memory_space<hbm>>) target_semaphore(%arg10 : memref<!tpu.dma_semaphore, #tpu.memory_space<semaphore_mem>>)
      %add3A_369 = arith.constant 1 : i32
      %add3A_370 = arith.addi %add3A_94, %add3A_369 : i32
      %dma_wait3A_371 = arith.constant 1 : i32
      %dma_wait3A_372 = arith.constant 0 : i32
      %dma_wait3A_373 = arith.constant 0 : i32
      %dma_wait3A_374 = tpu.memref_slice %arg7[%dma_wait3A_371, %dma_wait3A_372, %dma_wait3A_373] : memref<4x128x64xf32, #tpu.memory_space<vmem>> -> memref<1x128x64xf32, #tpu.memory_space<vmem>>
      %dma_wait3A_375 = tpu.memref_squeeze %dma_wait3A_374 : memref<1x128x64xf32, #tpu.memory_space<vmem>> -> memref<128x64xf32, #tpu.memory_space<vmem>>
      %dma_wait3A_376 = arith.constant 0 : i32
      %dma_wait3A_377 = tpu.memref_slice %arg6[%add3A_370, %dma_wait3A_376] : memref<200x128xi32, #tpu.memory_space<vmem>> -> memref<1x128xi32, #tpu.memory_space<vmem>>
      %dma_wait3A_378 = tpu.memref_squeeze %dma_wait3A_377 : memref<1x128xi32, #tpu.memory_space<vmem>> -> memref<128xi32, #tpu.memory_space<vmem>>
      %dma_wait3A_379 = arith.constant 0 : i32
      %dma_wait3A_380 = arith.constant 0 : i32
      %dma_wait3A_381 = tpu.memref_slice %arg3[%dma_wait3A_379, %dma_wait3A_380] : memref<100000x64xf32, #tpu.memory_space<hbm>> -> memref<100000x64xf32, #tpu.memory_space<hbm>>
      tpu.wait_indirect_dma semaphore(%arg9 : memref<!tpu.dma_semaphore, #tpu.memory_space<semaphore_mem>>) src(%dma_wait3A_381 : memref<100000x64xf32, #tpu.memory_space<hbm>>) dst(%dma_wait3A_375 : memref<128x64xf32, #tpu.memory_space<vmem>>)
      %add3A_382 = arith.constant 4 : i32
      %add3A_383 = arith.addi %add3A_370, %add3A_382 : i32
      %sub3A_384 = arith.constant 1 : i32
      %sub3A_385 = arith.subi %add3A_383, %sub3A_384 : i32
      %lt3A_386 = arith.constant 200 : i32
      %lt3A_387 = arith.cmpi slt, %sub3A_385, %lt3A_386 : i32
      %convert_element_type3A_388 = arith.extui %lt3A_387 : i1 to i32
      %cond3A_389 = arith.constant 0 : i32
      %cond3A_390 = arith.cmpi ne, %convert_element_type3A_388, %cond3A_389 : i32
      scf.if %cond3A_390 {
        %add3A_1236 = arith.constant 4 : i32
        %add3A_1237 = arith.addi %add3A_370, %add3A_1236 : i32
        %sub3A_1238 = arith.constant 1 : i32
        %sub3A_1239 = arith.subi %add3A_1237, %sub3A_1238 : i32
        %dma_start3A_1240 = arith.constant 0 : i32
        %dma_start3A_1241 = arith.constant 0 : i32
        %dma_start3A_1242 = arith.constant 0 : i32
        %dma_start3A_1243 = tpu.memref_slice %arg7[%dma_start3A_1240, %dma_start3A_1241, %dma_start3A_1242] : memref<4x128x64xf32, #tpu.memory_space<vmem>> -> memref<1x128x64xf32, #tpu.memory_space<vmem>>
        %dma_start3A_1244 = tpu.memref_squeeze %dma_start3A_1243 : memref<1x128x64xf32, #tpu.memory_space<vmem>> -> memref<128x64xf32, #tpu.memory_space<vmem>>
        %dma_start3A_1245 = arith.constant 0 : i32
        %dma_start3A_1246 = tpu.memref_slice %arg6[%sub3A_1239, %dma_start3A_1245] : memref<200x128xi32, #tpu.memory_space<vmem>> -> memref<1x128xi32, #tpu.memory_space<vmem>>
        %dma_start3A_1247 = tpu.memref_squeeze %dma_start3A_1246 : memref<1x128xi32, #tpu.memory_space<vmem>> -> memref<128xi32, #tpu.memory_space<vmem>>
        %dma_start3A_1248 = arith.constant 0 : i32
        %dma_start3A_1249 = arith.constant 0 : i32
        %dma_start3A_1250 = tpu.memref_slice %arg3[%dma_start3A_1248, %dma_start3A_1249] : memref<100000x64xf32, #tpu.memory_space<hbm>> -> memref<100000x64xf32, #tpu.memory_space<hbm>>
        tpu.enqueue_indirect_dma source(%dma_start3A_1250 : memref<100000x64xf32, #tpu.memory_space<hbm>>) target(%dma_start3A_1244 : memref<128x64xf32, #tpu.memory_space<vmem>>) offsets(%dma_start3A_1247 : memref<128xi32, #tpu.memory_space<vmem>>) semaphore(%arg9 : memref<!tpu.dma_semaphore, #tpu.memory_space<semaphore_mem>>)
      } else {
      }
      %ge3A_391 = arith.constant 2 : i32
      %ge3A_392 = arith.cmpi sge, %add3A_370, %ge3A_391 : i32
      %convert_element_type3A_393 = arith.extui %ge3A_392 : i1 to i32
      %cond3A_394 = arith.constant 0 : i32
      %cond3A_395 = arith.cmpi ne, %convert_element_type3A_393, %cond3A_394 : i32
      scf.if %cond3A_395 {
        %dma_wait3A_1236 = arith.constant 1 : i32
        %dma_wait3A_1237 = arith.constant 0 : i32
        %dma_wait3A_1238 = arith.constant 0 : i32
        %dma_wait3A_1239 = arith.constant 0 : i32
        %dma_wait3A_1240 = tpu.memref_slice %arg8[%dma_wait3A_1236, %dma_wait3A_1237, %dma_wait3A_1238, %dma_wait3A_1239] : memref<2x8x8x129xf32, #tpu.memory_space<vmem>> -> memref<1x8x8x128xf32, #tpu.memory_space<vmem>>
        %dma_wait3A_1241 = tpu.memref_squeeze %dma_wait3A_1240 : memref<1x8x8x128xf32, #tpu.memory_space<vmem>> -> memref<8x8x128xf32, #tpu.memory_space<vmem>>
        %dma_wait3A_1242 = arith.constant 0 : i32
        %dma_wait3A_1243 = arith.constant 0 : i32
        %dma_wait3A_1244 = arith.constant 0 : i32
        %dma_wait3A_1245 = tpu.memref_slice %arg4[%add3A_370, %dma_wait3A_1242, %add3A, %dma_wait3A_1243, %dma_wait3A_1244] : memref<200x8x32x8x128xf32, #tpu.memory_space<hbm>> -> memref<1x8x1x8x128xf32, #tpu.memory_space<hbm>>
        %dma_wait3A_1246 = tpu.memref_squeeze %dma_wait3A_1245 : memref<1x8x1x8x128xf32, #tpu.memory_space<hbm>> -> memref<8x8x128xf32, #tpu.memory_space<hbm>>
        %dma_wait3A_1247 = arith.constant 0 : i32
        %dma_wait3A_1248 = arith.constant 0 : i32
        %dma_wait3A_1249 = arith.constant 0 : i32
        %dma_wait3A_1250 = tpu.memref_slice %arg4[%add3A_370, %dma_wait3A_1247, %add3A, %dma_wait3A_1248, %dma_wait3A_1249] : memref<200x8x32x8x128xf32, #tpu.memory_space<hbm>> -> memref<1x8x1x8x128xf32, #tpu.memory_space<hbm>>
        %dma_wait3A_1251 = tpu.memref_squeeze %dma_wait3A_1250 : memref<1x8x1x8x128xf32, #tpu.memory_space<hbm>> -> memref<8x8x128xf32, #tpu.memory_space<hbm>>
        %dma_wait3A_1252 = arith.constant 0 : i32
        %dma_wait3A_1253 = arith.constant 0 : i32
        %dma_wait3A_1254 = arith.constant 0 : i32
        %dma_wait3A_1255 = tpu.memref_slice %arg8[%dma_wait3A_1236, %dma_wait3A_1252, %dma_wait3A_1253, %dma_wait3A_1254] : memref<2x8x8x129xf32, #tpu.memory_space<vmem>> -> memref<1x8x8x128xf32, #tpu.memory_space<vmem>>
        %dma_wait3A_1256 = tpu.memref_squeeze %dma_wait3A_1255 : memref<1x8x8x128xf32, #tpu.memory_space<vmem>> -> memref<8x8x128xf32, #tpu.memory_space<vmem>>
        tpu.wait_dma2 semaphore(%arg10 : memref<!tpu.dma_semaphore, #tpu.memory_space<semaphore_mem>>) src(%dma_wait3A_1256 : memref<8x8x128xf32, #tpu.memory_space<vmem>>) dst(%dma_wait3A_1251 : memref<8x8x128xf32, #tpu.memory_space<hbm>>)
      } else {
      }
      %add3A_396 = arith.constant 0 : i32
      %add3A_397 = vector.broadcast %add3A_396 : i32 to vector<16xi32>
      %add3A_398 = arith.addi %iota3A, %add3A_397 : vector<16xi32>
      %jit3A_399 = arith.constant 8 : i32
      %div3A_400 = vector.broadcast %jit3A_399 : i32 to vector<16xi32>
      %div3A_401 = arith.divsi %add3A_398, %div3A_400 : vector<16xi32>
      %sign3A_402 = arith.constant 0 : i32
      %sign3A_403 = vector.broadcast %sign3A_402 : i32 to vector<16xi32>
      %sign3A_404 = arith.cmpi sgt, %add3A_398, %sign3A_403 : vector<16xi32>
      %sign3A_405 = arith.extui %sign3A_404 : vector<16xi1> to vector<16xi32>
      %sign3A_406 = arith.constant 0 : i32
      %sign3A_407 = vector.broadcast %sign3A_406 : i32 to vector<16xi32>
      %sign3A_408 = arith.cmpi slt, %add3A_398, %sign3A_407 : vector<16xi32>
      %sign3A_409 = arith.extui %sign3A_408 : vector<16xi1> to vector<16xi32>
      %sign3A_410 = arith.subi %sign3A_405, %sign3A_409 : vector<16xi32>
      %sign3A_411 = arith.constant 0 : i32
      %sign3A_412 = arith.cmpi sgt, %jit3A_399, %sign3A_411 : i32
      %sign3A_413 = arith.extui %sign3A_412 : i1 to i32
      %sign3A_414 = arith.constant 0 : i32
      %sign3A_415 = arith.cmpi slt, %jit3A_399, %sign3A_414 : i32
      %sign3A_416 = arith.extui %sign3A_415 : i1 to i32
      %sign3A_417 = arith.subi %sign3A_413, %sign3A_416 : i32
      %ne3A_418 = vector.broadcast %sign3A_417 : i32 to vector<16xi32>
      %ne3A_419 = arith.cmpi ne, %sign3A_410, %ne3A_418 : vector<16xi32>
      %rem3A_420 = vector.broadcast %jit3A_399 : i32 to vector<16xi32>
      %rem3A_421 = arith.remsi %add3A_398, %rem3A_420 : vector<16xi32>
      %ne3A_422 = arith.constant 0 : i32
      %ne3A_423 = vector.broadcast %ne3A_422 : i32 to vector<16xi32>
      %ne3A_424 = arith.cmpi ne, %rem3A_421, %ne3A_423 : vector<16xi32>
      %and3A_425 = arith.andi %ne3A_419, %ne3A_424 : vector<16xi1>
      %sub3A_426 = arith.constant 1 : i32
      %sub3A_427 = vector.broadcast %sub3A_426 : i32 to vector<16xi32>
      %sub3A_428 = arith.subi %div3A_401, %sub3A_427 : vector<16xi32>
      %select_n3A_429 = arith.select %and3A_425, %sub3A_428, %div3A_401 : vector<16xi1>, vector<16xi32>
      %add3A_430 = arith.constant 16 : i32
      %add3A_431 = vector.broadcast %add3A_430 : i32 to vector<16xi32>
      %add3A_432 = arith.addi %iota3A, %add3A_431 : vector<16xi32>
      %jit3A_433 = arith.constant 8 : i32
      %div3A_434 = vector.broadcast %jit3A_433 : i32 to vector<16xi32>
      %div3A_435 = arith.divsi %add3A_432, %div3A_434 : vector<16xi32>
      %sign3A_436 = arith.constant 0 : i32
      %sign3A_437 = vector.broadcast %sign3A_436 : i32 to vector<16xi32>
      %sign3A_438 = arith.cmpi sgt, %add3A_432, %sign3A_437 : vector<16xi32>
      %sign3A_439 = arith.extui %sign3A_438 : vector<16xi1> to vector<16xi32>
      %sign3A_440 = arith.constant 0 : i32
      %sign3A_441 = vector.broadcast %sign3A_440 : i32 to vector<16xi32>
      %sign3A_442 = arith.cmpi slt, %add3A_432, %sign3A_441 : vector<16xi32>
      %sign3A_443 = arith.extui %sign3A_442 : vector<16xi1> to vector<16xi32>
      %sign3A_444 = arith.subi %sign3A_439, %sign3A_443 : vector<16xi32>
      %sign3A_445 = arith.constant 0 : i32
      %sign3A_446 = arith.cmpi sgt, %jit3A_433, %sign3A_445 : i32
      %sign3A_447 = arith.extui %sign3A_446 : i1 to i32
      %sign3A_448 = arith.constant 0 : i32
      %sign3A_449 = arith.cmpi slt, %jit3A_433, %sign3A_448 : i32
      %sign3A_450 = arith.extui %sign3A_449 : i1 to i32
      %sign3A_451 = arith.subi %sign3A_447, %sign3A_450 : i32
      %ne3A_452 = vector.broadcast %sign3A_451 : i32 to vector<16xi32>
      %ne3A_453 = arith.cmpi ne, %sign3A_444, %ne3A_452 : vector<16xi32>
      %rem3A_454 = vector.broadcast %jit3A_433 : i32 to vector<16xi32>
      %rem3A_455 = arith.remsi %add3A_432, %rem3A_454 : vector<16xi32>
      %ne3A_456 = arith.constant 0 : i32
      %ne3A_457 = vector.broadcast %ne3A_456 : i32 to vector<16xi32>
      %ne3A_458 = arith.cmpi ne, %rem3A_455, %ne3A_457 : vector<16xi32>
      %and3A_459 = arith.andi %ne3A_453, %ne3A_458 : vector<16xi1>
      %sub3A_460 = arith.constant 1 : i32
      %sub3A_461 = vector.broadcast %sub3A_460 : i32 to vector<16xi32>
      %sub3A_462 = arith.subi %div3A_435, %sub3A_461 : vector<16xi32>
      %select_n3A_463 = arith.select %and3A_459, %sub3A_462, %div3A_435 : vector<16xi1>, vector<16xi32>
      %add3A_464 = arith.constant 32 : i32
      %add3A_465 = vector.broadcast %add3A_464 : i32 to vector<16xi32>
      %add3A_466 = arith.addi %iota3A, %add3A_465 : vector<16xi32>
      %jit3A_467 = arith.constant 8 : i32
      %div3A_468 = vector.broadcast %jit3A_467 : i32 to vector<16xi32>
      %div3A_469 = arith.divsi %add3A_466, %div3A_468 : vector<16xi32>
      %sign3A_470 = arith.constant 0 : i32
      %sign3A_471 = vector.broadcast %sign3A_470 : i32 to vector<16xi32>
      %sign3A_472 = arith.cmpi sgt, %add3A_466, %sign3A_471 : vector<16xi32>
      %sign3A_473 = arith.extui %sign3A_472 : vector<16xi1> to vector<16xi32>
      %sign3A_474 = arith.constant 0 : i32
      %sign3A_475 = vector.broadcast %sign3A_474 : i32 to vector<16xi32>
      %sign3A_476 = arith.cmpi slt, %add3A_466, %sign3A_475 : vector<16xi32>
      %sign3A_477 = arith.extui %sign3A_476 : vector<16xi1> to vector<16xi32>
      %sign3A_478 = arith.subi %sign3A_473, %sign3A_477 : vector<16xi32>
      %sign3A_479 = arith.constant 0 : i32
      %sign3A_480 = arith.cmpi sgt, %jit3A_467, %sign3A_479 : i32
      %sign3A_481 = arith.extui %sign3A_480 : i1 to i32
      %sign3A_482 = arith.constant 0 : i32
      %sign3A_483 = arith.cmpi slt, %jit3A_467, %sign3A_482 : i32
      %sign3A_484 = arith.extui %sign3A_483 : i1 to i32
      %sign3A_485 = arith.subi %sign3A_481, %sign3A_484 : i32
      %ne3A_486 = vector.broadcast %sign3A_485 : i32 to vector<16xi32>
      %ne3A_487 = arith.cmpi ne, %sign3A_478, %ne3A_486 : vector<16xi32>
      %rem3A_488 = vector.broadcast %jit3A_467 : i32 to vector<16xi32>
      %rem3A_489 = arith.remsi %add3A_466, %rem3A_488 : vector<16xi32>
      %ne3A_490 = arith.constant 0 : i32
      %ne3A_491 = vector.broadcast %ne3A_490 : i32 to vector<16xi32>
      %ne3A_492 = arith.cmpi ne, %rem3A_489, %ne3A_491 : vector<16xi32>
      %and3A_493 = arith.andi %ne3A_487, %ne3A_492 : vector<16xi1>
      %sub3A_494 = arith.constant 1 : i32
      %sub3A_495 = vector.broadcast %sub3A_494 : i32 to vector<16xi32>
      %sub3A_496 = arith.subi %div3A_469, %sub3A_495 : vector<16xi32>
      %select_n3A_497 = arith.select %and3A_493, %sub3A_496, %div3A_469 : vector<16xi1>, vector<16xi32>
      %add3A_498 = arith.constant 48 : i32
      %add3A_499 = vector.broadcast %add3A_498 : i32 to vector<16xi32>
      %add3A_500 = arith.addi %iota3A, %add3A_499 : vector<16xi32>
      %jit3A_501 = arith.constant 8 : i32
      %div3A_502 = vector.broadcast %jit3A_501 : i32 to vector<16xi32>
      %div3A_503 = arith.divsi %add3A_500, %div3A_502 : vector<16xi32>
      %sign3A_504 = arith.constant 0 : i32
      %sign3A_505 = vector.broadcast %sign3A_504 : i32 to vector<16xi32>
      %sign3A_506 = arith.cmpi sgt, %add3A_500, %sign3A_505 : vector<16xi32>
      %sign3A_507 = arith.extui %sign3A_506 : vector<16xi1> to vector<16xi32>
      %sign3A_508 = arith.constant 0 : i32
      %sign3A_509 = vector.broadcast %sign3A_508 : i32 to vector<16xi32>
      %sign3A_510 = arith.cmpi slt, %add3A_500, %sign3A_509 : vector<16xi32>
      %sign3A_511 = arith.extui %sign3A_510 : vector<16xi1> to vector<16xi32>
      %sign3A_512 = arith.subi %sign3A_507, %sign3A_511 : vector<16xi32>
      %sign3A_513 = arith.constant 0 : i32
      %sign3A_514 = arith.cmpi sgt, %jit3A_501, %sign3A_513 : i32
      %sign3A_515 = arith.extui %sign3A_514 : i1 to i32
      %sign3A_516 = arith.constant 0 : i32
      %sign3A_517 = arith.cmpi slt, %jit3A_501, %sign3A_516 : i32
      %sign3A_518 = arith.extui %sign3A_517 : i1 to i32
      %sign3A_519 = arith.subi %sign3A_515, %sign3A_518 : i32
      %ne3A_520 = vector.broadcast %sign3A_519 : i32 to vector<16xi32>
      %ne3A_521 = arith.cmpi ne, %sign3A_512, %ne3A_520 : vector<16xi32>
      %rem3A_522 = vector.broadcast %jit3A_501 : i32 to vector<16xi32>
      %rem3A_523 = arith.remsi %add3A_500, %rem3A_522 : vector<16xi32>
      %ne3A_524 = arith.constant 0 : i32
      %ne3A_525 = vector.broadcast %ne3A_524 : i32 to vector<16xi32>
      %ne3A_526 = arith.cmpi ne, %rem3A_523, %ne3A_525 : vector<16xi32>
      %and3A_527 = arith.andi %ne3A_521, %ne3A_526 : vector<16xi1>
      %sub3A_528 = arith.constant 1 : i32
      %sub3A_529 = vector.broadcast %sub3A_528 : i32 to vector<16xi32>
      %sub3A_530 = arith.subi %div3A_503, %sub3A_529 : vector<16xi32>
      %select_n3A_531 = arith.select %and3A_527, %sub3A_530, %div3A_503 : vector<16xi1>, vector<16xi32>
      %add3A_532 = arith.constant 0 : i32
      %add3A_533 = vector.broadcast %add3A_532 : i32 to vector<16xi32>
      %add3A_534 = arith.addi %iota3A, %add3A_533 : vector<16xi32>
      %jit3A_535 = arith.constant 8 : i32
      %eq3A_536 = arith.constant 0 : i32
      %eq3A_537 = arith.cmpi eq, %jit3A_535, %eq3A_536 : i32
      %jit3A_538 = arith.constant 1 : i32
      %select_n3A_539 = arith.select %eq3A_537, %jit3A_538, %jit3A_535 : i32
      %rem3A_540 = vector.broadcast %select_n3A_539 : i32 to vector<16xi32>
      %rem3A_541 = arith.remsi %add3A_534, %rem3A_540 : vector<16xi32>
      %ne3A_542 = arith.constant 0 : i32
      %ne3A_543 = vector.broadcast %ne3A_542 : i32 to vector<16xi32>
      %ne3A_544 = arith.cmpi ne, %rem3A_541, %ne3A_543 : vector<16xi32>
      %lt3A_545 = arith.constant 0 : i32
      %lt3A_546 = vector.broadcast %lt3A_545 : i32 to vector<16xi32>
      %lt3A_547 = arith.cmpi slt, %rem3A_541, %lt3A_546 : vector<16xi32>
      %lt3A_548 = arith.constant 0 : i32
      %lt3A_549 = arith.cmpi slt, %select_n3A_539, %lt3A_548 : i32
      %ne3A_550 = vector.broadcast %lt3A_549 : i1 to vector<16xi1>
      %ne3A_551 = vector.broadcast %ne3A_550 : vector<16xi1> to vector<16xi1>
      %ne3A_552 = arith.xori %lt3A_547, %ne3A_551 : vector<16xi1>
      %and3A_553 = arith.andi %ne3A_552, %ne3A_544 : vector<16xi1>
      %add3A_554 = vector.broadcast %select_n3A_539 : i32 to vector<16xi32>
      %add3A_555 = arith.addi %rem3A_541, %add3A_554 : vector<16xi32>
      %select_n3A_556 = arith.select %and3A_553, %add3A_555, %rem3A_541 : vector<16xi1>, vector<16xi32>
      %add3A_557 = arith.constant 16 : i32
      %add3A_558 = vector.broadcast %add3A_557 : i32 to vector<16xi32>
      %add3A_559 = arith.addi %iota3A, %add3A_558 : vector<16xi32>
      %jit3A_560 = arith.constant 8 : i32
      %eq3A_561 = arith.constant 0 : i32
      %eq3A_562 = arith.cmpi eq, %jit3A_560, %eq3A_561 : i32
      %jit3A_563 = arith.constant 1 : i32
      %select_n3A_564 = arith.select %eq3A_562, %jit3A_563, %jit3A_560 : i32
      %rem3A_565 = vector.broadcast %select_n3A_564 : i32 to vector<16xi32>
      %rem3A_566 = arith.remsi %add3A_559, %rem3A_565 : vector<16xi32>
      %ne3A_567 = arith.constant 0 : i32
      %ne3A_568 = vector.broadcast %ne3A_567 : i32 to vector<16xi32>
      %ne3A_569 = arith.cmpi ne, %rem3A_566, %ne3A_568 : vector<16xi32>
      %lt3A_570 = arith.constant 0 : i32
      %lt3A_571 = vector.broadcast %lt3A_570 : i32 to vector<16xi32>
      %lt3A_572 = arith.cmpi slt, %rem3A_566, %lt3A_571 : vector<16xi32>
      %lt3A_573 = arith.constant 0 : i32
      %lt3A_574 = arith.cmpi slt, %select_n3A_564, %lt3A_573 : i32
      %ne3A_575 = vector.broadcast %lt3A_574 : i1 to vector<16xi1>
      %ne3A_576 = vector.broadcast %ne3A_575 : vector<16xi1> to vector<16xi1>
      %ne3A_577 = arith.xori %lt3A_572, %ne3A_576 : vector<16xi1>
      %and3A_578 = arith.andi %ne3A_577, %ne3A_569 : vector<16xi1>
      %add3A_579 = vector.broadcast %select_n3A_564 : i32 to vector<16xi32>
      %add3A_580 = arith.addi %rem3A_566, %add3A_579 : vector<16xi32>
      %select_n3A_581 = arith.select %and3A_578, %add3A_580, %rem3A_566 : vector<16xi1>, vector<16xi32>
      %add3A_582 = arith.constant 32 : i32
      %add3A_583 = vector.broadcast %add3A_582 : i32 to vector<16xi32>
      %add3A_584 = arith.addi %iota3A, %add3A_583 : vector<16xi32>
      %jit3A_585 = arith.constant 8 : i32
      %eq3A_586 = arith.constant 0 : i32
      %eq3A_587 = arith.cmpi eq, %jit3A_585, %eq3A_586 : i32
      %jit3A_588 = arith.constant 1 : i32
      %select_n3A_589 = arith.select %eq3A_587, %jit3A_588, %jit3A_585 : i32
      %rem3A_590 = vector.broadcast %select_n3A_589 : i32 to vector<16xi32>
      %rem3A_591 = arith.remsi %add3A_584, %rem3A_590 : vector<16xi32>
      %ne3A_592 = arith.constant 0 : i32
      %ne3A_593 = vector.broadcast %ne3A_592 : i32 to vector<16xi32>
      %ne3A_594 = arith.cmpi ne, %rem3A_591, %ne3A_593 : vector<16xi32>
      %lt3A_595 = arith.constant 0 : i32
      %lt3A_596 = vector.broadcast %lt3A_595 : i32 to vector<16xi32>
      %lt3A_597 = arith.cmpi slt, %rem3A_591, %lt3A_596 : vector<16xi32>
      %lt3A_598 = arith.constant 0 : i32
      %lt3A_599 = arith.cmpi slt, %select_n3A_589, %lt3A_598 : i32
      %ne3A_600 = vector.broadcast %lt3A_599 : i1 to vector<16xi1>
      %ne3A_601 = vector.broadcast %ne3A_600 : vector<16xi1> to vector<16xi1>
      %ne3A_602 = arith.xori %lt3A_597, %ne3A_601 : vector<16xi1>
      %and3A_603 = arith.andi %ne3A_602, %ne3A_594 : vector<16xi1>
      %add3A_604 = vector.broadcast %select_n3A_589 : i32 to vector<16xi32>
      %add3A_605 = arith.addi %rem3A_591, %add3A_604 : vector<16xi32>
      %select_n3A_606 = arith.select %and3A_603, %add3A_605, %rem3A_591 : vector<16xi1>, vector<16xi32>
      %add3A_607 = arith.constant 48 : i32
      %add3A_608 = vector.broadcast %add3A_607 : i32 to vector<16xi32>
      %add3A_609 = arith.addi %iota3A, %add3A_608 : vector<16xi32>
      %jit3A_610 = arith.constant 8 : i32
      %eq3A_611 = arith.constant 0 : i32
      %eq3A_612 = arith.cmpi eq, %jit3A_610, %eq3A_611 : i32
      %jit3A_613 = arith.constant 1 : i32
      %select_n3A_614 = arith.select %eq3A_612, %jit3A_613, %jit3A_610 : i32
      %rem3A_615 = vector.broadcast %select_n3A_614 : i32 to vector<16xi32>
      %rem3A_616 = arith.remsi %add3A_609, %rem3A_615 : vector<16xi32>
      %ne3A_617 = arith.constant 0 : i32
      %ne3A_618 = vector.broadcast %ne3A_617 : i32 to vector<16xi32>
      %ne3A_619 = arith.cmpi ne, %rem3A_616, %ne3A_618 : vector<16xi32>
      %lt3A_620 = arith.constant 0 : i32
      %lt3A_621 = vector.broadcast %lt3A_620 : i32 to vector<16xi32>
      %lt3A_622 = arith.cmpi slt, %rem3A_616, %lt3A_621 : vector<16xi32>
      %lt3A_623 = arith.constant 0 : i32
      %lt3A_624 = arith.cmpi slt, %select_n3A_614, %lt3A_623 : i32
      %ne3A_625 = vector.broadcast %lt3A_624 : i1 to vector<16xi1>
      %ne3A_626 = vector.broadcast %ne3A_625 : vector<16xi1> to vector<16xi1>
      %ne3A_627 = arith.xori %lt3A_622, %ne3A_626 : vector<16xi1>
      %and3A_628 = arith.andi %ne3A_627, %ne3A_619 : vector<16xi1>
      %add3A_629 = vector.broadcast %select_n3A_614 : i32 to vector<16xi32>
      %add3A_630 = arith.addi %rem3A_616, %add3A_629 : vector<16xi32>
      %select_n3A_631 = arith.select %and3A_628, %add3A_630, %rem3A_616 : vector<16xi1>, vector<16xi32>
      %broadcast_in_dim3A_632 = arith.constant 1 : i32
      %broadcast_in_dim3A_633 = vector.broadcast %broadcast_in_dim3A_632 : i32 to vector<16xi32>
      %parallel_loop3A_634 = arith.constant 0 : i32
      %parallel_loop3A_635 = arith.constant 128 : i32
      %parallel_loop3A_636 = arith.constant 4 : i32
      scf.for %parallel_loop3A_1236 = %parallel_loop3A_634 to %parallel_loop3A_635 step %parallel_loop3A_636  : i32 {
        %parallel_loop3A_1237 = arith.constant 0 : i32
        %parallel_loop3A_1238 = arith.addi %parallel_loop3A_1236, %parallel_loop3A_1237 : i32
        %parallel_loop3A_1239 = vector.broadcast %parallel_loop3A_1238 : i32 to vector<16xi32>
        %parallel_loop3A_1240 = arith.constant 1 : i32
        %parallel_loop3A_1241 = arith.index_cast %parallel_loop3A_1240 : i32 to index
        %parallel_loop3A_1242 = arith.index_cast %parallel_loop3A_1238 : i32 to index
        %parallel_loop3A_1243 = arith.constant 0 : index
        %parallel_loop3A_1244 = tpu.vector_load %arg7[%parallel_loop3A_1241, %parallel_loop3A_1242, %parallel_loop3A_1243] {strides = array<i32>} : memref<4x128x64xf32, #tpu.memory_space<vmem>>, vector<16xf32>,
        tpu.vector_store_idx %arg8[%broadcast_in_dim3A_633, %select_n3A_429, %select_n3A_556, %parallel_loop3A_1239], %parallel_loop3A_1244 : memref<2x8x8x129xf32, #tpu.memory_space<vmem>>[vector<16xi32>, vector<16xi32>, vector<16xi32>, vector<16xi32>], vector<16xf32>,
        %parallel_loop3A_1245 = arith.constant 1 : i32
        %parallel_loop3A_1246 = arith.index_cast %parallel_loop3A_1245 : i32 to index
        %parallel_loop3A_1247 = arith.index_cast %parallel_loop3A_1238 : i32 to index
        %parallel_loop3A_1248 = arith.constant 16 : index
        %parallel_loop3A_1249 = tpu.vector_load %arg7[%parallel_loop3A_1246, %parallel_loop3A_1247, %parallel_loop3A_1248] {strides = array<i32>} : memref<4x128x64xf32, #tpu.memory_space<vmem>>, vector<16xf32>,
        tpu.vector_store_idx %arg8[%broadcast_in_dim3A_633, %select_n3A_463, %select_n3A_581, %parallel_loop3A_1239], %parallel_loop3A_1249 : memref<2x8x8x129xf32, #tpu.memory_space<vmem>>[vector<16xi32>, vector<16xi32>, vector<16xi32>, vector<16xi32>], vector<16xf32>,
        %parallel_loop3A_1250 = arith.constant 1 : i32
        %parallel_loop3A_1251 = arith.index_cast %parallel_loop3A_1250 : i32 to index
        %parallel_loop3A_1252 = arith.index_cast %parallel_loop3A_1238 : i32 to index
        %parallel_loop3A_1253 = arith.constant 32 : index
        %parallel_loop3A_1254 = tpu.vector_load %arg7[%parallel_loop3A_1251, %parallel_loop3A_1252, %parallel_loop3A_1253] {strides = array<i32>} : memref<4x128x64xf32, #tpu.memory_space<vmem>>, vector<16xf32>,
        tpu.vector_store_idx %arg8[%broadcast_in_dim3A_633, %select_n3A_497, %select_n3A_606, %parallel_loop3A_1239], %parallel_loop3A_1254 : memref<2x8x8x129xf32, #tpu.memory_space<vmem>>[vector<16xi32>, vector<16xi32>, vector<16xi32>, vector<16xi32>], vector<16xf32>,
        %parallel_loop3A_1255 = arith.constant 1 : i32
        %parallel_loop3A_1256 = arith.index_cast %parallel_loop3A_1255 : i32 to index
        %parallel_loop3A_1257 = arith.index_cast %parallel_loop3A_1238 : i32 to index
        %parallel_loop3A_1258 = arith.constant 48 : index
        %parallel_loop3A_1259 = tpu.vector_load %arg7[%parallel_loop3A_1256, %parallel_loop3A_1257, %parallel_loop3A_1258] {strides = array<i32>} : memref<4x128x64xf32, #tpu.memory_space<vmem>>, vector<16xf32>,
        tpu.vector_store_idx %arg8[%broadcast_in_dim3A_633, %select_n3A_531, %select_n3A_631, %parallel_loop3A_1239], %parallel_loop3A_1259 : memref<2x8x8x129xf32, #tpu.memory_space<vmem>>[vector<16xi32>, vector<16xi32>, vector<16xi32>, vector<16xi32>], vector<16xf32>,
        %parallel_loop3A_1260 = arith.constant 1 : i32
        %parallel_loop3A_1261 = arith.addi %parallel_loop3A_1236, %parallel_loop3A_1260 : i32
        %parallel_loop3A_1262 = vector.broadcast %parallel_loop3A_1261 : i32 to vector<16xi32>
        %parallel_loop3A_1263 = arith.constant 1 : i32
        %parallel_loop3A_1264 = arith.index_cast %parallel_loop3A_1263 : i32 to index
        %parallel_loop3A_1265 = arith.index_cast %parallel_loop3A_1261 : i32 to index
        %parallel_loop3A_1266 = arith.constant 0 : index
        %parallel_loop3A_1267 = tpu.vector_load %arg7[%parallel_loop3A_1264, %parallel_loop3A_1265, %parallel_loop3A_1266] {strides = array<i32>} : memref<4x128x64xf32, #tpu.memory_space<vmem>>, vector<16xf32>,
        tpu.vector_store_idx %arg8[%broadcast_in_dim3A_633, %select_n3A_429, %select_n3A_556, %parallel_loop3A_1262], %parallel_loop3A_1267 : memref<2x8x8x129xf32, #tpu.memory_space<vmem>>[vector<16xi32>, vector<16xi32>, vector<16xi32>, vector<16xi32>], vector<16xf32>,
        %parallel_loop3A_1268 = arith.constant 1 : i32
        %parallel_loop3A_1269 = arith.index_cast %parallel_loop3A_1268 : i32 to index
        %parallel_loop3A_1270 = arith.index_cast %parallel_loop3A_1261 : i32 to index
        %parallel_loop3A_1271 = arith.constant 16 : index
        %parallel_loop3A_1272 = tpu.vector_load %arg7[%parallel_loop3A_1269, %parallel_loop3A_1270, %parallel_loop3A_1271] {strides = array<i32>} : memref<4x128x64xf32, #tpu.memory_space<vmem>>, vector<16xf32>,
        tpu.vector_store_idx %arg8[%broadcast_in_dim3A_633, %select_n3A_463, %select_n3A_581, %parallel_loop3A_1262], %parallel_loop3A_1272 : memref<2x8x8x129xf32, #tpu.memory_space<vmem>>[vector<16xi32>, vector<16xi32>, vector<16xi32>, vector<16xi32>], vector<16xf32>,
        %parallel_loop3A_1273 = arith.constant 1 : i32
        %parallel_loop3A_1274 = arith.index_cast %parallel_loop3A_1273 : i32 to index
        %parallel_loop3A_1275 = arith.index_cast %parallel_loop3A_1261 : i32 to index
        %parallel_loop3A_1276 = arith.constant 32 : index
        %parallel_loop3A_1277 = tpu.vector_load %arg7[%parallel_loop3A_1274, %parallel_loop3A_1275, %parallel_loop3A_1276] {strides = array<i32>} : memref<4x128x64xf32, #tpu.memory_space<vmem>>, vector<16xf32>,
        tpu.vector_store_idx %arg8[%broadcast_in_dim3A_633, %select_n3A_497, %select_n3A_606, %parallel_loop3A_1262], %parallel_loop3A_1277 : memref<2x8x8x129xf32, #tpu.memory_space<vmem>>[vector<16xi32>, vector<16xi32>, vector<16xi32>, vector<16xi32>], vector<16xf32>,
        %parallel_loop3A_1278 = arith.constant 1 : i32
        %parallel_loop3A_1279 = arith.index_cast %parallel_loop3A_1278 : i32 to index
        %parallel_loop3A_1280 = arith.index_cast %parallel_loop3A_1261 : i32 to index
        %parallel_loop3A_1281 = arith.constant 48 : index
        %parallel_loop3A_1282 = tpu.vector_load %arg7[%parallel_loop3A_1279, %parallel_loop3A_1280, %parallel_loop3A_1281] {strides = array<i32>} : memref<4x128x64xf32, #tpu.memory_space<vmem>>, vector<16xf32>,
        tpu.vector_store_idx %arg8[%broadcast_in_dim3A_633, %select_n3A_531, %select_n3A_631, %parallel_loop3A_1262], %parallel_loop3A_1282 : memref<2x8x8x129xf32, #tpu.memory_space<vmem>>[vector<16xi32>, vector<16xi32>, vector<16xi32>, vector<16xi32>], vector<16xf32>,
        %parallel_loop3A_1283 = arith.constant 2 : i32
        %parallel_loop3A_1284 = arith.addi %parallel_loop3A_1236, %parallel_loop3A_1283 : i32
        %parallel_loop3A_1285 = vector.broadcast %parallel_loop3A_1284 : i32 to vector<16xi32>
        %parallel_loop3A_1286 = arith.constant 1 : i32
        %parallel_loop3A_1287 = arith.index_cast %parallel_loop3A_1286 : i32 to index
        %parallel_loop3A_1288 = arith.index_cast %parallel_loop3A_1284 : i32 to index
        %parallel_loop3A_1289 = arith.constant 0 : index
        %parallel_loop3A_1290 = tpu.vector_load %arg7[%parallel_loop3A_1287, %parallel_loop3A_1288, %parallel_loop3A_1289] {strides = array<i32>} : memref<4x128x64xf32, #tpu.memory_space<vmem>>, vector<16xf32>,
        tpu.vector_store_idx %arg8[%broadcast_in_dim3A_633, %select_n3A_429, %select_n3A_556, %parallel_loop3A_1285], %parallel_loop3A_1290 : memref<2x8x8x129xf32, #tpu.memory_space<vmem>>[vector<16xi32>, vector<16xi32>, vector<16xi32>, vector<16xi32>], vector<16xf32>,
        %parallel_loop3A_1291 = arith.constant 1 : i32
        %parallel_loop3A_1292 = arith.index_cast %parallel_loop3A_1291 : i32 to index
        %parallel_loop3A_1293 = arith.index_cast %parallel_loop3A_1284 : i32 to index
        %parallel_loop3A_1294 = arith.constant 16 : index
        %parallel_loop3A_1295 = tpu.vector_load %arg7[%parallel_loop3A_1292, %parallel_loop3A_1293, %parallel_loop3A_1294] {strides = array<i32>} : memref<4x128x64xf32, #tpu.memory_space<vmem>>, vector<16xf32>,
        tpu.vector_store_idx %arg8[%broadcast_in_dim3A_633, %select_n3A_463, %select_n3A_581, %parallel_loop3A_1285], %parallel_loop3A_1295 : memref<2x8x8x129xf32, #tpu.memory_space<vmem>>[vector<16xi32>, vector<16xi32>, vector<16xi32>, vector<16xi32>], vector<16xf32>,
        %parallel_loop3A_1296 = arith.constant 1 : i32
        %parallel_loop3A_1297 = arith.index_cast %parallel_loop3A_1296 : i32 to index
        %parallel_loop3A_1298 = arith.index_cast %parallel_loop3A_1284 : i32 to index
        %parallel_loop3A_1299 = arith.constant 32 : index
        %parallel_loop3A_1300 = tpu.vector_load %arg7[%parallel_loop3A_1297, %parallel_loop3A_1298, %parallel_loop3A_1299] {strides = array<i32>} : memref<4x128x64xf32, #tpu.memory_space<vmem>>, vector<16xf32>,
        tpu.vector_store_idx %arg8[%broadcast_in_dim3A_633, %select_n3A_497, %select_n3A_606, %parallel_loop3A_1285], %parallel_loop3A_1300 : memref<2x8x8x129xf32, #tpu.memory_space<vmem>>[vector<16xi32>, vector<16xi32>, vector<16xi32>, vector<16xi32>], vector<16xf32>,
        %parallel_loop3A_1301 = arith.constant 1 : i32
        %parallel_loop3A_1302 = arith.index_cast %parallel_loop3A_1301 : i32 to index
        %parallel_loop3A_1303 = arith.index_cast %parallel_loop3A_1284 : i32 to index
        %parallel_loop3A_1304 = arith.constant 48 : index
        %parallel_loop3A_1305 = tpu.vector_load %arg7[%parallel_loop3A_1302, %parallel_loop3A_1303, %parallel_loop3A_1304] {strides = array<i32>} : memref<4x128x64xf32, #tpu.memory_space<vmem>>, vector<16xf32>,
        tpu.vector_store_idx %arg8[%broadcast_in_dim3A_633, %select_n3A_531, %select_n3A_631, %parallel_loop3A_1285], %parallel_loop3A_1305 : memref<2x8x8x129xf32, #tpu.memory_space<vmem>>[vector<16xi32>, vector<16xi32>, vector<16xi32>, vector<16xi32>], vector<16xf32>,
        %parallel_loop3A_1306 = arith.constant 3 : i32
        %parallel_loop3A_1307 = arith.addi %parallel_loop3A_1236, %parallel_loop3A_1306 : i32
        %parallel_loop3A_1308 = vector.broadcast %parallel_loop3A_1307 : i32 to vector<16xi32>
        %parallel_loop3A_1309 = arith.constant 1 : i32
        %parallel_loop3A_1310 = arith.index_cast %parallel_loop3A_1309 : i32 to index
        %parallel_loop3A_1311 = arith.index_cast %parallel_loop3A_1307 : i32 to index
        %parallel_loop3A_1312 = arith.constant 0 : index
        %parallel_loop3A_1313 = tpu.vector_load %arg7[%parallel_loop3A_1310, %parallel_loop3A_1311, %parallel_loop3A_1312] {strides = array<i32>} : memref<4x128x64xf32, #tpu.memory_space<vmem>>, vector<16xf32>,
        tpu.vector_store_idx %arg8[%broadcast_in_dim3A_633, %select_n3A_429, %select_n3A_556, %parallel_loop3A_1308], %parallel_loop3A_1313 : memref<2x8x8x129xf32, #tpu.memory_space<vmem>>[vector<16xi32>, vector<16xi32>, vector<16xi32>, vector<16xi32>], vector<16xf32>,
        %parallel_loop3A_1314 = arith.constant 1 : i32
        %parallel_loop3A_1315 = arith.index_cast %parallel_loop3A_1314 : i32 to index
        %parallel_loop3A_1316 = arith.index_cast %parallel_loop3A_1307 : i32 to index
        %parallel_loop3A_1317 = arith.constant 16 : index
        %parallel_loop3A_1318 = tpu.vector_load %arg7[%parallel_loop3A_1315, %parallel_loop3A_1316, %parallel_loop3A_1317] {strides = array<i32>} : memref<4x128x64xf32, #tpu.memory_space<vmem>>, vector<16xf32>,
        tpu.vector_store_idx %arg8[%broadcast_in_dim3A_633, %select_n3A_463, %select_n3A_581, %parallel_loop3A_1308], %parallel_loop3A_1318 : memref<2x8x8x129xf32, #tpu.memory_space<vmem>>[vector<16xi32>, vector<16xi32>, vector<16xi32>, vector<16xi32>], vector<16xf32>,
        %parallel_loop3A_1319 = arith.constant 1 : i32
        %parallel_loop3A_1320 = arith.index_cast %parallel_loop3A_1319 : i32 to index
        %parallel_loop3A_1321 = arith.index_cast %parallel_loop3A_1307 : i32 to index
        %parallel_loop3A_1322 = arith.constant 32 : index
        %parallel_loop3A_1323 = tpu.vector_load %arg7[%parallel_loop3A_1320, %parallel_loop3A_1321, %parallel_loop3A_1322] {strides = array<i32>} : memref<4x128x64xf32, #tpu.memory_space<vmem>>, vector<16xf32>,
        tpu.vector_store_idx %arg8[%broadcast_in_dim3A_633, %select_n3A_497, %select_n3A_606, %parallel_loop3A_1308], %parallel_loop3A_1323 : memref<2x8x8x129xf32, #tpu.memory_space<vmem>>[vector<16xi32>, vector<16xi32>, vector<16xi32>, vector<16xi32>], vector<16xf32>,
        %parallel_loop3A_1324 = arith.constant 1 : i32
        %parallel_loop3A_1325 = arith.index_cast %parallel_loop3A_1324 : i32 to index
        %parallel_loop3A_1326 = arith.index_cast %parallel_loop3A_1307 : i32 to index
        %parallel_loop3A_1327 = arith.constant 48 : index
        %parallel_loop3A_1328 = tpu.vector_load %arg7[%parallel_loop3A_1325, %parallel_loop3A_1326, %parallel_loop3A_1327] {strides = array<i32>} : memref<4x128x64xf32, #tpu.memory_space<vmem>>, vector<16xf32>,
        tpu.vector_store_idx %arg8[%broadcast_in_dim3A_633, %select_n3A_531, %select_n3A_631, %parallel_loop3A_1308], %parallel_loop3A_1328 : memref<2x8x8x129xf32, #tpu.memory_space<vmem>>[vector<16xi32>, vector<16xi32>, vector<16xi32>, vector<16xi32>], vector<16xf32>,
      } {sc.loop_unroll_factor = 2 : i64, sc.parallel_access}
      %dma_start3A_637 = arith.constant 1 : i32
      %dma_start3A_638 = arith.constant 0 : i32
      %dma_start3A_639 = arith.constant 0 : i32
      %dma_start3A_640 = arith.constant 0 : i32
      %dma_start3A_641 = tpu.memref_slice %arg8[%dma_start3A_637, %dma_start3A_638, %dma_start3A_639, %dma_start3A_640] : memref<2x8x8x129xf32, #tpu.memory_space<vmem>> -> memref<1x8x8x128xf32, #tpu.memory_space<vmem>>
      %dma_start3A_642 = tpu.memref_squeeze %dma_start3A_641 : memref<1x8x8x128xf32, #tpu.memory_space<vmem>> -> memref<8x8x128xf32, #tpu.memory_space<vmem>>
      %dma_start3A_643 = arith.constant 0 : i32
      %dma_start3A_644 = arith.constant 0 : i32
      %dma_start3A_645 = arith.constant 0 : i32
      %dma_start3A_646 = tpu.memref_slice %arg4[%add3A_370, %dma_start3A_643, %add3A, %dma_start3A_644, %dma_start3A_645] : memref<200x8x32x8x128xf32, #tpu.memory_space<hbm>> -> memref<1x8x1x8x128xf32, #tpu.memory_space<hbm>>
      %dma_start3A_647 = tpu.memref_squeeze %dma_start3A_646 : memref<1x8x1x8x128xf32, #tpu.memory_space<hbm>> -> memref<8x8x128xf32, #tpu.memory_space<hbm>>
      %dma_start3A_648 = arith.constant 0 : i32
      %dma_start3A_649 = arith.constant 0 : i32
      %dma_start3A_650 = arith.constant 0 : i32
      %dma_start3A_651 = tpu.memref_slice %arg4[%add3A_370, %dma_start3A_648, %add3A, %dma_start3A_649, %dma_start3A_650] : memref<200x8x32x8x128xf32, #tpu.memory_space<hbm>> -> memref<1x8x1x8x128xf32, #tpu.memory_space<hbm>>
      %dma_start3A_652 = tpu.memref_squeeze %dma_start3A_651 : memref<1x8x1x8x128xf32, #tpu.memory_space<hbm>> -> memref<8x8x128xf32, #tpu.memory_space<hbm>>
      %dma_start3A_653 = arith.constant 0 : i32
      %dma_start3A_654 = arith.constant 0 : i32
      %dma_start3A_655 = arith.constant 0 : i32
      %dma_start3A_656 = tpu.memref_slice %arg8[%dma_start3A_637, %dma_start3A_653, %dma_start3A_654, %dma_start3A_655] : memref<2x8x8x129xf32, #tpu.memory_space<vmem>> -> memref<1x8x8x128xf32, #tpu.memory_space<vmem>>
      %dma_start3A_657 = tpu.memref_squeeze %dma_start3A_656 : memref<1x8x8x128xf32, #tpu.memory_space<vmem>> -> memref<8x8x128xf32, #tpu.memory_space<vmem>>
      tpu.enqueue_dma source(%dma_start3A_657 : memref<8x8x128xf32, #tpu.memory_space<vmem>>) target(%dma_start3A_652 : memref<8x8x128xf32, #tpu.memory_space<hbm>>) target_semaphore(%arg10 : memref<!tpu.dma_semaphore, #tpu.memory_space<semaphore_mem>>)
      %add3A_658 = arith.constant 2 : i32
      %add3A_659 = arith.addi %add3A_94, %add3A_658 : i32
      %dma_wait3A_660 = arith.constant 2 : i32
      %dma_wait3A_661 = arith.constant 0 : i32
      %dma_wait3A_662 = arith.constant 0 : i32
      %dma_wait3A_663 = tpu.memref_slice %arg7[%dma_wait3A_660, %dma_wait3A_661, %dma_wait3A_662] : memref<4x128x64xf32, #tpu.memory_space<vmem>> -> memref<1x128x64xf32, #tpu.memory_space<vmem>>
      %dma_wait3A_664 = tpu.memref_squeeze %dma_wait3A_663 : memref<1x128x64xf32, #tpu.memory_space<vmem>> -> memref<128x64xf32, #tpu.memory_space<vmem>>
      %dma_wait3A_665 = arith.constant 0 : i32
      %dma_wait3A_666 = tpu.memref_slice %arg6[%add3A_659, %dma_wait3A_665] : memref<200x128xi32, #tpu.memory_space<vmem>> -> memref<1x128xi32, #tpu.memory_space<vmem>>
      %dma_wait3A_667 = tpu.memref_squeeze %dma_wait3A_666 : memref<1x128xi32, #tpu.memory_space<vmem>> -> memref<128xi32, #tpu.memory_space<vmem>>
      %dma_wait3A_668 = arith.constant 0 : i32
      %dma_wait3A_669 = arith.constant 0 : i32
      %dma_wait3A_670 = tpu.memref_slice %arg3[%dma_wait3A_668, %dma_wait3A_669] : memref<100000x64xf32, #tpu.memory_space<hbm>> -> memref<100000x64xf32, #tpu.memory_space<hbm>>
      tpu.wait_indirect_dma semaphore(%arg9 : memref<!tpu.dma_semaphore, #tpu.memory_space<semaphore_mem>>) src(%dma_wait3A_670 : memref<100000x64xf32, #tpu.memory_space<hbm>>) dst(%dma_wait3A_664 : memref<128x64xf32, #tpu.memory_space<vmem>>)
      %add3A_671 = arith.constant 4 : i32
      %add3A_672 = arith.addi %add3A_659, %add3A_671 : i32
      %sub3A_673 = arith.constant 1 : i32
      %sub3A_674 = arith.subi %add3A_672, %sub3A_673 : i32
      %lt3A_675 = arith.constant 200 : i32
      %lt3A_676 = arith.cmpi slt, %sub3A_674, %lt3A_675 : i32
      %convert_element_type3A_677 = arith.extui %lt3A_676 : i1 to i32
      %cond3A_678 = arith.constant 0 : i32
      %cond3A_679 = arith.cmpi ne, %convert_element_type3A_677, %cond3A_678 : i32
      scf.if %cond3A_679 {
        %add3A_1236 = arith.constant 4 : i32
        %add3A_1237 = arith.addi %add3A_659, %add3A_1236 : i32
        %sub3A_1238 = arith.constant 1 : i32
        %sub3A_1239 = arith.subi %add3A_1237, %sub3A_1238 : i32
        %dma_start3A_1240 = arith.constant 1 : i32
        %dma_start3A_1241 = arith.constant 0 : i32
        %dma_start3A_1242 = arith.constant 0 : i32
        %dma_start3A_1243 = tpu.memref_slice %arg7[%dma_start3A_1240, %dma_start3A_1241, %dma_start3A_1242] : memref<4x128x64xf32, #tpu.memory_space<vmem>> -> memref<1x128x64xf32, #tpu.memory_space<vmem>>
        %dma_start3A_1244 = tpu.memref_squeeze %dma_start3A_1243 : memref<1x128x64xf32, #tpu.memory_space<vmem>> -> memref<128x64xf32, #tpu.memory_space<vmem>>
        %dma_start3A_1245 = arith.constant 0 : i32
        %dma_start3A_1246 = tpu.memref_slice %arg6[%sub3A_1239, %dma_start3A_1245] : memref<200x128xi32, #tpu.memory_space<vmem>> -> memref<1x128xi32, #tpu.memory_space<vmem>>
        %dma_start3A_1247 = tpu.memref_squeeze %dma_start3A_1246 : memref<1x128xi32, #tpu.memory_space<vmem>> -> memref<128xi32, #tpu.memory_space<vmem>>
        %dma_start3A_1248 = arith.constant 0 : i32
        %dma_start3A_1249 = arith.constant 0 : i32
        %dma_start3A_1250 = tpu.memref_slice %arg3[%dma_start3A_1248, %dma_start3A_1249] : memref<100000x64xf32, #tpu.memory_space<hbm>> -> memref<100000x64xf32, #tpu.memory_space<hbm>>
        tpu.enqueue_indirect_dma source(%dma_start3A_1250 : memref<100000x64xf32, #tpu.memory_space<hbm>>) target(%dma_start3A_1244 : memref<128x64xf32, #tpu.memory_space<vmem>>) offsets(%dma_start3A_1247 : memref<128xi32, #tpu.memory_space<vmem>>) semaphore(%arg9 : memref<!tpu.dma_semaphore, #tpu.memory_space<semaphore_mem>>)
      } else {
      }
      %ge3A_680 = arith.constant 2 : i32
      %ge3A_681 = arith.cmpi sge, %add3A_659, %ge3A_680 : i32
      %convert_element_type3A_682 = arith.extui %ge3A_681 : i1 to i32
      %cond3A_683 = arith.constant 0 : i32
      %cond3A_684 = arith.cmpi ne, %convert_element_type3A_682, %cond3A_683 : i32
      scf.if %cond3A_684 {
        %dma_wait3A_1236 = arith.constant 0 : i32
        %dma_wait3A_1237 = arith.constant 0 : i32
        %dma_wait3A_1238 = arith.constant 0 : i32
        %dma_wait3A_1239 = arith.constant 0 : i32
        %dma_wait3A_1240 = tpu.memref_slice %arg8[%dma_wait3A_1236, %dma_wait3A_1237, %dma_wait3A_1238, %dma_wait3A_1239] : memref<2x8x8x129xf32, #tpu.memory_space<vmem>> -> memref<1x8x8x128xf32, #tpu.memory_space<vmem>>
        %dma_wait3A_1241 = tpu.memref_squeeze %dma_wait3A_1240 : memref<1x8x8x128xf32, #tpu.memory_space<vmem>> -> memref<8x8x128xf32, #tpu.memory_space<vmem>>
        %dma_wait3A_1242 = arith.constant 0 : i32
        %dma_wait3A_1243 = arith.constant 0 : i32
        %dma_wait3A_1244 = arith.constant 0 : i32
        %dma_wait3A_1245 = tpu.memref_slice %arg4[%add3A_659, %dma_wait3A_1242, %add3A, %dma_wait3A_1243, %dma_wait3A_1244] : memref<200x8x32x8x128xf32, #tpu.memory_space<hbm>> -> memref<1x8x1x8x128xf32, #tpu.memory_space<hbm>>
        %dma_wait3A_1246 = tpu.memref_squeeze %dma_wait3A_1245 : memref<1x8x1x8x128xf32, #tpu.memory_space<hbm>> -> memref<8x8x128xf32, #tpu.memory_space<hbm>>
        %dma_wait3A_1247 = arith.constant 0 : i32
        %dma_wait3A_1248 = arith.constant 0 : i32
        %dma_wait3A_1249 = arith.constant 0 : i32
        %dma_wait3A_1250 = tpu.memref_slice %arg4[%add3A_659, %dma_wait3A_1247, %add3A, %dma_wait3A_1248, %dma_wait3A_1249] : memref<200x8x32x8x128xf32, #tpu.memory_space<hbm>> -> memref<1x8x1x8x128xf32, #tpu.memory_space<hbm>>
        %dma_wait3A_1251 = tpu.memref_squeeze %dma_wait3A_1250 : memref<1x8x1x8x128xf32, #tpu.memory_space<hbm>> -> memref<8x8x128xf32, #tpu.memory_space<hbm>>
        %dma_wait3A_1252 = arith.constant 0 : i32
        %dma_wait3A_1253 = arith.constant 0 : i32
        %dma_wait3A_1254 = arith.constant 0 : i32
        %dma_wait3A_1255 = tpu.memref_slice %arg8[%dma_wait3A_1236, %dma_wait3A_1252, %dma_wait3A_1253, %dma_wait3A_1254] : memref<2x8x8x129xf32, #tpu.memory_space<vmem>> -> memref<1x8x8x128xf32, #tpu.memory_space<vmem>>
        %dma_wait3A_1256 = tpu.memref_squeeze %dma_wait3A_1255 : memref<1x8x8x128xf32, #tpu.memory_space<vmem>> -> memref<8x8x128xf32, #tpu.memory_space<vmem>>
        tpu.wait_dma2 semaphore(%arg10 : memref<!tpu.dma_semaphore, #tpu.memory_space<semaphore_mem>>) src(%dma_wait3A_1256 : memref<8x8x128xf32, #tpu.memory_space<vmem>>) dst(%dma_wait3A_1251 : memref<8x8x128xf32, #tpu.memory_space<hbm>>)
      } else {
      }
      %add3A_685 = arith.constant 0 : i32
      %add3A_686 = vector.broadcast %add3A_685 : i32 to vector<16xi32>
      %add3A_687 = arith.addi %iota3A, %add3A_686 : vector<16xi32>
      %jit3A_688 = arith.constant 8 : i32
      %div3A_689 = vector.broadcast %jit3A_688 : i32 to vector<16xi32>
      %div3A_690 = arith.divsi %add3A_687, %div3A_689 : vector<16xi32>
      %sign3A_691 = arith.constant 0 : i32
      %sign3A_692 = vector.broadcast %sign3A_691 : i32 to vector<16xi32>
      %sign3A_693 = arith.cmpi sgt, %add3A_687, %sign3A_692 : vector<16xi32>
      %sign3A_694 = arith.extui %sign3A_693 : vector<16xi1> to vector<16xi32>
      %sign3A_695 = arith.constant 0 : i32
      %sign3A_696 = vector.broadcast %sign3A_695 : i32 to vector<16xi32>
      %sign3A_697 = arith.cmpi slt, %add3A_687, %sign3A_696 : vector<16xi32>
      %sign3A_698 = arith.extui %sign3A_697 : vector<16xi1> to vector<16xi32>
      %sign3A_699 = arith.subi %sign3A_694, %sign3A_698 : vector<16xi32>
      %sign3A_700 = arith.constant 0 : i32
      %sign3A_701 = arith.cmpi sgt, %jit3A_688, %sign3A_700 : i32
      %sign3A_702 = arith.extui %sign3A_701 : i1 to i32
      %sign3A_703 = arith.constant 0 : i32
      %sign3A_704 = arith.cmpi slt, %jit3A_688, %sign3A_703 : i32
      %sign3A_705 = arith.extui %sign3A_704 : i1 to i32
      %sign3A_706 = arith.subi %sign3A_702, %sign3A_705 : i32
      %ne3A_707 = vector.broadcast %sign3A_706 : i32 to vector<16xi32>
      %ne3A_708 = arith.cmpi ne, %sign3A_699, %ne3A_707 : vector<16xi32>
      %rem3A_709 = vector.broadcast %jit3A_688 : i32 to vector<16xi32>
      %rem3A_710 = arith.remsi %add3A_687, %rem3A_709 : vector<16xi32>
      %ne3A_711 = arith.constant 0 : i32
      %ne3A_712 = vector.broadcast %ne3A_711 : i32 to vector<16xi32>
      %ne3A_713 = arith.cmpi ne, %rem3A_710, %ne3A_712 : vector<16xi32>
      %and3A_714 = arith.andi %ne3A_708, %ne3A_713 : vector<16xi1>
      %sub3A_715 = arith.constant 1 : i32
      %sub3A_716 = vector.broadcast %sub3A_715 : i32 to vector<16xi32>
      %sub3A_717 = arith.subi %div3A_690, %sub3A_716 : vector<16xi32>
      %select_n3A_718 = arith.select %and3A_714, %sub3A_717, %div3A_690 : vector<16xi1>, vector<16xi32>
      %add3A_719 = arith.constant 16 : i32
      %add3A_720 = vector.broadcast %add3A_719 : i32 to vector<16xi32>
      %add3A_721 = arith.addi %iota3A, %add3A_720 : vector<16xi32>
      %jit3A_722 = arith.constant 8 : i32
      %div3A_723 = vector.broadcast %jit3A_722 : i32 to vector<16xi32>
      %div3A_724 = arith.divsi %add3A_721, %div3A_723 : vector<16xi32>
      %sign3A_725 = arith.constant 0 : i32
      %sign3A_726 = vector.broadcast %sign3A_725 : i32 to vector<16xi32>
      %sign3A_727 = arith.cmpi sgt, %add3A_721, %sign3A_726 : vector<16xi32>
      %sign3A_728 = arith.extui %sign3A_727 : vector<16xi1> to vector<16xi32>
      %sign3A_729 = arith.constant 0 : i32
      %sign3A_730 = vector.broadcast %sign3A_729 : i32 to vector<16xi32>
      %sign3A_731 = arith.cmpi slt, %add3A_721, %sign3A_730 : vector<16xi32>
      %sign3A_732 = arith.extui %sign3A_731 : vector<16xi1> to vector<16xi32>
      %sign3A_733 = arith.subi %sign3A_728, %sign3A_732 : vector<16xi32>
      %sign3A_734 = arith.constant 0 : i32
      %sign3A_735 = arith.cmpi sgt, %jit3A_722, %sign3A_734 : i32
      %sign3A_736 = arith.extui %sign3A_735 : i1 to i32
      %sign3A_737 = arith.constant 0 : i32
      %sign3A_738 = arith.cmpi slt, %jit3A_722, %sign3A_737 : i32
      %sign3A_739 = arith.extui %sign3A_738 : i1 to i32
      %sign3A_740 = arith.subi %sign3A_736, %sign3A_739 : i32
      %ne3A_741 = vector.broadcast %sign3A_740 : i32 to vector<16xi32>
      %ne3A_742 = arith.cmpi ne, %sign3A_733, %ne3A_741 : vector<16xi32>
      %rem3A_743 = vector.broadcast %jit3A_722 : i32 to vector<16xi32>
      %rem3A_744 = arith.remsi %add3A_721, %rem3A_743 : vector<16xi32>
      %ne3A_745 = arith.constant 0 : i32
      %ne3A_746 = vector.broadcast %ne3A_745 : i32 to vector<16xi32>
      %ne3A_747 = arith.cmpi ne, %rem3A_744, %ne3A_746 : vector<16xi32>
      %and3A_748 = arith.andi %ne3A_742, %ne3A_747 : vector<16xi1>
      %sub3A_749 = arith.constant 1 : i32
      %sub3A_750 = vector.broadcast %sub3A_749 : i32 to vector<16xi32>
      %sub3A_751 = arith.subi %div3A_724, %sub3A_750 : vector<16xi32>
      %select_n3A_752 = arith.select %and3A_748, %sub3A_751, %div3A_724 : vector<16xi1>, vector<16xi32>
      %add3A_753 = arith.constant 32 : i32
      %add3A_754 = vector.broadcast %add3A_753 : i32 to vector<16xi32>
      %add3A_755 = arith.addi %iota3A, %add3A_754 : vector<16xi32>
      %jit3A_756 = arith.constant 8 : i32
      %div3A_757 = vector.broadcast %jit3A_756 : i32 to vector<16xi32>
      %div3A_758 = arith.divsi %add3A_755, %div3A_757 : vector<16xi32>
      %sign3A_759 = arith.constant 0 : i32
      %sign3A_760 = vector.broadcast %sign3A_759 : i32 to vector<16xi32>
      %sign3A_761 = arith.cmpi sgt, %add3A_755, %sign3A_760 : vector<16xi32>
      %sign3A_762 = arith.extui %sign3A_761 : vector<16xi1> to vector<16xi32>
      %sign3A_763 = arith.constant 0 : i32
      %sign3A_764 = vector.broadcast %sign3A_763 : i32 to vector<16xi32>
      %sign3A_765 = arith.cmpi slt, %add3A_755, %sign3A_764 : vector<16xi32>
      %sign3A_766 = arith.extui %sign3A_765 : vector<16xi1> to vector<16xi32>
      %sign3A_767 = arith.subi %sign3A_762, %sign3A_766 : vector<16xi32>
      %sign3A_768 = arith.constant 0 : i32
      %sign3A_769 = arith.cmpi sgt, %jit3A_756, %sign3A_768 : i32
      %sign3A_770 = arith.extui %sign3A_769 : i1 to i32
      %sign3A_771 = arith.constant 0 : i32
      %sign3A_772 = arith.cmpi slt, %jit3A_756, %sign3A_771 : i32
      %sign3A_773 = arith.extui %sign3A_772 : i1 to i32
      %sign3A_774 = arith.subi %sign3A_770, %sign3A_773 : i32
      %ne3A_775 = vector.broadcast %sign3A_774 : i32 to vector<16xi32>
      %ne3A_776 = arith.cmpi ne, %sign3A_767, %ne3A_775 : vector<16xi32>
      %rem3A_777 = vector.broadcast %jit3A_756 : i32 to vector<16xi32>
      %rem3A_778 = arith.remsi %add3A_755, %rem3A_777 : vector<16xi32>
      %ne3A_779 = arith.constant 0 : i32
      %ne3A_780 = vector.broadcast %ne3A_779 : i32 to vector<16xi32>
      %ne3A_781 = arith.cmpi ne, %rem3A_778, %ne3A_780 : vector<16xi32>
      %and3A_782 = arith.andi %ne3A_776, %ne3A_781 : vector<16xi1>
      %sub3A_783 = arith.constant 1 : i32
      %sub3A_784 = vector.broadcast %sub3A_783 : i32 to vector<16xi32>
      %sub3A_785 = arith.subi %div3A_758, %sub3A_784 : vector<16xi32>
      %select_n3A_786 = arith.select %and3A_782, %sub3A_785, %div3A_758 : vector<16xi1>, vector<16xi32>
      %add3A_787 = arith.constant 48 : i32
      %add3A_788 = vector.broadcast %add3A_787 : i32 to vector<16xi32>
      %add3A_789 = arith.addi %iota3A, %add3A_788 : vector<16xi32>
      %jit3A_790 = arith.constant 8 : i32
      %div3A_791 = vector.broadcast %jit3A_790 : i32 to vector<16xi32>
      %div3A_792 = arith.divsi %add3A_789, %div3A_791 : vector<16xi32>
      %sign3A_793 = arith.constant 0 : i32
      %sign3A_794 = vector.broadcast %sign3A_793 : i32 to vector<16xi32>
      %sign3A_795 = arith.cmpi sgt, %add3A_789, %sign3A_794 : vector<16xi32>
      %sign3A_796 = arith.extui %sign3A_795 : vector<16xi1> to vector<16xi32>
      %sign3A_797 = arith.constant 0 : i32
      %sign3A_798 = vector.broadcast %sign3A_797 : i32 to vector<16xi32>
      %sign3A_799 = arith.cmpi slt, %add3A_789, %sign3A_798 : vector<16xi32>
      %sign3A_800 = arith.extui %sign3A_799 : vector<16xi1> to vector<16xi32>
      %sign3A_801 = arith.subi %sign3A_796, %sign3A_800 : vector<16xi32>
      %sign3A_802 = arith.constant 0 : i32
      %sign3A_803 = arith.cmpi sgt, %jit3A_790, %sign3A_802 : i32
      %sign3A_804 = arith.extui %sign3A_803 : i1 to i32
      %sign3A_805 = arith.constant 0 : i32
      %sign3A_806 = arith.cmpi slt, %jit3A_790, %sign3A_805 : i32
      %sign3A_807 = arith.extui %sign3A_806 : i1 to i32
      %sign3A_808 = arith.subi %sign3A_804, %sign3A_807 : i32
      %ne3A_809 = vector.broadcast %sign3A_808 : i32 to vector<16xi32>
      %ne3A_810 = arith.cmpi ne, %sign3A_801, %ne3A_809 : vector<16xi32>
      %rem3A_811 = vector.broadcast %jit3A_790 : i32 to vector<16xi32>
      %rem3A_812 = arith.remsi %add3A_789, %rem3A_811 : vector<16xi32>
      %ne3A_813 = arith.constant 0 : i32
      %ne3A_814 = vector.broadcast %ne3A_813 : i32 to vector<16xi32>
      %ne3A_815 = arith.cmpi ne, %rem3A_812, %ne3A_814 : vector<16xi32>
      %and3A_816 = arith.andi %ne3A_810, %ne3A_815 : vector<16xi1>
      %sub3A_817 = arith.constant 1 : i32
      %sub3A_818 = vector.broadcast %sub3A_817 : i32 to vector<16xi32>
      %sub3A_819 = arith.subi %div3A_792, %sub3A_818 : vector<16xi32>
      %select_n3A_820 = arith.select %and3A_816, %sub3A_819, %div3A_792 : vector<16xi1>, vector<16xi32>
      %add3A_821 = arith.constant 0 : i32
      %add3A_822 = vector.broadcast %add3A_821 : i32 to vector<16xi32>
      %add3A_823 = arith.addi %iota3A, %add3A_822 : vector<16xi32>
      %jit3A_824 = arith.constant 8 : i32
      %eq3A_825 = arith.constant 0 : i32
      %eq3A_826 = arith.cmpi eq, %jit3A_824, %eq3A_825 : i32
      %jit3A_827 = arith.constant 1 : i32
      %select_n3A_828 = arith.select %eq3A_826, %jit3A_827, %jit3A_824 : i32
      %rem3A_829 = vector.broadcast %select_n3A_828 : i32 to vector<16xi32>
      %rem3A_830 = arith.remsi %add3A_823, %rem3A_829 : vector<16xi32>
      %ne3A_831 = arith.constant 0 : i32
      %ne3A_832 = vector.broadcast %ne3A_831 : i32 to vector<16xi32>
      %ne3A_833 = arith.cmpi ne, %rem3A_830, %ne3A_832 : vector<16xi32>
      %lt3A_834 = arith.constant 0 : i32
      %lt3A_835 = vector.broadcast %lt3A_834 : i32 to vector<16xi32>
      %lt3A_836 = arith.cmpi slt, %rem3A_830, %lt3A_835 : vector<16xi32>
      %lt3A_837 = arith.constant 0 : i32
      %lt3A_838 = arith.cmpi slt, %select_n3A_828, %lt3A_837 : i32
      %ne3A_839 = vector.broadcast %lt3A_838 : i1 to vector<16xi1>
      %ne3A_840 = vector.broadcast %ne3A_839 : vector<16xi1> to vector<16xi1>
      %ne3A_841 = arith.xori %lt3A_836, %ne3A_840 : vector<16xi1>
      %and3A_842 = arith.andi %ne3A_841, %ne3A_833 : vector<16xi1>
      %add3A_843 = vector.broadcast %select_n3A_828 : i32 to vector<16xi32>
      %add3A_844 = arith.addi %rem3A_830, %add3A_843 : vector<16xi32>
      %select_n3A_845 = arith.select %and3A_842, %add3A_844, %rem3A_830 : vector<16xi1>, vector<16xi32>
      %add3A_846 = arith.constant 16 : i32
      %add3A_847 = vector.broadcast %add3A_846 : i32 to vector<16xi32>
      %add3A_848 = arith.addi %iota3A, %add3A_847 : vector<16xi32>
      %jit3A_849 = arith.constant 8 : i32
      %eq3A_850 = arith.constant 0 : i32
      %eq3A_851 = arith.cmpi eq, %jit3A_849, %eq3A_850 : i32
      %jit3A_852 = arith.constant 1 : i32
      %select_n3A_853 = arith.select %eq3A_851, %jit3A_852, %jit3A_849 : i32
      %rem3A_854 = vector.broadcast %select_n3A_853 : i32 to vector<16xi32>
      %rem3A_855 = arith.remsi %add3A_848, %rem3A_854 : vector<16xi32>
      %ne3A_856 = arith.constant 0 : i32
      %ne3A_857 = vector.broadcast %ne3A_856 : i32 to vector<16xi32>
      %ne3A_858 = arith.cmpi ne, %rem3A_855, %ne3A_857 : vector<16xi32>
      %lt3A_859 = arith.constant 0 : i32
      %lt3A_860 = vector.broadcast %lt3A_859 : i32 to vector<16xi32>
      %lt3A_861 = arith.cmpi slt, %rem3A_855, %lt3A_860 : vector<16xi32>
      %lt3A_862 = arith.constant 0 : i32
      %lt3A_863 = arith.cmpi slt, %select_n3A_853, %lt3A_862 : i32
      %ne3A_864 = vector.broadcast %lt3A_863 : i1 to vector<16xi1>
      %ne3A_865 = vector.broadcast %ne3A_864 : vector<16xi1> to vector<16xi1>
      %ne3A_866 = arith.xori %lt3A_861, %ne3A_865 : vector<16xi1>
      %and3A_867 = arith.andi %ne3A_866, %ne3A_858 : vector<16xi1>
      %add3A_868 = vector.broadcast %select_n3A_853 : i32 to vector<16xi32>
      %add3A_869 = arith.addi %rem3A_855, %add3A_868 : vector<16xi32>
      %select_n3A_870 = arith.select %and3A_867, %add3A_869, %rem3A_855 : vector<16xi1>, vector<16xi32>
      %add3A_871 = arith.constant 32 : i32
      %add3A_872 = vector.broadcast %add3A_871 : i32 to vector<16xi32>
      %add3A_873 = arith.addi %iota3A, %add3A_872 : vector<16xi32>
      %jit3A_874 = arith.constant 8 : i32
      %eq3A_875 = arith.constant 0 : i32
      %eq3A_876 = arith.cmpi eq, %jit3A_874, %eq3A_875 : i32
      %jit3A_877 = arith.constant 1 : i32
      %select_n3A_878 = arith.select %eq3A_876, %jit3A_877, %jit3A_874 : i32
      %rem3A_879 = vector.broadcast %select_n3A_878 : i32 to vector<16xi32>
      %rem3A_880 = arith.remsi %add3A_873, %rem3A_879 : vector<16xi32>
      %ne3A_881 = arith.constant 0 : i32
      %ne3A_882 = vector.broadcast %ne3A_881 : i32 to vector<16xi32>
      %ne3A_883 = arith.cmpi ne, %rem3A_880, %ne3A_882 : vector<16xi32>
      %lt3A_884 = arith.constant 0 : i32
      %lt3A_885 = vector.broadcast %lt3A_884 : i32 to vector<16xi32>
      %lt3A_886 = arith.cmpi slt, %rem3A_880, %lt3A_885 : vector<16xi32>
      %lt3A_887 = arith.constant 0 : i32
      %lt3A_888 = arith.cmpi slt, %select_n3A_878, %lt3A_887 : i32
      %ne3A_889 = vector.broadcast %lt3A_888 : i1 to vector<16xi1>
      %ne3A_890 = vector.broadcast %ne3A_889 : vector<16xi1> to vector<16xi1>
      %ne3A_891 = arith.xori %lt3A_886, %ne3A_890 : vector<16xi1>
      %and3A_892 = arith.andi %ne3A_891, %ne3A_883 : vector<16xi1>
      %add3A_893 = vector.broadcast %select_n3A_878 : i32 to vector<16xi32>
      %add3A_894 = arith.addi %rem3A_880, %add3A_893 : vector<16xi32>
      %select_n3A_895 = arith.select %and3A_892, %add3A_894, %rem3A_880 : vector<16xi1>, vector<16xi32>
      %add3A_896 = arith.constant 48 : i32
      %add3A_897 = vector.broadcast %add3A_896 : i32 to vector<16xi32>
      %add3A_898 = arith.addi %iota3A, %add3A_897 : vector<16xi32>
      %jit3A_899 = arith.constant 8 : i32
      %eq3A_900 = arith.constant 0 : i32
      %eq3A_901 = arith.cmpi eq, %jit3A_899, %eq3A_900 : i32
      %jit3A_902 = arith.constant 1 : i32
      %select_n3A_903 = arith.select %eq3A_901, %jit3A_902, %jit3A_899 : i32
      %rem3A_904 = vector.broadcast %select_n3A_903 : i32 to vector<16xi32>
      %rem3A_905 = arith.remsi %add3A_898, %rem3A_904 : vector<16xi32>
      %ne3A_906 = arith.constant 0 : i32
      %ne3A_907 = vector.broadcast %ne3A_906 : i32 to vector<16xi32>
      %ne3A_908 = arith.cmpi ne, %rem3A_905, %ne3A_907 : vector<16xi32>
      %lt3A_909 = arith.constant 0 : i32
      %lt3A_910 = vector.broadcast %lt3A_909 : i32 to vector<16xi32>
      %lt3A_911 = arith.cmpi slt, %rem3A_905, %lt3A_910 : vector<16xi32>
      %lt3A_912 = arith.constant 0 : i32
      %lt3A_913 = arith.cmpi slt, %select_n3A_903, %lt3A_912 : i32
      %ne3A_914 = vector.broadcast %lt3A_913 : i1 to vector<16xi1>
      %ne3A_915 = vector.broadcast %ne3A_914 : vector<16xi1> to vector<16xi1>
      %ne3A_916 = arith.xori %lt3A_911, %ne3A_915 : vector<16xi1>
      %and3A_917 = arith.andi %ne3A_916, %ne3A_908 : vector<16xi1>
      %add3A_918 = vector.broadcast %select_n3A_903 : i32 to vector<16xi32>
      %add3A_919 = arith.addi %rem3A_905, %add3A_918 : vector<16xi32>
      %select_n3A_920 = arith.select %and3A_917, %add3A_919, %rem3A_905 : vector<16xi1>, vector<16xi32>
      %broadcast_in_dim3A_921 = arith.constant 0 : i32
      %broadcast_in_dim3A_922 = vector.broadcast %broadcast_in_dim3A_921 : i32 to vector<16xi32>
      %parallel_loop3A_923 = arith.constant 0 : i32
      %parallel_loop3A_924 = arith.constant 128 : i32
      %parallel_loop3A_925 = arith.constant 4 : i32
      scf.for %parallel_loop3A_1236 = %parallel_loop3A_923 to %parallel_loop3A_924 step %parallel_loop3A_925  : i32 {
        %parallel_loop3A_1237 = arith.constant 0 : i32
        %parallel_loop3A_1238 = arith.addi %parallel_loop3A_1236, %parallel_loop3A_1237 : i32
        %parallel_loop3A_1239 = vector.broadcast %parallel_loop3A_1238 : i32 to vector<16xi32>
        %parallel_loop3A_1240 = arith.constant 2 : i32
        %parallel_loop3A_1241 = arith.index_cast %parallel_loop3A_1240 : i32 to index
        %parallel_loop3A_1242 = arith.index_cast %parallel_loop3A_1238 : i32 to index
        %parallel_loop3A_1243 = arith.constant 0 : index
        %parallel_loop3A_1244 = tpu.vector_load %arg7[%parallel_loop3A_1241, %parallel_loop3A_1242, %parallel_loop3A_1243] {strides = array<i32>} : memref<4x128x64xf32, #tpu.memory_space<vmem>>, vector<16xf32>,
        tpu.vector_store_idx %arg8[%broadcast_in_dim3A_922, %select_n3A_718, %select_n3A_845, %parallel_loop3A_1239], %parallel_loop3A_1244 : memref<2x8x8x129xf32, #tpu.memory_space<vmem>>[vector<16xi32>, vector<16xi32>, vector<16xi32>, vector<16xi32>], vector<16xf32>,
        %parallel_loop3A_1245 = arith.constant 2 : i32
        %parallel_loop3A_1246 = arith.index_cast %parallel_loop3A_1245 : i32 to index
        %parallel_loop3A_1247 = arith.index_cast %parallel_loop3A_1238 : i32 to index
        %parallel_loop3A_1248 = arith.constant 16 : index
        %parallel_loop3A_1249 = tpu.vector_load %arg7[%parallel_loop3A_1246, %parallel_loop3A_1247, %parallel_loop3A_1248] {strides = array<i32>} : memref<4x128x64xf32, #tpu.memory_space<vmem>>, vector<16xf32>,
        tpu.vector_store_idx %arg8[%broadcast_in_dim3A_922, %select_n3A_752, %select_n3A_870, %parallel_loop3A_1239], %parallel_loop3A_1249 : memref<2x8x8x129xf32, #tpu.memory_space<vmem>>[vector<16xi32>, vector<16xi32>, vector<16xi32>, vector<16xi32>], vector<16xf32>,
        %parallel_loop3A_1250 = arith.constant 2 : i32
        %parallel_loop3A_1251 = arith.index_cast %parallel_loop3A_1250 : i32 to index
        %parallel_loop3A_1252 = arith.index_cast %parallel_loop3A_1238 : i32 to index
        %parallel_loop3A_1253 = arith.constant 32 : index
        %parallel_loop3A_1254 = tpu.vector_load %arg7[%parallel_loop3A_1251, %parallel_loop3A_1252, %parallel_loop3A_1253] {strides = array<i32>} : memref<4x128x64xf32, #tpu.memory_space<vmem>>, vector<16xf32>,
        tpu.vector_store_idx %arg8[%broadcast_in_dim3A_922, %select_n3A_786, %select_n3A_895, %parallel_loop3A_1239], %parallel_loop3A_1254 : memref<2x8x8x129xf32, #tpu.memory_space<vmem>>[vector<16xi32>, vector<16xi32>, vector<16xi32>, vector<16xi32>], vector<16xf32>,
        %parallel_loop3A_1255 = arith.constant 2 : i32
        %parallel_loop3A_1256 = arith.index_cast %parallel_loop3A_1255 : i32 to index
        %parallel_loop3A_1257 = arith.index_cast %parallel_loop3A_1238 : i32 to index
        %parallel_loop3A_1258 = arith.constant 48 : index
        %parallel_loop3A_1259 = tpu.vector_load %arg7[%parallel_loop3A_1256, %parallel_loop3A_1257, %parallel_loop3A_1258] {strides = array<i32>} : memref<4x128x64xf32, #tpu.memory_space<vmem>>, vector<16xf32>,
        tpu.vector_store_idx %arg8[%broadcast_in_dim3A_922, %select_n3A_820, %select_n3A_920, %parallel_loop3A_1239], %parallel_loop3A_1259 : memref<2x8x8x129xf32, #tpu.memory_space<vmem>>[vector<16xi32>, vector<16xi32>, vector<16xi32>, vector<16xi32>], vector<16xf32>,
        %parallel_loop3A_1260 = arith.constant 1 : i32
        %parallel_loop3A_1261 = arith.addi %parallel_loop3A_1236, %parallel_loop3A_1260 : i32
        %parallel_loop3A_1262 = vector.broadcast %parallel_loop3A_1261 : i32 to vector<16xi32>
        %parallel_loop3A_1263 = arith.constant 2 : i32
        %parallel_loop3A_1264 = arith.index_cast %parallel_loop3A_1263 : i32 to index
        %parallel_loop3A_1265 = arith.index_cast %parallel_loop3A_1261 : i32 to index
        %parallel_loop3A_1266 = arith.constant 0 : index
        %parallel_loop3A_1267 = tpu.vector_load %arg7[%parallel_loop3A_1264, %parallel_loop3A_1265, %parallel_loop3A_1266] {strides = array<i32>} : memref<4x128x64xf32, #tpu.memory_space<vmem>>, vector<16xf32>,
        tpu.vector_store_idx %arg8[%broadcast_in_dim3A_922, %select_n3A_718, %select_n3A_845, %parallel_loop3A_1262], %parallel_loop3A_1267 : memref<2x8x8x129xf32, #tpu.memory_space<vmem>>[vector<16xi32>, vector<16xi32>, vector<16xi32>, vector<16xi32>], vector<16xf32>,
        %parallel_loop3A_1268 = arith.constant 2 : i32
        %parallel_loop3A_1269 = arith.index_cast %parallel_loop3A_1268 : i32 to index
        %parallel_loop3A_1270 = arith.index_cast %parallel_loop3A_1261 : i32 to index
        %parallel_loop3A_1271 = arith.constant 16 : index
        %parallel_loop3A_1272 = tpu.vector_load %arg7[%parallel_loop3A_1269, %parallel_loop3A_1270, %parallel_loop3A_1271] {strides = array<i32>} : memref<4x128x64xf32, #tpu.memory_space<vmem>>, vector<16xf32>,
        tpu.vector_store_idx %arg8[%broadcast_in_dim3A_922, %select_n3A_752, %select_n3A_870, %parallel_loop3A_1262], %parallel_loop3A_1272 : memref<2x8x8x129xf32, #tpu.memory_space<vmem>>[vector<16xi32>, vector<16xi32>, vector<16xi32>, vector<16xi32>], vector<16xf32>,
        %parallel_loop3A_1273 = arith.constant 2 : i32
        %parallel_loop3A_1274 = arith.index_cast %parallel_loop3A_1273 : i32 to index
        %parallel_loop3A_1275 = arith.index_cast %parallel_loop3A_1261 : i32 to index
        %parallel_loop3A_1276 = arith.constant 32 : index
        %parallel_loop3A_1277 = tpu.vector_load %arg7[%parallel_loop3A_1274, %parallel_loop3A_1275, %parallel_loop3A_1276] {strides = array<i32>} : memref<4x128x64xf32, #tpu.memory_space<vmem>>, vector<16xf32>,
        tpu.vector_store_idx %arg8[%broadcast_in_dim3A_922, %select_n3A_786, %select_n3A_895, %parallel_loop3A_1262], %parallel_loop3A_1277 : memref<2x8x8x129xf32, #tpu.memory_space<vmem>>[vector<16xi32>, vector<16xi32>, vector<16xi32>, vector<16xi32>], vector<16xf32>,
        %parallel_loop3A_1278 = arith.constant 2 : i32
        %parallel_loop3A_1279 = arith.index_cast %parallel_loop3A_1278 : i32 to index
        %parallel_loop3A_1280 = arith.index_cast %parallel_loop3A_1261 : i32 to index
        %parallel_loop3A_1281 = arith.constant 48 : index
        %parallel_loop3A_1282 = tpu.vector_load %arg7[%parallel_loop3A_1279, %parallel_loop3A_1280, %parallel_loop3A_1281] {strides = array<i32>} : memref<4x128x64xf32, #tpu.memory_space<vmem>>, vector<16xf32>,
        tpu.vector_store_idx %arg8[%broadcast_in_dim3A_922, %select_n3A_820, %select_n3A_920, %parallel_loop3A_1262], %parallel_loop3A_1282 : memref<2x8x8x129xf32, #tpu.memory_space<vmem>>[vector<16xi32>, vector<16xi32>, vector<16xi32>, vector<16xi32>], vector<16xf32>,
        %parallel_loop3A_1283 = arith.constant 2 : i32
        %parallel_loop3A_1284 = arith.addi %parallel_loop3A_1236, %parallel_loop3A_1283 : i32
        %parallel_loop3A_1285 = vector.broadcast %parallel_loop3A_1284 : i32 to vector<16xi32>
        %parallel_loop3A_1286 = arith.constant 2 : i32
        %parallel_loop3A_1287 = arith.index_cast %parallel_loop3A_1286 : i32 to index
        %parallel_loop3A_1288 = arith.index_cast %parallel_loop3A_1284 : i32 to index
        %parallel_loop3A_1289 = arith.constant 0 : index
        %parallel_loop3A_1290 = tpu.vector_load %arg7[%parallel_loop3A_1287, %parallel_loop3A_1288, %parallel_loop3A_1289] {strides = array<i32>} : memref<4x128x64xf32, #tpu.memory_space<vmem>>, vector<16xf32>,
        tpu.vector_store_idx %arg8[%broadcast_in_dim3A_922, %select_n3A_718, %select_n3A_845, %parallel_loop3A_1285], %parallel_loop3A_1290 : memref<2x8x8x129xf32, #tpu.memory_space<vmem>>[vector<16xi32>, vector<16xi32>, vector<16xi32>, vector<16xi32>], vector<16xf32>,
        %parallel_loop3A_1291 = arith.constant 2 : i32
        %parallel_loop3A_1292 = arith.index_cast %parallel_loop3A_1291 : i32 to index
        %parallel_loop3A_1293 = arith.index_cast %parallel_loop3A_1284 : i32 to index
        %parallel_loop3A_1294 = arith.constant 16 : index
        %parallel_loop3A_1295 = tpu.vector_load %arg7[%parallel_loop3A_1292, %parallel_loop3A_1293, %parallel_loop3A_1294] {strides = array<i32>} : memref<4x128x64xf32, #tpu.memory_space<vmem>>, vector<16xf32>,
        tpu.vector_store_idx %arg8[%broadcast_in_dim3A_922, %select_n3A_752, %select_n3A_870, %parallel_loop3A_1285], %parallel_loop3A_1295 : memref<2x8x8x129xf32, #tpu.memory_space<vmem>>[vector<16xi32>, vector<16xi32>, vector<16xi32>, vector<16xi32>], vector<16xf32>,
        %parallel_loop3A_1296 = arith.constant 2 : i32
        %parallel_loop3A_1297 = arith.index_cast %parallel_loop3A_1296 : i32 to index
        %parallel_loop3A_1298 = arith.index_cast %parallel_loop3A_1284 : i32 to index
        %parallel_loop3A_1299 = arith.constant 32 : index
        %parallel_loop3A_1300 = tpu.vector_load %arg7[%parallel_loop3A_1297, %parallel_loop3A_1298, %parallel_loop3A_1299] {strides = array<i32>} : memref<4x128x64xf32, #tpu.memory_space<vmem>>, vector<16xf32>,
        tpu.vector_store_idx %arg8[%broadcast_in_dim3A_922, %select_n3A_786, %select_n3A_895, %parallel_loop3A_1285], %parallel_loop3A_1300 : memref<2x8x8x129xf32, #tpu.memory_space<vmem>>[vector<16xi32>, vector<16xi32>, vector<16xi32>, vector<16xi32>], vector<16xf32>,
        %parallel_loop3A_1301 = arith.constant 2 : i32
        %parallel_loop3A_1302 = arith.index_cast %parallel_loop3A_1301 : i32 to index
        %parallel_loop3A_1303 = arith.index_cast %parallel_loop3A_1284 : i32 to index
        %parallel_loop3A_1304 = arith.constant 48 : index
        %parallel_loop3A_1305 = tpu.vector_load %arg7[%parallel_loop3A_1302, %parallel_loop3A_1303, %parallel_loop3A_1304] {strides = array<i32>} : memref<4x128x64xf32, #tpu.memory_space<vmem>>, vector<16xf32>,
        tpu.vector_store_idx %arg8[%broadcast_in_dim3A_922, %select_n3A_820, %select_n3A_920, %parallel_loop3A_1285], %parallel_loop3A_1305 : memref<2x8x8x129xf32, #tpu.memory_space<vmem>>[vector<16xi32>, vector<16xi32>, vector<16xi32>, vector<16xi32>], vector<16xf32>,
        %parallel_loop3A_1306 = arith.constant 3 : i32
        %parallel_loop3A_1307 = arith.addi %parallel_loop3A_1236, %parallel_loop3A_1306 : i32
        %parallel_loop3A_1308 = vector.broadcast %parallel_loop3A_1307 : i32 to vector<16xi32>
        %parallel_loop3A_1309 = arith.constant 2 : i32
        %parallel_loop3A_1310 = arith.index_cast %parallel_loop3A_1309 : i32 to index
        %parallel_loop3A_1311 = arith.index_cast %parallel_loop3A_1307 : i32 to index
        %parallel_loop3A_1312 = arith.constant 0 : index
        %parallel_loop3A_1313 = tpu.vector_load %arg7[%parallel_loop3A_1310, %parallel_loop3A_1311, %parallel_loop3A_1312] {strides = array<i32>} : memref<4x128x64xf32, #tpu.memory_space<vmem>>, vector<16xf32>,
        tpu.vector_store_idx %arg8[%broadcast_in_dim3A_922, %select_n3A_718, %select_n3A_845, %parallel_loop3A_1308], %parallel_loop3A_1313 : memref<2x8x8x129xf32, #tpu.memory_space<vmem>>[vector<16xi32>, vector<16xi32>, vector<16xi32>, vector<16xi32>], vector<16xf32>,
        %parallel_loop3A_1314 = arith.constant 2 : i32
        %parallel_loop3A_1315 = arith.index_cast %parallel_loop3A_1314 : i32 to index
        %parallel_loop3A_1316 = arith.index_cast %parallel_loop3A_1307 : i32 to index
        %parallel_loop3A_1317 = arith.constant 16 : index
        %parallel_loop3A_1318 = tpu.vector_load %arg7[%parallel_loop3A_1315, %parallel_loop3A_1316, %parallel_loop3A_1317] {strides = array<i32>} : memref<4x128x64xf32, #tpu.memory_space<vmem>>, vector<16xf32>,
        tpu.vector_store_idx %arg8[%broadcast_in_dim3A_922, %select_n3A_752, %select_n3A_870, %parallel_loop3A_1308], %parallel_loop3A_1318 : memref<2x8x8x129xf32, #tpu.memory_space<vmem>>[vector<16xi32>, vector<16xi32>, vector<16xi32>, vector<16xi32>], vector<16xf32>,
        %parallel_loop3A_1319 = arith.constant 2 : i32
        %parallel_loop3A_1320 = arith.index_cast %parallel_loop3A_1319 : i32 to index
        %parallel_loop3A_1321 = arith.index_cast %parallel_loop3A_1307 : i32 to index
        %parallel_loop3A_1322 = arith.constant 32 : index
        %parallel_loop3A_1323 = tpu.vector_load %arg7[%parallel_loop3A_1320, %parallel_loop3A_1321, %parallel_loop3A_1322] {strides = array<i32>} : memref<4x128x64xf32, #tpu.memory_space<vmem>>, vector<16xf32>,
        tpu.vector_store_idx %arg8[%broadcast_in_dim3A_922, %select_n3A_786, %select_n3A_895, %parallel_loop3A_1308], %parallel_loop3A_1323 : memref<2x8x8x129xf32, #tpu.memory_space<vmem>>[vector<16xi32>, vector<16xi32>, vector<16xi32>, vector<16xi32>], vector<16xf32>,
        %parallel_loop3A_1324 = arith.constant 2 : i32
        %parallel_loop3A_1325 = arith.index_cast %parallel_loop3A_1324 : i32 to index
        %parallel_loop3A_1326 = arith.index_cast %parallel_loop3A_1307 : i32 to index
        %parallel_loop3A_1327 = arith.constant 48 : index
        %parallel_loop3A_1328 = tpu.vector_load %arg7[%parallel_loop3A_1325, %parallel_loop3A_1326, %parallel_loop3A_1327] {strides = array<i32>} : memref<4x128x64xf32, #tpu.memory_space<vmem>>, vector<16xf32>,
        tpu.vector_store_idx %arg8[%broadcast_in_dim3A_922, %select_n3A_820, %select_n3A_920, %parallel_loop3A_1308], %parallel_loop3A_1328 : memref<2x8x8x129xf32, #tpu.memory_space<vmem>>[vector<16xi32>, vector<16xi32>, vector<16xi32>, vector<16xi32>], vector<16xf32>,
      } {sc.loop_unroll_factor = 2 : i64, sc.parallel_access}
      %dma_start3A_926 = arith.constant 0 : i32
      %dma_start3A_927 = arith.constant 0 : i32
      %dma_start3A_928 = arith.constant 0 : i32
      %dma_start3A_929 = arith.constant 0 : i32
      %dma_start3A_930 = tpu.memref_slice %arg8[%dma_start3A_926, %dma_start3A_927, %dma_start3A_928, %dma_start3A_929] : memref<2x8x8x129xf32, #tpu.memory_space<vmem>> -> memref<1x8x8x128xf32, #tpu.memory_space<vmem>>
      %dma_start3A_931 = tpu.memref_squeeze %dma_start3A_930 : memref<1x8x8x128xf32, #tpu.memory_space<vmem>> -> memref<8x8x128xf32, #tpu.memory_space<vmem>>
      %dma_start3A_932 = arith.constant 0 : i32
      %dma_start3A_933 = arith.constant 0 : i32
      %dma_start3A_934 = arith.constant 0 : i32
      %dma_start3A_935 = tpu.memref_slice %arg4[%add3A_659, %dma_start3A_932, %add3A, %dma_start3A_933, %dma_start3A_934] : memref<200x8x32x8x128xf32, #tpu.memory_space<hbm>> -> memref<1x8x1x8x128xf32, #tpu.memory_space<hbm>>
      %dma_start3A_936 = tpu.memref_squeeze %dma_start3A_935 : memref<1x8x1x8x128xf32, #tpu.memory_space<hbm>> -> memref<8x8x128xf32, #tpu.memory_space<hbm>>
      %dma_start3A_937 = arith.constant 0 : i32
      %dma_start3A_938 = arith.constant 0 : i32
      %dma_start3A_939 = arith.constant 0 : i32
      %dma_start3A_940 = tpu.memref_slice %arg4[%add3A_659, %dma_start3A_937, %add3A, %dma_start3A_938, %dma_start3A_939] : memref<200x8x32x8x128xf32, #tpu.memory_space<hbm>> -> memref<1x8x1x8x128xf32, #tpu.memory_space<hbm>>
      %dma_start3A_941 = tpu.memref_squeeze %dma_start3A_940 : memref<1x8x1x8x128xf32, #tpu.memory_space<hbm>> -> memref<8x8x128xf32, #tpu.memory_space<hbm>>
      %dma_start3A_942 = arith.constant 0 : i32
      %dma_start3A_943 = arith.constant 0 : i32
      %dma_start3A_944 = arith.constant 0 : i32
      %dma_start3A_945 = tpu.memref_slice %arg8[%dma_start3A_926, %dma_start3A_942, %dma_start3A_943, %dma_start3A_944] : memref<2x8x8x129xf32, #tpu.memory_space<vmem>> -> memref<1x8x8x128xf32, #tpu.memory_space<vmem>>
      %dma_start3A_946 = tpu.memref_squeeze %dma_start3A_945 : memref<1x8x8x128xf32, #tpu.memory_space<vmem>> -> memref<8x8x128xf32, #tpu.memory_space<vmem>>
      tpu.enqueue_dma source(%dma_start3A_946 : memref<8x8x128xf32, #tpu.memory_space<vmem>>) target(%dma_start3A_941 : memref<8x8x128xf32, #tpu.memory_space<hbm>>) target_semaphore(%arg10 : memref<!tpu.dma_semaphore, #tpu.memory_space<semaphore_mem>>)
      %add3A_947 = arith.constant 3 : i32
      %add3A_948 = arith.addi %add3A_94, %add3A_947 : i32
      %dma_wait3A_949 = arith.constant 3 : i32
      %dma_wait3A_950 = arith.constant 0 : i32
      %dma_wait3A_951 = arith.constant 0 : i32
      %dma_wait3A_952 = tpu.memref_slice %arg7[%dma_wait3A_949, %dma_wait3A_950, %dma_wait3A_951] : memref<4x128x64xf32, #tpu.memory_space<vmem>> -> memref<1x128x64xf32, #tpu.memory_space<vmem>>
      %dma_wait3A_953 = tpu.memref_squeeze %dma_wait3A_952 : memref<1x128x64xf32, #tpu.memory_space<vmem>> -> memref<128x64xf32, #tpu.memory_space<vmem>>
      %dma_wait3A_954 = arith.constant 0 : i32
      %dma_wait3A_955 = tpu.memref_slice %arg6[%add3A_948, %dma_wait3A_954] : memref<200x128xi32, #tpu.memory_space<vmem>> -> memref<1x128xi32, #tpu.memory_space<vmem>>
      %dma_wait3A_956 = tpu.memref_squeeze %dma_wait3A_955 : memref<1x128xi32, #tpu.memory_space<vmem>> -> memref<128xi32, #tpu.memory_space<vmem>>
      %dma_wait3A_957 = arith.constant 0 : i32
      %dma_wait3A_958 = arith.constant 0 : i32
      %dma_wait3A_959 = tpu.memref_slice %arg3[%dma_wait3A_957, %dma_wait3A_958] : memref<100000x64xf32, #tpu.memory_space<hbm>> -> memref<100000x64xf32, #tpu.memory_space<hbm>>
      tpu.wait_indirect_dma semaphore(%arg9 : memref<!tpu.dma_semaphore, #tpu.memory_space<semaphore_mem>>) src(%dma_wait3A_959 : memref<100000x64xf32, #tpu.memory_space<hbm>>) dst(%dma_wait3A_953 : memref<128x64xf32, #tpu.memory_space<vmem>>)
      %add3A_960 = arith.constant 4 : i32
      %add3A_961 = arith.addi %add3A_948, %add3A_960 : i32
      %sub3A_962 = arith.constant 1 : i32
      %sub3A_963 = arith.subi %add3A_961, %sub3A_962 : i32
      %lt3A_964 = arith.constant 200 : i32
      %lt3A_965 = arith.cmpi slt, %sub3A_963, %lt3A_964 : i32
      %convert_element_type3A_966 = arith.extui %lt3A_965 : i1 to i32
      %cond3A_967 = arith.constant 0 : i32
      %cond3A_968 = arith.cmpi ne, %convert_element_type3A_966, %cond3A_967 : i32
      scf.if %cond3A_968 {
        %add3A_1236 = arith.constant 4 : i32
        %add3A_1237 = arith.addi %add3A_948, %add3A_1236 : i32
        %sub3A_1238 = arith.constant 1 : i32
        %sub3A_1239 = arith.subi %add3A_1237, %sub3A_1238 : i32
        %dma_start3A_1240 = arith.constant 2 : i32
        %dma_start3A_1241 = arith.constant 0 : i32
        %dma_start3A_1242 = arith.constant 0 : i32
        %dma_start3A_1243 = tpu.memref_slice %arg7[%dma_start3A_1240, %dma_start3A_1241, %dma_start3A_1242] : memref<4x128x64xf32, #tpu.memory_space<vmem>> -> memref<1x128x64xf32, #tpu.memory_space<vmem>>
        %dma_start3A_1244 = tpu.memref_squeeze %dma_start3A_1243 : memref<1x128x64xf32, #tpu.memory_space<vmem>> -> memref<128x64xf32, #tpu.memory_space<vmem>>
        %dma_start3A_1245 = arith.constant 0 : i32
        %dma_start3A_1246 = tpu.memref_slice %arg6[%sub3A_1239, %dma_start3A_1245] : memref<200x128xi32, #tpu.memory_space<vmem>> -> memref<1x128xi32, #tpu.memory_space<vmem>>
        %dma_start3A_1247 = tpu.memref_squeeze %dma_start3A_1246 : memref<1x128xi32, #tpu.memory_space<vmem>> -> memref<128xi32, #tpu.memory_space<vmem>>
        %dma_start3A_1248 = arith.constant 0 : i32
        %dma_start3A_1249 = arith.constant 0 : i32
        %dma_start3A_1250 = tpu.memref_slice %arg3[%dma_start3A_1248, %dma_start3A_1249] : memref<100000x64xf32, #tpu.memory_space<hbm>> -> memref<100000x64xf32, #tpu.memory_space<hbm>>
        tpu.enqueue_indirect_dma source(%dma_start3A_1250 : memref<100000x64xf32, #tpu.memory_space<hbm>>) target(%dma_start3A_1244 : memref<128x64xf32, #tpu.memory_space<vmem>>) offsets(%dma_start3A_1247 : memref<128xi32, #tpu.memory_space<vmem>>) semaphore(%arg9 : memref<!tpu.dma_semaphore, #tpu.memory_space<semaphore_mem>>)
      } else {
      }
      %ge3A_969 = arith.constant 2 : i32
      %ge3A_970 = arith.cmpi sge, %add3A_948, %ge3A_969 : i32
      %convert_element_type3A_971 = arith.extui %ge3A_970 : i1 to i32
      %cond3A_972 = arith.constant 0 : i32
      %cond3A_973 = arith.cmpi ne, %convert_element_type3A_971, %cond3A_972 : i32
      scf.if %cond3A_973 {
        %dma_wait3A_1236 = arith.constant 1 : i32
        %dma_wait3A_1237 = arith.constant 0 : i32
        %dma_wait3A_1238 = arith.constant 0 : i32
        %dma_wait3A_1239 = arith.constant 0 : i32
        %dma_wait3A_1240 = tpu.memref_slice %arg8[%dma_wait3A_1236, %dma_wait3A_1237, %dma_wait3A_1238, %dma_wait3A_1239] : memref<2x8x8x129xf32, #tpu.memory_space<vmem>> -> memref<1x8x8x128xf32, #tpu.memory_space<vmem>>
        %dma_wait3A_1241 = tpu.memref_squeeze %dma_wait3A_1240 : memref<1x8x8x128xf32, #tpu.memory_space<vmem>> -> memref<8x8x128xf32, #tpu.memory_space<vmem>>
        %dma_wait3A_1242 = arith.constant 0 : i32
        %dma_wait3A_1243 = arith.constant 0 : i32
        %dma_wait3A_1244 = arith.constant 0 : i32
        %dma_wait3A_1245 = tpu.memref_slice %arg4[%add3A_948, %dma_wait3A_1242, %add3A, %dma_wait3A_1243, %dma_wait3A_1244] : memref<200x8x32x8x128xf32, #tpu.memory_space<hbm>> -> memref<1x8x1x8x128xf32, #tpu.memory_space<hbm>>
        %dma_wait3A_1246 = tpu.memref_squeeze %dma_wait3A_1245 : memref<1x8x1x8x128xf32, #tpu.memory_space<hbm>> -> memref<8x8x128xf32, #tpu.memory_space<hbm>>
        %dma_wait3A_1247 = arith.constant 0 : i32
        %dma_wait3A_1248 = arith.constant 0 : i32
        %dma_wait3A_1249 = arith.constant 0 : i32
        %dma_wait3A_1250 = tpu.memref_slice %arg4[%add3A_948, %dma_wait3A_1247, %add3A, %dma_wait3A_1248, %dma_wait3A_1249] : memref<200x8x32x8x128xf32, #tpu.memory_space<hbm>> -> memref<1x8x1x8x128xf32, #tpu.memory_space<hbm>>
        %dma_wait3A_1251 = tpu.memref_squeeze %dma_wait3A_1250 : memref<1x8x1x8x128xf32, #tpu.memory_space<hbm>> -> memref<8x8x128xf32, #tpu.memory_space<hbm>>
        %dma_wait3A_1252 = arith.constant 0 : i32
        %dma_wait3A_1253 = arith.constant 0 : i32
        %dma_wait3A_1254 = arith.constant 0 : i32
        %dma_wait3A_1255 = tpu.memref_slice %arg8[%dma_wait3A_1236, %dma_wait3A_1252, %dma_wait3A_1253, %dma_wait3A_1254] : memref<2x8x8x129xf32, #tpu.memory_space<vmem>> -> memref<1x8x8x128xf32, #tpu.memory_space<vmem>>
        %dma_wait3A_1256 = tpu.memref_squeeze %dma_wait3A_1255 : memref<1x8x8x128xf32, #tpu.memory_space<vmem>> -> memref<8x8x128xf32, #tpu.memory_space<vmem>>
        tpu.wait_dma2 semaphore(%arg10 : memref<!tpu.dma_semaphore, #tpu.memory_space<semaphore_mem>>) src(%dma_wait3A_1256 : memref<8x8x128xf32, #tpu.memory_space<vmem>>) dst(%dma_wait3A_1251 : memref<8x8x128xf32, #tpu.memory_space<hbm>>)
      } else {
      }
      %add3A_974 = arith.constant 0 : i32
      %add3A_975 = vector.broadcast %add3A_974 : i32 to vector<16xi32>
      %add3A_976 = arith.addi %iota3A, %add3A_975 : vector<16xi32>
      %jit3A_977 = arith.constant 8 : i32
      %div3A_978 = vector.broadcast %jit3A_977 : i32 to vector<16xi32>
      %div3A_979 = arith.divsi %add3A_976, %div3A_978 : vector<16xi32>
      %sign3A_980 = arith.constant 0 : i32
      %sign3A_981 = vector.broadcast %sign3A_980 : i32 to vector<16xi32>
      %sign3A_982 = arith.cmpi sgt, %add3A_976, %sign3A_981 : vector<16xi32>
      %sign3A_983 = arith.extui %sign3A_982 : vector<16xi1> to vector<16xi32>
      %sign3A_984 = arith.constant 0 : i32
      %sign3A_985 = vector.broadcast %sign3A_984 : i32 to vector<16xi32>
      %sign3A_986 = arith.cmpi slt, %add3A_976, %sign3A_985 : vector<16xi32>
      %sign3A_987 = arith.extui %sign3A_986 : vector<16xi1> to vector<16xi32>
      %sign3A_988 = arith.subi %sign3A_983, %sign3A_987 : vector<16xi32>
      %sign3A_989 = arith.constant 0 : i32
      %sign3A_990 = arith.cmpi sgt, %jit3A_977, %sign3A_989 : i32
      %sign3A_991 = arith.extui %sign3A_990 : i1 to i32
      %sign3A_992 = arith.constant 0 : i32
      %sign3A_993 = arith.cmpi slt, %jit3A_977, %sign3A_992 : i32
      %sign3A_994 = arith.extui %sign3A_993 : i1 to i32
      %sign3A_995 = arith.subi %sign3A_991, %sign3A_994 : i32
      %ne3A_996 = vector.broadcast %sign3A_995 : i32 to vector<16xi32>
      %ne3A_997 = arith.cmpi ne, %sign3A_988, %ne3A_996 : vector<16xi32>
      %rem3A_998 = vector.broadcast %jit3A_977 : i32 to vector<16xi32>
      %rem3A_999 = arith.remsi %add3A_976, %rem3A_998 : vector<16xi32>
      %ne3A_1000 = arith.constant 0 : i32
      %ne3A_1001 = vector.broadcast %ne3A_1000 : i32 to vector<16xi32>
      %ne3A_1002 = arith.cmpi ne, %rem3A_999, %ne3A_1001 : vector<16xi32>
      %and3A_1003 = arith.andi %ne3A_997, %ne3A_1002 : vector<16xi1>
      %sub3A_1004 = arith.constant 1 : i32
      %sub3A_1005 = vector.broadcast %sub3A_1004 : i32 to vector<16xi32>
      %sub3A_1006 = arith.subi %div3A_979, %sub3A_1005 : vector<16xi32>
      %select_n3A_1007 = arith.select %and3A_1003, %sub3A_1006, %div3A_979 : vector<16xi1>, vector<16xi32>
      %add3A_1008 = arith.constant 16 : i32
      %add3A_1009 = vector.broadcast %add3A_1008 : i32 to vector<16xi32>
      %add3A_1010 = arith.addi %iota3A, %add3A_1009 : vector<16xi32>
      %jit3A_1011 = arith.constant 8 : i32
      %div3A_1012 = vector.broadcast %jit3A_1011 : i32 to vector<16xi32>
      %div3A_1013 = arith.divsi %add3A_1010, %div3A_1012 : vector<16xi32>
      %sign3A_1014 = arith.constant 0 : i32
      %sign3A_1015 = vector.broadcast %sign3A_1014 : i32 to vector<16xi32>
      %sign3A_1016 = arith.cmpi sgt, %add3A_1010, %sign3A_1015 : vector<16xi32>
      %sign3A_1017 = arith.extui %sign3A_1016 : vector<16xi1> to vector<16xi32>
      %sign3A_1018 = arith.constant 0 : i32
      %sign3A_1019 = vector.broadcast %sign3A_1018 : i32 to vector<16xi32>
      %sign3A_1020 = arith.cmpi slt, %add3A_1010, %sign3A_1019 : vector<16xi32>
      %sign3A_1021 = arith.extui %sign3A_1020 : vector<16xi1> to vector<16xi32>
      %sign3A_1022 = arith.subi %sign3A_1017, %sign3A_1021 : vector<16xi32>
      %sign3A_1023 = arith.constant 0 : i32
      %sign3A_1024 = arith.cmpi sgt, %jit3A_1011, %sign3A_1023 : i32
      %sign3A_1025 = arith.extui %sign3A_1024 : i1 to i32
      %sign3A_1026 = arith.constant 0 : i32
      %sign3A_1027 = arith.cmpi slt, %jit3A_1011, %sign3A_1026 : i32
      %sign3A_1028 = arith.extui %sign3A_1027 : i1 to i32
      %sign3A_1029 = arith.subi %sign3A_1025, %sign3A_1028 : i32
      %ne3A_1030 = vector.broadcast %sign3A_1029 : i32 to vector<16xi32>
      %ne3A_1031 = arith.cmpi ne, %sign3A_1022, %ne3A_1030 : vector<16xi32>
      %rem3A_1032 = vector.broadcast %jit3A_1011 : i32 to vector<16xi32>
      %rem3A_1033 = arith.remsi %add3A_1010, %rem3A_1032 : vector<16xi32>
      %ne3A_1034 = arith.constant 0 : i32
      %ne3A_1035 = vector.broadcast %ne3A_1034 : i32 to vector<16xi32>
      %ne3A_1036 = arith.cmpi ne, %rem3A_1033, %ne3A_1035 : vector<16xi32>
      %and3A_1037 = arith.andi %ne3A_1031, %ne3A_1036 : vector<16xi1>
      %sub3A_1038 = arith.constant 1 : i32
      %sub3A_1039 = vector.broadcast %sub3A_1038 : i32 to vector<16xi32>
      %sub3A_1040 = arith.subi %div3A_1013, %sub3A_1039 : vector<16xi32>
      %select_n3A_1041 = arith.select %and3A_1037, %sub3A_1040, %div3A_1013 : vector<16xi1>, vector<16xi32>
      %add3A_1042 = arith.constant 32 : i32
      %add3A_1043 = vector.broadcast %add3A_1042 : i32 to vector<16xi32>
      %add3A_1044 = arith.addi %iota3A, %add3A_1043 : vector<16xi32>
      %jit3A_1045 = arith.constant 8 : i32
      %div3A_1046 = vector.broadcast %jit3A_1045 : i32 to vector<16xi32>
      %div3A_1047 = arith.divsi %add3A_1044, %div3A_1046 : vector<16xi32>
      %sign3A_1048 = arith.constant 0 : i32
      %sign3A_1049 = vector.broadcast %sign3A_1048 : i32 to vector<16xi32>
      %sign3A_1050 = arith.cmpi sgt, %add3A_1044, %sign3A_1049 : vector<16xi32>
      %sign3A_1051 = arith.extui %sign3A_1050 : vector<16xi1> to vector<16xi32>
      %sign3A_1052 = arith.constant 0 : i32
      %sign3A_1053 = vector.broadcast %sign3A_1052 : i32 to vector<16xi32>
      %sign3A_1054 = arith.cmpi slt, %add3A_1044, %sign3A_1053 : vector<16xi32>
      %sign3A_1055 = arith.extui %sign3A_1054 : vector<16xi1> to vector<16xi32>
      %sign3A_1056 = arith.subi %sign3A_1051, %sign3A_1055 : vector<16xi32>
      %sign3A_1057 = arith.constant 0 : i32
      %sign3A_1058 = arith.cmpi sgt, %jit3A_1045, %sign3A_1057 : i32
      %sign3A_1059 = arith.extui %sign3A_1058 : i1 to i32
      %sign3A_1060 = arith.constant 0 : i32
      %sign3A_1061 = arith.cmpi slt, %jit3A_1045, %sign3A_1060 : i32
      %sign3A_1062 = arith.extui %sign3A_1061 : i1 to i32
      %sign3A_1063 = arith.subi %sign3A_1059, %sign3A_1062 : i32
      %ne3A_1064 = vector.broadcast %sign3A_1063 : i32 to vector<16xi32>
      %ne3A_1065 = arith.cmpi ne, %sign3A_1056, %ne3A_1064 : vector<16xi32>
      %rem3A_1066 = vector.broadcast %jit3A_1045 : i32 to vector<16xi32>
      %rem3A_1067 = arith.remsi %add3A_1044, %rem3A_1066 : vector<16xi32>
      %ne3A_1068 = arith.constant 0 : i32
      %ne3A_1069 = vector.broadcast %ne3A_1068 : i32 to vector<16xi32>
      %ne3A_1070 = arith.cmpi ne, %rem3A_1067, %ne3A_1069 : vector<16xi32>
      %and3A_1071 = arith.andi %ne3A_1065, %ne3A_1070 : vector<16xi1>
      %sub3A_1072 = arith.constant 1 : i32
      %sub3A_1073 = vector.broadcast %sub3A_1072 : i32 to vector<16xi32>
      %sub3A_1074 = arith.subi %div3A_1047, %sub3A_1073 : vector<16xi32>
      %select_n3A_1075 = arith.select %and3A_1071, %sub3A_1074, %div3A_1047 : vector<16xi1>, vector<16xi32>
      %add3A_1076 = arith.constant 48 : i32
      %add3A_1077 = vector.broadcast %add3A_1076 : i32 to vector<16xi32>
      %add3A_1078 = arith.addi %iota3A, %add3A_1077 : vector<16xi32>
      %jit3A_1079 = arith.constant 8 : i32
      %div3A_1080 = vector.broadcast %jit3A_1079 : i32 to vector<16xi32>
      %div3A_1081 = arith.divsi %add3A_1078, %div3A_1080 : vector<16xi32>
      %sign3A_1082 = arith.constant 0 : i32
      %sign3A_1083 = vector.broadcast %sign3A_1082 : i32 to vector<16xi32>
      %sign3A_1084 = arith.cmpi sgt, %add3A_1078, %sign3A_1083 : vector<16xi32>
      %sign3A_1085 = arith.extui %sign3A_1084 : vector<16xi1> to vector<16xi32>
      %sign3A_1086 = arith.constant 0 : i32
      %sign3A_1087 = vector.broadcast %sign3A_1086 : i32 to vector<16xi32>
      %sign3A_1088 = arith.cmpi slt, %add3A_1078, %sign3A_1087 : vector<16xi32>
      %sign3A_1089 = arith.extui %sign3A_1088 : vector<16xi1> to vector<16xi32>
      %sign3A_1090 = arith.subi %sign3A_1085, %sign3A_1089 : vector<16xi32>
      %sign3A_1091 = arith.constant 0 : i32
      %sign3A_1092 = arith.cmpi sgt, %jit3A_1079, %sign3A_1091 : i32
      %sign3A_1093 = arith.extui %sign3A_1092 : i1 to i32
      %sign3A_1094 = arith.constant 0 : i32
      %sign3A_1095 = arith.cmpi slt, %jit3A_1079, %sign3A_1094 : i32
      %sign3A_1096 = arith.extui %sign3A_1095 : i1 to i32
      %sign3A_1097 = arith.subi %sign3A_1093, %sign3A_1096 : i32
      %ne3A_1098 = vector.broadcast %sign3A_1097 : i32 to vector<16xi32>
      %ne3A_1099 = arith.cmpi ne, %sign3A_1090, %ne3A_1098 : vector<16xi32>
      %rem3A_1100 = vector.broadcast %jit3A_1079 : i32 to vector<16xi32>
      %rem3A_1101 = arith.remsi %add3A_1078, %rem3A_1100 : vector<16xi32>
      %ne3A_1102 = arith.constant 0 : i32
      %ne3A_1103 = vector.broadcast %ne3A_1102 : i32 to vector<16xi32>
      %ne3A_1104 = arith.cmpi ne, %rem3A_1101, %ne3A_1103 : vector<16xi32>
      %and3A_1105 = arith.andi %ne3A_1099, %ne3A_1104 : vector<16xi1>
      %sub3A_1106 = arith.constant 1 : i32
      %sub3A_1107 = vector.broadcast %sub3A_1106 : i32 to vector<16xi32>
      %sub3A_1108 = arith.subi %div3A_1081, %sub3A_1107 : vector<16xi32>
      %select_n3A_1109 = arith.select %and3A_1105, %sub3A_1108, %div3A_1081 : vector<16xi1>, vector<16xi32>
      %add3A_1110 = arith.constant 0 : i32
      %add3A_1111 = vector.broadcast %add3A_1110 : i32 to vector<16xi32>
      %add3A_1112 = arith.addi %iota3A, %add3A_1111 : vector<16xi32>
      %jit3A_1113 = arith.constant 8 : i32
      %eq3A_1114 = arith.constant 0 : i32
      %eq3A_1115 = arith.cmpi eq, %jit3A_1113, %eq3A_1114 : i32
      %jit3A_1116 = arith.constant 1 : i32
      %select_n3A_1117 = arith.select %eq3A_1115, %jit3A_1116, %jit3A_1113 : i32
      %rem3A_1118 = vector.broadcast %select_n3A_1117 : i32 to vector<16xi32>
      %rem3A_1119 = arith.remsi %add3A_1112, %rem3A_1118 : vector<16xi32>
      %ne3A_1120 = arith.constant 0 : i32
      %ne3A_1121 = vector.broadcast %ne3A_1120 : i32 to vector<16xi32>
      %ne3A_1122 = arith.cmpi ne, %rem3A_1119, %ne3A_1121 : vector<16xi32>
      %lt3A_1123 = arith.constant 0 : i32
      %lt3A_1124 = vector.broadcast %lt3A_1123 : i32 to vector<16xi32>
      %lt3A_1125 = arith.cmpi slt, %rem3A_1119, %lt3A_1124 : vector<16xi32>
      %lt3A_1126 = arith.constant 0 : i32
      %lt3A_1127 = arith.cmpi slt, %select_n3A_1117, %lt3A_1126 : i32
      %ne3A_1128 = vector.broadcast %lt3A_1127 : i1 to vector<16xi1>
      %ne3A_1129 = vector.broadcast %ne3A_1128 : vector<16xi1> to vector<16xi1>
      %ne3A_1130 = arith.xori %lt3A_1125, %ne3A_1129 : vector<16xi1>
      %and3A_1131 = arith.andi %ne3A_1130, %ne3A_1122 : vector<16xi1>
      %add3A_1132 = vector.broadcast %select_n3A_1117 : i32 to vector<16xi32>
      %add3A_1133 = arith.addi %rem3A_1119, %add3A_1132 : vector<16xi32>
      %select_n3A_1134 = arith.select %and3A_1131, %add3A_1133, %rem3A_1119 : vector<16xi1>, vector<16xi32>
      %add3A_1135 = arith.constant 16 : i32
      %add3A_1136 = vector.broadcast %add3A_1135 : i32 to vector<16xi32>
      %add3A_1137 = arith.addi %iota3A, %add3A_1136 : vector<16xi32>
      %jit3A_1138 = arith.constant 8 : i32
      %eq3A_1139 = arith.constant 0 : i32
      %eq3A_1140 = arith.cmpi eq, %jit3A_1138, %eq3A_1139 : i32
      %jit3A_1141 = arith.constant 1 : i32
      %select_n3A_1142 = arith.select %eq3A_1140, %jit3A_1141, %jit3A_1138 : i32
      %rem3A_1143 = vector.broadcast %select_n3A_1142 : i32 to vector<16xi32>
      %rem3A_1144 = arith.remsi %add3A_1137, %rem3A_1143 : vector<16xi32>
      %ne3A_1145 = arith.constant 0 : i32
      %ne3A_1146 = vector.broadcast %ne3A_1145 : i32 to vector<16xi32>
      %ne3A_1147 = arith.cmpi ne, %rem3A_1144, %ne3A_1146 : vector<16xi32>
      %lt3A_1148 = arith.constant 0 : i32
      %lt3A_1149 = vector.broadcast %lt3A_1148 : i32 to vector<16xi32>
      %lt3A_1150 = arith.cmpi slt, %rem3A_1144, %lt3A_1149 : vector<16xi32>
      %lt3A_1151 = arith.constant 0 : i32
      %lt3A_1152 = arith.cmpi slt, %select_n3A_1142, %lt3A_1151 : i32
      %ne3A_1153 = vector.broadcast %lt3A_1152 : i1 to vector<16xi1>
      %ne3A_1154 = vector.broadcast %ne3A_1153 : vector<16xi1> to vector<16xi1>
      %ne3A_1155 = arith.xori %lt3A_1150, %ne3A_1154 : vector<16xi1>
      %and3A_1156 = arith.andi %ne3A_1155, %ne3A_1147 : vector<16xi1>
      %add3A_1157 = vector.broadcast %select_n3A_1142 : i32 to vector<16xi32>
      %add3A_1158 = arith.addi %rem3A_1144, %add3A_1157 : vector<16xi32>
      %select_n3A_1159 = arith.select %and3A_1156, %add3A_1158, %rem3A_1144 : vector<16xi1>, vector<16xi32>
      %add3A_1160 = arith.constant 32 : i32
      %add3A_1161 = vector.broadcast %add3A_1160 : i32 to vector<16xi32>
      %add3A_1162 = arith.addi %iota3A, %add3A_1161 : vector<16xi32>
      %jit3A_1163 = arith.constant 8 : i32
      %eq3A_1164 = arith.constant 0 : i32
      %eq3A_1165 = arith.cmpi eq, %jit3A_1163, %eq3A_1164 : i32
      %jit3A_1166 = arith.constant 1 : i32
      %select_n3A_1167 = arith.select %eq3A_1165, %jit3A_1166, %jit3A_1163 : i32
      %rem3A_1168 = vector.broadcast %select_n3A_1167 : i32 to vector<16xi32>
      %rem3A_1169 = arith.remsi %add3A_1162, %rem3A_1168 : vector<16xi32>
      %ne3A_1170 = arith.constant 0 : i32
      %ne3A_1171 = vector.broadcast %ne3A_1170 : i32 to vector<16xi32>
      %ne3A_1172 = arith.cmpi ne, %rem3A_1169, %ne3A_1171 : vector<16xi32>
      %lt3A_1173 = arith.constant 0 : i32
      %lt3A_1174 = vector.broadcast %lt3A_1173 : i32 to vector<16xi32>
      %lt3A_1175 = arith.cmpi slt, %rem3A_1169, %lt3A_1174 : vector<16xi32>
      %lt3A_1176 = arith.constant 0 : i32
      %lt3A_1177 = arith.cmpi slt, %select_n3A_1167, %lt3A_1176 : i32
      %ne3A_1178 = vector.broadcast %lt3A_1177 : i1 to vector<16xi1>
      %ne3A_1179 = vector.broadcast %ne3A_1178 : vector<16xi1> to vector<16xi1>
      %ne3A_1180 = arith.xori %lt3A_1175, %ne3A_1179 : vector<16xi1>
      %and3A_1181 = arith.andi %ne3A_1180, %ne3A_1172 : vector<16xi1>
      %add3A_1182 = vector.broadcast %select_n3A_1167 : i32 to vector<16xi32>
      %add3A_1183 = arith.addi %rem3A_1169, %add3A_1182 : vector<16xi32>
      %select_n3A_1184 = arith.select %and3A_1181, %add3A_1183, %rem3A_1169 : vector<16xi1>, vector<16xi32>
      %add3A_1185 = arith.constant 48 : i32
      %add3A_1186 = vector.broadcast %add3A_1185 : i32 to vector<16xi32>
      %add3A_1187 = arith.addi %iota3A, %add3A_1186 : vector<16xi32>
      %jit3A_1188 = arith.constant 8 : i32
      %eq3A_1189 = arith.constant 0 : i32
      %eq3A_1190 = arith.cmpi eq, %jit3A_1188, %eq3A_1189 : i32
      %jit3A_1191 = arith.constant 1 : i32
      %select_n3A_1192 = arith.select %eq3A_1190, %jit3A_1191, %jit3A_1188 : i32
      %rem3A_1193 = vector.broadcast %select_n3A_1192 : i32 to vector<16xi32>
      %rem3A_1194 = arith.remsi %add3A_1187, %rem3A_1193 : vector<16xi32>
      %ne3A_1195 = arith.constant 0 : i32
      %ne3A_1196 = vector.broadcast %ne3A_1195 : i32 to vector<16xi32>
      %ne3A_1197 = arith.cmpi ne, %rem3A_1194, %ne3A_1196 : vector<16xi32>
      %lt3A_1198 = arith.constant 0 : i32
      %lt3A_1199 = vector.broadcast %lt3A_1198 : i32 to vector<16xi32>
      %lt3A_1200 = arith.cmpi slt, %rem3A_1194, %lt3A_1199 : vector<16xi32>
      %lt3A_1201 = arith.constant 0 : i32
      %lt3A_1202 = arith.cmpi slt, %select_n3A_1192, %lt3A_1201 : i32
      %ne3A_1203 = vector.broadcast %lt3A_1202 : i1 to vector<16xi1>
      %ne3A_1204 = vector.broadcast %ne3A_1203 : vector<16xi1> to vector<16xi1>
      %ne3A_1205 = arith.xori %lt3A_1200, %ne3A_1204 : vector<16xi1>
      %and3A_1206 = arith.andi %ne3A_1205, %ne3A_1197 : vector<16xi1>
      %add3A_1207 = vector.broadcast %select_n3A_1192 : i32 to vector<16xi32>
      %add3A_1208 = arith.addi %rem3A_1194, %add3A_1207 : vector<16xi32>
      %select_n3A_1209 = arith.select %and3A_1206, %add3A_1208, %rem3A_1194 : vector<16xi1>, vector<16xi32>
      %broadcast_in_dim3A_1210 = arith.constant 1 : i32
      %broadcast_in_dim3A_1211 = vector.broadcast %broadcast_in_dim3A_1210 : i32 to vector<16xi32>
      %parallel_loop3A_1212 = arith.constant 0 : i32
      %parallel_loop3A_1213 = arith.constant 128 : i32
      %parallel_loop3A_1214 = arith.constant 4 : i32
      scf.for %parallel_loop3A_1236 = %parallel_loop3A_1212 to %parallel_loop3A_1213 step %parallel_loop3A_1214  : i32 {
        %parallel_loop3A_1237 = arith.constant 0 : i32
        %parallel_loop3A_1238 = arith.addi %parallel_loop3A_1236, %parallel_loop3A_1237 : i32
        %parallel_loop3A_1239 = vector.broadcast %parallel_loop3A_1238 : i32 to vector<16xi32>
        %parallel_loop3A_1240 = arith.constant 3 : i32
        %parallel_loop3A_1241 = arith.index_cast %parallel_loop3A_1240 : i32 to index
        %parallel_loop3A_1242 = arith.index_cast %parallel_loop3A_1238 : i32 to index
        %parallel_loop3A_1243 = arith.constant 0 : index
        %parallel_loop3A_1244 = tpu.vector_load %arg7[%parallel_loop3A_1241, %parallel_loop3A_1242, %parallel_loop3A_1243] {strides = array<i32>} : memref<4x128x64xf32, #tpu.memory_space<vmem>>, vector<16xf32>,
        tpu.vector_store_idx %arg8[%broadcast_in_dim3A_1211, %select_n3A_1007, %select_n3A_1134, %parallel_loop3A_1239], %parallel_loop3A_1244 : memref<2x8x8x129xf32, #tpu.memory_space<vmem>>[vector<16xi32>, vector<16xi32>, vector<16xi32>, vector<16xi32>], vector<16xf32>,
        %parallel_loop3A_1245 = arith.constant 3 : i32
        %parallel_loop3A_1246 = arith.index_cast %parallel_loop3A_1245 : i32 to index
        %parallel_loop3A_1247 = arith.index_cast %parallel_loop3A_1238 : i32 to index
        %parallel_loop3A_1248 = arith.constant 16 : index
        %parallel_loop3A_1249 = tpu.vector_load %arg7[%parallel_loop3A_1246, %parallel_loop3A_1247, %parallel_loop3A_1248] {strides = array<i32>} : memref<4x128x64xf32, #tpu.memory_space<vmem>>, vector<16xf32>,
        tpu.vector_store_idx %arg8[%broadcast_in_dim3A_1211, %select_n3A_1041, %select_n3A_1159, %parallel_loop3A_1239], %parallel_loop3A_1249 : memref<2x8x8x129xf32, #tpu.memory_space<vmem>>[vector<16xi32>, vector<16xi32>, vector<16xi32>, vector<16xi32>], vector<16xf32>,
        %parallel_loop3A_1250 = arith.constant 3 : i32
        %parallel_loop3A_1251 = arith.index_cast %parallel_loop3A_1250 : i32 to index
        %parallel_loop3A_1252 = arith.index_cast %parallel_loop3A_1238 : i32 to index
        %parallel_loop3A_1253 = arith.constant 32 : index
        %parallel_loop3A_1254 = tpu.vector_load %arg7[%parallel_loop3A_1251, %parallel_loop3A_1252, %parallel_loop3A_1253] {strides = array<i32>} : memref<4x128x64xf32, #tpu.memory_space<vmem>>, vector<16xf32>,
        tpu.vector_store_idx %arg8[%broadcast_in_dim3A_1211, %select_n3A_1075, %select_n3A_1184, %parallel_loop3A_1239], %parallel_loop3A_1254 : memref<2x8x8x129xf32, #tpu.memory_space<vmem>>[vector<16xi32>, vector<16xi32>, vector<16xi32>, vector<16xi32>], vector<16xf32>,
        %parallel_loop3A_1255 = arith.constant 3 : i32
        %parallel_loop3A_1256 = arith.index_cast %parallel_loop3A_1255 : i32 to index
        %parallel_loop3A_1257 = arith.index_cast %parallel_loop3A_1238 : i32 to index
        %parallel_loop3A_1258 = arith.constant 48 : index
        %parallel_loop3A_1259 = tpu.vector_load %arg7[%parallel_loop3A_1256, %parallel_loop3A_1257, %parallel_loop3A_1258] {strides = array<i32>} : memref<4x128x64xf32, #tpu.memory_space<vmem>>, vector<16xf32>,
        tpu.vector_store_idx %arg8[%broadcast_in_dim3A_1211, %select_n3A_1109, %select_n3A_1209, %parallel_loop3A_1239], %parallel_loop3A_1259 : memref<2x8x8x129xf32, #tpu.memory_space<vmem>>[vector<16xi32>, vector<16xi32>, vector<16xi32>, vector<16xi32>], vector<16xf32>,
        %parallel_loop3A_1260 = arith.constant 1 : i32
        %parallel_loop3A_1261 = arith.addi %parallel_loop3A_1236, %parallel_loop3A_1260 : i32
        %parallel_loop3A_1262 = vector.broadcast %parallel_loop3A_1261 : i32 to vector<16xi32>
        %parallel_loop3A_1263 = arith.constant 3 : i32
        %parallel_loop3A_1264 = arith.index_cast %parallel_loop3A_1263 : i32 to index
        %parallel_loop3A_1265 = arith.index_cast %parallel_loop3A_1261 : i32 to index
        %parallel_loop3A_1266 = arith.constant 0 : index
        %parallel_loop3A_1267 = tpu.vector_load %arg7[%parallel_loop3A_1264, %parallel_loop3A_1265, %parallel_loop3A_1266] {strides = array<i32>} : memref<4x128x64xf32, #tpu.memory_space<vmem>>, vector<16xf32>,
        tpu.vector_store_idx %arg8[%broadcast_in_dim3A_1211, %select_n3A_1007, %select_n3A_1134, %parallel_loop3A_1262], %parallel_loop3A_1267 : memref<2x8x8x129xf32, #tpu.memory_space<vmem>>[vector<16xi32>, vector<16xi32>, vector<16xi32>, vector<16xi32>], vector<16xf32>,
        %parallel_loop3A_1268 = arith.constant 3 : i32
        %parallel_loop3A_1269 = arith.index_cast %parallel_loop3A_1268 : i32 to index
        %parallel_loop3A_1270 = arith.index_cast %parallel_loop3A_1261 : i32 to index
        %parallel_loop3A_1271 = arith.constant 16 : index
        %parallel_loop3A_1272 = tpu.vector_load %arg7[%parallel_loop3A_1269, %parallel_loop3A_1270, %parallel_loop3A_1271] {strides = array<i32>} : memref<4x128x64xf32, #tpu.memory_space<vmem>>, vector<16xf32>,
        tpu.vector_store_idx %arg8[%broadcast_in_dim3A_1211, %select_n3A_1041, %select_n3A_1159, %parallel_loop3A_1262], %parallel_loop3A_1272 : memref<2x8x8x129xf32, #tpu.memory_space<vmem>>[vector<16xi32>, vector<16xi32>, vector<16xi32>, vector<16xi32>], vector<16xf32>,
        %parallel_loop3A_1273 = arith.constant 3 : i32
        %parallel_loop3A_1274 = arith.index_cast %parallel_loop3A_1273 : i32 to index
        %parallel_loop3A_1275 = arith.index_cast %parallel_loop3A_1261 : i32 to index
        %parallel_loop3A_1276 = arith.constant 32 : index
        %parallel_loop3A_1277 = tpu.vector_load %arg7[%parallel_loop3A_1274, %parallel_loop3A_1275, %parallel_loop3A_1276] {strides = array<i32>} : memref<4x128x64xf32, #tpu.memory_space<vmem>>, vector<16xf32>,
        tpu.vector_store_idx %arg8[%broadcast_in_dim3A_1211, %select_n3A_1075, %select_n3A_1184, %parallel_loop3A_1262], %parallel_loop3A_1277 : memref<2x8x8x129xf32, #tpu.memory_space<vmem>>[vector<16xi32>, vector<16xi32>, vector<16xi32>, vector<16xi32>], vector<16xf32>,
        %parallel_loop3A_1278 = arith.constant 3 : i32
        %parallel_loop3A_1279 = arith.index_cast %parallel_loop3A_1278 : i32 to index
        %parallel_loop3A_1280 = arith.index_cast %parallel_loop3A_1261 : i32 to index
        %parallel_loop3A_1281 = arith.constant 48 : index
        %parallel_loop3A_1282 = tpu.vector_load %arg7[%parallel_loop3A_1279, %parallel_loop3A_1280, %parallel_loop3A_1281] {strides = array<i32>} : memref<4x128x64xf32, #tpu.memory_space<vmem>>, vector<16xf32>,
        tpu.vector_store_idx %arg8[%broadcast_in_dim3A_1211, %select_n3A_1109, %select_n3A_1209, %parallel_loop3A_1262], %parallel_loop3A_1282 : memref<2x8x8x129xf32, #tpu.memory_space<vmem>>[vector<16xi32>, vector<16xi32>, vector<16xi32>, vector<16xi32>], vector<16xf32>,
        %parallel_loop3A_1283 = arith.constant 2 : i32
        %parallel_loop3A_1284 = arith.addi %parallel_loop3A_1236, %parallel_loop3A_1283 : i32
        %parallel_loop3A_1285 = vector.broadcast %parallel_loop3A_1284 : i32 to vector<16xi32>
        %parallel_loop3A_1286 = arith.constant 3 : i32
        %parallel_loop3A_1287 = arith.index_cast %parallel_loop3A_1286 : i32 to index
        %parallel_loop3A_1288 = arith.index_cast %parallel_loop3A_1284 : i32 to index
        %parallel_loop3A_1289 = arith.constant 0 : index
        %parallel_loop3A_1290 = tpu.vector_load %arg7[%parallel_loop3A_1287, %parallel_loop3A_1288, %parallel_loop3A_1289] {strides = array<i32>} : memref<4x128x64xf32, #tpu.memory_space<vmem>>, vector<16xf32>,
        tpu.vector_store_idx %arg8[%broadcast_in_dim3A_1211, %select_n3A_1007, %select_n3A_1134, %parallel_loop3A_1285], %parallel_loop3A_1290 : memref<2x8x8x129xf32, #tpu.memory_space<vmem>>[vector<16xi32>, vector<16xi32>, vector<16xi32>, vector<16xi32>], vector<16xf32>,
        %parallel_loop3A_1291 = arith.constant 3 : i32
        %parallel_loop3A_1292 = arith.index_cast %parallel_loop3A_1291 : i32 to index
        %parallel_loop3A_1293 = arith.index_cast %parallel_loop3A_1284 : i32 to index
        %parallel_loop3A_1294 = arith.constant 16 : index
        %parallel_loop3A_1295 = tpu.vector_load %arg7[%parallel_loop3A_1292, %parallel_loop3A_1293, %parallel_loop3A_1294] {strides = array<i32>} : memref<4x128x64xf32, #tpu.memory_space<vmem>>, vector<16xf32>,
        tpu.vector_store_idx %arg8[%broadcast_in_dim3A_1211, %select_n3A_1041, %select_n3A_1159, %parallel_loop3A_1285], %parallel_loop3A_1295 : memref<2x8x8x129xf32, #tpu.memory_space<vmem>>[vector<16xi32>, vector<16xi32>, vector<16xi32>, vector<16xi32>], vector<16xf32>,
        %parallel_loop3A_1296 = arith.constant 3 : i32
        %parallel_loop3A_1297 = arith.index_cast %parallel_loop3A_1296 : i32 to index
        %parallel_loop3A_1298 = arith.index_cast %parallel_loop3A_1284 : i32 to index
        %parallel_loop3A_1299 = arith.constant 32 : index
        %parallel_loop3A_1300 = tpu.vector_load %arg7[%parallel_loop3A_1297, %parallel_loop3A_1298, %parallel_loop3A_1299] {strides = array<i32>} : memref<4x128x64xf32, #tpu.memory_space<vmem>>, vector<16xf32>,
        tpu.vector_store_idx %arg8[%broadcast_in_dim3A_1211, %select_n3A_1075, %select_n3A_1184, %parallel_loop3A_1285], %parallel_loop3A_1300 : memref<2x8x8x129xf32, #tpu.memory_space<vmem>>[vector<16xi32>, vector<16xi32>, vector<16xi32>, vector<16xi32>], vector<16xf32>,
        %parallel_loop3A_1301 = arith.constant 3 : i32
        %parallel_loop3A_1302 = arith.index_cast %parallel_loop3A_1301 : i32 to index
        %parallel_loop3A_1303 = arith.index_cast %parallel_loop3A_1284 : i32 to index
        %parallel_loop3A_1304 = arith.constant 48 : index
        %parallel_loop3A_1305 = tpu.vector_load %arg7[%parallel_loop3A_1302, %parallel_loop3A_1303, %parallel_loop3A_1304] {strides = array<i32>} : memref<4x128x64xf32, #tpu.memory_space<vmem>>, vector<16xf32>,
        tpu.vector_store_idx %arg8[%broadcast_in_dim3A_1211, %select_n3A_1109, %select_n3A_1209, %parallel_loop3A_1285], %parallel_loop3A_1305 : memref<2x8x8x129xf32, #tpu.memory_space<vmem>>[vector<16xi32>, vector<16xi32>, vector<16xi32>, vector<16xi32>], vector<16xf32>,
        %parallel_loop3A_1306 = arith.constant 3 : i32
        %parallel_loop3A_1307 = arith.addi %parallel_loop3A_1236, %parallel_loop3A_1306 : i32
        %parallel_loop3A_1308 = vector.broadcast %parallel_loop3A_1307 : i32 to vector<16xi32>
        %parallel_loop3A_1309 = arith.constant 3 : i32
        %parallel_loop3A_1310 = arith.index_cast %parallel_loop3A_1309 : i32 to index
        %parallel_loop3A_1311 = arith.index_cast %parallel_loop3A_1307 : i32 to index
        %parallel_loop3A_1312 = arith.constant 0 : index
        %parallel_loop3A_1313 = tpu.vector_load %arg7[%parallel_loop3A_1310, %parallel_loop3A_1311, %parallel_loop3A_1312] {strides = array<i32>} : memref<4x128x64xf32, #tpu.memory_space<vmem>>, vector<16xf32>,
        tpu.vector_store_idx %arg8[%broadcast_in_dim3A_1211, %select_n3A_1007, %select_n3A_1134, %parallel_loop3A_1308], %parallel_loop3A_1313 : memref<2x8x8x129xf32, #tpu.memory_space<vmem>>[vector<16xi32>, vector<16xi32>, vector<16xi32>, vector<16xi32>], vector<16xf32>,
        %parallel_loop3A_1314 = arith.constant 3 : i32
        %parallel_loop3A_1315 = arith.index_cast %parallel_loop3A_1314 : i32 to index
        %parallel_loop3A_1316 = arith.index_cast %parallel_loop3A_1307 : i32 to index
        %parallel_loop3A_1317 = arith.constant 16 : index
        %parallel_loop3A_1318 = tpu.vector_load %arg7[%parallel_loop3A_1315, %parallel_loop3A_1316, %parallel_loop3A_1317] {strides = array<i32>} : memref<4x128x64xf32, #tpu.memory_space<vmem>>, vector<16xf32>,
        tpu.vector_store_idx %arg8[%broadcast_in_dim3A_1211, %select_n3A_1041, %select_n3A_1159, %parallel_loop3A_1308], %parallel_loop3A_1318 : memref<2x8x8x129xf32, #tpu.memory_space<vmem>>[vector<16xi32>, vector<16xi32>, vector<16xi32>, vector<16xi32>], vector<16xf32>,
        %parallel_loop3A_1319 = arith.constant 3 : i32
        %parallel_loop3A_1320 = arith.index_cast %parallel_loop3A_1319 : i32 to index
        %parallel_loop3A_1321 = arith.index_cast %parallel_loop3A_1307 : i32 to index
        %parallel_loop3A_1322 = arith.constant 32 : index
        %parallel_loop3A_1323 = tpu.vector_load %arg7[%parallel_loop3A_1320, %parallel_loop3A_1321, %parallel_loop3A_1322] {strides = array<i32>} : memref<4x128x64xf32, #tpu.memory_space<vmem>>, vector<16xf32>,
        tpu.vector_store_idx %arg8[%broadcast_in_dim3A_1211, %select_n3A_1075, %select_n3A_1184, %parallel_loop3A_1308], %parallel_loop3A_1323 : memref<2x8x8x129xf32, #tpu.memory_space<vmem>>[vector<16xi32>, vector<16xi32>, vector<16xi32>, vector<16xi32>], vector<16xf32>,
        %parallel_loop3A_1324 = arith.constant 3 : i32
        %parallel_loop3A_1325 = arith.index_cast %parallel_loop3A_1324 : i32 to index
        %parallel_loop3A_1326 = arith.index_cast %parallel_loop3A_1307 : i32 to index
        %parallel_loop3A_1327 = arith.constant 48 : index
        %parallel_loop3A_1328 = tpu.vector_load %arg7[%parallel_loop3A_1325, %parallel_loop3A_1326, %parallel_loop3A_1327] {strides = array<i32>} : memref<4x128x64xf32, #tpu.memory_space<vmem>>, vector<16xf32>,
        tpu.vector_store_idx %arg8[%broadcast_in_dim3A_1211, %select_n3A_1109, %select_n3A_1209, %parallel_loop3A_1308], %parallel_loop3A_1328 : memref<2x8x8x129xf32, #tpu.memory_space<vmem>>[vector<16xi32>, vector<16xi32>, vector<16xi32>, vector<16xi32>], vector<16xf32>,
      } {sc.loop_unroll_factor = 2 : i64, sc.parallel_access}
      %dma_start3A_1215 = arith.constant 1 : i32
      %dma_start3A_1216 = arith.constant 0 : i32
      %dma_start3A_1217 = arith.constant 0 : i32
      %dma_start3A_1218 = arith.constant 0 : i32
      %dma_start3A_1219 = tpu.memref_slice %arg8[%dma_start3A_1215, %dma_start3A_1216, %dma_start3A_1217, %dma_start3A_1218] : memref<2x8x8x129xf32, #tpu.memory_space<vmem>> -> memref<1x8x8x128xf32, #tpu.memory_space<vmem>>
      %dma_start3A_1220 = tpu.memref_squeeze %dma_start3A_1219 : memref<1x8x8x128xf32, #tpu.memory_space<vmem>> -> memref<8x8x128xf32, #tpu.memory_space<vmem>>
      %dma_start3A_1221 = arith.constant 0 : i32
      %dma_start3A_1222 = arith.constant 0 : i32
      %dma_start3A_1223 = arith.constant 0 : i32
      %dma_start3A_1224 = tpu.memref_slice %arg4[%add3A_948, %dma_start3A_1221, %add3A, %dma_start3A_1222, %dma_start3A_1223] : memref<200x8x32x8x128xf32, #tpu.memory_space<hbm>> -> memref<1x8x1x8x128xf32, #tpu.memory_space<hbm>>
      %dma_start3A_1225 = tpu.memref_squeeze %dma_start3A_1224 : memref<1x8x1x8x128xf32, #tpu.memory_space<hbm>> -> memref<8x8x128xf32, #tpu.memory_space<hbm>>
      %dma_start3A_1226 = arith.constant 0 : i32
      %dma_start3A_1227 = arith.constant 0 : i32
      %dma_start3A_1228 = arith.constant 0 : i32
      %dma_start3A_1229 = tpu.memref_slice %arg4[%add3A_948, %dma_start3A_1226, %add3A, %dma_start3A_1227, %dma_start3A_1228] : memref<200x8x32x8x128xf32, #tpu.memory_space<hbm>> -> memref<1x8x1x8x128xf32, #tpu.memory_space<hbm>>
      %dma_start3A_1230 = tpu.memref_squeeze %dma_start3A_1229 : memref<1x8x1x8x128xf32, #tpu.memory_space<hbm>> -> memref<8x8x128xf32, #tpu.memory_space<hbm>>
      %dma_start3A_1231 = arith.constant 0 : i32
      %dma_start3A_1232 = arith.constant 0 : i32
      %dma_start3A_1233 = arith.constant 0 : i32
      %dma_start3A_1234 = tpu.memref_slice %arg8[%dma_start3A_1215, %dma_start3A_1231, %dma_start3A_1232, %dma_start3A_1233] : memref<2x8x8x129xf32, #tpu.memory_space<vmem>> -> memref<1x8x8x128xf32, #tpu.memory_space<vmem>>
      %dma_start3A_1235 = tpu.memref_squeeze %dma_start3A_1234 : memref<1x8x8x128xf32, #tpu.memory_space<vmem>> -> memref<8x8x128xf32, #tpu.memory_space<vmem>>
      tpu.enqueue_dma source(%dma_start3A_1235 : memref<8x8x128xf32, #tpu.memory_space<vmem>>) target(%dma_start3A_1230 : memref<8x8x128xf32, #tpu.memory_space<hbm>>) target_semaphore(%arg10 : memref<!tpu.dma_semaphore, #tpu.memory_space<semaphore_mem>>)
    }
    %scan3A_46 = arith.constant 50 : i32
    %dma_wait3A = arith.constant 0 : i32
    %dma_wait3A_47 = arith.constant 0 : i32
    %dma_wait3A_48 = arith.constant 0 : i32
    %dma_wait3A_49 = arith.constant 0 : i32
    %dma_wait3A_50 = arith.constant 0 : i32
    %dma_wait3A_51 = tpu.memref_slice %arg8[%dma_wait3A, %dma_wait3A_48, %dma_wait3A_49, %dma_wait3A_50] : memref<2x8x8x129xf32, #tpu.memory_space<vmem>> -> memref<1x8x8x128xf32, #tpu.memory_space<vmem>>
    %dma_wait3A_52 = tpu.memref_squeeze %dma_wait3A_51 : memref<1x8x8x128xf32, #tpu.memory_space<vmem>> -> memref<8x8x128xf32, #tpu.memory_space<vmem>>
    %dma_wait3A_53 = arith.constant 0 : i32
    %dma_wait3A_54 = arith.constant 0 : i32
    %dma_wait3A_55 = arith.constant 0 : i32
    %dma_wait3A_56 = tpu.memref_slice %arg4[%dma_wait3A_47, %dma_wait3A_53, %add3A, %dma_wait3A_54, %dma_wait3A_55] : memref<200x8x32x8x128xf32, #tpu.memory_space<hbm>> -> memref<1x8x1x8x128xf32, #tpu.memory_space<hbm>>
    %dma_wait3A_57 = tpu.memref_squeeze %dma_wait3A_56 : memref<1x8x1x8x128xf32, #tpu.memory_space<hbm>> -> memref<8x8x128xf32, #tpu.memory_space<hbm>>
    %dma_wait3A_58 = arith.constant 0 : i32
    %dma_wait3A_59 = arith.constant 0 : i32
    %dma_wait3A_60 = arith.constant 0 : i32
    %dma_wait3A_61 = tpu.memref_slice %arg4[%dma_wait3A_47, %dma_wait3A_58, %add3A, %dma_wait3A_59, %dma_wait3A_60] : memref<200x8x32x8x128xf32, #tpu.memory_space<hbm>> -> memref<1x8x1x8x128xf32, #tpu.memory_space<hbm>>
    %dma_wait3A_62 = tpu.memref_squeeze %dma_wait3A_61 : memref<1x8x1x8x128xf32, #tpu.memory_space<hbm>> -> memref<8x8x128xf32, #tpu.memory_space<hbm>>
    %dma_wait3A_63 = arith.constant 0 : i32
    %dma_wait3A_64 = arith.constant 0 : i32
    %dma_wait3A_65 = arith.constant 0 : i32
    %dma_wait3A_66 = tpu.memref_slice %arg8[%dma_wait3A, %dma_wait3A_63, %dma_wait3A_64, %dma_wait3A_65] : memref<2x8x8x129xf32, #tpu.memory_space<vmem>> -> memref<1x8x8x128xf32, #tpu.memory_space<vmem>>
    %dma_wait3A_67 = tpu.memref_squeeze %dma_wait3A_66 : memref<1x8x8x128xf32, #tpu.memory_space<vmem>> -> memref<8x8x128xf32, #tpu.memory_space<vmem>>
    tpu.wait_dma2 semaphore(%arg10 : memref<!tpu.dma_semaphore, #tpu.memory_space<semaphore_mem>>) src(%dma_wait3A_67 : memref<8x8x128xf32, #tpu.memory_space<vmem>>) dst(%dma_wait3A_62 : memref<8x8x128xf32, #tpu.memory_space<hbm>>)
    %dma_wait3A_68 = arith.constant 1 : i32
    %dma_wait3A_69 = arith.constant 0 : i32
    %dma_wait3A_70 = arith.constant 0 : i32
    %dma_wait3A_71 = arith.constant 0 : i32
    %dma_wait3A_72 = arith.constant 0 : i32
    %dma_wait3A_73 = tpu.memref_slice %arg8[%dma_wait3A_68, %dma_wait3A_70, %dma_wait3A_71, %dma_wait3A_72] : memref<2x8x8x129xf32, #tpu.memory_space<vmem>> -> memref<1x8x8x128xf32, #tpu.memory_space<vmem>>
    %dma_wait3A_74 = tpu.memref_squeeze %dma_wait3A_73 : memref<1x8x8x128xf32, #tpu.memory_space<vmem>> -> memref<8x8x128xf32, #tpu.memory_space<vmem>>
    %dma_wait3A_75 = arith.constant 0 : i32
    %dma_wait3A_76 = arith.constant 0 : i32
    %dma_wait3A_77 = arith.constant 0 : i32
    %dma_wait3A_78 = tpu.memref_slice %arg4[%dma_wait3A_69, %dma_wait3A_75, %add3A, %dma_wait3A_76, %dma_wait3A_77] : memref<200x8x32x8x128xf32, #tpu.memory_space<hbm>> -> memref<1x8x1x8x128xf32, #tpu.memory_space<hbm>>
    %dma_wait3A_79 = tpu.memref_squeeze %dma_wait3A_78 : memref<1x8x1x8x128xf32, #tpu.memory_space<hbm>> -> memref<8x8x128xf32, #tpu.memory_space<hbm>>
    %dma_wait3A_80 = arith.constant 0 : i32
    %dma_wait3A_81 = arith.constant 0 : i32
    %dma_wait3A_82 = arith.constant 0 : i32
    %dma_wait3A_83 = tpu.memref_slice %arg4[%dma_wait3A_69, %dma_wait3A_80, %add3A, %dma_wait3A_81, %dma_wait3A_82] : memref<200x8x32x8x128xf32, #tpu.memory_space<hbm>> -> memref<1x8x1x8x128xf32, #tpu.memory_space<hbm>>
    %dma_wait3A_84 = tpu.memref_squeeze %dma_wait3A_83 : memref<1x8x1x8x128xf32, #tpu.memory_space<hbm>> -> memref<8x8x128xf32, #tpu.memory_space<hbm>>
    %dma_wait3A_85 = arith.constant 0 : i32
    %dma_wait3A_86 = arith.constant 0 : i32
    %dma_wait3A_87 = arith.constant 0 : i32
    %dma_wait3A_88 = tpu.memref_slice %arg8[%dma_wait3A_68, %dma_wait3A_85, %dma_wait3A_86, %dma_wait3A_87] : memref<2x8x8x129xf32, #tpu.memory_space<vmem>> -> memref<1x8x8x128xf32, #tpu.memory_space<vmem>>
    %dma_wait3A_89 = tpu.memref_squeeze %dma_wait3A_88 : memref<1x8x8x128xf32, #tpu.memory_space<vmem>> -> memref<8x8x128xf32, #tpu.memory_space<vmem>>
    tpu.wait_dma2 semaphore(%arg10 : memref<!tpu.dma_semaphore, #tpu.memory_space<semaphore_mem>>) src(%dma_wait3A_89 : memref<8x8x128xf32, #tpu.memory_space<vmem>>) dst(%dma_wait3A_84 : memref<8x8x128xf32, #tpu.memory_space<hbm>>)
    return
  }
}

</mosaic_0001>

<sc_bundles>
// kernel: kernel.3.cloned.1.call-start
scs
__scs_entry_jumppad:
0x0: {  	(pc) =	sbr.rel $0x88, $3  }
0x1: {  	(tag) =	ssettag $0x0;
	lr =	simm.s32 $0x1  }
0x2: {  	[smem:$0x3F9F] =	sst lr;
	_ =	strace $0xD0000000  }
0x3: {  	_ = 	snop  }
0x4: {  	_ = 	snop  }
0x5: {  	_ = 	snop  }
0x6: {  	_ = 	snop  }
0x7: {  	_ = 	snop  }
__scs_overlays_trampoline_lowered:
0x8: {  	[smem:$0x3FAE] =	sst s0  }
0x9: {  	[smem:$0x3FAF] =	sst s1  }
0xa: {  	[smem:$0x3FB0] =	sst s2  }
0xb: {  	[smem:$0x3FB1] =	sst s3  }
0xc: {  	[smem:$0x3FB2] =	sst s4  }
0xd: {  	[smem:$0x3FB3] =	sst s5  }
0xe: {  	[smem:$0x3FB4] =	sst s6  }
0xf: {  	[smem:$0x3FB5] =	sst s7  }
0x10: {  	[smem:$0x3FB6] =	sst s8  }
0x11: {  	[smem:$0x3FB7] =	sst s9;
	s0 =	simm.s32 @!p0 $0x0  }
0x12: {  	s1 =	sld [smem:$0x3F9D];
	s0 =	simm.s32 @p0 $0x1  }
0x13: {  	[smem:$0x3FB8] =	sst s0;
	s0 =	simm.s32 @!p1 $0x0  }
0x14: {  	s2 =	sld [smem:$0x3F9C];
	s0 =	simm.s32 @p1 $0x1  }
0x15: {  	[smem:$0x3FB9] =	sst s0;
	s0 =	simm.s32 @!p2 $0x0  }
0x16: {  	s3 =	sld [smem:$0x3FDB];
	s0 =	simm.s32 @p2 $0x1  }
0x17: {  	s4 =	simm.s32 $0x1BF5;
	[smem:$0x3FBB] =	sst s0  }
0x18: {  	s0 =	sld [smem:$0x3F9E];
	_ =	swait.ge [sflag:s4], $0x0  }
0x19: {  	s7 =	sld [smem:$0x3F9F]  }
0x1a: {  	s8 =	sadd.s32 $0xFFFFE003, lr  }
0x1b: {  	s9 =	sadd.s32 $0xFFFFFEF7, lr;
	s5 =	simm.s32 $0xFFFFFFFF;
	p2 =	slt.u32 s8, $0xFFFFF086  }
0x1c: {  	p1 =	slt.u32 s9, $0xF7A;
	s5 =	simm.s32 @!p2 $0x0  }
0x1d: {  	s5 =	simm.s32 @p1 $0x1;
	p0 =	seq.s32 s7, s2  }
0x1e: {  	s7 =	smul.u32 @!p0 $0xF7A, s2;
	p2 =	seq.s32 @!p0 s5, $0x0  }
0x1f: {  	s9 =	smul.u32 $0xF7A, s1;
	s8 =	simm.s32 @!p0 $0x1BF5;
	p2 =	por !p2, p0  }
0x20: {  	[sflag:s8] =	ssyncset.s32 @!p0 $0xFFFFF086;
	s6 =	sadd.s32 @!p0 s3, s7;
	s7 =	simm.s32 @!p0 $0x108  }
0x21: {  	s3 =	sadd.s32 s3, s9;
	s6 =	sadd.s32 @!p0 $0x88, s6;
	s7 =	simm.s32 @p2 $0x1082  }
0x22: {  	[simem:s7], [sflag:s8] =	dma.local @!p0 [hbm:s6], $0xF7A  }
0x23: {  	s9 =	sor.u32 $0xD0000000, s2;
	s6 =	simm.s32 $0x108;
	_ =	swait.ge @!p0 [sflag:s8], $0x0  }
0x24: {  	s3 =	sadd.s32 $0x88, s3;
	s6 =	simm.s32 @!p1 $0x1082;
	[sflag:s4] =	ssyncset.s32 $0xFFFFF086  }
0x25: {  	[simem:s6], [sflag:s4] =	dma.local [hbm:s3], $0xF7A  }
0x26: {  	[smem:$0x3F9F] =	sst s1;
	(tag) =	ssettag s2;
	_ =	strace s9  }
0x27: {  	s1 =	sld [smem:$0x3FAF]  }
0x28: {  	s2 =	sld [smem:$0x3FB0]  }
0x29: {  	s4 =	sld [smem:$0x3FB2]  }
0x2a: {  	p0 =	seq.s32 s5, $0x0;
	s5 =	sld [smem:$0x3FB3]  }
0x2b: {  	s6 =	sld [smem:$0x3FB4]  }
0x2c: {  	s7 =	sld [smem:$0x3FB5]  }
0x2d: {  	s3 =	simm.s32 $0x108;
	s8 =	sld [smem:$0x3FB6]  }
0x2e: {  	s3 =	simm.s32 @!p0 $0x1082;
	s9 =	sld [smem:$0x3FB7]  }
0x2f: {  	lr =	sadd.s32 s0, s3;
	s0 =	sld [smem:$0x3FAE]  }
0x30: {  	s3 =	sld [smem:$0x3FB1]  }
0x31: {  	[smem:$0x3FBA] =	sst s10  }
0x32: {  	s10 =	sld [smem:$0x3FB8];
	_ =	sdelay $0x3  }
0x33: {  	p0 =	seq.s32 s10, $0x1;
	s10 =	sld [smem:$0x3FBA];
	_ =	sdelay $0x3  }
0x34: {  	[smem:$0x3FBA] =	sst s10  }
0x35: {  	s10 =	sld [smem:$0x3FB9];
	_ =	sdelay $0x3  }
0x36: {  	p1 =	seq.s32 s10, $0x1;
	s10 =	sld [smem:$0x3FBA];
	_ =	sdelay $0x3  }
0x37: {  	[smem:$0x3FBA] =	sst s10  }
0x38: {  	s10 =	sld [smem:$0x3FBB]  }
0x39: {  	_ = 	snop;
	(pc) =	sbr.ind lr, $3  }
0x3a: {  	_ = 	snop  }
0x3b: {  	_ = 	snop  }
0x3c: {  	p2 =	seq.s32 s10, $0x1;
	s10 =	sld [smem:$0x3FBA]  }
0x3d: {  	_ =	shalt  }
0x3e: {  	_ =	shalt  }
0x3f: {  	_ =	shalt  }
0x40: {  	_ =	shalt  }
0x41: {  	_ =	shalt  }
0x42: {  	_ =	shalt  }
0x43: {  	_ =	shalt  }
0x44: {  	_ =	shalt  }
0x45: {  	_ =	shalt  }
0x46: {  	_ =	shalt  }
0x47: {  	_ =	shalt  }
0x48: {  	_ =	shalt  }
0x49: {  	_ =	shalt  }
0x4a: {  	_ =	shalt  }
0x4b: {  	_ =	shalt  }
0x4c: {  	_ =	shalt  }
0x4d: {  	_ =	shalt  }
0x4e: {  	_ =	shalt  }
0x4f: {  	_ =	shalt  }
0x50: {  	_ =	shalt  }
0x51: {  	_ =	shalt  }
0x52: {  	_ =	shalt  }
0x53: {  	_ =	shalt  }
0x54: {  	_ =	shalt  }
0x55: {  	_ =	shalt  }
0x56: {  	_ =	shalt  }
0x57: {  	_ =	shalt  }
0x58: {  	_ =	shalt  }
0x59: {  	_ =	shalt  }
0x5a: {  	_ =	shalt  }
0x5b: {  	_ =	shalt  }
0x5c: {  	_ =	shalt  }
0x5d: {  	_ =	shalt  }
0x5e: {  	_ =	shalt  }
0x5f: {  	_ =	shalt  }
0x60: {  	_ =	shalt  }
0x61: {  	_ =	shalt  }
0x62: {  	_ =	shalt  }
0x63: {  	_ =	shalt  }
0x64: {  	_ =	shalt  }
0x65: {  	_ =	shalt  }
0x66: {  	_ =	shalt  }
0x67: {  	_ =	shalt  }
0x68: {  	_ =	shalt  }
0x69: {  	_ =	shalt  }
0x6a: {  	_ =	shalt  }
0x6b: {  	_ =	shalt  }
0x6c: {  	_ =	shalt  }
0x6d: {  	_ =	shalt  }
0x6e: {  	_ =	shalt  }
0x6f: {  	_ =	shalt  }
0x70: {  	_ =	shalt  }
0x71: {  	_ =	shalt  }
0x72: {  	_ =	shalt  }
0x73: {  	_ =	shalt  }
0x74: {  	_ =	shalt  }
0x75: {  	_ =	shalt  }
0x76: {  	_ =	shalt  }
0x77: {  	_ =	shalt  }
0x78: {  	_ =	shalt  }
0x79: {  	_ =	shalt  }
0x7a: {  	_ =	shalt  }
0x7b: {  	_ =	shalt  }
0x7c: {  	_ =	shalt  }
0x7d: {  	_ =	shalt  }
0x7e: {  	_ =	shalt  }
0x7f: {  	_ =	shalt  }
0x80: {  	_ =	shalt  }
0x81: {  	_ =	shalt  }
0x82: {  	_ =	shalt  }
0x83: {  	_ =	shalt  }
0x84: {  	_ =	shalt  }
0x85: {  	_ =	shalt  }
0x86: {  	_ =	shalt  }
0x87: {  	_ =	shalt  }
.Lfunc_end0:
.L_simem_size_0:
called_computation_lowered:
.L_overlay_start_0:
0x88: {  	s2 =	sld [smem:$0x3FD9]  }
0x89: {  	s3 =	sld [smem:$0x3FFE];
	_ =	sdelay $0x1  }
0x8a: {  	s1 =	srdreg.scid  }
0x8b: {  	s0 =	sand.u32 $0x1, s1  }
0x8c: {  	s17 =	sshll.u32 s0, $0xA;
	s2 =	sadd.s32 s3, s2  }
0x8d: {  	s2 =	sadd.s32 s2, s17  }
0x8e: {  	[smem:$0x3FC6] =	sst s2  }
0x8f: {  	_ = 	snop  }
0x90: {  	s2 =	sld [smem:$0x3FD0];
	(tm) =	ssettm $0x1  }
0x91: {  	s18 =	sld [smem:$0x3FFB];
	_ =	sdelay $0x3  }
0x92: {  	_ =	strace s18  }
0x93: {  	s3 =	sld [smem:$0x3FFC];
	_ =	sdelay $0x3  }
0x94: {  	_ =	strace s3  }
0x95: {  	s3 =	sld [smem:$0x3FFD];
	_ =	sdelay $0x3  }
0x96: {  	_ =	strace s3  }
0x97: {  	_ =	strace $0x8FFFFFFF  }
0x98: {  	s19 =	sld [smem:$0x3FDB];
	_ =	sdelay $0x1  }
0x99: {  	s4 =	simm.s32 $_scs_section_size  }
0x9a: {  	s5 =	simm.s32 $_size__tile_overlayer_lowered;
	s6 =	simm.s32 $_tile_overlayer_lowered  }
0x9b: {  	s22 =	simm.s32 $0x1BFF;
	s21 =	sshll.u32 s6, $0x1;
	s3 =	sadd.s32 s4, s19  }
0x9c: {  	s7 =	simm.s32 $0x0;
	s20 =	sshll.u32 s5, $0x1;
	s5 =	sadd.s32 s21, s3  }
0x9d: {  	[timem:s7], [sflag:s22] =	dma.local [hbm:s5], s20  }
0x9e: {  	_ =	swait.ge [sflag:s22], s20  }
0x9f: {  	s4 =	ssub.s32 $0x0, s20;
	[sflag:s22] =	ssyncset.done $0x0  }
0xa0: {  	[sflag:s22] =	ssyncadd.s32 s4;
	_ =	sdelay $0x1  }
0xa1: {  	s23 =	simm.s32 $0x1B8B  }
0xa2: {  	_ =	swait.ge [sflag:s23], $0x1  }
0xa3: {  	[sflag:s23] =	ssyncset.done $0x0  }
0xa4: {  	s25 =	simm.s32 $0x1B8E;
	s24 =	sld [smem:$0x3FFE];
	[sflag:s23] =	ssyncadd.s32 $0xFFFFFFFF  }
0xa5: {  	s26 =	simm.s32 $execute0_lowered;
	[smem:$0x3FD2] =	sst s25  }
0xa6: {  	s5 =	sshll.u32 s26, $0x1;
	_ =	strace $0x80000046;
	[dreg:$0x1] =	wrdreg $0xFFFFFFFF  }
0xa7: {  	s28 =	simm.s32 $_size_execute0_lowered;
	s3 =	sadd.s32 s3, s5;
	[dreg:$0x0] =	wrdreg $0x0  }
0xa8: {  	s5 =	sshll.u32 s28, $0x1;
	[dreg:$0x2] =	wrdreg s3  }
0xa9: {  	[dreg:$0x3] =	wrdreg s5  }
0xaa: {  	[dreg:$0x4] =	wrdreg $0xC0  }
0xab: {  	_ =	task [dreg:s7], $0x5FFFF  }
0xac: {  	[dreg:$0x1] =	wrdreg $0xFFFFFFFF  }
0xad: {  	[dreg:$0x0] =	wrdreg $0x60  }
0xae: {  	[dreg:$0x2] =	wrdreg s24  }
0xaf: {  	[dreg:$0x3] =	wrdreg s2  }
0xb0: {  	[dreg:$0x4] =	wrdreg $0x9  }
0xb1: {  	_ =	task.clear_ibuf [dreg:s7], $0x5FFFF;
	_ =	strace $0x90000046  }
0xb2: {  	s29 =	simm.s32 $0x9;
	_ =	strace $0x80000048  }
0xb3: {  	_ =	swait.ge [sflag:s29], $0x1  }
0xb4: {  	[sflag:s29] =	ssyncadd.s32 $0xFFFFFFFF  }
0xb5: {  	_ =	strace $0x90000048  }
0xb6: {  	_ =	sfence  }
0xb7: {  	s30 =	sld [smem:$0x0];
	_ =	sdelay $0x2  }
0xb8: {  	s31 =	sshll.u32 s1, $0xD;
	s1 =	sshrl.u32 s1, $0x2  }
0xb9: {  	s3 =	sand.u32 $0x4000, s31;
	s1 =	sadd.s32 s1, s30  }
0xba: {  	s0 =	sor.u32 s3, s0;
	s1 =	sshll.u32 s1, $0x11  }
0xbb: {  	s0 =	sor.u32 s1, s0  }
0xbc: {  	s0 =	sadd.s32 $0x8F2B, s0  }
0xbd: {  	[sflag:s0] =	ssyncadd.remote.s32 $0x1  }
0xbe: {  	_ =	sfence.sel $0xFFFF  }
0xbf: {  	[dreg:$0x0] =	wrdreg $0xFFFFFFFF;
	(pc) =	sbr.abs _section_cstart, $3  }
0xc0: {  	[dreg:$0x1] =	wrdreg $0xFFFFFFFF  }
0xc1: {  	_ =	task.clear_ibuf [dreg:s7], $0x2FFFF;
	_ =	strace $0x9FFFFFFF  }
0xc2: {  	(tm) =	ssettm $0x7FFFFFFF  }
0xc3: {  	_ =	shalt  }
tec
execute0_lowered:
.L_overlay_start_1:
0x0: {  	(tag) =	ssettag $0x1  }
0x1: {  	v0 =	vlaneseq.u32  }
0x2: {  	v25 =	vmul.u32 $0x88, v0  }
0x3: {  	s3 =	stileid.u32  }
0x4: {  	s0 =	rddreg [dreg:$0x0];
	v3 =	vmul.u32 $0xC8, v0;
	s4 =	sshll.u32 s3, $0x1;
	s3 =	simm.s32 $0x0;
	v0 =	vadd.s32 $0x1103, v25  }
0x5: {  	[smem:$0x7FF] =	sst s3;
	[tilespmem:$0x1FC40] =	vst v0;
	v0 =	vadd.s32 $0x1987, v25  }
0x6: {  	s2 =	rddreg [dreg:$0x1];
	_ =	strace $0x80000047;
	[tilespmem:$0x1FC50] =	vst v0  }
0x7: {  	v4 =	vadd.s32 $0xC80, v3;
	[tilespmem:$0x1FCC0] =	vst v3  }
0x8: {  	v5 =	vadd.s32 $0x1900, v3;
	[tilespmem:$0x1FCD0] =	vst v4  }
0x9: {  	v6 =	vadd.s32 $0x2580, v3;
	[tilespmem:$0x1FCE0] =	vst v5  }
0xa: {  	v7 =	vadd.s32 $0x3200, v3;
	[tilespmem:$0x1FCF0] =	vst v6  }
0xb: {  	v8 =	vadd.s32 $0x3E80, v3;
	[tilespmem:$0x1FD00] =	vst v7  }
0xc: {  	[tilespmem:$0x1FD10] =	vst v8  }
0xd: {  	v10 =	vadd.s32 $0x4B00, v3;
	[tilespmem:$0x1FD20] =	vst v25  }
0xe: {  	v11 =	vadd.s32 $0x5780, v3;
	[tilespmem:$0x1FD30] =	vst v10  }
0xf: {  	v22 =	vadd.s32 $0x880, v25;
	[tilespmem:$0x1FD40] =	vst v11  }
0x10: {  	v23 =	vadd.s32 $0x1980, v25;
	[tilespmem:$0x1FD50] =	vst v22  }
0x11: {  	v29 =	vor.u32 $0x1, v25;
	[tilespmem:$0x1FD60] =	vst v23  }
0x12: {  	v24 =	vadd.s32 $0x1101, v25;
	[tilespmem:$0x1FD70] =	vst v29  }
0x13: {  	v33 =	vor.u32 $0x2, v25;
	[tilespmem:$0x1FD80] =	vst v24  }
0x14: {  	v26 =	vadd.s32 $0x1102, v25;
	[tilespmem:$0x1FD90] =	vst v33  }
0x15: {  	v21 =	vor.u32 $0x3, v25;
	[tilespmem:$0x1FDA0] =	vst v26  }
0x16: {  	v20 =	vadd.s32 $0x883, v25;
	[tilespmem:$0x1FDB0] =	vst v21  }
0x17: {  	v27 =	vadd.s32 $0x1983, v25;
	[tilespmem:$0x1FDC0] =	vst v20  }
0x18: {  	v28 =	vor.u32 $0x4, v25;
	[tilespmem:$0x1FDD0] =	vst v27  }
0x19: {  	v44 =	vadd.s32 $0x884, v25;
	[tilespmem:$0x1FDE0] =	vst v28  }
0x1a: {  	v30 =	vadd.s32 $0x1104, v25;
	[tilespmem:$0x1FDF0] =	vst v44  }
0x1b: {  	v52 =	vadd.s32 $0x1984, v25;
	[tilespmem:$0x1FE00] =	vst v30  }
0x1c: {  	v56 =	vor.u32 $0x5, v25;
	[tilespmem:$0x1FE10] =	vst v52  }
0x1d: {  	v14 =	vadd.s32 $0x885, v25;
	[tilespmem:$0x1FE20] =	vst v56  }
0x1e: {  	v19 =	vadd.s32 $0x1105, v25;
	[tilespmem:$0x1FE30] =	vst v14  }
0x1f: {  	v55 =	vadd.s32 $0x1985, v25;
	[tilespmem:$0x1FE40] =	vst v19  }
0x20: {  	v53 =	vor.u32 $0x6, v25;
	[tilespmem:$0x1FE50] =	vst v55  }
0x21: {  	v46 =	vadd.s32 $0x886, v25;
	[tilespmem:$0x1FE60] =	vst v53  }
0x22: {  	v15 =	vadd.s32 $0x1106, v25;
	[tilespmem:$0x1FE70] =	vst v46  }
0x23: {  	v58 =	vadd.s32 $0x1986, v25;
	[tilespmem:$0x1FE80] =	vst v15  }
0x24: {  	v47 =	vor.u32 $0x7, v25;
	[tilespmem:$0x1FE90] =	vst v58  }
0x25: {  	v50 =	vadd.s32 $0x887, v25;
	[tilespmem:$0x1FEA0] =	vst v47  }
0x26: {  	v57 =	vadd.s32 $0x1107, v25;
	[tilespmem:$0x1FEB0] =	vst v50  }
0x27: {  	v41 =	vadd.s32 $0x2200, v25;
	[tilespmem:$0x1FEC0] =	vst v57  }
0x28: {  	v42 =	vadd.s32 $0x2A80, v25;
	[tilespmem:$0x1FED0] =	vst v41  }
0x29: {  	v43 =	vadd.s32 $0x3300, v25;
	[tilespmem:$0x1FEE0] =	vst v42  }
0x2a: {  	v59 =	vadd.s32 $0x3B80, v25;
	[tilespmem:$0x1FEF0] =	vst v43  }
0x2b: {  	v60 =	vadd.s32 $0x2201, v25;
	[tilespmem:$0x1FF00] =	vst v59  }
0x2c: {  	v51 =	vadd.s32 $0x3302, v25;
	[tilespmem:$0x1FF10] =	vst v60  }
0x2d: {  	v40 =	vadd.s32 $0x1982, v25;
	[tilespmem:$0x1FF20] =	vst v51  }
0x2e: {  	v36 =	vadd.s32 $0x3B82, v25;
	[tilespmem:$0x1FF30] =	vst v40  }
0x2f: {  	v35 =	vadd.s32 $0x882, v25;
	[tilespmem:$0x1FF40] =	vst v36  }
0x30: {  	v37 =	vadd.s32 $0x2203, v25;
	[tilespmem:$0x1FF50] =	vst v35  }
0x31: {  	v32 =	vadd.s32 $0x1981, v25;
	[tilespmem:$0x1FF60] =	vst v37  }
0x32: {  	v38 =	vadd.s32 $0x2A83, v25;
	[tilespmem:$0x1FF70] =	vst v32  }
0x33: {  	v31 =	vadd.s32 $0x881, v25;
	[tilespmem:$0x1FF80] =	vst v38  }
0x34: {  	v39 =	vadd.s32 $0x3303, v25;
	[tilespmem:$0x1FF90] =	vst v31  }
0x35: {  	v54 =	vadd.s32 $0x1100, v25;
	[tilespmem:$0x1FFA0] =	vst v39  }
0x36: {  	v34 =	vadd.s32 $0x2204, v25;
	[tilespmem:$0x1FFB0] =	vst v54  }
0x37: {  	v45 =	vadd.s32 $0x2A84, v25;
	[tilespmem:$0x1FFC0] =	vst v34  }
0x38: {  	v48 =	vadd.s32 $0x3304, v25;
	[tilespmem:$0x1FFD0] =	vst v45  }
0x39: {  	s1 =	srdreg.scid;
	s10 =	simm.s32 $0x3;
	s11 =	simm.s32 $0x80;
	v49 =	vadd.s32 $0x3B84, v25;
	[tilespmem:$0x1FFE0] =	vst v48  }
0x3a: {  	s16 =	simm.s32 $0x6500;
	s17 =	simm.s32 $0x10800;
	s18 =	simm.s32 $0x1;
	v0 =	vadd.s32 $0x2A81, v25;
	[tilespmem:$0x1FFF0] =	vst v49  }
0x3b: {  	s19 =	simm.s32 $0x12800;
	s20 =	simm.s32 $0x14800;
	s1 =	sand.u32 $0x1, s1;
	[tilespmem:$0x1FC60] =	vst v0;
	v0 =	vadd.s32 $0x3301, v25  }
0x3c: {  	s21 =	simm.s32 $0x2;
	s22 =	simm.s32 $0x0;
	s6 =	sor.u32 s1, s4;
	[tilespmem:$0x1FC70] =	vst v0;
	v0 =	vadd.s32 $0x3B81, v25  }
0x3d: {  	s23 =	simm.s32 $0x0;
	s1 =	ssub.s32 $0x2, s1;
	s4 =	smul.u32 $0xC80, s6;
	[tilespmem:$0x1FC80] =	vst v0;
	v0 =	vadd.s32 $0x2202, v25  }
0x3e: {  	v1 =	vimm.s32 $0x0;
	vm0 =	vcmask $0x300;
	s8 =	sadd.s32 $0x10000, s2;
	s5 =	sshrl.u32 s1, $0x1;
	s6 =	sshll.u32 s6, $0xA;
	[tilespmem:$0x1FC90] =	vst v0;
	v0 =	vadd.s32 $0x2A82, v25  }
0x3f: {  	v9 =	vsel vm0, $0x3, v1;
	s31 =	ssub.s32 s1, s5;
	s7 =	sadd.s32 s4, s0;
	s4 =	sadd.s32 $0x19400, s0;
	[tilespmem:$0x1FCA0] =	vst v0;
	v0 =	vadd.s32 $0x3B83, v25  }
0x40: {  	v61 =	vadd.s32 $0x2205, v25;
	v62 =	vadd.s32 $0x2A85, v25;
	v63 =	vadd.s32 $0x3305, v25;
	s9 =	smax.u32 s31, $0x1;
	s5 =	sadd.s32 $0x400, s7;
	s7 =	sadd.s32 $0x8000, s2;
	[tilespmem:$0x1FCB0] =	vst v0  }
.LBB2_1:
0x41: {  	v0 =	vmov s3  }
0x42: {  	v0 =	vand.u32 $0xFF, v0  }
0x43: {  	v1 =	vadd.s32 v3, v0  }
0x44: {  	[tilespmem:s3], [sflag:$0x3] =	stream.linear.gather [hbm4b:s5+s3], $0x6400, $0x38;
	[tilespmem:$0x18C00] =	vst v63  }
0x45: {  	_ =	swait.ge [sflag:s10], $0x6400  }
0x46: {  	[sflag:s10] =	ssyncset.done $0x0  }
0x47: {  	[sflag:s10] =	ssyncadd.s32 $0xFFFF9C00  }
0x48: {  	v1 =	vld.idx.msk [tilespmem:v1+s3+$0x0], $0xffff  }
0x49: {  	v2 =	vadd.s32 v4, v0;
	_ =	sdelay $0x2  }
0x4a: {  	s0 =	simm.s32 $0x6440  }
0x4b: {  	[tilespmem:s0+$0xFFFFFFC0] =	vst v1  }
0x4c: {  	v1 =	vld.idx.msk [tilespmem:v2+s3+$0x0], $0xffff  }
0x4d: {  	v2 =	vadd.s32 v5, v0;
	_ =	sdelay $0x3  }
0x4e: {  	[tilespmem:s0+$0xFFFFFFD0] =	vst v1  }
0x4f: {  	v1 =	vld.idx.msk [tilespmem:v2+s3+$0x0], $0xffff  }
0x50: {  	v2 =	vadd.s32 v6, v0;
	_ =	sdelay $0x3  }
0x51: {  	[tilespmem:s0+$0xFFFFFFE0] =	vst v1  }
0x52: {  	v1 =	vld.idx.msk [tilespmem:v2+s3+$0x0], $0xffff  }
0x53: {  	v2 =	vadd.s32 v7, v0;
	_ =	sdelay $0x3  }
0x54: {  	[tilespmem:s0+$0xFFFFFFF0] =	vst v1  }
0x55: {  	v1 =	vld.idx.msk [tilespmem:v2+s3+$0x0], $0xffff  }
0x56: {  	v2 =	vadd.s32 v8, v0;
	_ =	sdelay $0x3  }
0x57: {  	[tilespmem:s0+$0x0] =	vst v1  }
0x58: {  	v1 =	vld.idx.msk [tilespmem:v2+s3+$0x0], $0xffff  }
0x59: {  	v2 =	vadd.s32 v10, v0;
	_ =	sdelay $0x3  }
0x5a: {  	[tilespmem:s0+$0x10] =	vst v1  }
0x5b: {  	v1 =	vld.idx.msk [tilespmem:v2+s3+$0x0], $0xffff  }
0x5c: {  	v0 =	vadd.s32 v11, v0;
	_ =	sdelay $0x3  }
0x5d: {  	s1 =	simm.s32 $0x1;
	[tilespmem:s0+$0x20] =	vst v1  }
0x5e: {  	v1 =	vmov s1;
	s1 =	simm.s32 $0x2;
	v0 =	vld.idx.msk [tilespmem:v0+s3+$0x0], $0xffff  }
.LBB2_2:
0x5f: {  	p0 =	sne.s32 s1, $0xC7;
	v1 =	vand.u32 $0xFF, v1  }
0x60: {  	v2 =	vadd.s32 v3, v1;
	_ =	sdelay $0x3  }
0x61: {  	[tilespmem:s0+$0x30] =	vst v0  }
0x62: {  	v0 =	vld.idx.msk [tilespmem:v2+s3+$0x0], $0xffff;
	_ =	sdelay $0x1  }
0x63: {  	v2 =	vadd.s32 v4, v1;
	_ =	sdelay $0x2  }
0x64: {  	s0 =	sadd.s32 $0x80, s0  }
0x65: {  	[tilespmem:s0+$0xFFFFFFC0] =	vst v0  }
0x66: {  	v0 =	vld.idx.msk [tilespmem:v2+s3+$0x0], $0xffff;
	_ =	sdelay $0x1  }
0x67: {  	v2 =	vadd.s32 v5, v1;
	_ =	sdelay $0x3  }
0x68: {  	[tilespmem:s0+$0xFFFFFFD0] =	vst v0  }
0x69: {  	v0 =	vld.idx.msk [tilespmem:v2+s3+$0x0], $0xffff;
	_ =	sdelay $0x1  }
0x6a: {  	v2 =	vadd.s32 v6, v1;
	_ =	sdelay $0x3  }
0x6b: {  	[tilespmem:s0+$0xFFFFFFE0] =	vst v0  }
0x6c: {  	v0 =	vld.idx.msk [tilespmem:v2+s3+$0x0], $0xffff;
	_ =	sdelay $0x1  }
0x6d: {  	v2 =	vadd.s32 v7, v1;
	_ =	sdelay $0x3  }
0x6e: {  	[tilespmem:s0+$0xFFFFFFF0] =	vst v0  }
0x6f: {  	v0 =	vld.idx.msk [tilespmem:v2+s3+$0x0], $0xffff;
	_ =	sdelay $0x1  }
0x70: {  	v2 =	vadd.s32 v8, v1;
	_ =	sdelay $0x3  }
0x71: {  	[tilespmem:s0+$0x0] =	vst v0  }
0x72: {  	v0 =	vld.idx.msk [tilespmem:v2+s3+$0x0], $0xffff;
	_ =	sdelay $0x1  }
0x73: {  	v2 =	vadd.s32 v10, v1;
	_ =	sdelay $0x3  }
0x74: {  	[tilespmem:s0+$0x10] =	vst v0  }
0x75: {  	v0 =	vld.idx.msk [tilespmem:v2+s3+$0x0], $0xffff;
	_ =	sdelay $0x1  }
0x76: {  	v2 =	vadd.s32 v11, v1  }
.Ltmp0:
0x77: {  	(pc) =	sbr.rel @p0 .LBB2_2-.Ltmp0, $3  }
0x78: {  	_ =	sdelay $0x1  }
0x79: {  	[tilespmem:s0+$0x20] =	vst v0  }
0x7a: {  	v1 =	vmov s1;
	s1 =	sadd.s32 $0x1, s1;
	v0 =	vld.idx.msk [tilespmem:v2+s3+$0x0], $0xffff  }
0x7b: {  	v1 =	vand.u32 $0xFF, v1  }
0x7c: {  	v2 =	vadd.s32 v3, v1;
	_ =	sdelay $0x3  }
0x7d: {  	[tilespmem:s0+$0x30] =	vst v0  }
0x7e: {  	v0 =	vld.idx.msk [tilespmem:v2+s3+$0x0], $0xffff  }
0x7f: {  	v4 =	vadd.s32 v4, v1;
	_ =	sdelay $0x2  }
0x80: {  	s28 =	sadd.s32 $0x80, s0  }
0x81: {  	[tilespmem:s28+$0xFFFFFFC0] =	vst v0  }
0x82: {  	v0 =	vld.idx.msk [tilespmem:v4+s3+$0x0], $0xffff  }
0x83: {  	v34 =	vadd.s32 v5, v1;
	_ =	sdelay $0x3  }
0x84: {  	[tilespmem:s28+$0xFFFFFFD0] =	vst v0  }
0x85: {  	v0 =	vld.idx.msk [tilespmem:v34+s3+$0x0], $0xffff  }
0x86: {  	v45 =	vadd.s32 v6, v1;
	_ =	sdelay $0x3  }
0x87: {  	[tilespmem:s28+$0xFFFFFFE0] =	vst v0  }
0x88: {  	v0 =	vld.idx.msk [tilespmem:v45+s3+$0x0], $0xffff  }
0x89: {  	v48 =	vadd.s32 v7, v1;
	_ =	sdelay $0x3  }
0x8a: {  	[tilespmem:s28+$0xFFFFFFF0] =	vst v0  }
0x8b: {  	v0 =	vld.idx.msk [tilespmem:v48+s3+$0x0], $0xffff  }
0x8c: {  	v49 =	vadd.s32 v8, v1;
	_ =	sdelay $0x3  }
0x8d: {  	[tilespmem:s28+$0x0] =	vst v0  }
0x8e: {  	v0 =	vld.idx.msk [tilespmem:v49+s3+$0x0], $0xffff  }
0x8f: {  	v51 =	vadd.s32 v10, v1;
	_ =	sdelay $0x3  }
0x90: {  	[tilespmem:s28+$0x10] =	vst v0  }
0x91: {  	v0 =	vld.idx.msk [tilespmem:v51+s3+$0x0], $0xffff  }
0x92: {  	v1 =	vadd.s32 v11, v1;
	_ =	sdelay $0x3  }
0x93: {  	[tilespmem:s28+$0x20] =	vst v0  }
0x94: {  	v0 =	vld.idx.msk [tilespmem:v1+s3+$0x0], $0xffff;
	_ =	sdelay $0x4  }
0x95: {  	s29 =	simm.s32 $0x6400;
	s1 =	simm.s32 $0xC800;
	[tilespmem:s28+$0x30] =	vst v0  }
0x96: {  	[tilespmem:s1], [sflag:$0x1] =	stream.indirect.gather [hbm4b:s4+s11], $0x40, s29, s11, $0xb8;
	[tilespmem:$0x18C00] =	vst v63  }
0x97: {  	s30 =	simm.s32 $0x6480;
	s31 =	simm.s32 $0xE800  }
0x98: {  	[tilespmem:s31], [sflag:$0x1] =	stream.indirect.gather [hbm4b:s4+s11], $0x40, s30, s11, $0xb8;
	[tilespmem:$0x18C00] =	vst v63  }
0x99: {  	s24 =	simm.s32 $0x0  }
0x9a: {  	[tilespmem:s17], [sflag:$0x1] =	stream.indirect.gather [hbm4b:s4+s11], $0x40, s16, s11, $0xb8;
	[tilespmem:$0x18C00] =	vst v63  }
.LBB2_4:
0x9b: {  	s25 =	sshllo.u32 s24, $0x2  }
0x9c: {  	_ =	swait.ge [sflag:s18], $0x2000;
	s0 =	sshll.u32 s25, $0x7  }
0x9d: {  	s14 =	simm.s32 $0x4;
	[sflag:s18] =	ssyncset.done $0x0;
	s0 =	sand.u32 $0x3FFFFF80, s0  }
0x9e: {  	p0 =	seq.s32 s24, $0x0;
	[sflag:s18] =	ssyncadd.s32 $0xFFFFE000;
	s0 =	sadd.s32 $0x6400, s0  }
0x9f: {  	v0 =	vmov s14;
	[tilespmem:s19], [sflag:$0x1] =	stream.indirect.gather [hbm4b:s4+s11], $0x40, s0, s11, $0xb8;
	[tilespmem:$0x18C00] =	vst v63  }
0xa0: {  	v1 =	vmov s23;
	v0 =	vshrl.u32 v0, $0x3;
	s0 =	simm.s32 @!p0 $0x2  }
0xa1: {  	v1 =	vshrl.u32 v1, $0x3;
	v0 =	vshll.u32 v0, v9;
	_ =	swait.ge @!p0 [sflag:s0], $0x2000  }
0xa2: {  	v1 =	vshll.u32 v1, v9;
	v0 =	vbroadcast v0, $0x0;
	[sflag:s0] =	ssyncset.done @!p0 $0x0  }
0xa3: {  	s28 =	simm.s32 $0xC900;
	v1 =	vbroadcast v1, $0x0;
	[sflag:s0] =	ssyncadd.s32 @!p0 $0xFFFFE000  }
0xa4: {  	v3 =	vadd.s32 v28, v0;
	v2 =	vld [tilespmem:s28+$0x0]  }
0xa5: {  	v5 =	vadd.s32 v25, v1;
	v4 =	vld [tilespmem:s28+$0xFFFFFF00];
	_ =	sdelay $0x3  }
0xa6: {  	[tilespmem:v3+s20+$0x0] =	vst.idx.msk $0xffff, v2  }
0xa7: {  	[tilespmem:v5+s20+$0x0] =	vst.idx.msk $0xffff, v4;
	v3 =	vadd.s32 v44, v0;
	v2 =	vld [tilespmem:s28+$0x10]  }
0xa8: {  	v5 =	vadd.s32 v22, v1;
	v4 =	vld [tilespmem:s28+$0xFFFFFF10];
	_ =	sdelay $0x3  }
0xa9: {  	[tilespmem:v3+s20+$0x0] =	vst.idx.msk $0xffff, v2  }
0xaa: {  	[tilespmem:v5+s20+$0x0] =	vst.idx.msk $0xffff, v4;
	v3 =	vadd.s32 v30, v0;
	v2 =	vld [tilespmem:s28+$0x20]  }
0xab: {  	v5 =	vadd.s32 v54, v1;
	v4 =	vld [tilespmem:s28+$0xFFFFFF20];
	_ =	sdelay $0x3  }
0xac: {  	[tilespmem:v3+s20+$0x0] =	vst.idx.msk $0xffff, v2  }
0xad: {  	s15 =	simm.s32 $0x5;
	v0 =	vadd.s32 v52, v0;
	[tilespmem:v5+s20+$0x0] =	vst.idx.msk $0xffff, v4;
	v2 =	vld [tilespmem:s28+$0x30]  }
0xae: {  	s1 =	simm.s32 $0x1;
	v1 =	vadd.s32 v23, v1;
	v4 =	vmov s15;
	v3 =	vld [tilespmem:s28+$0xFFFFFF30]  }
0xaf: {  	v5 =	vmov s1;
	v4 =	vshrl.u32 v4, $0x3  }
0xb0: {  	v5 =	vshrl.u32 v5, $0x3;
	v4 =	vshll.u32 v4, v9  }
0xb1: {  	v5 =	vshll.u32 v5, v9;
	v4 =	vbroadcast v4, $0x0  }
0xb2: {  	v5 =	vbroadcast v5, $0x0;
	[tilespmem:v0+s20+$0x0] =	vst.idx.msk $0xffff, v2  }
0xb3: {  	[tilespmem:v1+s20+$0x0] =	vst.idx.msk $0xffff, v3;
	v1 =	vadd.s32 v56, v4;
	v0 =	vld [tilespmem:s28+$0x40]  }
0xb4: {  	v3 =	vadd.s32 v29, v5;
	v2 =	vld [tilespmem:s28+$0xFFFFFF40]  }
0xb5: {  	s26 =	simm.s32 $0xC  }
0xb6: {  	v6 =	vmov s26;
	s1 =	simm.s32 $0x8  }
0xb7: {  	v6 =	vshrl.u32 v6, $0x3;
	v7 =	vmov s1  }
0xb8: {  	v6 =	vshll.u32 v6, v9;
	v7 =	vshrl.u32 v7, $0x3;
	[tilespmem:v1+s20+$0x0] =	vst.idx.msk $0xffff, v0  }
0xb9: {  	v0 =	vshll.u32 v7, v9;
	v1 =	vbroadcast v6, $0x0;
	[tilespmem:v3+s20+$0x0] =	vst.idx.msk $0xffff, v2;
	v3 =	vadd.s32 v14, v4;
	v2 =	vld [tilespmem:s28+$0x50]  }
0xba: {  	s26 =	simm.s32 $0xCB00;
	v7 =	vadd.s32 v31, v5;
	v0 =	vbroadcast v0, $0x0;
	v6 =	vld [tilespmem:s28+$0xFFFFFF50]  }
0xbb: {  	v8 =	vld [tilespmem:s26+$0x0];
	v10 =	vadd.s32 v28, v1  }
0xbc: {  	v11 =	vld [tilespmem:s26+$0xFFFFFF00];
	v12 =	vadd.s32 v25, v0;
	_ =	sdelay $0x1  }
0xbd: {  	[tilespmem:v3+s20+$0x0] =	vst.idx.msk $0xffff, v2  }
0xbe: {  	[tilespmem:v7+s20+$0x0] =	vst.idx.msk $0xffff, v6;
	v3 =	vadd.s32 v19, v4;
	v2 =	vld [tilespmem:s28+$0x60]  }
0xbf: {  	v7 =	vadd.s32 v24, v5;
	[tilespmem:v10+s20+$0x0] =	vst.idx.msk $0xffff, v8;
	v6 =	vld [tilespmem:s28+$0xFFFFFF60]  }
0xc0: {  	v10 =	vadd.s32 v44, v1;
	[tilespmem:v12+s20+$0x0] =	vst.idx.msk $0xffff, v11;
	v8 =	vld [tilespmem:s26+$0x10]  }
0xc1: {  	v12 =	vadd.s32 v22, v0;
	v11 =	vld [tilespmem:s26+$0xFFFFFF10];
	_ =	sdelay $0x1  }
0xc2: {  	[tilespmem:v3+s20+$0x0] =	vst.idx.msk $0xffff, v2  }
0xc3: {  	s31 =	simm.s32 $0x6;
	[tilespmem:v7+s20+$0x0] =	vst.idx.msk $0xffff, v6;
	v3 =	vadd.s32 v55, v4;
	v2 =	vld [tilespmem:s28+$0x70]  }
0xc4: {  	s12 =	simm.s32 $0x2;
	v5 =	vadd.s32 v32, v5;
	v6 =	vmov s31;
	[tilespmem:v10+s20+$0x0] =	vst.idx.msk $0xffff, v8;
	v4 =	vld [tilespmem:s28+$0xFFFFFF70]  }
0xc5: {  	v8 =	vadd.s32 v30, v1;
	v10 =	vmov s12;
	v6 =	vshrl.u32 v6, $0x3;
	[tilespmem:v12+s20+$0x0] =	vst.idx.msk $0xffff, v11;
	v7 =	vld [tilespmem:s26+$0x20]  }
0xc6: {  	v12 =	vadd.s32 v54, v0;
	v10 =	vshrl.u32 v10, $0x3;
	v6 =	vshll.u32 v6, v9;
	v11 =	vld [tilespmem:s26+$0xFFFFFF20]  }
0xc7: {  	v10 =	vshll.u32 v10, v9;
	v6 =	vbroadcast v6, $0x0  }
0xc8: {  	v10 =	vbroadcast v10, $0x0;
	[tilespmem:v3+s20+$0x0] =	vst.idx.msk $0xffff, v2  }
0xc9: {  	[tilespmem:v5+s20+$0x0] =	vst.idx.msk $0xffff, v4;
	v3 =	vadd.s32 v53, v6;
	v2 =	vld [tilespmem:s28+$0x80]  }
0xca: {  	v5 =	vadd.s32 v33, v10;
	[tilespmem:v8+s20+$0x0] =	vst.idx.msk $0xffff, v7;
	v4 =	vld [tilespmem:s28+$0xFFFFFF80]  }
0xcb: {  	s13 =	simm.s32 $0xD;
	v1 =	vadd.s32 v52, v1;
	[tilespmem:v12+s20+$0x0] =	vst.idx.msk $0xffff, v11;
	v7 =	vld [tilespmem:s26+$0x30]  }
0xcc: {  	s14 =	simm.s32 $0x9;
	v0 =	vadd.s32 v23, v0;
	v11 =	vmov s13;
	v8 =	vld [tilespmem:s26+$0xFFFFFF30]  }
0xcd: {  	v12 =	vmov s14;
	v11 =	vshrl.u32 v11, $0x3  }
0xce: {  	v12 =	vshrl.u32 v12, $0x3;
	v11 =	vshll.u32 v11, v9;
	[tilespmem:v3+s20+$0x0] =	vst.idx.msk $0xffff, v2  }
0xcf: {  	v2 =	vshll.u32 v12, v9;
	v3 =	vbroadcast v11, $0x0;
	[tilespmem:v5+s20+$0x0] =	vst.idx.msk $0xffff, v4;
	v5 =	vadd.s32 v46, v6;
	v4 =	vld [tilespmem:s28+$0x90]  }
0xd0: {  	v11 =	vbroadcast v2, $0x0;
	[tilespmem:v1+s20+$0x0] =	vst.idx.msk $0xffff, v7;
	v1 =	vld [tilespmem:s28+$0xFFFFFF90];
	v2 =	vadd.s32 v35, v10  }
0xd1: {  	[tilespmem:v0+s20+$0x0] =	vst.idx.msk $0xffff, v8;
	v0 =	vld [tilespmem:s26+$0x40];
	v7 =	vadd.s32 v56, v3  }
0xd2: {  	v8 =	vld [tilespmem:s26+$0xFFFFFF40];
	v12 =	vadd.s32 v29, v11  }
0xd3: {  	s15 =	simm.s32 $0x14  }
0xd4: {  	s0 =	simm.s32 $0x10;
	v13 =	vmov s15;
	[tilespmem:v5+s20+$0x0] =	vst.idx.msk $0xffff, v4  }
0xd5: {  	v4 =	vmov s0;
	v5 =	vshrl.u32 v13, $0x3;
	[tilespmem:v2+s20+$0x0] =	vst.idx.msk $0xffff, v1;
	v2 =	vadd.s32 v15, v6;
	v1 =	vld [tilespmem:s28+$0xA0]  }
0xd6: {  	v4 =	vshrl.u32 v4, $0x3;
	v5 =	vshll.u32 v5, v9;
	[tilespmem:v7+s20+$0x0] =	vst.idx.msk $0xffff, v0;
	v0 =	vld [tilespmem:s28+$0xFFFFFFA0];
	v7 =	vadd.s32 v26, v10  }
0xd7: {  	v4 =	vshll.u32 v4, v9;
	v5 =	vbroadcast v5, $0x0;
	[tilespmem:v12+s20+$0x0] =	vst.idx.msk $0xffff, v8;
	v8 =	vld [tilespmem:s26+$0x50];
	v12 =	vadd.s32 v14, v3  }
0xd8: {  	v45 =	vmov v14;
	s29 =	simm.s32 $0xCD00;
	v14 =	vadd.s32 v31, v11;
	v4 =	vbroadcast v4, $0x0;
	v13 =	vld [tilespmem:s26+$0xFFFFFF50]  }
0xd9: {  	v49 =	vmov v15;
	v15 =	vld [tilespmem:s29+$0x0];
	v16 =	vadd.s32 v28, v5  }
0xda: {  	v17 =	vld [tilespmem:s29+$0xFFFFFF00];
	v18 =	vadd.s32 v25, v4;
	[tilespmem:v2+s20+$0x0] =	vst.idx.msk $0xffff, v1  }
0xdb: {  	s31 =	simm.s32 $0x7;
	[tilespmem:v7+s20+$0x0] =	vst.idx.msk $0xffff, v0;
	v1 =	vadd.s32 v58, v6;
	v0 =	vld [tilespmem:s28+$0xB0]  }
0xdc: {  	s13 =	simm.s32 $0x3;
	v7 =	vadd.s32 v40, v10;
	v2 =	vmov s31;
	[tilespmem:v12+s20+$0x0] =	vst.idx.msk $0xffff, v8;
	v6 =	vld [tilespmem:s28+$0xFFFFFFB0]  }
0xdd: {  	v10 =	vadd.s32 v19, v3;
	v12 =	vmov s13;
	v2 =	vshrl.u32 v2, $0x3;
	[tilespmem:v14+s20+$0x0] =	vst.idx.msk $0xffff, v13;
	v8 =	vld [tilespmem:s26+$0x60]  }
0xde: {  	v14 =	vadd.s32 v24, v11;
	v12 =	vshrl.u32 v12, $0x3;
	v2 =	vshll.u32 v2, v9;
	[tilespmem:v16+s20+$0x0] =	vst.idx.msk $0xffff, v15;
	v13 =	vld [tilespmem:s26+$0xFFFFFF60]  }
0xdf: {  	v16 =	vadd.s32 v44, v5;
	v12 =	vshll.u32 v12, v9;
	[tilespmem:v18+s20+$0x0] =	vst.idx.msk $0xffff, v17;
	v15 =	vld [tilespmem:s29+$0x10];
	v17 =	vbroadcast v2, $0x0  }
0xe0: {  	v48 =	vmovc v56;
	v56 =	vmov v19;
	v19 =	vadd.s32 v22, v4;
	v2 =	vbroadcast v12, $0x0;
	v18 =	vld [tilespmem:s29+$0xFFFFFF10];
	[tilespmem:v1+s20+$0x0] =	vst.idx.msk $0xffff, v0  }
0xe1: {  	[tilespmem:v7+s20+$0x0] =	vst.idx.msk $0xffff, v6;
	v1 =	vadd.s32 v47, v17;
	v0 =	vld [tilespmem:s28+$0xC0]  }
0xe2: {  	v7 =	vadd.s32 v21, v2;
	[tilespmem:v10+s20+$0x0] =	vst.idx.msk $0xffff, v8;
	v6 =	vld [tilespmem:s28+$0xFFFFFFC0]  }
0xe3: {  	v3 =	vadd.s32 v55, v3;
	s13 =	simm.s32 $0xE;
	[tilespmem:v14+s20+$0x0] =	vst.idx.msk $0xffff, v13;
	v8 =	vld [tilespmem:s26+$0x70]  }
0xe4: {  	v11 =	vadd.s32 v32, v11;
	v12 =	vmov s13;
	[tilespmem:v16+s20+$0x0] =	vst.idx.msk $0xffff, v15;
	v10 =	vld [tilespmem:s26+$0xFFFFFF70]  }
0xe5: {  	v12 =	vshrl.u32 v12, $0x3;
	v14 =	vadd.s32 v30, v5;
	[tilespmem:v19+s20+$0x0] =	vst.idx.msk $0xffff, v18;
	v13 =	vld [tilespmem:s29+$0x20]  }
0xe6: {  	v12 =	vshll.u32 v12, v9;
	v18 =	vadd.s32 v54, v4;
	v16 =	vld [tilespmem:s29+$0xFFFFFF20];
	[tilespmem:v1+s20+$0x0] =	vst.idx.msk $0xffff, v0  }
0xe7: {  	v0 =	vbroadcast v12, $0x0;
	[tilespmem:v7+s20+$0x0] =	vst.idx.msk $0xffff, v6;
	v7 =	vadd.s32 v50, v17;
	v6 =	vld [tilespmem:s28+$0xD0]  }
0xe8: {  	[tilespmem:v3+s20+$0x0] =	vst.idx.msk $0xffff, v8;
	v3 =	vld [tilespmem:s28+$0xFFFFFFD0];
	v8 =	vadd.s32 v20, v2  }
0xe9: {  	[tilespmem:v11+s20+$0x0] =	vst.idx.msk $0xffff, v10;
	v10 =	vld [tilespmem:s26+$0x80];
	v11 =	vadd.s32 v53, v0  }
0xea: {  	s14 =	simm.s32 $0xA;
	[tilespmem:v14+s20+$0x0] =	vst.idx.msk $0xffff, v13  }
0xeb: {  	v15 =	vmov s14;
	[tilespmem:v18+s20+$0x0] =	vst.idx.msk $0xffff, v16  }
0xec: {  	v15 =	vshrl.u32 v15, $0x3;
	[tilespmem:v7+s20+$0x0] =	vst.idx.msk $0xffff, v6  }
0xed: {  	v1 =	vshll.u32 v15, v9;
	[tilespmem:v8+s20+$0x0] =	vst.idx.msk $0xffff, v3  }
0xee: {  	v1 =	vbroadcast v1, $0x0;
	[tilespmem:v11+s20+$0x0] =	vst.idx.msk $0xffff, v10  }
0xef: {  	v51 =	vld [tilespmem:$0x1FC40]  }
0xf0: {  	v12 =	vld [tilespmem:s26+$0xFFFFFF80];
	v13 =	vadd.s32 v33, v1  }
0xf1: {  	v5 =	vadd.s32 v52, v5;
	v14 =	vld [tilespmem:s29+$0x30]  }
0xf2: {  	v16 =	vadd.s32 v23, v4;
	v15 =	vld [tilespmem:s29+$0xFFFFFF30]  }
0xf3: {  	v18 =	vadd.s32 v57, v17;
	v7 =	vld [tilespmem:s28+$0xE0]  }
0xf4: {  	v19 =	vld [tilespmem:s28+$0xFFFFFFE0];
	v20 =	vadd.s32 v51, v2  }
0xf5: {  	[tilespmem:v13+s20+$0x0] =	vst.idx.msk $0xffff, v12  }
0xf6: {  	[tilespmem:v5+s20+$0x0] =	vst.idx.msk $0xffff, v14  }
0xf7: {  	s15 =	simm.s32 $0x15;
	[tilespmem:v16+s20+$0x0] =	vst.idx.msk $0xffff, v15  }
0xf8: {  	s31 =	simm.s32 $0x11;
	v4 =	vmov s15;
	[tilespmem:v18+s20+$0x0] =	vst.idx.msk $0xffff, v7  }
0xf9: {  	v4 =	vshrl.u32 v4, $0x3;
	v3 =	vmov s31;
	v10 =	vld [tilespmem:s26+$0x90];
	[tilespmem:v20+s20+$0x0] =	vst.idx.msk $0xffff, v19  }
0xfa: {  	v4 =	vshll.u32 v4, v9;
	v3 =	vshrl.u32 v3, $0x3;
	v34 =	vld [tilespmem:$0x1FC50]  }
0xfb: {  	v4 =	vbroadcast v4, $0x0;
	v3 =	vshll.u32 v3, v9;
	v12 =	vadd.s32 v46, v0;
	v8 =	vld [tilespmem:s26+$0xFFFFFF90]  }
0xfc: {  	v11 =	vadd.s32 v35, v1;
	v3 =	vbroadcast v3, $0x0;
	v6 =	vld [tilespmem:s29+$0x40]  }
0xfd: {  	v14 =	vadd.s32 v48, v4;
	v13 =	vld [tilespmem:s29+$0xFFFFFF40]  }
0xfe: {  	v15 =	vadd.s32 v29, v3;
	v5 =	vld [tilespmem:s28+$0xF0]  }
0xff: {  	s30 =	simm.s32 $0x18;
	s12 =	simm.s32 $0x20;
	s13 =	simm.s32 $0x1C;
	v20 =	vld [tilespmem:$0x1FDC0];
	v7 =	vadd.s32 v34, v17  }
.LBB2_5:
0x100: {  	p0 =	slt.u32 s12, $0x78;
	v16 =	vmov s13;
	[tilespmem:v12+s20+$0x0] =	vst.idx.msk $0xffff, v10;
	v10 =	vld [tilespmem:s28+$0xFFFFFFF0];
	v2 =	vadd.s32 v27, v2;
	s28 =	smov.u32 s26;
	s26 =	smov.u32 s29  }
0x101: {  	v12 =	vmov s30;
	v16 =	vshrl.u32 v16, $0x3;
	[tilespmem:v11+s20+$0x0] =	vst.idx.msk $0xffff, v8;
	v8 =	vld [tilespmem:s28+$0xA0];
	v11 =	vadd.s32 v49, v0  }
0x102: {  	v12 =	vshrl.u32 v12, $0x3;
	v16 =	vshll.u32 v16, v9;
	[tilespmem:v14+s20+$0x0] =	vst.idx.msk $0xffff, v6;
	v6 =	vld [tilespmem:s28+$0xFFFFFFA0];
	v14 =	vadd.s32 v26, v1  }
0x103: {  	v12 =	vshll.u32 v12, v9;
	v16 =	vbroadcast v16, $0x0;
	[tilespmem:v15+s20+$0x0] =	vst.idx.msk $0xffff, v13;
	v13 =	vld [tilespmem:s29+$0x50];
	v15 =	vadd.s32 v45, v4  }
0x104: {  	v18 =	vadd.s32 v31, v3;
	v12 =	vbroadcast v12, $0x0;
	s29 =	sadd.s32 $0x200, s29;
	v17 =	vld [tilespmem:s26+$0xFFFFFF50];
	[tilespmem:v7+s20+$0x0] =	vst.idx.msk $0xffff, v5  }
0x105: {  	v5 =	vld [tilespmem:s29+$0x0];
	v7 =	vadd.s32 v28, v16;
	[tilespmem:v2+s20+$0x0] =	vst.idx.msk $0xffff, v10  }
0x106: {  	v10 =	vadd.s32 v25, v12;
	v2 =	vld [tilespmem:s29+$0xFFFFFF00];
	[tilespmem:v11+s20+$0x0] =	vst.idx.msk $0xffff, v8  }
0x107: {  	s13 =	sadd.s32 $0x7, s1;
	v0 =	vadd.s32 v58, v0;
	[tilespmem:v14+s20+$0x0] =	vst.idx.msk $0xffff, v6;
	v6 =	vld [tilespmem:s28+$0xB0]  }
0x108: {  	s14 =	sadd.s32 $0x3, s1;
	s1 =	smov.u32 s0;
	s0 =	smov.u32 s30;
	v1 =	vadd.s32 v40, v1;
	v11 =	vmov s13;
	[tilespmem:v15+s20+$0x0] =	vst.idx.msk $0xffff, v13;
	v8 =	vld [tilespmem:s28+$0xFFFFFFB0]  }
0x109: {  	s30 =	smov.u32 s12;
	v14 =	vadd.s32 v56, v4;
	v11 =	vshrl.u32 v11, $0x3;
	v15 =	vmov s14;
	[tilespmem:v18+s20+$0x0] =	vst.idx.msk $0xffff, v17;
	v13 =	vld [tilespmem:s26+$0x60]  }
0x10a: {  	v11 =	vshll.u32 v11, v9;
	v15 =	vshrl.u32 v15, $0x3;
	[tilespmem:v7+s20+$0x0] =	vst.idx.msk $0xffff, v5;
	v5 =	vld [tilespmem:s26+$0xFFFFFF60];
	v7 =	vadd.s32 v24, v3  }
0x10b: {  	v17 =	vadd.s32 v44, v16;
	v18 =	vbroadcast v11, $0x0;
	[tilespmem:v10+s20+$0x0] =	vst.idx.msk $0xffff, v2;
	v10 =	vld [tilespmem:s29+$0x10];
	v2 =	vshll.u32 v15, v9  }
0x10c: {  	v15 =	vadd.s32 v22, v12;
	v11 =	vld [tilespmem:s29+$0xFFFFFF10];
	v2 =	vbroadcast v2, $0x0;
	[tilespmem:v0+s20+$0x0] =	vst.idx.msk $0xffff, v6  }
0x10d: {  	[tilespmem:v1+s20+$0x0] =	vst.idx.msk $0xffff, v8;
	v0 =	vld [tilespmem:s28+$0xC0];
	v1 =	vadd.s32 v47, v18  }
0x10e: {  	[tilespmem:v14+s20+$0x0] =	vst.idx.msk $0xffff, v13;
	v6 =	vld [tilespmem:s28+$0xFFFFFFC0];
	v8 =	vadd.s32 v21, v2  }
0x10f: {  	s13 =	sadd.s32 $0x6, s1;
	v4 =	vadd.s32 v55, v4;
	[tilespmem:v7+s20+$0x0] =	vst.idx.msk $0xffff, v5;
	v5 =	vld [tilespmem:s26+$0x70]  }
0x110: {  	s14 =	sadd.s32 $0x2, s1;
	v3 =	vadd.s32 v32, v3;
	[tilespmem:v17+s20+$0x0] =	vst.idx.msk $0xffff, v10;
	v7 =	vld [tilespmem:s26+$0xFFFFFF70];
	v10 =	vmov s13  }
0x111: {  	v13 =	vadd.s32 v30, v16;
	v14 =	vmov s14;
	[tilespmem:v15+s20+$0x0] =	vst.idx.msk $0xffff, v11;
	v11 =	vld [tilespmem:s29+$0x20];
	v10 =	vshrl.u32 v10, $0x3  }
0x112: {  	v14 =	vshrl.u32 v14, $0x3;
	v17 =	vadd.s32 v54, v12;
	v15 =	vld [tilespmem:s29+$0xFFFFFF20];
	v10 =	vshll.u32 v10, v9;
	[tilespmem:v1+s20+$0x0] =	vst.idx.msk $0xffff, v0  }
0x113: {  	v1 =	vshll.u32 v14, v9;
	v0 =	vbroadcast v10, $0x0;
	[tilespmem:v8+s20+$0x0] =	vst.idx.msk $0xffff, v6;
	v6 =	vld [tilespmem:s28+$0xD0];
	v8 =	vadd.s32 v50, v18  }
0x114: {  	v1 =	vbroadcast v1, $0x0;
	[tilespmem:v4+s20+$0x0] =	vst.idx.msk $0xffff, v5;
	v4 =	vld [tilespmem:s28+$0xFFFFFFD0];
	v5 =	vadd.s32 v20, v2  }
0x115: {  	[tilespmem:v3+s20+$0x0] =	vst.idx.msk $0xffff, v7;
	v3 =	vld [tilespmem:s26+$0x80];
	v7 =	vadd.s32 v53, v0  }
0x116: {  	[tilespmem:v13+s20+$0x0] =	vst.idx.msk $0xffff, v11;
	v10 =	vld [tilespmem:s26+$0xFFFFFF80];
	v11 =	vadd.s32 v33, v1  }
0x117: {  	s13 =	sadd.s32 $0x5, s0;
	v14 =	vadd.s32 v52, v16;
	[tilespmem:v17+s20+$0x0] =	vst.idx.msk $0xffff, v15;
	v13 =	vld [tilespmem:s29+$0x30]  }
0x118: {  	s14 =	sadd.s32 $0x1, s0;
	v16 =	vadd.s32 v23, v12;
	v12 =	vmov s13;
	v15 =	vld [tilespmem:s29+$0xFFFFFF30];
	[tilespmem:v8+s20+$0x0] =	vst.idx.msk $0xffff, v6  }
0x119: {  	v17 =	vadd.s32 v57, v18;
	v6 =	vmov s14;
	v8 =	vshrl.u32 v12, $0x3;
	[tilespmem:v5+s20+$0x0] =	vst.idx.msk $0xffff, v4;
	v5 =	vld [tilespmem:s28+$0xE0]  }
0x11a: {  	v19 =	vadd.s32 v51, v2;
	v4 =	vshrl.u32 v6, $0x3;
	v6 =	vshll.u32 v8, v9;
	[tilespmem:v7+s20+$0x0] =	vst.idx.msk $0xffff, v3;
	v7 =	vld [tilespmem:s28+$0xFFFFFFE0]  }
.Ltmp1:
0x11b: {  	v12 =	vadd.s32 v46, v0;
	v3 =	vshll.u32 v4, v9;
	v4 =	vbroadcast v6, $0x0;
	[tilespmem:v11+s20+$0x0] =	vst.idx.msk $0xffff, v10;
	v10 =	vld [tilespmem:s26+$0x90];
	(pc) =	sbr.rel @p0 .LBB2_5-.Ltmp1, $4  }
0x11c: {  	v3 =	vbroadcast v3, $0x0;
	v11 =	vadd.s32 v35, v1;
	[tilespmem:v14+s20+$0x0] =	vst.idx.msk $0xffff, v13;
	v8 =	vld [tilespmem:s26+$0xFFFFFF90]  }
0x11d: {  	v14 =	vadd.s32 v48, v4;
	[tilespmem:v16+s20+$0x0] =	vst.idx.msk $0xffff, v15;
	v6 =	vld [tilespmem:s29+$0x40]  }
0x11e: {  	v15 =	vadd.s32 v29, v3;
	v13 =	vld [tilespmem:s29+$0xFFFFFF40];
	[tilespmem:v17+s20+$0x0] =	vst.idx.msk $0xffff, v5  }
0x11f: {  	s12 =	sadd.s32 $0x8, s12;
	s13 =	sadd.s32 $0x4, s30;
	[tilespmem:v19+s20+$0x0] =	vst.idx.msk $0xffff, v7;
	v5 =	vld [tilespmem:s28+$0xF0];
	v7 =	vadd.s32 v34, v18  }
0x120: {  	v16 =	vmov s13  }
0x121: {  	v17 =	vmov s30;
	v16 =	vshrl.u32 v16, $0x3  }
0x122: {  	v17 =	vshrl.u32 v17, $0x3;
	v16 =	vshll.u32 v16, v9  }
0x123: {  	v17 =	vshll.u32 v17, v9;
	v16 =	vbroadcast v16, $0x0  }
0x124: {  	s12 =	sadd.s32 $0x200, s29;
	v17 =	vbroadcast v17, $0x0  }
0x125: {  	v18 =	vld [tilespmem:s12+$0x0];
	v19 =	vadd.s32 v28, v16  }
0x126: {  	v20 =	vld [tilespmem:s12+$0xFFFFFF00];
	v21 =	vadd.s32 v25, v17;
	_ =	sdelay $0x3  }
0x127: {  	[tilespmem:v19+s20+$0x0] =	vst.idx.msk $0xffff, v18  }
0x128: {  	[tilespmem:v21+s20+$0x0] =	vst.idx.msk $0xffff, v20;
	v19 =	vadd.s32 v44, v16;
	v18 =	vld [tilespmem:s12+$0x10]  }
0x129: {  	v44 =	vadd.s32 v22, v17;
	v20 =	vld [tilespmem:s12+$0xFFFFFF10];
	_ =	sdelay $0x3  }
0x12a: {  	[tilespmem:v19+s20+$0x0] =	vst.idx.msk $0xffff, v18  }
0x12b: {  	[tilespmem:v44+s20+$0x0] =	vst.idx.msk $0xffff, v20;
	v19 =	vadd.s32 v30, v16;
	v18 =	vld [tilespmem:s12+$0x20]  }
0x12c: {  	v44 =	vadd.s32 v54, v17;
	v20 =	vld [tilespmem:s12+$0xFFFFFF20];
	_ =	sdelay $0x3  }
0x12d: {  	[tilespmem:v19+s20+$0x0] =	vst.idx.msk $0xffff, v18  }
0x12e: {  	s31 =	sadd.s32 $0x5, s30;
	v16 =	vadd.s32 v52, v16;
	[tilespmem:v44+s20+$0x0] =	vst.idx.msk $0xffff, v20;
	v18 =	vld [tilespmem:s12+$0x30]  }
0x12f: {  	s14 =	sadd.s32 $0x1, s30;
	v17 =	vadd.s32 v23, v17;
	v54 =	vmov s31;
	v52 =	vld [tilespmem:s12+$0xFFFFFF30]  }
0x130: {  	v44 =	vmov s14;
	v20 =	vshrl.u32 v54, $0x3  }
0x131: {  	v21 =	vshrl.u32 v44, $0x3;
	v20 =	vshll.u32 v20, v9  }
0x132: {  	v21 =	vshll.u32 v21, v9;
	v20 =	vbroadcast v20, $0x0  }
0x133: {  	v21 =	vbroadcast v21, $0x0;
	[tilespmem:v16+s20+$0x0] =	vst.idx.msk $0xffff, v18  }
0x134: {  	v48 =	vadd.s32 v48, v20;
	[tilespmem:v17+s20+$0x0] =	vst.idx.msk $0xffff, v52;
	v16 =	vld [tilespmem:s12+$0x40]  }
0x135: {  	v54 =	vadd.s32 v29, v21;
	v52 =	vld [tilespmem:s12+$0xFFFFFF40];
	_ =	sdelay $0x1  }
0x136: {  	[tilespmem:v14+s20+$0x0] =	vst.idx.msk $0xffff, v6  }
0x137: {  	[tilespmem:v15+s20+$0x0] =	vst.idx.msk $0xffff, v13;
	v6 =	vld [tilespmem:s29+$0x50];
	v22 =	vadd.s32 v45, v4  }
0x138: {  	v23 =	vld [tilespmem:s29+$0xFFFFFF50];
	v44 =	vadd.s32 v31, v3;
	[tilespmem:v48+s20+$0x0] =	vst.idx.msk $0xffff, v16  }
0x139: {  	v45 =	vadd.s32 v45, v20;
	[tilespmem:v54+s20+$0x0] =	vst.idx.msk $0xffff, v52;
	v16 =	vld [tilespmem:s12+$0x50]  }
0x13a: {  	v48 =	vadd.s32 v31, v21;
	v18 =	vld [tilespmem:s12+$0xFFFFFF50];
	_ =	sdelay $0x1  }
0x13b: {  	[tilespmem:v22+s20+$0x0] =	vst.idx.msk $0xffff, v6  }
0x13c: {  	v6 =	vld [tilespmem:s29+$0x60];
	[tilespmem:v44+s20+$0x0] =	vst.idx.msk $0xffff, v23;
	v52 =	vadd.s32 v56, v4  }
0x13d: {  	v14 =	vld [tilespmem:s29+$0xFFFFFF60];
	v54 =	vadd.s32 v24, v3;
	[tilespmem:v45+s20+$0x0] =	vst.idx.msk $0xffff, v16  }
0x13e: {  	v56 =	vadd.s32 v56, v20;
	[tilespmem:v48+s20+$0x0] =	vst.idx.msk $0xffff, v18;
	v16 =	vld [tilespmem:s12+$0x60]  }
0x13f: {  	v22 =	vadd.s32 v24, v21;
	v18 =	vld [tilespmem:s12+$0xFFFFFF60];
	_ =	sdelay $0x1  }
0x140: {  	s15 =	sadd.s32 $0x6, s0;
	[tilespmem:v52+s20+$0x0] =	vst.idx.msk $0xffff, v6  }
0x141: {  	v23 =	vmov s15;
	v4 =	vadd.s32 v55, v4;
	[tilespmem:v54+s20+$0x0] =	vst.idx.msk $0xffff, v14;
	v6 =	vld [tilespmem:s29+$0x70]  }
0x142: {  	v13 =	vshrl.u32 v23, $0x3;
	v3 =	vadd.s32 v32, v3;
	v15 =	vld [tilespmem:s29+$0xFFFFFF70];
	[tilespmem:v56+s20+$0x0] =	vst.idx.msk $0xffff, v16  }
0x143: {  	v13 =	vshll.u32 v13, v9;
	[tilespmem:v22+s20+$0x0] =	vst.idx.msk $0xffff, v18;
	v56 =	vadd.s32 v55, v20;
	v18 =	vld [tilespmem:s12+$0x70]  }
0x144: {  	s31 =	sadd.s32 $0x2, s0;
	v13 =	vbroadcast v13, $0x0;
	v21 =	vadd.s32 v32, v21;
	v20 =	vld [tilespmem:s12+$0xFFFFFF70]  }
0x145: {  	s15 =	sadd.s32 $0x6, s30;
	v44 =	vmov s31  }
0x146: {  	s31 =	sadd.s32 $0x2, s30;
	v14 =	vshrl.u32 v44, $0x3;
	v54 =	vadd.s32 v53, v13;
	v45 =	vmov s15;
	[tilespmem:v4+s20+$0x0] =	vst.idx.msk $0xffff, v6  }
0x147: {  	v48 =	vmov s31;
	v14 =	vshll.u32 v14, v9;
	[tilespmem:v3+s20+$0x0] =	vst.idx.msk $0xffff, v15;
	v16 =	vshrl.u32 v45, $0x3  }
0x148: {  	v44 =	vshrl.u32 v48, $0x3;
	v4 =	vbroadcast v14, $0x0;
	v48 =	vld [tilespmem:s29+$0x80];
	v45 =	vshll.u32 v16, v9;
	[tilespmem:v56+s20+$0x0] =	vst.idx.msk $0xffff, v18  }
0x149: {  	v52 =	vmov v55;
	v6 =	vshll.u32 v44, v9;
	v55 =	vld [tilespmem:s29+$0xFFFFFF80];
	v14 =	vbroadcast v45, $0x0;
	[tilespmem:v21+s20+$0x0] =	vst.idx.msk $0xffff, v20  }
0x14a: {  	v6 =	vbroadcast v6, $0x0;
	v56 =	vadd.s32 v33, v4;
	v20 =	vld [tilespmem:$0x1FDB0]  }
0x14b: {  	v21 =	vadd.s32 v53, v14;
	v18 =	vld [tilespmem:s12+$0x80];
	[tilespmem:v12+s20+$0x0] =	vst.idx.msk $0xffff, v10  }
0x14c: {  	v22 =	vadd.s32 v33, v6;
	v10 =	vld [tilespmem:s12+$0xFFFFFF80];
	[tilespmem:v11+s20+$0x0] =	vst.idx.msk $0xffff, v8  }
0x14d: {  	v2 =	vadd.s32 v27, v2;
	v8 =	vld [tilespmem:s28+$0xFFFFFFF0];
	[tilespmem:v54+s20+$0x0] =	vst.idx.msk $0xffff, v48  }
0x14e: {  	v11 =	vadd.s32 v46, v13;
	v3 =	vld [tilespmem:s29+$0x90]  }
0x14f: {  	v33 =	vadd.s32 v46, v14;
	v48 =	vadd.s32 v49, v0;
	v46 =	vld [tilespmem:s26+$0xA0];
	[tilespmem:v56+s20+$0x0] =	vst.idx.msk $0xffff, v55  }
0x150: {  	v32 =	vadd.s32 v35, v4;
	v23 =	vld [tilespmem:s29+$0xFFFFFF90];
	[tilespmem:v21+s20+$0x0] =	vst.idx.msk $0xffff, v18  }
0x151: {  	[tilespmem:v22+s20+$0x0] =	vst.idx.msk $0xffff, v10;
	v10 =	vld [tilespmem:s12+$0x90]  }
0x152: {  	v45 =	vadd.s32 v35, v6;
	[tilespmem:v2+s20+$0x0] =	vst.idx.msk $0xffff, v8;
	v44 =	vld [tilespmem:s12+$0xFFFFFF90]  }
0x153: {  	[tilespmem:v11+s20+$0x0] =	vst.idx.msk $0xffff, v3  }
0x154: {  	v30 =	vmov v53;
	v53 =	vld [tilespmem:s26+$0xFFFFFFA0];
	v8 =	vadd.s32 v26, v1;
	[tilespmem:v48+s20+$0x0] =	vst.idx.msk $0xffff, v46  }
0x155: {  	v55 =	vadd.s32 v49, v13;
	v11 =	vld [tilespmem:s29+$0xA0];
	[tilespmem:v32+s20+$0x0] =	vst.idx.msk $0xffff, v23  }
0x156: {  	v21 =	vadd.s32 v26, v4;
	[tilespmem:v33+s20+$0x0] =	vst.idx.msk $0xffff, v10;
	v10 =	vld [tilespmem:s29+$0xFFFFFFA0]  }
0x157: {  	s14 =	sadd.s32 $0x7, s1;
	v35 =	vld [tilespmem:s26+$0xB0];
	[tilespmem:v45+s20+$0x0] =	vst.idx.msk $0xffff, v44;
	v44 =	vadd.s32 v58, v0  }
0x158: {  	[tilespmem:v7+s20+$0x0] =	vst.idx.msk $0xffff, v5;
	v54 =	vmov s14;
	v23 =	vadd.s32 v49, v14;
	v22 =	vld [tilespmem:s12+$0xA0]  }
0x159: {  	v3 =	vshrl.u32 v54, $0x3;
	[tilespmem:v8+s20+$0x0] =	vst.idx.msk $0xffff, v53;
	v33 =	vadd.s32 v26, v6;
	v32 =	vld [tilespmem:s12+$0xFFFFFFA0]  }
0x15a: {  	v46 =	vadd.s32 v40, v1;
	v3 =	vshll.u32 v3, v9;
	v45 =	vld [tilespmem:s26+$0xFFFFFFB0];
	[tilespmem:v55+s20+$0x0] =	vst.idx.msk $0xffff, v11  }
0x15b: {  	s15 =	sadd.s32 $0x3, s1;
	v48 =	vadd.s32 v58, v13;
	v3 =	vbroadcast v3, $0x0;
	[tilespmem:v21+s20+$0x0] =	vst.idx.msk $0xffff, v10;
	v10 =	vld [tilespmem:s29+$0xB0]  }
0x15c: {  	s28 =	sadd.s32 $0x7, s0;
	v56 =	vmov s15;
	v4 =	vadd.s32 v40, v4;
	[tilespmem:v44+s20+$0x0] =	vst.idx.msk $0xffff, v35;
	v53 =	vld [tilespmem:s29+$0xFFFFFFB0]  }
0x15d: {  	v16 =	vshrl.u32 v56, $0x3;
	v49 =	vmov s28;
	v11 =	vadd.s32 v47, v3;
	[tilespmem:v23+s20+$0x0] =	vst.idx.msk $0xffff, v22;
	v35 =	vld [tilespmem:s26+$0xC0]  }
0x15e: {  	v16 =	vshll.u32 v16, v9;
	v14 =	vadd.s32 v58, v14;
	v13 =	vshrl.u32 v49, $0x3;
	[tilespmem:v33+s20+$0x0] =	vst.idx.msk $0xffff, v32;
	v22 =	vld [tilespmem:s12+$0xB0]  }
0x15f: {  	s31 =	sadd.s32 $0x3, s0;
	v6 =	vadd.s32 v40, v6;
	v13 =	vshll.u32 v13, v9;
	[tilespmem:v46+s20+$0x0] =	vst.idx.msk $0xffff, v45;
	v32 =	vld [tilespmem:s12+$0xFFFFFFB0]  }
0x160: {  	s13 =	sadd.s32 $0x3, s30;
	s1 =	sadd.s32 $0x7, s30;
	v8 =	vbroadcast v16, $0x0;
	v13 =	vbroadcast v13, $0x0;
	v21 =	vmov s31;
	[tilespmem:v48+s20+$0x0] =	vst.idx.msk $0xffff, v10  }
0x161: {  	v40 =	vmov s13;
	v7 =	vshrl.u32 v21, $0x3;
	v33 =	vmov s1;
	[tilespmem:v4+s20+$0x0] =	vst.idx.msk $0xffff, v53  }
0x162: {  	v46 =	vadd.s32 v47, v13;
	v44 =	vld [tilespmem:s26+$0xFFFFFFC0];
	v23 =	vshll.u32 v7, v9;
	v7 =	vshrl.u32 v33, $0x3;
	[tilespmem:v11+s20+$0x0] =	vst.idx.msk $0xffff, v35  }
0x163: {  	v0 =	vbroadcast v23, $0x0;
	v7 =	vshll.u32 v7, v9;
	v10 =	vshrl.u32 v40, $0x3;
	v45 =	vld [tilespmem:s29+$0xC0];
	[tilespmem:v14+s20+$0x0] =	vst.idx.msk $0xffff, v22  }
0x164: {  	v15 =	vadd.s32 v20, v8;
	v7 =	vbroadcast v7, $0x0;
	v10 =	vshll.u32 v10, v9;
	v48 =	vld [tilespmem:s29+$0xFFFFFFC0];
	[tilespmem:v6+s20+$0x0] =	vst.idx.msk $0xffff, v32  }
0x165: {  	v49 =	vadd.s32 v20, v0;
	v10 =	vbroadcast v10, $0x0;
	v19 =	vld [tilespmem:$0x1FDC0]  }
0x166: {  	v54 =	vadd.s32 v47, v7;
	v53 =	vld [tilespmem:s12+$0xC0]  }
0x167: {  	v55 =	vld [tilespmem:s12+$0xFFFFFFC0];
	v11 =	vadd.s32 v20, v10  }
0x168: {  	v56 =	vmov v58;
	v21 =	vadd.s32 v50, v3;
	v58 =	vld [tilespmem:s26+$0xD0];
	[tilespmem:v46+s20+$0x0] =	vst.idx.msk $0xffff, v45  }
0x169: {  	v32 =	vadd.s32 v50, v13;
	[tilespmem:v15+s20+$0x0] =	vst.idx.msk $0xffff, v44;
	v4 =	vld [tilespmem:s29+$0xD0]  }
0x16a: {  	v22 =	vld [tilespmem:s26+$0xFFFFFFD0];
	[tilespmem:v49+s20+$0x0] =	vst.idx.msk $0xffff, v48;
	v23 =	vadd.s32 v19, v8  }
0x16b: {  	v12 =	vld [tilespmem:s29+$0xFFFFFFD0];
	v33 =	vadd.s32 v19, v0;
	[tilespmem:v54+s20+$0x0] =	vst.idx.msk $0xffff, v53  }
0x16c: {  	v40 =	vadd.s32 v50, v7;
	[tilespmem:v11+s20+$0x0] =	vst.idx.msk $0xffff, v55;
	v35 =	vld [tilespmem:s12+$0xD0]  }
0x16d: {  	[tilespmem:v21+s20+$0x0] =	vst.idx.msk $0xffff, v58;
	v11 =	vadd.s32 v19, v10;
	v44 =	vld [tilespmem:s12+$0xFFFFFFD0]  }
0x16e: {  	v45 =	vadd.s32 v57, v3;
	v14 =	vld [tilespmem:s26+$0xE0];
	[tilespmem:v32+s20+$0x0] =	vst.idx.msk $0xffff, v4  }
0x16f: {  	v47 =	vadd.s32 v57, v13;
	[tilespmem:v23+s20+$0x0] =	vst.idx.msk $0xffff, v22;
	v4 =	vld [tilespmem:s29+$0xE0]  }
0x170: {  	v46 =	vadd.s32 v51, v8;
	[tilespmem:v33+s20+$0x0] =	vst.idx.msk $0xffff, v12;
	v17 =	vld [tilespmem:s26+$0xFFFFFFE0]  }
0x171: {  	v49 =	vadd.s32 v51, v0;
	v12 =	vld [tilespmem:s29+$0xFFFFFFE0];
	[tilespmem:v40+s20+$0x0] =	vst.idx.msk $0xffff, v35  }
0x172: {  	v48 =	vmov v50;
	v50 =	vadd.s32 v57, v7;
	[tilespmem:v11+s20+$0x0] =	vst.idx.msk $0xffff, v44;
	v1 =	vld [tilespmem:s12+$0xE0]  }
0x173: {  	[tilespmem:v45+s20+$0x0] =	vst.idx.msk $0xffff, v14;
	v11 =	vadd.s32 v51, v10;
	v6 =	vld [tilespmem:s12+$0xFFFFFFE0]  }
0x174: {  	v3 =	vadd.s32 v34, v3;
	v14 =	vld [tilespmem:s26+$0xF0];
	[tilespmem:v47+s20+$0x0] =	vst.idx.msk $0xffff, v4  }
0x175: {  	v53 =	vadd.s32 v34, v13;
	[tilespmem:v46+s20+$0x0] =	vst.idx.msk $0xffff, v17;
	v4 =	vld [tilespmem:s29+$0xF0]  }
0x176: {  	v8 =	vadd.s32 v27, v8;
	[tilespmem:v49+s20+$0x0] =	vst.idx.msk $0xffff, v12;
	v51 =	vld [tilespmem:s26+$0xFFFFFFF0]  }
0x177: {  	v0 =	vadd.s32 v27, v0;
	v12 =	vld [tilespmem:s29+$0xFFFFFFF0];
	[tilespmem:v50+s20+$0x0] =	vst.idx.msk $0xffff, v1  }
0x178: {  	v54 =	vadd.s32 v34, v7;
	[tilespmem:v11+s20+$0x0] =	vst.idx.msk $0xffff, v6;
	v1 =	vld [tilespmem:s12+$0xF0]  }
0x179: {  	v58 =	vadd.s32 v27, v10;
	v55 =	vmov v57;
	[tilespmem:v3+s20+$0x0] =	vst.idx.msk $0xffff, v14;
	v57 =	vld [tilespmem:s12+$0xFFFFFFF0]  }
0x17a: {  	[tilespmem:v53+s20+$0x0] =	vst.idx.msk $0xffff, v4  }
0x17b: {  	s14 =	sshll.u32 s24, $0x14;
	[tilespmem:v8+s20+$0x0] =	vst.idx.msk $0xffff, v51  }
0x17c: {  	s0 =	sor.u32 s6, s14;
	[tilespmem:v0+s20+$0x0] =	vst.idx.msk $0xffff, v12  }
0x17d: {  	s26 =	sshrl.u32 s0, $0x3;
	[tilespmem:v54+s20+$0x0] =	vst.idx.msk $0xffff, v1  }
0x17e: {  	s15 =	simm.s32 $0x14800;
	s1 =	sadd.s32 s2, s26;
	[tilespmem:v58+s20+$0x0] =	vst.idx.msk $0xffff, v57  }
0x17f: {  	[hbm4b:s1+s3] =	stream.linear.scatter [tilespmem:s15], [sflag:$0x2], $0x80, $0x38;
	[tilespmem:$0x18C00] =	vst v63  }
0x180: {  	s28 =	simm.s32 $0x14888;
	s29 =	sadd.s32 $0x10, s1  }
0x181: {  	[hbm4b:s29+s3] =	stream.linear.scatter [tilespmem:s28], [sflag:$0x2], $0x80, $0x38;
	[tilespmem:$0x18C00] =	vst v63  }
0x182: {  	s30 =	simm.s32 $0x14910;
	s14 =	simm.s32 $0x14A20;
	s31 =	sadd.s32 $0x20, s1  }
0x183: {  	[hbm4b:s31+s3] =	stream.linear.scatter [tilespmem:s30], [sflag:$0x2], $0x80, $0x38;
	[tilespmem:$0x18C00] =	vst v63  }
0x184: {  	s0 =	simm.s32 $0x440;
	s12 =	simm.s32 $0x14998;
	s13 =	sadd.s32 $0x30, s1  }
0x185: {  	[hbm4b:s13+s3] =	stream.linear.scatter [tilespmem:s12], [sflag:$0x2], $0x80, $0x38;
	[tilespmem:$0x18C00] =	vst v63  }
0x186: {  	s15 =	sadd.s32 $0x40, s1;
	s28 =	simm.s32 $0x14AA8;
	s29 =	sadd.s32 $0x50, s1  }
0x187: {  	[hbm4b:s15+s3] =	stream.linear.scatter [tilespmem:s14], [sflag:$0x2], $0x80, $0x38;
	[tilespmem:$0x18C00] =	vst v63  }
0x188: {  	s30 =	simm.s32 $0x14B30;
	s31 =	sadd.s32 $0x60, s1;
	s12 =	simm.s32 $0x2200  }
0x189: {  	[hbm4b:s29+s3] =	stream.linear.scatter [tilespmem:s28], [sflag:$0x2], $0x80, $0x38;
	[tilespmem:$0x18C00] =	vst v63  }
0x18a: {  	s13 =	simm.s32 $0x14BB8;
	s14 =	sadd.s32 $0x70, s1;
	s1 =	sadd.s32 $0x1000, s1  }
0x18b: {  	[hbm4b:s31+s3] =	stream.linear.scatter [tilespmem:s30], [sflag:$0x2], $0x80, $0x38;
	[tilespmem:$0x18C00] =	vst v63  }
.LBB2_7:
0x18c: {  	[hbm4b:s14+s3] =	stream.linear.scatter [tilespmem:s13], [sflag:$0x2], $0x80, $0x38;
	[tilespmem:$0x18C00] =	vst v63  }
0x18d: {  	s13 =	smov.u32 s0;
	s0 =	smov.u32 s12  }
0x18e: {  	s28 =	sadd.s32 $0x1100, s12;
	s0 =	sshra.s32 s0, $0x2;
	s14 =	sadd.s32 $0x14800, s13  }
0x18f: {  	[hbm4b:s1+s3] =	stream.linear.scatter [tilespmem:s14], [sflag:$0x2], $0x80, $0x38;
	[tilespmem:$0x18C00] =	vst v63  }
0x190: {  	p0 =	sne.s32 s12, $0x7700;
	s12 =	sadd.s32 $0x14888, s13;
	s14 =	sadd.s32 $0x10, s1  }
0x191: {  	[hbm4b:s14+s3] =	stream.linear.scatter [tilespmem:s12], [sflag:$0x2], $0x80, $0x38;
	[tilespmem:$0x18C00] =	vst v63  }
0x192: {  	s12 =	sadd.s32 $0x14910, s13;
	s14 =	sadd.s32 $0x20, s1  }
0x193: {  	[hbm4b:s14+s3] =	stream.linear.scatter [tilespmem:s12], [sflag:$0x2], $0x80, $0x38;
	[tilespmem:$0x18C00] =	vst v63  }
0x194: {  	s12 =	sadd.s32 $0x14998, s13;
	s14 =	sadd.s32 $0x30, s1  }
0x195: {  	[hbm4b:s14+s3] =	stream.linear.scatter [tilespmem:s12], [sflag:$0x2], $0x80, $0x38;
	[tilespmem:$0x18C00] =	vst v63  }
0x196: {  	s12 =	sadd.s32 $0x14A20, s13;
	s14 =	sadd.s32 $0x40, s1  }
0x197: {  	[hbm4b:s14+s3] =	stream.linear.scatter [tilespmem:s12], [sflag:$0x2], $0x80, $0x38;
	[tilespmem:$0x18C00] =	vst v63  }
.Ltmp2:
0x198: {  	s12 =	sadd.s32 $0x14AA8, s13;
	s14 =	sadd.s32 $0x50, s1;
	(pc) =	sbr.rel @p0 .LBB2_7-.Ltmp2, $4  }
0x199: {  	[hbm4b:s14+s3] =	stream.linear.scatter [tilespmem:s12], [sflag:$0x2], $0x80, $0x38;
	[tilespmem:$0x18C00] =	vst v63  }
0x19a: {  	s12 =	sadd.s32 $0x14B30, s13;
	s14 =	sadd.s32 $0x60, s1;
	s13 =	sadd.s32 $0x14BB8, s13  }
0x19b: {  	[hbm4b:s14+s3] =	stream.linear.scatter [tilespmem:s12], [sflag:$0x2], $0x80, $0x38;
	[tilespmem:$0x18C00] =	vst v63  }
0x19c: {  	s14 =	sadd.s32 $0x70, s1;
	s1 =	sadd.s32 $0x1000, s1;
	s12 =	smov.u32 s28  }
0x19d: {  	[hbm4b:s14+s3] =	stream.linear.scatter [tilespmem:s13], [sflag:$0x2], $0x80, $0x38;
	[tilespmem:$0x18C00] =	vst v63  }
0x19e: {  	s12 =	sadd.s32 $0x14800, s0  }
0x19f: {  	[hbm4b:s1+s3] =	stream.linear.scatter [tilespmem:s12], [sflag:$0x2], $0x80, $0x38;
	[tilespmem:$0x18C00] =	vst v63  }
0x1a0: {  	s14 =	sadd.s32 $0x14888, s0;
	s15 =	sadd.s32 $0x10, s1  }
0x1a1: {  	[hbm4b:s15+s3] =	stream.linear.scatter [tilespmem:s14], [sflag:$0x2], $0x80, $0x38;
	[tilespmem:$0x18C00] =	vst v63  }
0x1a2: {  	s14 =	sadd.s32 $0x14910, s0;
	s15 =	sadd.s32 $0x20, s1  }
0x1a3: {  	[hbm4b:s15+s3] =	stream.linear.scatter [tilespmem:s14], [sflag:$0x2], $0x80, $0x38;
	[tilespmem:$0x18C00] =	vst v63  }
0x1a4: {  	s14 =	sadd.s32 $0x14998, s0;
	s15 =	sadd.s32 $0x30, s1  }
0x1a5: {  	[hbm4b:s15+s3] =	stream.linear.scatter [tilespmem:s14], [sflag:$0x2], $0x80, $0x38;
	[tilespmem:$0x18C00] =	vst v63  }
0x1a6: {  	s14 =	sadd.s32 $0x14A20, s0;
	s15 =	sadd.s32 $0x40, s1  }
0x1a7: {  	[hbm4b:s15+s3] =	stream.linear.scatter [tilespmem:s14], [sflag:$0x2], $0x80, $0x38;
	[tilespmem:$0x18C00] =	vst v63  }
0x1a8: {  	s14 =	sadd.s32 $0x14AA8, s0;
	s15 =	sadd.s32 $0x50, s1  }
0x1a9: {  	[hbm4b:s15+s3] =	stream.linear.scatter [tilespmem:s14], [sflag:$0x2], $0x80, $0x38;
	[tilespmem:$0x18C00] =	vst v63  }
0x1aa: {  	s14 =	sadd.s32 $0x14B30, s0;
	s15 =	sadd.s32 $0x60, s1  }
0x1ab: {  	[hbm4b:s15+s3] =	stream.linear.scatter [tilespmem:s14], [sflag:$0x2], $0x80, $0x38;
	[tilespmem:$0x18C00] =	vst v63  }
0x1ac: {  	p0 =	seq.s32 s24, $0x31;
	s14 =	sadd.s32 $0x14BB8, s0;
	s15 =	sadd.s32 $0x70, s1  }
0x1ad: {  	[hbm4b:s15+s3] =	stream.linear.scatter [tilespmem:s14], [sflag:$0x2], $0x80, $0x38;
	[tilespmem:$0x18C00] =	vst v63  }
0x1ae: {  	s0 =	sshll.u32 @!p0 s24, $0x9;
	_ =	swait.ge [sflag:s18], $0x2000  }
0x1af: {  	s12 =	simm.s32 @!p0 $0xC800;
	s28 =	sand.u32 @!p0 $0x3FFFFE00, s0;
	[sflag:s18] =	ssyncset.done $0x0  }
0x1b0: {  	s1 =	simm.s32 @!p0 $0x80;
	s0 =	sadd.s32 @!p0 $0x6600, s28;
	[sflag:s18] =	ssyncadd.s32 $0xFFFFE000  }
0x1b1: {  	[tilespmem:s12], [sflag:$0x1] =	stream.indirect.gather @!p0 [hbm4b:s4+s1], $0x40, s0, s1, $0xb8;
	[tilespmem:$0x18C00] =	vst v63  }
0x1b2: {  	s1 =	simm.s32 $0x4  }
0x1b3: {  	p1 =	seq.s32 @!p0 s24, $0x0;
	v45 =	vld [tilespmem:$0x1FFC0];
	s12 =	simm.s32 $0x0;
	v0 =	vmov s1  }
0x1b4: {  	p1 =	por p0, !p1;
	v49 =	vld [tilespmem:$0x1FFE0];
	v1 =	vmov s12;
	v0 =	vshrl.u32 v0, $0x3  }
0x1b5: {  	v51 =	vld [tilespmem:$0x1FFF0];
	_ =	swait.ge @p1 [sflag:s21], $0x2000;
	v1 =	vshrl.u32 v1, $0x3;
	v0 =	vshll.u32 v0, v9  }
0x1b6: {  	[sflag:s21] =	ssyncset.done @p1 $0x0;
	v1 =	vshll.u32 v1, v9;
	v0 =	vbroadcast v0, $0x0  }
0x1b7: {  	s30 =	simm.s32 $0xE9F0;
	[sflag:s21] =	ssyncadd.s32 @p1 $0xFFFFE000;
	v1 =	vbroadcast v1, $0x0  }
0x1b8: {  	v2 =	vld [tilespmem:s30+$0xFFFFFF10];
	v3 =	vadd.s32 v45, v0  }
0x1b9: {  	v4 =	vld [tilespmem:s30+$0xFFFFFE10];
	v5 =	vadd.s32 v41, v1;
	_ =	sdelay $0x3  }
0x1ba: {  	[tilespmem:v3+s20+$0x0] =	vst.idx.msk $0xffff, v2  }
0x1bb: {  	[tilespmem:v5+s20+$0x0] =	vst.idx.msk $0xffff, v4  }
0x1bc: {  	v47 =	vld [tilespmem:$0x1FFD0];
	_ =	sdelay $0x3  }
0x1bd: {  	v5 =	vadd.s32 v42, v1;
	v4 =	vld [tilespmem:s30+$0xFFFFFE20]  }
0x1be: {  	v2 =	vld [tilespmem:s30+$0xFFFFFF20];
	v3 =	vadd.s32 v47, v0;
	_ =	sdelay $0x3  }
0x1bf: {  	[tilespmem:v5+s20+$0x0] =	vst.idx.msk $0xffff, v4  }
0x1c0: {  	v5 =	vadd.s32 v43, v1;
	v4 =	vld [tilespmem:s30+$0xFFFFFE30];
	[tilespmem:v3+s20+$0x0] =	vst.idx.msk $0xffff, v2  }
0x1c1: {  	v3 =	vadd.s32 v49, v0;
	v2 =	vld [tilespmem:s30+$0xFFFFFF30];
	_ =	sdelay $0x3  }
0x1c2: {  	[tilespmem:v5+s20+$0x0] =	vst.idx.msk $0xffff, v4  }
0x1c3: {  	s14 =	simm.s32 $0x1;
	v1 =	vadd.s32 v59, v1;
	[tilespmem:v3+s20+$0x0] =	vst.idx.msk $0xffff, v2;
	v3 =	vld [tilespmem:s30+$0xFFFFFE40]  }
0x1c4: {  	s13 =	simm.s32 $0x5;
	v0 =	vadd.s32 v51, v0;
	v5 =	vmov s14;
	v2 =	vld [tilespmem:s30+$0xFFFFFF40]  }
0x1c5: {  	v4 =	vmov s13;
	v5 =	vshrl.u32 v5, $0x3  }
0x1c6: {  	v4 =	vshrl.u32 v4, $0x3;
	v5 =	vshll.u32 v5, v9  }
0x1c7: {  	v4 =	vshll.u32 v4, v9;
	v5 =	vbroadcast v5, $0x0  }
0x1c8: {  	v4 =	vbroadcast v4, $0x0;
	[tilespmem:v1+s20+$0x0] =	vst.idx.msk $0xffff, v3  }
0x1c9: {  	v3 =	vadd.s32 v60, v5;
	[tilespmem:v0+s20+$0x0] =	vst.idx.msk $0xffff, v2;
	v2 =	vld [tilespmem:s30+$0xFFFFFE50]  }
0x1ca: {  	v1 =	vadd.s32 v61, v4;
	v0 =	vld [tilespmem:s30+$0xFFFFFF50];
	_ =	sdelay $0x3  }
0x1cb: {  	s15 =	simm.s32 $0xC;
	[tilespmem:v3+s20+$0x0] =	vst.idx.msk $0xffff, v2  }
0x1cc: {  	v6 =	vmov s15;
	[tilespmem:v1+s20+$0x0] =	vst.idx.msk $0xffff, v0  }
0x1cd: {  	v6 =	vshrl.u32 v6, $0x3;
	v31 =	vld [tilespmem:$0x1FC60]  }
0x1ce: {  	v6 =	vshll.u32 v6, v9  }
0x1cf: {  	s1 =	simm.s32 $0x8;
	v1 =	vbroadcast v6, $0x0  }
0x1d0: {  	s29 =	simm.s32 $0xEBF0;
	v7 =	vmov s1;
	v3 =	vadd.s32 v62, v4;
	v2 =	vld [tilespmem:s30+$0xFFFFFF60]  }
0x1d1: {  	v7 =	vshrl.u32 v7, $0x3;
	v8 =	vld [tilespmem:s29+$0xFFFFFF10];
	v10 =	vadd.s32 v45, v1  }
0x1d2: {  	v0 =	vshll.u32 v7, v9;
	v6 =	vld [tilespmem:s30+$0xFFFFFE60];
	v7 =	vadd.s32 v31, v5;
	_ =	sdelay $0x2  }
0x1d3: {  	[tilespmem:v3+s20+$0x0] =	vst.idx.msk $0xffff, v2  }
0x1d4: {  	[tilespmem:v10+s20+$0x0] =	vst.idx.msk $0xffff, v8  }
0x1d5: {  	[tilespmem:v7+s20+$0x0] =	vst.idx.msk $0xffff, v6  }
0x1d6: {  	v0 =	vbroadcast v0, $0x0;
	v32 =	vld [tilespmem:$0x1FC70];
	_ =	sdelay $0x1  }
0x1d7: {  	v11 =	vld [tilespmem:s29+$0xFFFFFE10];
	v12 =	vadd.s32 v41, v0  }
0x1d8: {  	v3 =	vadd.s32 v63, v4;
	v2 =	vld [tilespmem:s30+$0xFFFFFF70]  }
0x1d9: {  	v10 =	vadd.s32 v47, v1;
	v8 =	vld [tilespmem:s29+$0xFFFFFF20]  }
0x1da: {  	v6 =	vld [tilespmem:s30+$0xFFFFFE70];
	v7 =	vadd.s32 v32, v5;
	_ =	sdelay $0x1  }
0x1db: {  	[tilespmem:v12+s20+$0x0] =	vst.idx.msk $0xffff, v11  }
0x1dc: {  	[tilespmem:v3+s20+$0x0] =	vst.idx.msk $0xffff, v2  }
0x1dd: {  	[tilespmem:v10+s20+$0x0] =	vst.idx.msk $0xffff, v8  }
0x1de: {  	v12 =	vadd.s32 v42, v0;
	v11 =	vld [tilespmem:s29+$0xFFFFFE20];
	[tilespmem:v7+s20+$0x0] =	vst.idx.msk $0xffff, v6  }
0x1df: {  	v33 =	vld [tilespmem:$0x1FC80];
	_ =	sdelay $0x1  }
0x1e0: {  	v3 =	vadd.s32 $0x3B85, v25  }
0x1e1: {  	v2 =	vld [tilespmem:s30+$0xFFFFFF80];
	v4 =	vadd.s32 v3, v4  }
0x1e2: {  	v10 =	vld [tilespmem:s29+$0xFFFFFF30];
	[tilespmem:v12+s20+$0x0] =	vst.idx.msk $0xffff, v11;
	v11 =	vadd.s32 v49, v1  }
0x1e3: {  	v6 =	vld [tilespmem:s30+$0xFFFFFE80];
	v5 =	vadd.s32 v33, v5;
	_ =	sdelay $0x2  }
0x1e4: {  	[tilespmem:v4+s20+$0x0] =	vst.idx.msk $0xffff, v2  }
0x1e5: {  	s12 =	simm.s32 $0x6;
	[tilespmem:v11+s20+$0x0] =	vst.idx.msk $0xffff, v10  }
0x1e6: {  	s13 =	simm.s32 $0x2;
	v7 =	vmov s12;
	[tilespmem:v5+s20+$0x0] =	vst.idx.msk $0xffff, v6  }
0x1e7: {  	v8 =	vmov s13;
	v7 =	vshrl.u32 v7, $0x3;
	v35 =	vld [tilespmem:$0x1FC90]  }
0x1e8: {  	v8 =	vshrl.u32 v8, $0x3;
	v7 =	vshll.u32 v7, v9  }
0x1e9: {  	v13 =	vadd.s32 v43, v0;
	v8 =	vshll.u32 v8, v9;
	v12 =	vld [tilespmem:s29+$0xFFFFFE30];
	v14 =	vbroadcast v7, $0x0  }
0x1ea: {  	v8 =	vbroadcast v8, $0x0;
	v4 =	vadd.s32 $0x2206, v25;
	v1 =	vadd.s32 v51, v1;
	v11 =	vld [tilespmem:s29+$0xFFFFFF40]  }
0x1eb: {  	v2 =	vld [tilespmem:s30+$0xFFFFFF90];
	v5 =	vadd.s32 v4, v14  }
0x1ec: {  	v6 =	vld [tilespmem:s30+$0xFFFFFE90];
	v10 =	vadd.s32 v35, v8;
	_ =	sdelay $0x1  }
0x1ed: {  	[tilespmem:v13+s20+$0x0] =	vst.idx.msk $0xffff, v12  }
0x1ee: {  	[tilespmem:v1+s20+$0x0] =	vst.idx.msk $0xffff, v11  }
0x1ef: {  	s14 =	simm.s32 $0xD;
	[tilespmem:v5+s20+$0x0] =	vst.idx.msk $0xffff, v2  }
0x1f0: {  	v0 =	vadd.s32 v59, v0;
	v7 =	vmov s14;
	v12 =	vld [tilespmem:s29+$0xFFFFFE40];
	[tilespmem:v10+s20+$0x0] =	vst.idx.msk $0xffff, v6  }
0x1f1: {  	v7 =	vshrl.u32 v7, $0x3;
	v34 =	vld [tilespmem:$0x1FCA0]  }
0x1f2: {  	v15 =	vshll.u32 v7, v9  }
0x1f3: {  	v7 =	vadd.s32 $0x2A86, v25;
	v5 =	vbroadcast v15, $0x0  }
0x1f4: {  	v6 =	vld [tilespmem:s30+$0xFFFFFFA0];
	v10 =	vadd.s32 v7, v14  }
0x1f5: {  	[tilespmem:v0+s20+$0x0] =	vst.idx.msk $0xffff, v12;
	v0 =	vld [tilespmem:s29+$0xFFFFFF50];
	v12 =	vadd.s32 v61, v5  }
0x1f6: {  	v1 =	vld [tilespmem:s30+$0xFFFFFEA0];
	v11 =	vadd.s32 v34, v8  }
0x1f7: {  	s15 =	simm.s32 $0x9  }
0x1f8: {  	v13 =	vmov s15  }
0x1f9: {  	v13 =	vshrl.u32 v13, $0x3;
	[tilespmem:v10+s20+$0x0] =	vst.idx.msk $0xffff, v6  }
0x1fa: {  	v2 =	vshll.u32 v13, v9;
	[tilespmem:v12+s20+$0x0] =	vst.idx.msk $0xffff, v0  }
0x1fb: {  	v15 =	vbroadcast v2, $0x0;
	[tilespmem:v11+s20+$0x0] =	vst.idx.msk $0xffff, v1  }
0x1fc: {  	v26 =	vld [tilespmem:$0x1FF20]  }
0x1fd: {  	v16 =	vadd.s32 v60, v15;
	v13 =	vld [tilespmem:s29+$0xFFFFFE50]  }
0x1fe: {  	s13 =	simm.s32 $0x14  }
0x1ff: {  	s0 =	simm.s32 $0x10;
	v17 =	vmov s13;
	v2 =	vadd.s32 $0x3306, v25  }
0x200: {  	v6 =	vmov s0;
	v10 =	vshrl.u32 v17, $0x3;
	v1 =	vld [tilespmem:s30+$0xFFFFFFB0];
	v11 =	vadd.s32 v2, v14  }
0x201: {  	v6 =	vshrl.u32 v6, $0x3;
	v10 =	vshll.u32 v10, v9;
	v12 =	vld [tilespmem:s30+$0xFFFFFEB0];
	v17 =	vadd.s32 v26, v8  }
0x202: {  	v0 =	vshll.u32 v6, v9;
	v20 =	vbroadcast v10, $0x0;
	v10 =	vld [tilespmem:s29+$0xFFFFFF60];
	[tilespmem:v16+s20+$0x0] =	vst.idx.msk $0xffff, v13;
	v13 =	vadd.s32 v62, v5  }
0x203: {  	s31 =	simm.s32 $0xEDF0;
	v19 =	vadd.s32 v31, v15;
	v16 =	vbroadcast v0, $0x0;
	v18 =	vld [tilespmem:s29+$0xFFFFFE60]  }
0x204: {  	v6 =	vld [tilespmem:s31+$0xFFFFFF10];
	v21 =	vadd.s32 v45, v20  }
0x205: {  	v22 =	vld [tilespmem:s31+$0xFFFFFE10];
	v0 =	vadd.s32 $0x3B86, v25;
	v23 =	vadd.s32 v41, v16;
	[tilespmem:v11+s20+$0x0] =	vst.idx.msk $0xffff, v1  }
0x206: {  	s14 =	simm.s32 $0x7;
	v11 =	vadd.s32 v0, v14;
	v1 =	vld [tilespmem:s30+$0xFFFFFFC0];
	[tilespmem:v17+s20+$0x0] =	vst.idx.msk $0xffff, v12  }
0x207: {  	s15 =	simm.s32 $0x3;
	[tilespmem:v13+s20+$0x0] =	vst.idx.msk $0xffff, v10;
	v8 =	vadd.s32 v36, v8;
	v12 =	vmov s14;
	v10 =	vld [tilespmem:s30+$0xFFFFFEC0]  }
0x208: {  	v24 =	vadd.s32 v63, v5;
	v13 =	vmov s15;
	[tilespmem:v19+s20+$0x0] =	vst.idx.msk $0xffff, v18;
	v14 =	vld [tilespmem:s29+$0xFFFFFF70];
	v12 =	vshrl.u32 v12, $0x3  }
0x209: {  	[tilespmem:v21+s20+$0x0] =	vst.idx.msk $0xffff, v6;
	v19 =	vadd.s32 v32, v15;
	v13 =	vshrl.u32 v13, $0x3;
	v18 =	vld [tilespmem:s29+$0xFFFFFE70];
	v12 =	vshll.u32 v12, v9  }
0x20a: {  	v21 =	vadd.s32 v47, v20;
	v6 =	vld [tilespmem:s31+$0xFFFFFF20];
	[tilespmem:v23+s20+$0x0] =	vst.idx.msk $0xffff, v22;
	v13 =	vshll.u32 v13, v9;
	v17 =	vbroadcast v12, $0x0  }
0x20b: {  	v22 =	vadd.s32 v42, v16;
	v13 =	vbroadcast v13, $0x0;
	[tilespmem:v11+s20+$0x0] =	vst.idx.msk $0xffff, v1;
	v1 =	vadd.s32 $0x2207, v25;
	v12 =	vld [tilespmem:s31+$0xFFFFFE20]  }
0x20c: {  	[tilespmem:v8+s20+$0x0] =	vst.idx.msk $0xffff, v10;
	v8 =	vld [tilespmem:s30+$0xFFFFFFD0];
	v10 =	vadd.s32 v1, v17  }
0x20d: {  	v23 =	vadd.s32 v37, v13;
	[tilespmem:v24+s20+$0x0] =	vst.idx.msk $0xffff, v14;
	v27 =	vld [tilespmem:s30+$0xFFFFFED0]  }
0x20e: {  	s15 =	simm.s32 $0xE;
	s14 =	simm.s32 $0xA;
	[tilespmem:v19+s20+$0x0] =	vst.idx.msk $0xffff, v18;
	v18 =	vld [tilespmem:s29+$0xFFFFFF80];
	v19 =	vadd.s32 v3, v5  }
0x20f: {  	v15 =	vadd.s32 v33, v15;
	[tilespmem:v21+s20+$0x0] =	vst.idx.msk $0xffff, v6;
	v11 =	vmov s15;
	v5 =	vmov s14;
	v14 =	vld [tilespmem:s29+$0xFFFFFE80]  }
0x210: {  	v21 =	vld [tilespmem:s31+$0xFFFFFF30];
	[tilespmem:v22+s20+$0x0] =	vst.idx.msk $0xffff, v12;
	v22 =	vadd.s32 v49, v20;
	v12 =	vshrl.u32 v5, $0x3;
	v5 =	vshrl.u32 v11, $0x3  }
0x211: {  	v6 =	vadd.s32 v43, v16;
	v24 =	vld [tilespmem:s31+$0xFFFFFE30];
	v11 =	vshll.u32 v5, v9;
	v5 =	vadd.s32 $0x2A87, v25;
	[tilespmem:v10+s20+$0x0] =	vst.idx.msk $0xffff, v8  }
0x212: {  	v11 =	vbroadcast v11, $0x0;
	v8 =	vshll.u32 v12, v9;
	[tilespmem:v23+s20+$0x0] =	vst.idx.msk $0xffff, v27;
	v10 =	vld [tilespmem:s30+$0xFFFFFFE0];
	v23 =	vadd.s32 v5, v17  }
0x213: {  	[tilespmem:v19+s20+$0x0] =	vst.idx.msk $0xffff, v18;
	v19 =	vadd.s32 v38, v13;
	v12 =	vbroadcast v8, $0x0;
	v18 =	vld [tilespmem:s30+$0xFFFFFEE0]  }
0x214: {  	[tilespmem:v15+s20+$0x0] =	vst.idx.msk $0xffff, v14;
	v14 =	vld [tilespmem:s29+$0xFFFFFF90];
	v15 =	vadd.s32 v4, v11  }
0x215: {  	[tilespmem:v22+s20+$0x0] =	vst.idx.msk $0xffff, v21;
	v21 =	vld [tilespmem:s29+$0xFFFFFE90];
	v22 =	vadd.s32 v35, v12  }
0x216: {  	v20 =	vadd.s32 v51, v20;
	[tilespmem:v6+s20+$0x0] =	vst.idx.msk $0xffff, v24;
	v6 =	vld [tilespmem:s31+$0xFFFFFF40]  }
0x217: {  	v28 =	vadd.s32 v59, v16;
	v8 =	vadd.s32 $0x3307, v25;
	v27 =	vld [tilespmem:s31+$0xFFFFFE40];
	[tilespmem:v23+s20+$0x0] =	vst.idx.msk $0xffff, v10  }
0x218: {  	v16 =	vadd.s32 v8, v17;
	[tilespmem:v19+s20+$0x0] =	vst.idx.msk $0xffff, v18;
	v24 =	vld [tilespmem:s30+$0xFFFFFFF0]  }
0x219: {  	v40 =	vadd.s32 v39, v13;
	[tilespmem:v15+s20+$0x0] =	vst.idx.msk $0xffff, v14;
	v29 =	vld [tilespmem:s30+$0xFFFFFEF0]  }
0x21a: {  	[tilespmem:v22+s20+$0x0] =	vst.idx.msk $0xffff, v21  }
0x21b: {  	s15 =	simm.s32 $0x11;
	s14 =	simm.s32 $0x15;
	[tilespmem:v20+s20+$0x0] =	vst.idx.msk $0xffff, v6  }
0x21c: {  	v10 =	vmov s14;
	v18 =	vmov s15;
	v19 =	vld [tilespmem:s29+$0xFFFFFFA0];
	[tilespmem:v28+s20+$0x0] =	vst.idx.msk $0xffff, v27  }
0x21d: {  	v10 =	vshrl.u32 v10, $0x3;
	v14 =	vshrl.u32 v18, $0x3;
	v18 =	vld [tilespmem:s29+$0xFFFFFEA0];
	[tilespmem:v16+s20+$0x0] =	vst.idx.msk $0xffff, v24  }
0x21e: {  	v10 =	vshll.u32 v10, v9;
	v6 =	vld [tilespmem:s31+$0xFFFFFF50];
	[tilespmem:v40+s20+$0x0] =	vst.idx.msk $0xffff, v29  }
0x21f: {  	v21 =	vadd.s32 v7, v11;
	v14 =	vshll.u32 v14, v9;
	v15 =	vbroadcast v10, $0x0;
	v54 =	vld [tilespmem:$0x1FCB0]  }
0x220: {  	v20 =	vadd.s32 v34, v12;
	v14 =	vbroadcast v14, $0x0;
	v22 =	vld [tilespmem:s31+$0xFFFFFE50]  }
0x221: {  	v53 =	vmovc v30;
	v58 =	vmov v56;
	v10 =	vadd.s32 $0x3B87, v25;
	v23 =	vadd.s32 v61, v15;
	v16 =	vld [tilespmem:s30+$0x0]  }
0x222: {  	v56 =	vmovc v48;
	v50 =	vmovc v52;
	v57 =	vmov v55;
	v17 =	vadd.s32 v10, v17;
	v24 =	vadd.s32 v60, v14;
	v44 =	vld [tilespmem:$0x1FDF0]  }
0x223: {  	s13 =	simm.s32 $0x20;
	s12 =	simm.s32 $0x18;
	s14 =	simm.s32 $0x1C;
	v40 =	vmovc v39;
	v39 =	vmovc v38;
	v38 =	vmov v37;
	v37 =	vmov v36;
	v36 =	vmov v26;
	v46 =	vld [tilespmem:$0x1FE10]  }
.LBB2_9:
0x224: {  	p1 =	slt.u32 s13, $0x78;
	v25 =	vmov s14;
	[tilespmem:v21+s20+$0x0] =	vst.idx.msk $0xffff, v19;
	v19 =	vld [tilespmem:s30+$0xFFFFFF00];
	v13 =	vadd.s32 v54, v13;
	s30 =	smov.u32 s29;
	s29 =	smov.u32 s31  }
0x225: {  	v21 =	vmov s12;
	v25 =	vshrl.u32 v25, $0x3;
	[tilespmem:v20+s20+$0x0] =	vst.idx.msk $0xffff, v18;
	v18 =	vld [tilespmem:s30+$0xFFFFFFB0];
	v20 =	vadd.s32 v2, v11  }
0x226: {  	v21 =	vshrl.u32 v21, $0x3;
	v25 =	vshll.u32 v25, v9;
	[tilespmem:v23+s20+$0x0] =	vst.idx.msk $0xffff, v6;
	v6 =	vld [tilespmem:s30+$0xFFFFFEB0];
	v23 =	vadd.s32 v36, v12  }
0x227: {  	v21 =	vshll.u32 v21, v9;
	v25 =	vbroadcast v25, $0x0;
	[tilespmem:v24+s20+$0x0] =	vst.idx.msk $0xffff, v22;
	v22 =	vld [tilespmem:s31+$0xFFFFFF60];
	v24 =	vadd.s32 v62, v15  }
0x228: {  	v27 =	vadd.s32 v31, v14;
	v21 =	vbroadcast v21, $0x0;
	s31 =	sadd.s32 $0x200, s31;
	v26 =	vld [tilespmem:s29+$0xFFFFFE60];
	[tilespmem:v17+s20+$0x0] =	vst.idx.msk $0xffff, v16  }
0x229: {  	v16 =	vld [tilespmem:s31+$0xFFFFFF10];
	v17 =	vadd.s32 v45, v25;
	[tilespmem:v13+s20+$0x0] =	vst.idx.msk $0xffff, v19  }
0x22a: {  	v19 =	vadd.s32 v41, v21;
	v13 =	vld [tilespmem:s31+$0xFFFFFE10];
	[tilespmem:v20+s20+$0x0] =	vst.idx.msk $0xffff, v18  }
0x22b: {  	s14 =	sadd.s32 $0x7, s1;
	v11 =	vadd.s32 v0, v11;
	[tilespmem:v23+s20+$0x0] =	vst.idx.msk $0xffff, v6;
	v6 =	vld [tilespmem:s30+$0xFFFFFFC0]  }
0x22c: {  	s15 =	sadd.s32 $0x3, s1;
	s1 =	smov.u32 s0;
	s0 =	smov.u32 s12;
	v12 =	vadd.s32 v37, v12;
	v20 =	vmov s14;
	[tilespmem:v24+s20+$0x0] =	vst.idx.msk $0xffff, v22;
	v18 =	vld [tilespmem:s30+$0xFFFFFEC0]  }
0x22d: {  	s12 =	smov.u32 s13;
	v23 =	vadd.s32 v63, v15;
	v20 =	vshrl.u32 v20, $0x3;
	v24 =	vmov s15;
	[tilespmem:v27+s20+$0x0] =	vst.idx.msk $0xffff, v26;
	v22 =	vld [tilespmem:s29+$0xFFFFFF70]  }
0x22e: {  	v20 =	vshll.u32 v20, v9;
	v24 =	vshrl.u32 v24, $0x3;
	[tilespmem:v17+s20+$0x0] =	vst.idx.msk $0xffff, v16;
	v16 =	vld [tilespmem:s29+$0xFFFFFE70];
	v17 =	vadd.s32 v32, v14  }
0x22f: {  	v26 =	vadd.s32 v47, v25;
	v27 =	vbroadcast v20, $0x0;
	[tilespmem:v19+s20+$0x0] =	vst.idx.msk $0xffff, v13;
	v19 =	vld [tilespmem:s31+$0xFFFFFF20];
	v13 =	vshll.u32 v24, v9  }
0x230: {  	v24 =	vadd.s32 v42, v21;
	v20 =	vld [tilespmem:s31+$0xFFFFFE20];
	v13 =	vbroadcast v13, $0x0;
	[tilespmem:v11+s20+$0x0] =	vst.idx.msk $0xffff, v6  }
0x231: {  	v11 =	vadd.s32 v1, v27;
	[tilespmem:v12+s20+$0x0] =	vst.idx.msk $0xffff, v18;
	v6 =	vld [tilespmem:s30+$0xFFFFFFD0]  }
0x232: {  	[tilespmem:v23+s20+$0x0] =	vst.idx.msk $0xffff, v22;
	v12 =	vld [tilespmem:s30+$0xFFFFFED0];
	v18 =	vadd.s32 v38, v13  }
0x233: {  	s14 =	sadd.s32 $0x2, s1;
	v15 =	vadd.s32 v3, v15;
	s15 =	sadd.s32 $0x6, s1;
	[tilespmem:v17+s20+$0x0] =	vst.idx.msk $0xffff, v16;
	v16 =	vld [tilespmem:s29+$0xFFFFFF80]  }
0x234: {  	v14 =	vadd.s32 v33, v14;
	v22 =	vmov s15;
	[tilespmem:v26+s20+$0x0] =	vst.idx.msk $0xffff, v19;
	v17 =	vld [tilespmem:s29+$0xFFFFFE80];
	v19 =	vmov s14  }
0x235: {  	v23 =	vadd.s32 v49, v25;
	v22 =	vshrl.u32 v22, $0x3;
	[tilespmem:v24+s20+$0x0] =	vst.idx.msk $0xffff, v20;
	v20 =	vld [tilespmem:s31+$0xFFFFFF30];
	v19 =	vshrl.u32 v19, $0x3  }
0x236: {  	v26 =	vadd.s32 v43, v21;
	v22 =	vshll.u32 v22, v9;
	v24 =	vld [tilespmem:s31+$0xFFFFFE30];
	[tilespmem:v11+s20+$0x0] =	vst.idx.msk $0xffff, v6  }
0x237: {  	v6 =	vshll.u32 v19, v9;
	v11 =	vbroadcast v22, $0x0;
	v19 =	vadd.s32 v5, v27;
	[tilespmem:v18+s20+$0x0] =	vst.idx.msk $0xffff, v12;
	v18 =	vld [tilespmem:s30+$0xFFFFFFE0]  }
0x238: {  	v12 =	vbroadcast v6, $0x0;
	[tilespmem:v15+s20+$0x0] =	vst.idx.msk $0xffff, v16;
	v6 =	vld [tilespmem:s30+$0xFFFFFEE0];
	v15 =	vadd.s32 v39, v13  }
0x239: {  	v16 =	vadd.s32 v4, v11;
	[tilespmem:v14+s20+$0x0] =	vst.idx.msk $0xffff, v17;
	v14 =	vld [tilespmem:s29+$0xFFFFFF90]  }
0x23a: {  	s14 =	sadd.s32 $0x1, s0;
	[tilespmem:v23+s20+$0x0] =	vst.idx.msk $0xffff, v20;
	v17 =	vld [tilespmem:s29+$0xFFFFFE90];
	v20 =	vadd.s32 v35, v12  }
0x23b: {  	v22 =	vmov s14;
	s14 =	sadd.s32 $0x5, s0;
	[tilespmem:v26+s20+$0x0] =	vst.idx.msk $0xffff, v24;
	v23 =	vld [tilespmem:s31+$0xFFFFFF40];
	v24 =	vadd.s32 v51, v25  }
0x23c: {  	v26 =	vadd.s32 v59, v21;
	v21 =	vmov s14;
	v25 =	vld [tilespmem:s31+$0xFFFFFE40];
	[tilespmem:v19+s20+$0x0] =	vst.idx.msk $0xffff, v18  }
0x23d: {  	v29 =	vadd.s32 v8, v27;
	v18 =	vshrl.u32 v22, $0x3;
	v19 =	vshrl.u32 v21, $0x3;
	[tilespmem:v15+s20+$0x0] =	vst.idx.msk $0xffff, v6;
	v28 =	vld [tilespmem:s30+$0xFFFFFFF0]  }
0x23e: {  	v30 =	vadd.s32 v40, v13;
	v6 =	vshll.u32 v19, v9;
	[tilespmem:v16+s20+$0x0] =	vst.idx.msk $0xffff, v14;
	v16 =	vld [tilespmem:s30+$0xFFFFFEF0]  }
.Ltmp3:
0x23f: {  	v21 =	vadd.s32 v7, v11;
	v14 =	vshll.u32 v18, v9;
	v15 =	vbroadcast v6, $0x0;
	[tilespmem:v20+s20+$0x0] =	vst.idx.msk $0xffff, v17;
	v19 =	vld [tilespmem:s29+$0xFFFFFFA0];
	(pc) =	sbr.rel @p1 .LBB2_9-.Ltmp3, $4  }
0x240: {  	v14 =	vbroadcast v14, $0x0;
	v20 =	vadd.s32 v34, v12;
	[tilespmem:v24+s20+$0x0] =	vst.idx.msk $0xffff, v23;
	v18 =	vld [tilespmem:s29+$0xFFFFFEA0]  }
0x241: {  	v23 =	vadd.s32 v61, v15;
	[tilespmem:v26+s20+$0x0] =	vst.idx.msk $0xffff, v25;
	v6 =	vld [tilespmem:s31+$0xFFFFFF50]  }
0x242: {  	v24 =	vadd.s32 v60, v14;
	v22 =	vld [tilespmem:s31+$0xFFFFFE50];
	[tilespmem:v29+s20+$0x0] =	vst.idx.msk $0xffff, v28  }
0x243: {  	s13 =	sadd.s32 $0x8, s13;
	s14 =	sadd.s32 $0x4, s12;
	v17 =	vadd.s32 v10, v27;
	[tilespmem:v30+s20+$0x0] =	vst.idx.msk $0xffff, v16;
	v16 =	vld [tilespmem:s30+$0x0]  }
0x244: {  	v25 =	vmov s14  }
0x245: {  	v26 =	vmov s12;
	v25 =	vshrl.u32 v25, $0x3  }
0x246: {  	v26 =	vshrl.u32 v26, $0x3;
	v25 =	vshll.u32 v25, v9  }
0x247: {  	v26 =	vshll.u32 v26, v9;
	v25 =	vbroadcast v25, $0x0  }
0x248: {  	s13 =	sadd.s32 $0x200, s31;
	v26 =	vbroadcast v26, $0x0  }
0x249: {  	v27 =	vld [tilespmem:s13+$0xFFFFFF10];
	v28 =	vadd.s32 v45, v25  }
0x24a: {  	v29 =	vld [tilespmem:s13+$0xFFFFFE10];
	v30 =	vadd.s32 v41, v26;
	_ =	sdelay $0x3  }
0x24b: {  	[tilespmem:v28+s20+$0x0] =	vst.idx.msk $0xffff, v27  }
0x24c: {  	v47 =	vadd.s32 v47, v25;
	[tilespmem:v30+s20+$0x0] =	vst.idx.msk $0xffff, v29;
	v27 =	vld [tilespmem:s13+$0xFFFFFF20]  }
0x24d: {  	v48 =	vadd.s32 v42, v26;
	v29 =	vld [tilespmem:s13+$0xFFFFFE20];
	_ =	sdelay $0x3  }
0x24e: {  	[tilespmem:v47+s20+$0x0] =	vst.idx.msk $0xffff, v27  }
0x24f: {  	v49 =	vadd.s32 v49, v25;
	[tilespmem:v48+s20+$0x0] =	vst.idx.msk $0xffff, v29;
	v27 =	vld [tilespmem:s13+$0xFFFFFF30]  }
0x250: {  	v52 =	vadd.s32 v43, v26;
	v29 =	vld [tilespmem:s13+$0xFFFFFE30];
	_ =	sdelay $0x3  }
0x251: {  	[tilespmem:v49+s20+$0x0] =	vst.idx.msk $0xffff, v27  }
0x252: {  	s14 =	sadd.s32 $0x5, s12;
	v25 =	vadd.s32 v51, v25;
	[tilespmem:v52+s20+$0x0] =	vst.idx.msk $0xffff, v29;
	v27 =	vld [tilespmem:s13+$0xFFFFFF40]  }
0x253: {  	s15 =	sadd.s32 $0x1, s12;
	v26 =	vadd.s32 v59, v26;
	v41 =	vmov s14;
	v55 =	vld [tilespmem:s13+$0xFFFFFE40]  }
0x254: {  	v42 =	vmov s15;
	v29 =	vshrl.u32 v41, $0x3  }
0x255: {  	v30 =	vshrl.u32 v42, $0x3;
	v29 =	vshll.u32 v29, v9  }
0x256: {  	v30 =	vshll.u32 v30, v9;
	v29 =	vbroadcast v29, $0x0  }
0x257: {  	v30 =	vbroadcast v30, $0x0;
	[tilespmem:v25+s20+$0x0] =	vst.idx.msk $0xffff, v27  }
0x258: {  	v43 =	vadd.s32 v61, v29;
	[tilespmem:v26+s20+$0x0] =	vst.idx.msk $0xffff, v55;
	v25 =	vld [tilespmem:s13+$0xFFFFFF50]  }
0x259: {  	v47 =	vadd.s32 v60, v30;
	v45 =	vld [tilespmem:s13+$0xFFFFFE50];
	_ =	sdelay $0x1  }
0x25a: {  	[tilespmem:v23+s20+$0x0] =	vst.idx.msk $0xffff, v6  }
0x25b: {  	[tilespmem:v24+s20+$0x0] =	vst.idx.msk $0xffff, v22;
	v6 =	vld [tilespmem:s31+$0xFFFFFF60];
	v48 =	vadd.s32 v62, v15  }
0x25c: {  	v51 =	vadd.s32 v31, v14;
	v49 =	vld [tilespmem:s31+$0xFFFFFE60];
	[tilespmem:v43+s20+$0x0] =	vst.idx.msk $0xffff, v25  }
0x25d: {  	v52 =	vadd.s32 v62, v29;
	[tilespmem:v47+s20+$0x0] =	vst.idx.msk $0xffff, v45;
	v25 =	vld [tilespmem:s13+$0xFFFFFF60]  }
0x25e: {  	v55 =	vadd.s32 v31, v30;
	v27 =	vld [tilespmem:s13+$0xFFFFFE60];
	_ =	sdelay $0x1  }
0x25f: {  	[tilespmem:v48+s20+$0x0] =	vst.idx.msk $0xffff, v6  }
0x260: {  	v59 =	vadd.s32 v63, v15;
	v6 =	vld [tilespmem:s31+$0xFFFFFF70];
	[tilespmem:v51+s20+$0x0] =	vst.idx.msk $0xffff, v49  }
0x261: {  	v60 =	vadd.s32 v32, v14;
	v23 =	vld [tilespmem:s31+$0xFFFFFE70];
	[tilespmem:v52+s20+$0x0] =	vst.idx.msk $0xffff, v25  }
0x262: {  	v41 =	vadd.s32 v63, v29;
	[tilespmem:v55+s20+$0x0] =	vst.idx.msk $0xffff, v27;
	v25 =	vld [tilespmem:s13+$0xFFFFFF70]  }
0x263: {  	v42 =	vadd.s32 v32, v30;
	v27 =	vld [tilespmem:s13+$0xFFFFFE70];
	_ =	sdelay $0x1  }
0x264: {  	[tilespmem:v59+s20+$0x0] =	vst.idx.msk $0xffff, v6  }
0x265: {  	s14 =	sadd.s32 $0x2, s0;
	s15 =	sadd.s32 $0x6, s0;
	v48 =	vadd.s32 v33, v14;
	v6 =	vld [tilespmem:s31+$0xFFFFFF80];
	[tilespmem:v60+s20+$0x0] =	vst.idx.msk $0xffff, v23;
	v43 =	vadd.s32 v3, v15  }
0x266: {  	v30 =	vadd.s32 v33, v30;
	v45 =	vmov s14;
	s14 =	sadd.s32 $0x2, s12;
	v47 =	vmov s15;
	v24 =	vld [tilespmem:s31+$0xFFFFFE80];
	[tilespmem:v41+s20+$0x0] =	vst.idx.msk $0xffff, v25  }
0x267: {  	s15 =	sadd.s32 $0x6, s12;
	v49 =	vmov s14;
	v23 =	vshrl.u32 v47, $0x3;
	v55 =	vadd.s32 v3, v29;
	[tilespmem:v42+s20+$0x0] =	vst.idx.msk $0xffff, v27;
	v52 =	vld [tilespmem:s13+$0xFFFFFF80]  }
0x268: {  	v51 =	vmov s15;
	v22 =	vshrl.u32 v45, $0x3;
	v23 =	vshll.u32 v23, v9;
	v59 =	vld [tilespmem:s13+$0xFFFFFE80]  }
0x269: {  	v22 =	vshll.u32 v22, v9;
	v26 =	vshrl.u32 v51, $0x3;
	v23 =	vbroadcast v23, $0x0  }
0x26a: {  	v60 =	vshrl.u32 v49, $0x3;
	v31 =	vshll.u32 v26, v9;
	[tilespmem:v43+s20+$0x0] =	vst.idx.msk $0xffff, v6;
	v6 =	vbroadcast v22, $0x0  }
0x26b: {  	v15 =	vshll.u32 v60, v9;
	[tilespmem:v48+s20+$0x0] =	vst.idx.msk $0xffff, v24;
	v33 =	vadd.s32 v4, v23;
	v22 =	vbroadcast v31, $0x0;
	v32 =	vld [tilespmem:s31+$0xFFFFFF90]  }
0x26c: {  	v15 =	vbroadcast v15, $0x0;
	v41 =	vld [tilespmem:s31+$0xFFFFFE90];
	v42 =	vadd.s32 v35, v6;
	[tilespmem:v55+s20+$0x0] =	vst.idx.msk $0xffff, v52  }
0x26d: {  	v43 =	vadd.s32 v4, v22;
	[tilespmem:v30+s20+$0x0] =	vst.idx.msk $0xffff, v59;
	v27 =	vld [tilespmem:s13+$0xFFFFFF90]  }
0x26e: {  	[tilespmem:v21+s20+$0x0] =	vst.idx.msk $0xffff, v19;
	v47 =	vadd.s32 v35, v15;
	v45 =	vld [tilespmem:s13+$0xFFFFFE90]  }
0x26f: {  	v13 =	vadd.s32 v54, v13;
	[tilespmem:v20+s20+$0x0] =	vst.idx.msk $0xffff, v18;
	v48 =	vld [tilespmem:s30+$0xFFFFFF00]  }
0x270: {  	v31 =	vld [tilespmem:s29+$0xFFFFFFB0];
	[tilespmem:v33+s20+$0x0] =	vst.idx.msk $0xffff, v32;
	v32 =	vadd.s32 v2, v11  }
0x271: {  	v49 =	vadd.s32 v7, v23;
	v14 =	vld [tilespmem:s31+$0xFFFFFFA0];
	[tilespmem:v42+s20+$0x0] =	vst.idx.msk $0xffff, v41  }
0x272: {  	v51 =	vld [tilespmem:s31+$0xFFFFFEA0];
	v52 =	vadd.s32 v34, v6;
	[tilespmem:v43+s20+$0x0] =	vst.idx.msk $0xffff, v27  }
0x273: {  	v59 =	vadd.s32 v7, v22;
	[tilespmem:v47+s20+$0x0] =	vst.idx.msk $0xffff, v45;
	v55 =	vld [tilespmem:s13+$0xFFFFFFA0]  }
0x274: {  	[tilespmem:v13+s20+$0x0] =	vst.idx.msk $0xffff, v48;
	v30 =	vadd.s32 v34, v15;
	v60 =	vld [tilespmem:s13+$0xFFFFFEA0]  }
0x275: {  	[tilespmem:v32+s20+$0x0] =	vst.idx.msk $0xffff, v31  }
0x276: {  	v33 =	vld [tilespmem:s29+$0xFFFFFEB0];
	[tilespmem:v49+s20+$0x0] =	vst.idx.msk $0xffff, v14;
	v34 =	vadd.s32 v36, v12  }
0x277: {  	v41 =	vadd.s32 v2, v23;
	v20 =	vld [tilespmem:s31+$0xFFFFFFB0];
	[tilespmem:v52+s20+$0x0] =	vst.idx.msk $0xffff, v51  }
0x278: {  	s30 =	sadd.s32 $0x7, s1;
	v48 =	vadd.s32 v2, v22;
	v43 =	vld [tilespmem:s31+$0xFFFFFEB0];
	v45 =	vadd.s32 v36, v6;
	[tilespmem:v59+s20+$0x0] =	vst.idx.msk $0xffff, v55  }
0x279: {  	s15 =	sadd.s32 $0x3, s1;
	v11 =	vadd.s32 v0, v11;
	v35 =	vmov s30;
	v31 =	vadd.s32 v0, v23;
	[tilespmem:v30+s20+$0x0] =	vst.idx.msk $0xffff, v60;
	v47 =	vld [tilespmem:s13+$0xFFFFFFB0]  }
0x27a: {  	[tilespmem:v17+s20+$0x0] =	vst.idx.msk $0xffff, v16;
	s30 =	sadd.s32 $0x7, s0;
	v42 =	vmov s15;
	v14 =	vshrl.u32 v35, $0x3;
	v51 =	vadd.s32 v36, v15;
	v49 =	vld [tilespmem:s13+$0xFFFFFEB0]  }
0x27b: {  	v32 =	vmov s30;
	v25 =	vshrl.u32 v42, $0x3;
	v14 =	vshll.u32 v14, v9;
	[tilespmem:v34+s20+$0x0] =	vst.idx.msk $0xffff, v33;
	v52 =	vld [tilespmem:s29+$0xFFFFFFC0]  }
0x27c: {  	v23 =	vshrl.u32 v32, $0x3;
	v25 =	vshll.u32 v25, v9;
	[tilespmem:v41+s20+$0x0] =	vst.idx.msk $0xffff, v20;
	v55 =	vld [tilespmem:s29+$0xFFFFFEC0];
	v59 =	vadd.s32 v37, v12  }
0x27d: {  	s14 =	sadd.s32 $0x3, s0;
	v23 =	vshll.u32 v23, v9;
	v22 =	vadd.s32 v0, v22;
	v18 =	vbroadcast v25, $0x0;
	[tilespmem:v45+s20+$0x0] =	vst.idx.msk $0xffff, v43;
	v30 =	vld [tilespmem:s31+$0xFFFFFFC0]  }
0x27e: {  	v14 =	vbroadcast v14, $0x0;
	v34 =	vmov s14;
	v6 =	vadd.s32 v37, v6;
	v33 =	vld [tilespmem:s31+$0xFFFFFEC0];
	[tilespmem:v48+s20+$0x0] =	vst.idx.msk $0xffff, v47  }
0x27f: {  	s15 =	sadd.s32 $0x7, s12;
	v23 =	vbroadcast v23, $0x0;
	v24 =	vadd.s32 v38, v18;
	v17 =	vshrl.u32 v34, $0x3;
	[tilespmem:v51+s20+$0x0] =	vst.idx.msk $0xffff, v49;
	v35 =	vld [tilespmem:s13+$0xFFFFFFC0]  }
0x280: {  	s30 =	sadd.s32 $0x3, s12;
	v15 =	vadd.s32 v37, v15;
	v41 =	vmov s15;
	[tilespmem:v11+s20+$0x0] =	vst.idx.msk $0xffff, v52;
	v11 =	vshll.u32 v17, v9;
	v36 =	vld [tilespmem:s13+$0xFFFFFEC0]  }
0x281: {  	v17 =	vshrl.u32 v41, $0x3;
	v42 =	vld [tilespmem:s29+$0xFFFFFFD0];
	v43 =	vmov s30;
	v60 =	vadd.s32 v1, v14;
	[tilespmem:v59+s20+$0x0] =	vst.idx.msk $0xffff, v55  }
0x282: {  	v11 =	vbroadcast v11, $0x0;
	v17 =	vshll.u32 v17, v9;
	[tilespmem:v31+s20+$0x0] =	vst.idx.msk $0xffff, v30;
	v45 =	vld [tilespmem:s29+$0xFFFFFED0];
	v47 =	vshrl.u32 v43, $0x3  }
0x283: {  	v17 =	vbroadcast v17, $0x0;
	[tilespmem:v6+s20+$0x0] =	vst.idx.msk $0xffff, v33;
	v6 =	vld [tilespmem:s31+$0xFFFFFFD0];
	v48 =	vadd.s32 v1, v23;
	v19 =	vshll.u32 v47, v9  }
0x284: {  	v49 =	vld [tilespmem:s31+$0xFFFFFED0];
	v51 =	vadd.s32 v38, v11;
	v19 =	vbroadcast v19, $0x0;
	[tilespmem:v22+s20+$0x0] =	vst.idx.msk $0xffff, v35  }
0x285: {  	v55 =	vadd.s32 v1, v17;
	[tilespmem:v15+s20+$0x0] =	vst.idx.msk $0xffff, v36;
	v52 =	vld [tilespmem:s13+$0xFFFFFFD0]  }
0x286: {  	[tilespmem:v60+s20+$0x0] =	vst.idx.msk $0xffff, v42;
	v60 =	vadd.s32 v38, v19;
	v59 =	vld [tilespmem:s13+$0xFFFFFED0]  }
0x287: {  	v31 =	vadd.s32 v5, v14;
	v30 =	vld [tilespmem:s29+$0xFFFFFFE0];
	[tilespmem:v24+s20+$0x0] =	vst.idx.msk $0xffff, v45  }
0x288: {  	v33 =	vadd.s32 v39, v18;
	[tilespmem:v48+s20+$0x0] =	vst.idx.msk $0xffff, v6;
	v32 =	vld [tilespmem:s29+$0xFFFFFEE0]  }
0x289: {  	v34 =	vadd.s32 v5, v23;
	[tilespmem:v51+s20+$0x0] =	vst.idx.msk $0xffff, v49;
	v6 =	vld [tilespmem:s31+$0xFFFFFFE0]  }
0x28a: {  	v21 =	vld [tilespmem:s31+$0xFFFFFEE0];
	v35 =	vadd.s32 v39, v11;
	[tilespmem:v55+s20+$0x0] =	vst.idx.msk $0xffff, v52  }
0x28b: {  	v37 =	vadd.s32 v5, v17;
	[tilespmem:v60+s20+$0x0] =	vst.idx.msk $0xffff, v59;
	v36 =	vld [tilespmem:s13+$0xFFFFFFE0]  }
0x28c: {  	v41 =	vadd.s32 v39, v19;
	[tilespmem:v31+s20+$0x0] =	vst.idx.msk $0xffff, v30;
	v38 =	vld [tilespmem:s13+$0xFFFFFEE0]  }
0x28d: {  	v42 =	vadd.s32 v8, v14;
	v22 =	vld [tilespmem:s29+$0xFFFFFFF0];
	[tilespmem:v33+s20+$0x0] =	vst.idx.msk $0xffff, v32  }
0x28e: {  	v43 =	vadd.s32 v40, v18;
	[tilespmem:v34+s20+$0x0] =	vst.idx.msk $0xffff, v6;
	v26 =	vld [tilespmem:s29+$0xFFFFFEF0]  }
0x28f: {  	v45 =	vadd.s32 v8, v23;
	[tilespmem:v35+s20+$0x0] =	vst.idx.msk $0xffff, v21;
	v6 =	vld [tilespmem:s31+$0xFFFFFFF0]  }
0x290: {  	v47 =	vadd.s32 v40, v11;
	v21 =	vld [tilespmem:s31+$0xFFFFFEF0];
	[tilespmem:v37+s20+$0x0] =	vst.idx.msk $0xffff, v36  }
0x291: {  	v48 =	vadd.s32 v8, v17;
	[tilespmem:v41+s20+$0x0] =	vst.idx.msk $0xffff, v38;
	v12 =	vld [tilespmem:s13+$0xFFFFFFF0]  }
0x292: {  	v49 =	vadd.s32 v40, v19;
	[tilespmem:v42+s20+$0x0] =	vst.idx.msk $0xffff, v22;
	v15 =	vld [tilespmem:s13+$0xFFFFFEF0]  }
0x293: {  	v14 =	vadd.s32 v10, v14;
	v22 =	vld [tilespmem:s29+$0x0];
	[tilespmem:v43+s20+$0x0] =	vst.idx.msk $0xffff, v26  }
0x294: {  	v18 =	vadd.s32 v54, v18;
	[tilespmem:v45+s20+$0x0] =	vst.idx.msk $0xffff, v6;
	v51 =	vld [tilespmem:s29+$0xFFFFFF00]  }
0x295: {  	v52 =	vadd.s32 v10, v23;
	[tilespmem:v47+s20+$0x0] =	vst.idx.msk $0xffff, v21;
	v6 =	vld [tilespmem:s31+$0x0]  }
0x296: {  	v11 =	vadd.s32 v54, v11;
	v21 =	vld [tilespmem:s31+$0xFFFFFF00];
	[tilespmem:v48+s20+$0x0] =	vst.idx.msk $0xffff, v12  }
0x297: {  	v55 =	vadd.s32 v10, v17;
	[tilespmem:v49+s20+$0x0] =	vst.idx.msk $0xffff, v15;
	v12 =	vld [tilespmem:s13+$0x0]  }
0x298: {  	v60 =	vadd.s32 v54, v19;
	[tilespmem:v14+s20+$0x0] =	vst.idx.msk $0xffff, v22;
	v59 =	vld [tilespmem:s13+$0xFFFFFF00]  }
0x299: {  	[tilespmem:v18+s20+$0x0] =	vst.idx.msk $0xffff, v51  }
0x29a: {  	[tilespmem:v52+s20+$0x0] =	vst.idx.msk $0xffff, v6  }
0x29b: {  	[tilespmem:v11+s20+$0x0] =	vst.idx.msk $0xffff, v21  }
0x29c: {  	[tilespmem:v55+s20+$0x0] =	vst.idx.msk $0xffff, v12  }
0x29d: {  	s1 =	sadd.s32 s26, s7;
	s12 =	simm.s32 $0x16A00;
	[tilespmem:v60+s20+$0x0] =	vst.idx.msk $0xffff, v59  }
0x29e: {  	[hbm4b:s1+s3] =	stream.linear.scatter [tilespmem:s12], [sflag:$0x2], $0x80, $0x38;
	[tilespmem:$0x18C00] =	vst v63  }
0x29f: {  	s14 =	sadd.s32 $0x10, s1;
	s13 =	simm.s32 $0x16A88  }
0x2a0: {  	[hbm4b:s14+s3] =	stream.linear.scatter [tilespmem:s13], [sflag:$0x2], $0x80, $0x38;
	[tilespmem:$0x18C00] =	vst v63  }
0x2a1: {  	s0 =	simm.s32 $0x440;
	s15 =	simm.s32 $0x16B10;
	s29 =	sadd.s32 $0x20, s1  }
0x2a2: {  	[hbm4b:s29+s3] =	stream.linear.scatter [tilespmem:s15], [sflag:$0x2], $0x80, $0x38;
	[tilespmem:$0x18C00] =	vst v63  }
0x2a3: {  	s30 =	simm.s32 $0x16B98;
	s31 =	sadd.s32 $0x30, s1;
	s12 =	simm.s32 $0x2200  }
0x2a4: {  	[hbm4b:s31+s3] =	stream.linear.scatter [tilespmem:s30], [sflag:$0x2], $0x80, $0x38;
	[tilespmem:$0x18C00] =	vst v63  }
0x2a5: {  	s13 =	simm.s32 $0x16C20;
	s14 =	sadd.s32 $0x40, s1;
	s15 =	simm.s32 $0x16CA8  }
0x2a6: {  	[hbm4b:s14+s3] =	stream.linear.scatter [tilespmem:s13], [sflag:$0x2], $0x80, $0x38;
	[tilespmem:$0x18C00] =	vst v63  }
0x2a7: {  	s29 =	sadd.s32 $0x50, s1;
	s30 =	simm.s32 $0x16D30;
	s31 =	sadd.s32 $0x60, s1  }
0x2a8: {  	[hbm4b:s29+s3] =	stream.linear.scatter [tilespmem:s15], [sflag:$0x2], $0x80, $0x38;
	[tilespmem:$0x18C00] =	vst v63  }
0x2a9: {  	s13 =	simm.s32 $0x16DB8;
	s14 =	sadd.s32 $0x70, s1;
	s1 =	sadd.s32 $0x1000, s1  }
0x2aa: {  	[hbm4b:s31+s3] =	stream.linear.scatter [tilespmem:s30], [sflag:$0x2], $0x80, $0x38;
	[tilespmem:$0x18C00] =	vst v63  }
.LBB2_11:
0x2ab: {  	[hbm4b:s14+s3] =	stream.linear.scatter [tilespmem:s13], [sflag:$0x2], $0x80, $0x38;
	[tilespmem:$0x18C00] =	vst v63  }
0x2ac: {  	s13 =	smov.u32 s0;
	s0 =	smov.u32 s12  }
0x2ad: {  	s15 =	sadd.s32 $0x1100, s12;
	s0 =	sshra.s32 s0, $0x2;
	s14 =	sadd.s32 $0x16A00, s13  }
0x2ae: {  	[hbm4b:s1+s3] =	stream.linear.scatter [tilespmem:s14], [sflag:$0x2], $0x80, $0x38;
	[tilespmem:$0x18C00] =	vst v63  }
0x2af: {  	p1 =	sne.s32 s12, $0x7700;
	s12 =	sadd.s32 $0x16A88, s13;
	s14 =	sadd.s32 $0x10, s1  }
0x2b0: {  	[hbm4b:s14+s3] =	stream.linear.scatter [tilespmem:s12], [sflag:$0x2], $0x80, $0x38;
	[tilespmem:$0x18C00] =	vst v63  }
0x2b1: {  	s12 =	sadd.s32 $0x16B10, s13;
	s14 =	sadd.s32 $0x20, s1  }
0x2b2: {  	[hbm4b:s14+s3] =	stream.linear.scatter [tilespmem:s12], [sflag:$0x2], $0x80, $0x38;
	[tilespmem:$0x18C00] =	vst v63  }
0x2b3: {  	s12 =	sadd.s32 $0x16B98, s13;
	s14 =	sadd.s32 $0x30, s1  }
0x2b4: {  	[hbm4b:s14+s3] =	stream.linear.scatter [tilespmem:s12], [sflag:$0x2], $0x80, $0x38;
	[tilespmem:$0x18C00] =	vst v63  }
0x2b5: {  	s12 =	sadd.s32 $0x16C20, s13;
	s14 =	sadd.s32 $0x40, s1  }
0x2b6: {  	[hbm4b:s14+s3] =	stream.linear.scatter [tilespmem:s12], [sflag:$0x2], $0x80, $0x38;
	[tilespmem:$0x18C00] =	vst v63  }
.Ltmp4:
0x2b7: {  	s12 =	sadd.s32 $0x16CA8, s13;
	s14 =	sadd.s32 $0x50, s1;
	(pc) =	sbr.rel @p1 .LBB2_11-.Ltmp4, $4  }
0x2b8: {  	[hbm4b:s14+s3] =	stream.linear.scatter [tilespmem:s12], [sflag:$0x2], $0x80, $0x38;
	[tilespmem:$0x18C00] =	vst v63  }
0x2b9: {  	s12 =	sadd.s32 $0x16D30, s13;
	s14 =	sadd.s32 $0x60, s1;
	s13 =	sadd.s32 $0x16DB8, s13  }
0x2ba: {  	[hbm4b:s14+s3] =	stream.linear.scatter [tilespmem:s12], [sflag:$0x2], $0x80, $0x38;
	[tilespmem:$0x18C00] =	vst v63  }
0x2bb: {  	s14 =	sadd.s32 $0x70, s1;
	s1 =	sadd.s32 $0x1000, s1;
	s12 =	smov.u32 s15  }
0x2bc: {  	[hbm4b:s14+s3] =	stream.linear.scatter [tilespmem:s13], [sflag:$0x2], $0x80, $0x38;
	[tilespmem:$0x18C00] =	vst v63  }
0x2bd: {  	s12 =	sadd.s32 $0x16A00, s0  }
0x2be: {  	[hbm4b:s1+s3] =	stream.linear.scatter [tilespmem:s12], [sflag:$0x2], $0x80, $0x38;
	[tilespmem:$0x18C00] =	vst v63  }
0x2bf: {  	s14 =	sadd.s32 $0x16A88, s0;
	s15 =	sadd.s32 $0x10, s1  }
0x2c0: {  	[hbm4b:s15+s3] =	stream.linear.scatter [tilespmem:s14], [sflag:$0x2], $0x80, $0x38;
	[tilespmem:$0x18C00] =	vst v63  }
0x2c1: {  	s14 =	sadd.s32 $0x16B10, s0;
	s15 =	sadd.s32 $0x20, s1  }
0x2c2: {  	[hbm4b:s15+s3] =	stream.linear.scatter [tilespmem:s14], [sflag:$0x2], $0x80, $0x38;
	[tilespmem:$0x18C00] =	vst v63  }
0x2c3: {  	s14 =	sadd.s32 $0x16B98, s0;
	s15 =	sadd.s32 $0x30, s1  }
0x2c4: {  	[hbm4b:s15+s3] =	stream.linear.scatter [tilespmem:s14], [sflag:$0x2], $0x80, $0x38;
	[tilespmem:$0x18C00] =	vst v63  }
0x2c5: {  	s14 =	sadd.s32 $0x16C20, s0;
	s15 =	sadd.s32 $0x40, s1  }
0x2c6: {  	[hbm4b:s15+s3] =	stream.linear.scatter [tilespmem:s14], [sflag:$0x2], $0x80, $0x38;
	[tilespmem:$0x18C00] =	vst v63  }
0x2c7: {  	s14 =	sadd.s32 $0x16CA8, s0;
	s15 =	sadd.s32 $0x50, s1  }
0x2c8: {  	[hbm4b:s15+s3] =	stream.linear.scatter [tilespmem:s14], [sflag:$0x2], $0x80, $0x38;
	[tilespmem:$0x18C00] =	vst v63  }
0x2c9: {  	s14 =	sadd.s32 $0x16D30, s0;
	s15 =	sadd.s32 $0x60, s1  }
0x2ca: {  	[hbm4b:s15+s3] =	stream.linear.scatter [tilespmem:s14], [sflag:$0x2], $0x80, $0x38;
	[tilespmem:$0x18C00] =	vst v63  }
0x2cb: {  	s13 =	sadd.s32 $0x70, s1;
	s12 =	sadd.s32 $0x16DB8, s0  }
0x2cc: {  	[hbm4b:s13+s3] =	stream.linear.scatter [tilespmem:s12], [sflag:$0x2], $0x80, $0x38;
	[tilespmem:$0x18C00] =	vst v63  }
0x2cd: {  	_ =	swait.ge [sflag:s18], $0x2000  }
0x2ce: {  	s0 =	sadd.s32 @!p0 $0x6680, s28;
	[sflag:s18] =	ssyncset.done $0x0  }
0x2cf: {  	s12 =	simm.s32 @!p0 $0x80;
	s13 =	simm.s32 @!p0 $0xE800;
	[sflag:s18] =	ssyncadd.s32 $0xFFFFE000  }
0x2d0: {  	[tilespmem:s13], [sflag:$0x1] =	stream.indirect.gather @!p0 [hbm4b:s4+s12], $0x40, s0, s12, $0xb8;
	[tilespmem:$0x18C00] =	vst v63  }
0x2d1: {  	s14 =	simm.s32 $0x4;
	_ =	swait.ge [sflag:s21], $0x2000  }
0x2d2: {  	s15 =	simm.s32 $0x0;
	v6 =	vmov s14;
	v29 =	vld [tilespmem:$0x1FDE0]  }
0x2d3: {  	v11 =	vmov s15;
	v6 =	vshrl.u32 v6, $0x3;
	v30 =	vld [tilespmem:$0x1FD20]  }
0x2d4: {  	v11 =	vshrl.u32 v11, $0x3;
	v6 =	vshll.u32 v6, v9  }
0x2d5: {  	v11 =	vshll.u32 v11, v9;
	v6 =	vbroadcast v6, $0x0;
	[sflag:s21] =	ssyncset.done $0x0  }
0x2d6: {  	s30 =	simm.s32 $0x109F0;
	v11 =	vbroadcast v11, $0x0;
	[sflag:s21] =	ssyncadd.s32 $0xFFFFE000  }
0x2d7: {  	v12 =	vld [tilespmem:s30+$0xFFFFFF10];
	v13 =	vadd.s32 v29, v6  }
0x2d8: {  	v14 =	vld [tilespmem:s30+$0xFFFFFE10];
	v15 =	vadd.s32 v30, v11;
	_ =	sdelay $0x3  }
0x2d9: {  	[tilespmem:v13+s20+$0x0] =	vst.idx.msk $0xffff, v12  }
0x2da: {  	[tilespmem:v15+s20+$0x0] =	vst.idx.msk $0xffff, v14  }
0x2db: {  	v31 =	vld [tilespmem:$0x1FD50];
	_ =	sdelay $0x3  }
0x2dc: {  	v13 =	vadd.s32 v44, v6;
	v12 =	vld [tilespmem:s30+$0xFFFFFF20]  }
0x2dd: {  	v14 =	vld [tilespmem:s30+$0xFFFFFE20];
	v15 =	vadd.s32 v31, v11;
	_ =	sdelay $0x3  }
0x2de: {  	[tilespmem:v13+s20+$0x0] =	vst.idx.msk $0xffff, v12  }
0x2df: {  	[tilespmem:v15+s20+$0x0] =	vst.idx.msk $0xffff, v14  }
0x2e0: {  	v45 =	vld [tilespmem:$0x1FE00]  }
0x2e1: {  	v41 =	vld [tilespmem:$0x1FFB0];
	_ =	sdelay $0x3  }
0x2e2: {  	v12 =	vld [tilespmem:s30+$0xFFFFFF30];
	v13 =	vadd.s32 v45, v6  }
0x2e3: {  	v14 =	vld [tilespmem:s30+$0xFFFFFE30];
	v15 =	vadd.s32 v41, v11;
	_ =	sdelay $0x3  }
0x2e4: {  	[tilespmem:v13+s20+$0x0] =	vst.idx.msk $0xffff, v12  }
0x2e5: {  	[tilespmem:v15+s20+$0x0] =	vst.idx.msk $0xffff, v14  }
0x2e6: {  	v33 =	vld [tilespmem:$0x1FD60];
	_ =	sdelay $0x3  }
0x2e7: {  	v6 =	vadd.s32 v46, v6;
	v12 =	vld [tilespmem:s30+$0xFFFFFF40]  }
0x2e8: {  	v13 =	vld [tilespmem:s30+$0xFFFFFE40];
	v11 =	vadd.s32 v33, v11;
	_ =	sdelay $0x3  }
0x2e9: {  	[tilespmem:v6+s20+$0x0] =	vst.idx.msk $0xffff, v12  }
0x2ea: {  	s13 =	simm.s32 $0x5;
	[tilespmem:v11+s20+$0x0] =	vst.idx.msk $0xffff, v13  }
0x2eb: {  	s14 =	simm.s32 $0x1;
	v14 =	vmov s13;
	v47 =	vld [tilespmem:$0x1FE20]  }
0x2ec: {  	v15 =	vmov s14;
	v14 =	vshrl.u32 v14, $0x3;
	v32 =	vld [tilespmem:$0x1FD70]  }
0x2ed: {  	v15 =	vshrl.u32 v15, $0x3;
	v14 =	vshll.u32 v14, v9  }
0x2ee: {  	v15 =	vshll.u32 v15, v9;
	v14 =	vbroadcast v14, $0x0  }
0x2ef: {  	v15 =	vbroadcast v15, $0x0  }
0x2f0: {  	v6 =	vld [tilespmem:s30+$0xFFFFFF50];
	v11 =	vadd.s32 v47, v14  }
0x2f1: {  	v12 =	vld [tilespmem:s30+$0xFFFFFE50];
	v13 =	vadd.s32 v32, v15;
	_ =	sdelay $0x3  }
0x2f2: {  	[tilespmem:v11+s20+$0x0] =	vst.idx.msk $0xffff, v6  }
0x2f3: {  	[tilespmem:v13+s20+$0x0] =	vst.idx.msk $0xffff, v12  }
0x2f4: {  	v48 =	vld [tilespmem:$0x1FE30]  }
0x2f5: {  	s15 =	simm.s32 $0xC;
	v42 =	vld [tilespmem:$0x1FF90]  }
0x2f6: {  	v16 =	vmov s15  }
0x2f7: {  	s1 =	simm.s32 $0x8;
	v16 =	vshrl.u32 v16, $0x3  }
0x2f8: {  	v17 =	vmov s1;
	v16 =	vshll.u32 v16, v9  }
0x2f9: {  	v17 =	vshrl.u32 v17, $0x3;
	v11 =	vbroadcast v16, $0x0;
	v12 =	vld [tilespmem:s30+$0xFFFFFF60];
	v13 =	vadd.s32 v48, v14  }
0x2fa: {  	s29 =	simm.s32 $0x10BF0;
	v6 =	vshll.u32 v17, v9;
	v16 =	vld [tilespmem:s30+$0xFFFFFE60];
	v17 =	vadd.s32 v42, v15  }
0x2fb: {  	v18 =	vld [tilespmem:s29+$0xFFFFFF10];
	v19 =	vadd.s32 v29, v11;
	_ =	sdelay $0x2  }
0x2fc: {  	[tilespmem:v13+s20+$0x0] =	vst.idx.msk $0xffff, v12  }
0x2fd: {  	[tilespmem:v17+s20+$0x0] =	vst.idx.msk $0xffff, v16  }
0x2fe: {  	v49 =	vld [tilespmem:$0x1FE40];
	[tilespmem:v19+s20+$0x0] =	vst.idx.msk $0xffff, v18  }
0x2ff: {  	v6 =	vbroadcast v6, $0x0;
	v36 =	vld [tilespmem:$0x1FD80];
	_ =	sdelay $0x1  }
0x300: {  	v20 =	vld [tilespmem:s29+$0xFFFFFE10];
	v21 =	vadd.s32 v30, v6  }
0x301: {  	v19 =	vadd.s32 v44, v11;
	v18 =	vld [tilespmem:s29+$0xFFFFFF20]  }
0x302: {  	v12 =	vld [tilespmem:s30+$0xFFFFFF70];
	v13 =	vadd.s32 v49, v14  }
0x303: {  	v16 =	vld [tilespmem:s30+$0xFFFFFE70];
	v17 =	vadd.s32 v36, v15;
	_ =	sdelay $0x1  }
0x304: {  	[tilespmem:v21+s20+$0x0] =	vst.idx.msk $0xffff, v20  }
0x305: {  	[tilespmem:v19+s20+$0x0] =	vst.idx.msk $0xffff, v18  }
0x306: {  	[tilespmem:v13+s20+$0x0] =	vst.idx.msk $0xffff, v12  }
0x307: {  	[tilespmem:v17+s20+$0x0] =	vst.idx.msk $0xffff, v16  }
0x308: {  	v34 =	vld [tilespmem:$0x1FF70];
	_ =	sdelay $0x1  }
0x309: {  	v21 =	vadd.s32 v31, v6;
	v20 =	vld [tilespmem:s29+$0xFFFFFE20]  }
0x30a: {  	v13 =	vadd.s32 v50, v14;
	v12 =	vld [tilespmem:s30+$0xFFFFFF80]  }
0x30b: {  	v18 =	vadd.s32 v45, v11;
	v17 =	vld [tilespmem:s29+$0xFFFFFF30]  }
0x30c: {  	v14 =	vld [tilespmem:s30+$0xFFFFFE80];
	v15 =	vadd.s32 v34, v15;
	_ =	sdelay $0x1  }
0x30d: {  	[tilespmem:v21+s20+$0x0] =	vst.idx.msk $0xffff, v20  }
0x30e: {  	[tilespmem:v13+s20+$0x0] =	vst.idx.msk $0xffff, v12  }
0x30f: {  	s12 =	simm.s32 $0x6;
	[tilespmem:v18+s20+$0x0] =	vst.idx.msk $0xffff, v17  }
0x310: {  	s13 =	simm.s32 $0x2;
	v16 =	vmov s12;
	[tilespmem:v15+s20+$0x0] =	vst.idx.msk $0xffff, v14  }
0x311: {  	v19 =	vmov s13;
	v16 =	vshrl.u32 v16, $0x3;
	v35 =	vld [tilespmem:$0x1FD90]  }
0x312: {  	v19 =	vshrl.u32 v19, $0x3;
	v16 =	vshll.u32 v16, v9  }
0x313: {  	v19 =	vshll.u32 v19, v9;
	v16 =	vbroadcast v16, $0x0  }
0x314: {  	v19 =	vbroadcast v19, $0x0;
	v21 =	vadd.s32 v41, v6;
	v20 =	vld [tilespmem:s29+$0xFFFFFE30]  }
0x315: {  	v13 =	vadd.s32 v53, v16;
	v12 =	vld [tilespmem:s30+$0xFFFFFF90]  }
0x316: {  	v14 =	vld [tilespmem:s30+$0xFFFFFE90];
	v15 =	vadd.s32 v35, v19  }
0x317: {  	v11 =	vadd.s32 v46, v11;
	v17 =	vld [tilespmem:s29+$0xFFFFFF40];
	_ =	sdelay $0x1  }
0x318: {  	[tilespmem:v21+s20+$0x0] =	vst.idx.msk $0xffff, v20  }
0x319: {  	[tilespmem:v13+s20+$0x0] =	vst.idx.msk $0xffff, v12  }
0x31a: {  	[tilespmem:v15+s20+$0x0] =	vst.idx.msk $0xffff, v14  }
0x31b: {  	v54 =	vld [tilespmem:$0x1FE70];
	[tilespmem:v11+s20+$0x0] =	vst.idx.msk $0xffff, v17  }
0x31c: {  	s14 =	simm.s32 $0xD;
	v43 =	vld [tilespmem:$0x1FF50]  }
0x31d: {  	v6 =	vadd.s32 v33, v6;
	v20 =	vmov s14;
	v18 =	vld [tilespmem:s29+$0xFFFFFE40]  }
0x31e: {  	v20 =	vshrl.u32 v20, $0x3  }
0x31f: {  	v20 =	vshll.u32 v20, v9  }
0x320: {  	s15 =	simm.s32 $0x9;
	v13 =	vld [tilespmem:s30+$0xFFFFFFA0];
	v20 =	vbroadcast v20, $0x0;
	v14 =	vadd.s32 v54, v16  }
0x321: {  	v21 =	vmov s15;
	v11 =	vld [tilespmem:s30+$0xFFFFFEA0];
	v15 =	vadd.s32 v43, v19  }
0x322: {  	v21 =	vshrl.u32 v21, $0x3;
	v17 =	vadd.s32 v47, v20;
	[tilespmem:v6+s20+$0x0] =	vst.idx.msk $0xffff, v18;
	v6 =	vld [tilespmem:s29+$0xFFFFFF50]  }
0x323: {  	v12 =	vshll.u32 v21, v9  }
0x324: {  	v12 =	vbroadcast v12, $0x0  }
0x325: {  	[tilespmem:v14+s20+$0x0] =	vst.idx.msk $0xffff, v13  }
0x326: {  	v21 =	vadd.s32 v32, v12;
	v18 =	vld [tilespmem:s29+$0xFFFFFE50];
	[tilespmem:v15+s20+$0x0] =	vst.idx.msk $0xffff, v11  }
0x327: {  	v52 =	vld [tilespmem:$0x1FE80];
	[tilespmem:v17+s20+$0x0] =	vst.idx.msk $0xffff, v6  }
0x328: {  	v40 =	vld [tilespmem:$0x1FDA0];
	_ =	sdelay $0x2  }
0x329: {  	[tilespmem:v21+s20+$0x0] =	vst.idx.msk $0xffff, v18;
	v18 =	vld [tilespmem:s29+$0xFFFFFF60];
	v21 =	vadd.s32 v48, v20  }
0x32a: {  	v11 =	vld [tilespmem:s30+$0xFFFFFFB0];
	v15 =	vadd.s32 v52, v16  }
0x32b: {  	v6 =	vld [tilespmem:s30+$0xFFFFFEB0];
	v17 =	vadd.s32 v40, v19;
	_ =	sdelay $0x1  }
0x32c: {  	s13 =	simm.s32 $0x14  }
0x32d: {  	s0 =	simm.s32 $0x10;
	v22 =	vmov s13;
	[tilespmem:v21+s20+$0x0] =	vst.idx.msk $0xffff, v18  }
0x32e: {  	v13 =	vmov s0;
	v14 =	vshrl.u32 v22, $0x3;
	[tilespmem:v15+s20+$0x0] =	vst.idx.msk $0xffff, v11  }
0x32f: {  	v13 =	vshrl.u32 v13, $0x3;
	v14 =	vshll.u32 v14, v9;
	[tilespmem:v17+s20+$0x0] =	vst.idx.msk $0xffff, v6  }
0x330: {  	v13 =	vshll.u32 v13, v9;
	v14 =	vbroadcast v14, $0x0;
	v37 =	vld [tilespmem:$0x1FF30]  }
0x331: {  	s31 =	simm.s32 $0x10DF0;
	v23 =	vadd.s32 v42, v12;
	v22 =	vbroadcast v13, $0x0;
	v13 =	vld [tilespmem:s29+$0xFFFFFE60]  }
0x332: {  	v24 =	vld [tilespmem:s31+$0xFFFFFF10];
	v25 =	vadd.s32 v29, v14  }
0x333: {  	v26 =	vld [tilespmem:s31+$0xFFFFFE10];
	v27 =	vadd.s32 v30, v22  }
0x334: {  	v11 =	vadd.s32 v58, v16;
	v6 =	vld [tilespmem:s30+$0xFFFFFFC0]  }
0x335: {  	v15 =	vld [tilespmem:s30+$0xFFFFFEC0];
	v16 =	vadd.s32 v37, v19  }
0x336: {  	v18 =	vld [tilespmem:s29+$0xFFFFFF70];
	[tilespmem:v23+s20+$0x0] =	vst.idx.msk $0xffff, v13;
	v19 =	vadd.s32 v49, v20  }
0x337: {  	[tilespmem:v25+s20+$0x0] =	vst.idx.msk $0xffff, v24  }
0x338: {  	[tilespmem:v27+s20+$0x0] =	vst.idx.msk $0xffff, v26  }
0x339: {  	[tilespmem:v11+s20+$0x0] =	vst.idx.msk $0xffff, v6  }
0x33a: {  	s14 =	simm.s32 $0x7;
	v21 =	vld [tilespmem:s29+$0xFFFFFE70];
	[tilespmem:v16+s20+$0x0] =	vst.idx.msk $0xffff, v15  }
0x33b: {  	s15 =	simm.s32 $0x3;
	v17 =	vmov s14;
	v55 =	vld [tilespmem:$0x1FEA0];
	[tilespmem:v19+s20+$0x0] =	vst.idx.msk $0xffff, v18  }
0x33c: {  	v13 =	vmov s15;
	v17 =	vshrl.u32 v17, $0x3;
	v23 =	vadd.s32 v36, v12;
	v38 =	vld [tilespmem:$0x1FDB0]  }
0x33d: {  	v25 =	vadd.s32 v44, v14;
	v13 =	vshrl.u32 v13, $0x3;
	v17 =	vshll.u32 v17, v9;
	v24 =	vld [tilespmem:s31+$0xFFFFFF20]  }
0x33e: {  	v27 =	vadd.s32 v31, v22;
	v26 =	vld [tilespmem:s31+$0xFFFFFE20];
	v13 =	vshll.u32 v13, v9;
	v17 =	vbroadcast v17, $0x0  }
0x33f: {  	v13 =	vbroadcast v13, $0x0;
	v19 =	vadd.s32 v50, v20;
	v18 =	vld [tilespmem:s29+$0xFFFFFF80]  }
0x340: {  	v6 =	vld [tilespmem:s30+$0xFFFFFFD0];
	v11 =	vadd.s32 v55, v17  }
0x341: {  	v15 =	vld [tilespmem:s30+$0xFFFFFED0];
	[tilespmem:v23+s20+$0x0] =	vst.idx.msk $0xffff, v21;
	v16 =	vadd.s32 v38, v13  }
0x342: {  	[tilespmem:v25+s20+$0x0] =	vst.idx.msk $0xffff, v24  }
0x343: {  	[tilespmem:v27+s20+$0x0] =	vst.idx.msk $0xffff, v26  }
0x344: {  	[tilespmem:v19+s20+$0x0] =	vst.idx.msk $0xffff, v18  }
0x345: {  	s14 =	simm.s32 $0xE;
	[tilespmem:v11+s20+$0x0] =	vst.idx.msk $0xffff, v6  }
0x346: {  	v21 =	vadd.s32 v34, v12;
	v12 =	vmov s14;
	v20 =	vld [tilespmem:s29+$0xFFFFFE80];
	[tilespmem:v16+s20+$0x0] =	vst.idx.msk $0xffff, v15  }
0x347: {  	v12 =	vshrl.u32 v12, $0x3;
	v39 =	vld [tilespmem:$0x1FDC0]  }
0x348: {  	s15 =	simm.s32 $0xA;
	v24 =	vadd.s32 v45, v14;
	v23 =	vld [tilespmem:s31+$0xFFFFFF30];
	v12 =	vshll.u32 v12, v9  }
0x349: {  	v25 =	vmov s15;
	v27 =	vadd.s32 v41, v22;
	v26 =	vld [tilespmem:s31+$0xFFFFFE30];
	v11 =	vbroadcast v12, $0x0  }
0x34a: {  	v25 =	vshrl.u32 v25, $0x3;
	v15 =	vld [tilespmem:s30+$0xFFFFFFE0];
	v16 =	vadd.s32 v56, v17  }
0x34b: {  	v19 =	vld [tilespmem:s29+$0xFFFFFF90];
	v6 =	vshll.u32 v25, v9;
	[tilespmem:v21+s20+$0x0] =	vst.idx.msk $0xffff, v20;
	v20 =	vadd.s32 v53, v11  }
0x34c: {  	v12 =	vbroadcast v6, $0x0;
	v6 =	vld [tilespmem:s30+$0xFFFFFEE0];
	v18 =	vadd.s32 v39, v13  }
0x34d: {  	[tilespmem:v24+s20+$0x0] =	vst.idx.msk $0xffff, v23  }
0x34e: {  	[tilespmem:v27+s20+$0x0] =	vst.idx.msk $0xffff, v26  }
0x34f: {  	[tilespmem:v16+s20+$0x0] =	vst.idx.msk $0xffff, v15  }
0x350: {  	[tilespmem:v20+s20+$0x0] =	vst.idx.msk $0xffff, v19  }
0x351: {  	[tilespmem:v18+s20+$0x0] =	vst.idx.msk $0xffff, v6  }
0x352: {  	v59 =	vld [tilespmem:$0x1FC40]  }
0x353: {  	v21 =	vld [tilespmem:s29+$0xFFFFFE90];
	v23 =	vadd.s32 v35, v12  }
0x354: {  	v14 =	vadd.s32 v46, v14;
	v24 =	vld [tilespmem:s31+$0xFFFFFF40]  }
0x355: {  	v22 =	vadd.s32 v33, v22;
	v25 =	vld [tilespmem:s31+$0xFFFFFE40]  }
0x356: {  	v26 =	vadd.s32 v57, v17;
	v16 =	vld [tilespmem:s30+$0xFFFFFFF0]  }
0x357: {  	v27 =	vld [tilespmem:s30+$0xFFFFFEF0];
	v28 =	vadd.s32 v59, v13  }
0x358: {  	[tilespmem:v23+s20+$0x0] =	vst.idx.msk $0xffff, v21  }
0x359: {  	[tilespmem:v14+s20+$0x0] =	vst.idx.msk $0xffff, v24  }
0x35a: {  	[tilespmem:v22+s20+$0x0] =	vst.idx.msk $0xffff, v25  }
0x35b: {  	s14 =	simm.s32 $0x15;
	[tilespmem:v26+s20+$0x0] =	vst.idx.msk $0xffff, v16  }
0x35c: {  	s15 =	simm.s32 $0x11;
	v15 =	vmov s14;
	v19 =	vld [tilespmem:s29+$0xFFFFFFA0];
	[tilespmem:v28+s20+$0x0] =	vst.idx.msk $0xffff, v27  }
0x35d: {  	v15 =	vshrl.u32 v15, $0x3;
	v6 =	vmov s15;
	v25 =	vld [tilespmem:$0x1FC50]  }
0x35e: {  	v15 =	vshll.u32 v15, v9;
	v6 =	vshrl.u32 v6, $0x3;
	v18 =	vld [tilespmem:s29+$0xFFFFFEA0]  }
0x35f: {  	v15 =	vbroadcast v15, $0x0;
	v6 =	vshll.u32 v6, v9;
	v22 =	vld [tilespmem:s31+$0xFFFFFF50]  }
0x360: {  	v16 =	vld [tilespmem:s30+$0x0];
	v14 =	vbroadcast v6, $0x0  }
0x361: {  	v51 =	vmovc v53;
	v20 =	vadd.s32 v43, v12;
	v21 =	vadd.s32 v54, v11;
	v23 =	vadd.s32 v47, v15;
	v60 =	vld [tilespmem:$0x1FDD0]  }
0x362: {  	s13 =	simm.s32 $0x20;
	s12 =	simm.s32 $0x18;
	v53 =	vmovc v54;
	s14 =	simm.s32 $0x1C;
	v54 =	vmovc v58;
	v6 =	vld [tilespmem:s31+$0xFFFFFE50];
	v24 =	vadd.s32 v32, v14;
	v17 =	vadd.s32 v25, v17;
	v58 =	vmov v25  }
.LBB2_13:
0x363: {  	_ =	sdelay $0x2  }
0x364: {  	v25 =	vmov s14;
	v13 =	vadd.s32 v60, v13;
	[tilespmem:v21+s20+$0x0] =	vst.idx.msk $0xffff, v19;
	v19 =	vld [tilespmem:s30+$0xFFFFFF00];
	s30 =	smov.u32 s29  }
0x365: {  	v25 =	vshrl.u32 v25, $0x3;
	v21 =	vmov s12;
	[tilespmem:v20+s20+$0x0] =	vst.idx.msk $0xffff, v18;
	v18 =	vld [tilespmem:s30+$0xFFFFFFB0];
	v20 =	vadd.s32 v52, v11  }
0x366: {  	v25 =	vshll.u32 v25, v9;
	v21 =	vshrl.u32 v21, $0x3;
	[tilespmem:v23+s20+$0x0] =	vst.idx.msk $0xffff, v22;
	v23 =	vadd.s32 v40, v12;
	v22 =	vld [tilespmem:s30+$0xFFFFFEB0]  }
0x367: {  	s29 =	smov.u32 s31;
	v25 =	vbroadcast v25, $0x0;
	v21 =	vshll.u32 v21, v9;
	[tilespmem:v24+s20+$0x0] =	vst.idx.msk $0xffff, v6;
	v6 =	vld [tilespmem:s31+$0xFFFFFF60];
	v24 =	vadd.s32 v48, v15  }
0x368: {  	v27 =	vadd.s32 v42, v14;
	s31 =	sadd.s32 $0x200, s31;
	[tilespmem:v17+s20+$0x0] =	vst.idx.msk $0xffff, v16;
	v21 =	vbroadcast v21, $0x0;
	v26 =	vld [tilespmem:s29+$0xFFFFFE60]  }
0x369: {  	v16 =	vld [tilespmem:s31+$0xFFFFFF10];
	v17 =	vadd.s32 v29, v25;
	[tilespmem:v13+s20+$0x0] =	vst.idx.msk $0xffff, v19  }
0x36a: {  	v19 =	vadd.s32 v30, v21;
	v13 =	vld [tilespmem:s31+$0xFFFFFE10];
	[tilespmem:v20+s20+$0x0] =	vst.idx.msk $0xffff, v18  }
0x36b: {  	s14 =	sadd.s32 $0x7, s1;
	v11 =	vadd.s32 v54, v11;
	[tilespmem:v23+s20+$0x0] =	vst.idx.msk $0xffff, v22;
	v18 =	vld [tilespmem:s30+$0xFFFFFFC0]  }
0x36c: {  	s15 =	sadd.s32 $0x3, s1;
	v12 =	vadd.s32 v37, v12;
	v20 =	vmov s14;
	[tilespmem:v24+s20+$0x0] =	vst.idx.msk $0xffff, v6;
	v6 =	vld [tilespmem:s30+$0xFFFFFEC0]  }
0x36d: {  	v23 =	vadd.s32 v49, v15;
	v24 =	vmov s15;
	v20 =	vshrl.u32 v20, $0x3;
	[tilespmem:v27+s20+$0x0] =	vst.idx.msk $0xffff, v26;
	v22 =	vld [tilespmem:s29+$0xFFFFFF70]  }
0x36e: {  	[tilespmem:v17+s20+$0x0] =	vst.idx.msk $0xffff, v16;
	v17 =	vadd.s32 v36, v14;
	v24 =	vshrl.u32 v24, $0x3;
	v20 =	vshll.u32 v20, v9;
	v16 =	vld [tilespmem:s29+$0xFFFFFE70]  }
0x36f: {  	v26 =	vadd.s32 v44, v25;
	v27 =	vbroadcast v20, $0x0;
	[tilespmem:v19+s20+$0x0] =	vst.idx.msk $0xffff, v13;
	v19 =	vld [tilespmem:s31+$0xFFFFFF20];
	v13 =	vshll.u32 v24, v9  }
0x370: {  	v24 =	vadd.s32 v31, v21;
	v20 =	vld [tilespmem:s31+$0xFFFFFE20];
	v13 =	vbroadcast v13, $0x0;
	[tilespmem:v11+s20+$0x0] =	vst.idx.msk $0xffff, v18  }
0x371: {  	v11 =	vadd.s32 v55, v27;
	[tilespmem:v12+s20+$0x0] =	vst.idx.msk $0xffff, v6;
	v6 =	vld [tilespmem:s30+$0xFFFFFFD0]  }
0x372: {  	s1 =	smov.u32 s0;
	[tilespmem:v23+s20+$0x0] =	vst.idx.msk $0xffff, v22;
	v12 =	vld [tilespmem:s30+$0xFFFFFED0];
	v18 =	vadd.s32 v38, v13  }
0x373: {  	s14 =	sadd.s32 $0x6, s1;
	v15 =	vadd.s32 v50, v15;
	[tilespmem:v17+s20+$0x0] =	vst.idx.msk $0xffff, v16;
	v16 =	vld [tilespmem:s29+$0xFFFFFF80]  }
0x374: {  	s15 =	sadd.s32 $0x2, s1;
	v14 =	vadd.s32 v34, v14;
	v17 =	vld [tilespmem:s29+$0xFFFFFE80];
	[tilespmem:v26+s20+$0x0] =	vst.idx.msk $0xffff, v19;
	v19 =	vmov s14  }
0x375: {  	v22 =	vadd.s32 v45, v25;
	v23 =	vmov s15;
	[tilespmem:v24+s20+$0x0] =	vst.idx.msk $0xffff, v20;
	v20 =	vld [tilespmem:s31+$0xFFFFFF30];
	v19 =	vshrl.u32 v19, $0x3  }
0x376: {  	v23 =	vshrl.u32 v23, $0x3;
	v26 =	vadd.s32 v41, v21;
	v24 =	vld [tilespmem:s31+$0xFFFFFE30];
	v19 =	vshll.u32 v19, v9;
	[tilespmem:v11+s20+$0x0] =	vst.idx.msk $0xffff, v6  }
0x377: {  	v6 =	vshll.u32 v23, v9;
	v11 =	vbroadcast v19, $0x0;
	[tilespmem:v18+s20+$0x0] =	vst.idx.msk $0xffff, v12;
	v18 =	vld [tilespmem:s30+$0xFFFFFFE0];
	v19 =	vadd.s32 v56, v27  }
0x378: {  	v12 =	vbroadcast v6, $0x0;
	[tilespmem:v15+s20+$0x0] =	vst.idx.msk $0xffff, v16;
	v15 =	vadd.s32 v39, v13;
	v6 =	vld [tilespmem:s30+$0xFFFFFEE0]  }
0x379: {  	[tilespmem:v14+s20+$0x0] =	vst.idx.msk $0xffff, v17;
	v14 =	vld [tilespmem:s29+$0xFFFFFF90];
	v16 =	vadd.s32 v51, v11  }
0x37a: {  	v17 =	vld [tilespmem:s29+$0xFFFFFE90];
	[tilespmem:v22+s20+$0x0] =	vst.idx.msk $0xffff, v20;
	v20 =	vadd.s32 v35, v12  }
0x37b: {  	s0 =	smov.u32 s12;
	v23 =	vadd.s32 v46, v25;
	[tilespmem:v26+s20+$0x0] =	vst.idx.msk $0xffff, v24;
	v22 =	vld [tilespmem:s31+$0xFFFFFF40]  }
0x37c: {  	s14 =	sadd.s32 $0x5, s0;
	v25 =	vadd.s32 v33, v21;
	v24 =	vld [tilespmem:s31+$0xFFFFFE40];
	[tilespmem:v19+s20+$0x0] =	vst.idx.msk $0xffff, v18  }
0x37d: {  	v28 =	vadd.s32 v57, v27;
	v21 =	vmov s14;
	[tilespmem:v15+s20+$0x0] =	vst.idx.msk $0xffff, v6;
	v26 =	vld [tilespmem:s30+$0xFFFFFFF0]  }
0x37e: {  	s15 =	sadd.s32 $0x1, s0;
	v29 =	vadd.s32 v59, v13;
	v19 =	vshrl.u32 v21, $0x3;
	[tilespmem:v16+s20+$0x0] =	vst.idx.msk $0xffff, v14;
	v16 =	vld [tilespmem:s30+$0xFFFFFEF0]  }
0x37f: {  	p1 =	slt.u32 s13, $0x78;
	v18 =	vmov s15;
	v15 =	vshll.u32 v19, v9;
	[tilespmem:v20+s20+$0x0] =	vst.idx.msk $0xffff, v17;
	v19 =	vld [tilespmem:s29+$0xFFFFFFA0]  }
.Ltmp5:
0x380: {  	v6 =	vshrl.u32 v18, $0x3;
	[tilespmem:v23+s20+$0x0] =	vst.idx.msk $0xffff, v22;
	v18 =	vld [tilespmem:s29+$0xFFFFFEA0];
	(pc) =	sbr.rel @p1 .LBB2_13-.Ltmp5, $4  }
0x381: {  	v6 =	vshll.u32 v6, v9;
	[tilespmem:v25+s20+$0x0] =	vst.idx.msk $0xffff, v24;
	v22 =	vld [tilespmem:s31+$0xFFFFFF50]  }
0x382: {  	v15 =	vbroadcast v15, $0x0;
	v14 =	vbroadcast v6, $0x0;
	v6 =	vld [tilespmem:s31+$0xFFFFFE50];
	[tilespmem:v28+s20+$0x0] =	vst.idx.msk $0xffff, v26  }
0x383: {  	s12 =	smov.u32 s13;
	v21 =	vadd.s32 v53, v11;
	v20 =	vadd.s32 v43, v12;
	[tilespmem:v29+s20+$0x0] =	vst.idx.msk $0xffff, v16;
	v29 =	vld [tilespmem:$0x1FDE0]  }
0x384: {  	s13 =	sadd.s32 $0x8, s13;
	s14 =	sadd.s32 $0x4, s12;
	v17 =	vadd.s32 v58, v27;
	v23 =	vadd.s32 v47, v15;
	v24 =	vadd.s32 v32, v14;
	v16 =	vld [tilespmem:s30+$0x0]  }
0x385: {  	v25 =	vmov s14  }
0x386: {  	v26 =	vmov s12;
	v25 =	vshrl.u32 v25, $0x3  }
0x387: {  	v26 =	vshrl.u32 v26, $0x3;
	v25 =	vshll.u32 v25, v9  }
0x388: {  	v26 =	vshll.u32 v26, v9;
	v25 =	vbroadcast v25, $0x0  }
0x389: {  	s13 =	sadd.s32 $0x200, s31;
	v26 =	vbroadcast v26, $0x0  }
0x38a: {  	v27 =	vld [tilespmem:s13+$0xFFFFFF10];
	v28 =	vadd.s32 v29, v25  }
0x38b: {  	v29 =	vld [tilespmem:s13+$0xFFFFFE10];
	v30 =	vadd.s32 v30, v26;
	_ =	sdelay $0x3  }
0x38c: {  	[tilespmem:v28+s20+$0x0] =	vst.idx.msk $0xffff, v27  }
0x38d: {  	[tilespmem:v30+s20+$0x0] =	vst.idx.msk $0xffff, v29;
	v28 =	vadd.s32 v44, v25;
	v27 =	vld [tilespmem:s13+$0xFFFFFF20]  }
0x38e: {  	v44 =	vadd.s32 v31, v26;
	v29 =	vld [tilespmem:s13+$0xFFFFFE20];
	_ =	sdelay $0x3  }
0x38f: {  	[tilespmem:v28+s20+$0x0] =	vst.idx.msk $0xffff, v27  }
0x390: {  	[tilespmem:v44+s20+$0x0] =	vst.idx.msk $0xffff, v29;
	v44 =	vadd.s32 v45, v25;
	v27 =	vld [tilespmem:s13+$0xFFFFFF30]  }
0x391: {  	v45 =	vadd.s32 v41, v26;
	v29 =	vld [tilespmem:s13+$0xFFFFFE30];
	_ =	sdelay $0x3  }
0x392: {  	[tilespmem:v44+s20+$0x0] =	vst.idx.msk $0xffff, v27  }
0x393: {  	s14 =	sadd.s32 $0x5, s12;
	v25 =	vadd.s32 v46, v25;
	[tilespmem:v45+s20+$0x0] =	vst.idx.msk $0xffff, v29;
	v27 =	vld [tilespmem:s13+$0xFFFFFF40]  }
0x394: {  	s15 =	sadd.s32 $0x1, s12;
	v26 =	vadd.s32 v33, v26;
	v45 =	vmov s14;
	v44 =	vld [tilespmem:s13+$0xFFFFFE40]  }
0x395: {  	v46 =	vmov s15;
	v29 =	vshrl.u32 v45, $0x3  }
0x396: {  	v30 =	vshrl.u32 v46, $0x3;
	v29 =	vshll.u32 v29, v9  }
0x397: {  	v30 =	vshll.u32 v30, v9;
	v29 =	vbroadcast v29, $0x0  }
0x398: {  	v30 =	vbroadcast v30, $0x0;
	[tilespmem:v25+s20+$0x0] =	vst.idx.msk $0xffff, v27  }
0x399: {  	[tilespmem:v26+s20+$0x0] =	vst.idx.msk $0xffff, v44;
	v26 =	vadd.s32 v47, v29;
	v25 =	vld [tilespmem:s13+$0xFFFFFF50]  }
0x39a: {  	v33 =	vadd.s32 v32, v30;
	v47 =	vld [tilespmem:s13+$0xFFFFFE50];
	_ =	sdelay $0x1  }
0x39b: {  	[tilespmem:v23+s20+$0x0] =	vst.idx.msk $0xffff, v22  }
0x39c: {  	[tilespmem:v24+s20+$0x0] =	vst.idx.msk $0xffff, v6;
	v6 =	vld [tilespmem:s31+$0xFFFFFF60];
	v44 =	vadd.s32 v48, v15  }
0x39d: {  	v46 =	vadd.s32 v42, v14;
	v45 =	vld [tilespmem:s31+$0xFFFFFE60];
	[tilespmem:v26+s20+$0x0] =	vst.idx.msk $0xffff, v25  }
0x39e: {  	[tilespmem:v33+s20+$0x0] =	vst.idx.msk $0xffff, v47;
	v47 =	vadd.s32 v48, v29;
	v25 =	vld [tilespmem:s13+$0xFFFFFF60]  }
0x39f: {  	v48 =	vadd.s32 v42, v30;
	v27 =	vld [tilespmem:s13+$0xFFFFFE60];
	_ =	sdelay $0x1  }
0x3a0: {  	[tilespmem:v44+s20+$0x0] =	vst.idx.msk $0xffff, v6  }
0x3a1: {  	v32 =	vadd.s32 v49, v15;
	[tilespmem:v46+s20+$0x0] =	vst.idx.msk $0xffff, v45;
	v6 =	vld [tilespmem:s31+$0xFFFFFF70]  }
0x3a2: {  	v23 =	vld [tilespmem:s31+$0xFFFFFE70];
	v33 =	vadd.s32 v36, v14;
	[tilespmem:v47+s20+$0x0] =	vst.idx.msk $0xffff, v25  }
0x3a3: {  	v42 =	vadd.s32 v49, v29;
	[tilespmem:v48+s20+$0x0] =	vst.idx.msk $0xffff, v27;
	v25 =	vld [tilespmem:s13+$0xFFFFFF70]  }
0x3a4: {  	v44 =	vadd.s32 v36, v30;
	v27 =	vld [tilespmem:s13+$0xFFFFFE70]  }
0x3a5: {  	s14 =	sadd.s32 $0x6, s0  }
0x3a6: {  	v46 =	vmov s14;
	[tilespmem:v32+s20+$0x0] =	vst.idx.msk $0xffff, v6  }
0x3a7: {  	v45 =	vadd.s32 v50, v15;
	v22 =	vshrl.u32 v46, $0x3;
	[tilespmem:v33+s20+$0x0] =	vst.idx.msk $0xffff, v23;
	v6 =	vld [tilespmem:s31+$0xFFFFFF80]  }
0x3a8: {  	s15 =	sadd.s32 $0x2, s0;
	v22 =	vshll.u32 v22, v9;
	v24 =	vld [tilespmem:s31+$0xFFFFFE80];
	v48 =	vadd.s32 v34, v14;
	[tilespmem:v42+s20+$0x0] =	vst.idx.msk $0xffff, v25  }
0x3a9: {  	s14 =	sadd.s32 $0x6, s12;
	v22 =	vbroadcast v22, $0x0;
	v47 =	vmov s15;
	[tilespmem:v44+s20+$0x0] =	vst.idx.msk $0xffff, v27;
	v42 =	vadd.s32 v50, v29;
	v36 =	vld [tilespmem:s13+$0xFFFFFF80]  }
0x3aa: {  	v49 =	vmov s14;
	v30 =	vadd.s32 v34, v30;
	s15 =	sadd.s32 $0x2, s12;
	v23 =	vshrl.u32 v47, $0x3;
	v44 =	vld [tilespmem:s13+$0xFFFFFE80]  }
0x3ab: {  	v33 =	vmov s15;
	v23 =	vshll.u32 v23, v9;
	v25 =	vshrl.u32 v49, $0x3  }
0x3ac: {  	[tilespmem:v45+s20+$0x0] =	vst.idx.msk $0xffff, v6;
	v6 =	vbroadcast v23, $0x0;
	v45 =	vshrl.u32 v33, $0x3;
	v46 =	vshll.u32 v25, v9  }
0x3ad: {  	[tilespmem:v48+s20+$0x0] =	vst.idx.msk $0xffff, v24;
	v48 =	vadd.s32 v51, v22;
	v47 =	vld [tilespmem:s31+$0xFFFFFF90];
	v15 =	vshll.u32 v45, v9;
	v23 =	vbroadcast v46, $0x0  }
0x3ae: {  	v49 =	vld [tilespmem:s31+$0xFFFFFE90];
	v50 =	vadd.s32 v35, v6;
	v15 =	vbroadcast v15, $0x0;
	[tilespmem:v42+s20+$0x0] =	vst.idx.msk $0xffff, v36  }
0x3af: {  	v51 =	vadd.s32 v51, v23;
	[tilespmem:v30+s20+$0x0] =	vst.idx.msk $0xffff, v44;
	v27 =	vld [tilespmem:s13+$0xFFFFFF90]  }
0x3b0: {  	[tilespmem:v21+s20+$0x0] =	vst.idx.msk $0xffff, v19;
	v30 =	vadd.s32 v35, v15;
	v29 =	vld [tilespmem:s13+$0xFFFFFE90]  }
0x3b1: {  	[tilespmem:v20+s20+$0x0] =	vst.idx.msk $0xffff, v18;
	v13 =	vadd.s32 v60, v13;
	v31 =	vld [tilespmem:s30+$0xFFFFFF00]  }
0x3b2: {  	v45 =	vld [tilespmem:s29+$0xFFFFFFB0];
	v46 =	vadd.s32 v52, v11;
	[tilespmem:v48+s20+$0x0] =	vst.idx.msk $0xffff, v47  }
0x3b3: {  	v32 =	vadd.s32 v53, v22;
	[tilespmem:v50+s20+$0x0] =	vst.idx.msk $0xffff, v49;
	v14 =	vld [tilespmem:s31+$0xFFFFFFA0]  }
0x3b4: {  	v34 =	vadd.s32 v43, v6;
	v33 =	vld [tilespmem:s31+$0xFFFFFEA0];
	[tilespmem:v51+s20+$0x0] =	vst.idx.msk $0xffff, v27  }
0x3b5: {  	v36 =	vadd.s32 v53, v23;
	[tilespmem:v30+s20+$0x0] =	vst.idx.msk $0xffff, v29;
	v35 =	vld [tilespmem:s13+$0xFFFFFFA0]  }
0x3b6: {  	[tilespmem:v13+s20+$0x0] =	vst.idx.msk $0xffff, v31;
	v44 =	vadd.s32 v43, v15;
	v42 =	vld [tilespmem:s13+$0xFFFFFEA0]  }
0x3b7: {  	[tilespmem:v46+s20+$0x0] =	vst.idx.msk $0xffff, v45  }
0x3b8: {  	v47 =	vld [tilespmem:s29+$0xFFFFFEB0];
	v48 =	vadd.s32 v40, v12;
	[tilespmem:v32+s20+$0x0] =	vst.idx.msk $0xffff, v14  }
0x3b9: {  	s15 =	sadd.s32 $0x7, s1;
	v50 =	vadd.s32 v52, v22;
	[tilespmem:v34+s20+$0x0] =	vst.idx.msk $0xffff, v33;
	v20 =	vld [tilespmem:s31+$0xFFFFFFB0]  }
0x3ba: {  	v49 =	vmov s15;
	s15 =	sadd.s32 $0x7, s0;
	v30 =	vadd.s32 v40, v6;
	v53 =	vld [tilespmem:s31+$0xFFFFFEB0];
	[tilespmem:v36+s20+$0x0] =	vst.idx.msk $0xffff, v35  }
0x3bb: {  	v11 =	vadd.s32 v54, v11;
	v46 =	vmov s15;
	v32 =	vadd.s32 v52, v23;
	[tilespmem:v44+s20+$0x0] =	vst.idx.msk $0xffff, v42;
	v31 =	vld [tilespmem:s13+$0xFFFFFFB0]  }
0x3bc: {  	[tilespmem:v17+s20+$0x0] =	vst.idx.msk $0xffff, v16;
	s30 =	sadd.s32 $0x3, s1;
	v45 =	vadd.s32 v54, v22;
	v22 =	vshrl.u32 v46, $0x3;
	v34 =	vadd.s32 v40, v15;
	v33 =	vld [tilespmem:s13+$0xFFFFFEB0]  }
0x3bd: {  	v22 =	vshll.u32 v22, v9;
	[tilespmem:v48+s20+$0x0] =	vst.idx.msk $0xffff, v47;
	v14 =	vshrl.u32 v49, $0x3;
	v51 =	vmov s30;
	v35 =	vld [tilespmem:s29+$0xFFFFFFC0]  }
0x3be: {  	v23 =	vadd.s32 v54, v23;
	v40 =	vadd.s32 v37, v12;
	v25 =	vshrl.u32 v51, $0x3;
	[tilespmem:v50+s20+$0x0] =	vst.idx.msk $0xffff, v20;
	v36 =	vld [tilespmem:s29+$0xFFFFFEC0]  }
0x3bf: {  	v22 =	vbroadcast v22, $0x0;
	v14 =	vshll.u32 v14, v9;
	v25 =	vshll.u32 v25, v9;
	[tilespmem:v30+s20+$0x0] =	vst.idx.msk $0xffff, v53;
	v44 =	vld [tilespmem:s31+$0xFFFFFFC0]  }
0x3c0: {  	s1 =	sadd.s32 $0x7, s12;
	s30 =	sadd.s32 $0x3, s0;
	v6 =	vadd.s32 v37, v6;
	v14 =	vbroadcast v14, $0x0;
	v18 =	vbroadcast v25, $0x0;
	v47 =	vld [tilespmem:s31+$0xFFFFFEC0];
	[tilespmem:v32+s20+$0x0] =	vst.idx.msk $0xffff, v31  }
0x3c1: {  	v15 =	vadd.s32 v37, v15;
	v48 =	vmov s30;
	v51 =	vmov s1;
	[tilespmem:v34+s20+$0x0] =	vst.idx.msk $0xffff, v33;
	v49 =	vld [tilespmem:s13+$0xFFFFFFC0]  }
0x3c2: {  	s14 =	sadd.s32 $0x3, s12;
	v17 =	vshrl.u32 v48, $0x3;
	v43 =	vadd.s32 v38, v18;
	v42 =	vadd.s32 v55, v14;
	[tilespmem:v11+s20+$0x0] =	vst.idx.msk $0xffff, v35;
	v50 =	vld [tilespmem:s13+$0xFFFFFEC0]  }
0x3c3: {  	v53 =	vmov s14;
	v11 =	vshll.u32 v17, v9;
	[tilespmem:v40+s20+$0x0] =	vst.idx.msk $0xffff, v36;
	v17 =	vshrl.u32 v51, $0x3;
	v52 =	vld [tilespmem:s29+$0xFFFFFFD0]  }
0x3c4: {  	v30 =	vshrl.u32 v53, $0x3;
	[tilespmem:v45+s20+$0x0] =	vst.idx.msk $0xffff, v44;
	v54 =	vld [tilespmem:s29+$0xFFFFFED0];
	v11 =	vbroadcast v11, $0x0;
	v17 =	vshll.u32 v17, v9  }
0x3c5: {  	v19 =	vshll.u32 v30, v9;
	[tilespmem:v6+s20+$0x0] =	vst.idx.msk $0xffff, v47;
	v6 =	vld [tilespmem:s31+$0xFFFFFFD0];
	v31 =	vadd.s32 v55, v22;
	v17 =	vbroadcast v17, $0x0  }
0x3c6: {  	v19 =	vbroadcast v19, $0x0;
	v32 =	vld [tilespmem:s31+$0xFFFFFED0];
	v33 =	vadd.s32 v38, v11;
	[tilespmem:v23+s20+$0x0] =	vst.idx.msk $0xffff, v49  }
0x3c7: {  	v35 =	vadd.s32 v55, v17;
	[tilespmem:v15+s20+$0x0] =	vst.idx.msk $0xffff, v50;
	v34 =	vld [tilespmem:s13+$0xFFFFFFD0]  }
0x3c8: {  	v37 =	vadd.s32 v38, v19;
	[tilespmem:v42+s20+$0x0] =	vst.idx.msk $0xffff, v52;
	v36 =	vld [tilespmem:s13+$0xFFFFFED0]  }
0x3c9: {  	v40 =	vadd.s32 v56, v14;
	[tilespmem:v43+s20+$0x0] =	vst.idx.msk $0xffff, v54;
	v38 =	vld [tilespmem:s29+$0xFFFFFFE0]  }
0x3ca: {  	v43 =	vadd.s32 v39, v18;
	[tilespmem:v31+s20+$0x0] =	vst.idx.msk $0xffff, v6;
	v42 =	vld [tilespmem:s29+$0xFFFFFEE0]  }
0x3cb: {  	v44 =	vadd.s32 v56, v22;
	v6 =	vld [tilespmem:s31+$0xFFFFFFE0];
	[tilespmem:v33+s20+$0x0] =	vst.idx.msk $0xffff, v32  }
0x3cc: {  	v45 =	vadd.s32 v39, v11;
	v21 =	vld [tilespmem:s31+$0xFFFFFEE0];
	[tilespmem:v35+s20+$0x0] =	vst.idx.msk $0xffff, v34  }
0x3cd: {  	v47 =	vadd.s32 v56, v17;
	[tilespmem:v37+s20+$0x0] =	vst.idx.msk $0xffff, v36;
	v46 =	vld [tilespmem:s13+$0xFFFFFFE0]  }
0x3ce: {  	v49 =	vadd.s32 v39, v19;
	[tilespmem:v40+s20+$0x0] =	vst.idx.msk $0xffff, v38;
	v48 =	vld [tilespmem:s13+$0xFFFFFEE0]  }
0x3cf: {  	v50 =	vadd.s32 v57, v14;
	[tilespmem:v43+s20+$0x0] =	vst.idx.msk $0xffff, v42;
	v23 =	vld [tilespmem:s29+$0xFFFFFFF0]  }
0x3d0: {  	v51 =	vadd.s32 v59, v18;
	[tilespmem:v44+s20+$0x0] =	vst.idx.msk $0xffff, v6;
	v26 =	vld [tilespmem:s29+$0xFFFFFEF0]  }
0x3d1: {  	v52 =	vadd.s32 v57, v22;
	v6 =	vld [tilespmem:s31+$0xFFFFFFF0];
	[tilespmem:v45+s20+$0x0] =	vst.idx.msk $0xffff, v21  }
0x3d2: {  	v53 =	vadd.s32 v59, v11;
	v21 =	vld [tilespmem:s31+$0xFFFFFEF0];
	[tilespmem:v47+s20+$0x0] =	vst.idx.msk $0xffff, v46  }
0x3d3: {  	v54 =	vadd.s32 v57, v17;
	[tilespmem:v49+s20+$0x0] =	vst.idx.msk $0xffff, v48;
	v12 =	vld [tilespmem:s13+$0xFFFFFFF0]  }
0x3d4: {  	v55 =	vadd.s32 v59, v19;
	[tilespmem:v50+s20+$0x0] =	vst.idx.msk $0xffff, v23;
	v15 =	vld [tilespmem:s13+$0xFFFFFEF0]  }
0x3d5: {  	v14 =	vadd.s32 v58, v14;
	[tilespmem:v51+s20+$0x0] =	vst.idx.msk $0xffff, v26;
	v23 =	vld [tilespmem:s29+$0x0]  }
0x3d6: {  	v18 =	vadd.s32 v60, v18;
	[tilespmem:v52+s20+$0x0] =	vst.idx.msk $0xffff, v6;
	v56 =	vld [tilespmem:s29+$0xFFFFFF00]  }
0x3d7: {  	v57 =	vadd.s32 v58, v22;
	v6 =	vld [tilespmem:s31+$0x0];
	[tilespmem:v53+s20+$0x0] =	vst.idx.msk $0xffff, v21  }
0x3d8: {  	v11 =	vadd.s32 v60, v11;
	v21 =	vld [tilespmem:s31+$0xFFFFFF00];
	[tilespmem:v54+s20+$0x0] =	vst.idx.msk $0xffff, v12  }
0x3d9: {  	v58 =	vadd.s32 v58, v17;
	[tilespmem:v55+s20+$0x0] =	vst.idx.msk $0xffff, v15;
	v12 =	vld [tilespmem:s13+$0x0]  }
0x3da: {  	v60 =	vadd.s32 v60, v19;
	[tilespmem:v14+s20+$0x0] =	vst.idx.msk $0xffff, v23;
	v59 =	vld [tilespmem:s13+$0xFFFFFF00]  }
0x3db: {  	[tilespmem:v18+s20+$0x0] =	vst.idx.msk $0xffff, v56  }
0x3dc: {  	[tilespmem:v57+s20+$0x0] =	vst.idx.msk $0xffff, v6  }
0x3dd: {  	[tilespmem:v11+s20+$0x0] =	vst.idx.msk $0xffff, v21  }
0x3de: {  	[tilespmem:v58+s20+$0x0] =	vst.idx.msk $0xffff, v12  }
0x3df: {  	s15 =	simm.s32 $0x14800;
	s1 =	sadd.s32 s26, s8;
	[tilespmem:v60+s20+$0x0] =	vst.idx.msk $0xffff, v59  }
0x3e0: {  	[hbm4b:s1+s3] =	stream.linear.scatter [tilespmem:s15], [sflag:$0x2], $0x80, $0x38;
	[tilespmem:$0x18C00] =	vst v63  }
0x3e1: {  	s26 =	simm.s32 $0x14888;
	s29 =	sadd.s32 $0x10, s1  }
0x3e2: {  	[hbm4b:s29+s3] =	stream.linear.scatter [tilespmem:s26], [sflag:$0x2], $0x80, $0x38;
	[tilespmem:$0x18C00] =	vst v63  }
0x3e3: {  	s12 =	simm.s32 $0x14998;
	s30 =	simm.s32 $0x14910;
	s31 =	sadd.s32 $0x20, s1  }
0x3e4: {  	[hbm4b:s31+s3] =	stream.linear.scatter [tilespmem:s30], [sflag:$0x2], $0x80, $0x38;
	[tilespmem:$0x18C00] =	vst v63  }
0x3e5: {  	s0 =	simm.s32 $0x440;
	s14 =	simm.s32 $0x14A20;
	s13 =	sadd.s32 $0x30, s1  }
0x3e6: {  	[hbm4b:s13+s3] =	stream.linear.scatter [tilespmem:s12], [sflag:$0x2], $0x80, $0x38;
	[tilespmem:$0x18C00] =	vst v63  }
0x3e7: {  	s15 =	sadd.s32 $0x40, s1;
	s26 =	simm.s32 $0x14AA8;
	s29 =	sadd.s32 $0x50, s1  }
0x3e8: {  	[hbm4b:s15+s3] =	stream.linear.scatter [tilespmem:s14], [sflag:$0x2], $0x80, $0x38;
	[tilespmem:$0x18C00] =	vst v63  }
0x3e9: {  	s30 =	simm.s32 $0x14B30;
	s31 =	sadd.s32 $0x60, s1;
	s12 =	simm.s32 $0x2200  }
0x3ea: {  	[hbm4b:s29+s3] =	stream.linear.scatter [tilespmem:s26], [sflag:$0x2], $0x80, $0x38;
	[tilespmem:$0x18C00] =	vst v63  }
0x3eb: {  	s13 =	simm.s32 $0x14BB8;
	s14 =	sadd.s32 $0x70, s1;
	s1 =	sadd.s32 $0x1000, s1  }
0x3ec: {  	v54 =	vmov v41;
	[hbm4b:s31+s3] =	stream.linear.scatter [tilespmem:s30], [sflag:$0x2], $0x80, $0x38;
	[tilespmem:$0x18C00] =	vst v63  }
.LBB2_15:
0x3ed: {  	[hbm4b:s14+s3] =	stream.linear.scatter [tilespmem:s13], [sflag:$0x2], $0x80, $0x38;
	[tilespmem:$0x18C00] =	vst v63  }
0x3ee: {  	s13 =	smov.u32 s0;
	s0 =	smov.u32 s12  }
0x3ef: {  	s15 =	sadd.s32 $0x1100, s12;
	s0 =	sshra.s32 s0, $0x2;
	s14 =	sadd.s32 $0x14800, s13  }
0x3f0: {  	[hbm4b:s1+s3] =	stream.linear.scatter [tilespmem:s14], [sflag:$0x2], $0x80, $0x38;
	[tilespmem:$0x18C00] =	vst v63  }
0x3f1: {  	p1 =	sne.s32 s12, $0x7700;
	s12 =	sadd.s32 $0x14888, s13;
	s14 =	sadd.s32 $0x10, s1  }
0x3f2: {  	[hbm4b:s14+s3] =	stream.linear.scatter [tilespmem:s12], [sflag:$0x2], $0x80, $0x38;
	[tilespmem:$0x18C00] =	vst v63  }
0x3f3: {  	s12 =	sadd.s32 $0x14910, s13;
	s14 =	sadd.s32 $0x20, s1  }
0x3f4: {  	[hbm4b:s14+s3] =	stream.linear.scatter [tilespmem:s12], [sflag:$0x2], $0x80, $0x38;
	[tilespmem:$0x18C00] =	vst v63  }
0x3f5: {  	s12 =	sadd.s32 $0x14998, s13;
	s14 =	sadd.s32 $0x30, s1  }
0x3f6: {  	[hbm4b:s14+s3] =	stream.linear.scatter [tilespmem:s12], [sflag:$0x2], $0x80, $0x38;
	[tilespmem:$0x18C00] =	vst v63  }
0x3f7: {  	s12 =	sadd.s32 $0x14A20, s13;
	s14 =	sadd.s32 $0x40, s1  }
0x3f8: {  	[hbm4b:s14+s3] =	stream.linear.scatter [tilespmem:s12], [sflag:$0x2], $0x80, $0x38;
	[tilespmem:$0x18C00] =	vst v63  }
.Ltmp6:
0x3f9: {  	s12 =	sadd.s32 $0x14AA8, s13;
	s14 =	sadd.s32 $0x50, s1;
	(pc) =	sbr.rel @p1 .LBB2_15-.Ltmp6, $4  }
0x3fa: {  	[hbm4b:s14+s3] =	stream.linear.scatter [tilespmem:s12], [sflag:$0x2], $0x80, $0x38;
	[tilespmem:$0x18C00] =	vst v63  }
0x3fb: {  	s12 =	sadd.s32 $0x14B30, s13;
	s14 =	sadd.s32 $0x60, s1;
	s13 =	sadd.s32 $0x14BB8, s13  }
0x3fc: {  	[hbm4b:s14+s3] =	stream.linear.scatter [tilespmem:s12], [sflag:$0x2], $0x80, $0x38;
	[tilespmem:$0x18C00] =	vst v63  }
0x3fd: {  	s14 =	sadd.s32 $0x70, s1;
	s1 =	sadd.s32 $0x1000, s1;
	s12 =	smov.u32 s15  }
0x3fe: {  	[hbm4b:s14+s3] =	stream.linear.scatter [tilespmem:s13], [sflag:$0x2], $0x80, $0x38;
	[tilespmem:$0x18C00] =	vst v63  }
0x3ff: {  	s12 =	sadd.s32 $0x14800, s0  }
0x400: {  	[hbm4b:s1+s3] =	stream.linear.scatter [tilespmem:s12], [sflag:$0x2], $0x80, $0x38;
	[tilespmem:$0x18C00] =	vst v63  }
0x401: {  	s15 =	sadd.s32 $0x14888, s0;
	s26 =	sadd.s32 $0x10, s1  }
0x402: {  	[hbm4b:s26+s3] =	stream.linear.scatter [tilespmem:s15], [sflag:$0x2], $0x80, $0x38;
	[tilespmem:$0x18C00] =	vst v63  }
0x403: {  	s30 =	sadd.s32 $0x14910, s0;
	s31 =	sadd.s32 $0x20, s1  }
0x404: {  	[hbm4b:s31+s3] =	stream.linear.scatter [tilespmem:s30], [sflag:$0x2], $0x80, $0x38;
	[tilespmem:$0x18C00] =	vst v63  }
0x405: {  	s13 =	sadd.s32 $0x14998, s0;
	s14 =	sadd.s32 $0x30, s1  }
0x406: {  	[hbm4b:s14+s3] =	stream.linear.scatter [tilespmem:s13], [sflag:$0x2], $0x80, $0x38;
	[tilespmem:$0x18C00] =	vst v63  }
0x407: {  	s15 =	sadd.s32 $0x14A20, s0;
	s26 =	sadd.s32 $0x40, s1  }
0x408: {  	[hbm4b:s26+s3] =	stream.linear.scatter [tilespmem:s15], [sflag:$0x2], $0x80, $0x38;
	[tilespmem:$0x18C00] =	vst v63  }
0x409: {  	s30 =	sadd.s32 $0x14AA8, s0;
	s31 =	sadd.s32 $0x50, s1  }
0x40a: {  	[hbm4b:s31+s3] =	stream.linear.scatter [tilespmem:s30], [sflag:$0x2], $0x80, $0x38;
	[tilespmem:$0x18C00] =	vst v63  }
0x40b: {  	s13 =	sadd.s32 $0x14B30, s0;
	s14 =	sadd.s32 $0x60, s1  }
0x40c: {  	[hbm4b:s14+s3] =	stream.linear.scatter [tilespmem:s13], [sflag:$0x2], $0x80, $0x38;
	[tilespmem:$0x18C00] =	vst v63  }
0x40d: {  	s15 =	sadd.s32 $0x14BB8, s0;
	s26 =	sadd.s32 $0x70, s1  }
0x40e: {  	[hbm4b:s26+s3] =	stream.linear.scatter [tilespmem:s15], [sflag:$0x2], $0x80, $0x38;
	[tilespmem:$0x18C00] =	vst v63  }
0x40f: {  	_ =	swait.ge [sflag:s18], $0x2000  }
0x410: {  	s12 =	simm.s32 @!p0 $0x80;
	[sflag:s18] =	ssyncset.done $0x0  }
0x411: {  	s0 =	sadd.s32 @!p0 $0x6700, s28;
	s13 =	simm.s32 @!p0 $0x10800;
	[sflag:s18] =	ssyncadd.s32 $0xFFFFE000  }
0x412: {  	[tilespmem:s13], [sflag:$0x1] =	stream.indirect.gather @!p0 [hbm4b:s4+s12], $0x40, s0, s12, $0xb8;
	[tilespmem:$0x18C00] =	vst v63  }
0x413: {  	s30 =	simm.s32 $0x4;
	_ =	swait.ge [sflag:s21], $0x2000  }
0x414: {  	s31 =	simm.s32 $0x0;
	v6 =	vmov s30;
	v34 =	vld [tilespmem:$0x1FFC0]  }
0x415: {  	v11 =	vmov s31;
	v6 =	vshrl.u32 v6, $0x3;
	v41 =	vld [tilespmem:$0x1FED0]  }
0x416: {  	v11 =	vshrl.u32 v11, $0x3;
	v6 =	vshll.u32 v6, v9  }
0x417: {  	v11 =	vshll.u32 v11, v9;
	v6 =	vbroadcast v6, $0x0;
	[sflag:s21] =	ssyncset.done $0x0  }
0x418: {  	s28 =	simm.s32 $0x129F0;
	v11 =	vbroadcast v11, $0x0;
	[sflag:s21] =	ssyncadd.s32 $0xFFFFE000  }
0x419: {  	v12 =	vld [tilespmem:s28+$0xFFFFFF10];
	v13 =	vadd.s32 v34, v6  }
0x41a: {  	v14 =	vld [tilespmem:s28+$0xFFFFFE10];
	v15 =	vadd.s32 v41, v11;
	_ =	sdelay $0x3  }
0x41b: {  	[tilespmem:v13+s20+$0x0] =	vst.idx.msk $0xffff, v12  }
0x41c: {  	[tilespmem:v15+s20+$0x0] =	vst.idx.msk $0xffff, v14  }
0x41d: {  	v45 =	vld [tilespmem:$0x1FFD0]  }
0x41e: {  	v42 =	vld [tilespmem:$0x1FEE0];
	_ =	sdelay $0x3  }
0x41f: {  	v12 =	vld [tilespmem:s28+$0xFFFFFF20];
	v13 =	vadd.s32 v45, v6  }
0x420: {  	v14 =	vld [tilespmem:s28+$0xFFFFFE20];
	v15 =	vadd.s32 v42, v11;
	_ =	sdelay $0x3  }
0x421: {  	[tilespmem:v13+s20+$0x0] =	vst.idx.msk $0xffff, v12  }
0x422: {  	[tilespmem:v15+s20+$0x0] =	vst.idx.msk $0xffff, v14  }
0x423: {  	v48 =	vld [tilespmem:$0x1FFE0]  }
0x424: {  	v43 =	vld [tilespmem:$0x1FEF0];
	_ =	sdelay $0x3  }
0x425: {  	v12 =	vld [tilespmem:s28+$0xFFFFFF30];
	v13 =	vadd.s32 v48, v6  }
0x426: {  	v14 =	vld [tilespmem:s28+$0xFFFFFE30];
	v15 =	vadd.s32 v43, v11;
	_ =	sdelay $0x3  }
0x427: {  	[tilespmem:v13+s20+$0x0] =	vst.idx.msk $0xffff, v12  }
0x428: {  	[tilespmem:v15+s20+$0x0] =	vst.idx.msk $0xffff, v14  }
0x429: {  	v49 =	vld [tilespmem:$0x1FFF0]  }
0x42a: {  	v59 =	vld [tilespmem:$0x1FF00];
	_ =	sdelay $0x3  }
0x42b: {  	v12 =	vld [tilespmem:s28+$0xFFFFFF40];
	v6 =	vadd.s32 v49, v6  }
0x42c: {  	v13 =	vld [tilespmem:s28+$0xFFFFFE40];
	v11 =	vadd.s32 v59, v11;
	_ =	sdelay $0x3  }
0x42d: {  	s14 =	simm.s32 $0x5;
	[tilespmem:v6+s20+$0x0] =	vst.idx.msk $0xffff, v12  }
0x42e: {  	s15 =	simm.s32 $0x1;
	v14 =	vmov s14;
	[tilespmem:v11+s20+$0x0] =	vst.idx.msk $0xffff, v13  }
0x42f: {  	v15 =	vmov s15;
	v14 =	vshrl.u32 v14, $0x3;
	v60 =	vld [tilespmem:$0x1FF10]  }
0x430: {  	v15 =	vshrl.u32 v15, $0x3;
	v14 =	vshll.u32 v14, v9  }
0x431: {  	v15 =	vshll.u32 v15, v9;
	v14 =	vbroadcast v14, $0x0  }
0x432: {  	v15 =	vbroadcast v15, $0x0  }
0x433: {  	v11 =	vadd.s32 v61, v14;
	v6 =	vld [tilespmem:s28+$0xFFFFFF50]  }
0x434: {  	v12 =	vld [tilespmem:s28+$0xFFFFFE50];
	v13 =	vadd.s32 v60, v15;
	_ =	sdelay $0x2  }
0x435: {  	s26 =	simm.s32 $0xC  }
0x436: {  	v16 =	vmov s26;
	[tilespmem:v11+s20+$0x0] =	vst.idx.msk $0xffff, v6  }
0x437: {  	v16 =	vshrl.u32 v16, $0x3;
	[tilespmem:v13+s20+$0x0] =	vst.idx.msk $0xffff, v12  }
0x438: {  	v16 =	vshll.u32 v16, v9;
	v31 =	vld [tilespmem:$0x1FC60]  }
0x439: {  	v11 =	vbroadcast v16, $0x0  }
0x43a: {  	s1 =	simm.s32 $0x8;
	s26 =	simm.s32 $0x12BF0  }
0x43b: {  	v17 =	vmov s1;
	v18 =	vld [tilespmem:s26+$0xFFFFFF10];
	v19 =	vadd.s32 v34, v11  }
0x43c: {  	v17 =	vshrl.u32 v17, $0x3;
	v12 =	vld [tilespmem:s28+$0xFFFFFF60];
	v13 =	vadd.s32 v62, v14  }
0x43d: {  	v6 =	vshll.u32 v17, v9;
	v16 =	vld [tilespmem:s28+$0xFFFFFE60];
	v17 =	vadd.s32 v31, v15;
	_ =	sdelay $0x2  }
0x43e: {  	[tilespmem:v19+s20+$0x0] =	vst.idx.msk $0xffff, v18  }
0x43f: {  	[tilespmem:v13+s20+$0x0] =	vst.idx.msk $0xffff, v12  }
0x440: {  	[tilespmem:v17+s20+$0x0] =	vst.idx.msk $0xffff, v16  }
0x441: {  	v6 =	vbroadcast v6, $0x0;
	v32 =	vld [tilespmem:$0x1FC70];
	_ =	sdelay $0x1  }
0x442: {  	v20 =	vld [tilespmem:s26+$0xFFFFFE10];
	v21 =	vadd.s32 v41, v6  }
0x443: {  	v13 =	vadd.s32 v63, v14;
	v12 =	vld [tilespmem:s28+$0xFFFFFF70]  }
0x444: {  	v19 =	vadd.s32 v45, v11;
	v18 =	vld [tilespmem:s26+$0xFFFFFF20]  }
0x445: {  	v16 =	vld [tilespmem:s28+$0xFFFFFE70];
	v17 =	vadd.s32 v32, v15;
	_ =	sdelay $0x1  }
0x446: {  	[tilespmem:v21+s20+$0x0] =	vst.idx.msk $0xffff, v20  }
0x447: {  	[tilespmem:v13+s20+$0x0] =	vst.idx.msk $0xffff, v12  }
0x448: {  	[tilespmem:v19+s20+$0x0] =	vst.idx.msk $0xffff, v18  }
0x449: {  	[tilespmem:v17+s20+$0x0] =	vst.idx.msk $0xffff, v16  }
0x44a: {  	v33 =	vld [tilespmem:$0x1FC80];
	_ =	sdelay $0x1  }
0x44b: {  	v21 =	vadd.s32 v42, v6;
	v20 =	vld [tilespmem:s26+$0xFFFFFE20]  }
0x44c: {  	v13 =	vadd.s32 v3, v14;
	v12 =	vld [tilespmem:s28+$0xFFFFFF80]  }
0x44d: {  	v18 =	vadd.s32 v48, v11;
	v17 =	vld [tilespmem:s26+$0xFFFFFF30]  }
0x44e: {  	v14 =	vld [tilespmem:s28+$0xFFFFFE80];
	v15 =	vadd.s32 v33, v15;
	_ =	sdelay $0x1  }
0x44f: {  	[tilespmem:v21+s20+$0x0] =	vst.idx.msk $0xffff, v20  }
0x450: {  	s30 =	simm.s32 $0x6;
	[tilespmem:v13+s20+$0x0] =	vst.idx.msk $0xffff, v12  }
0x451: {  	v16 =	vmov s30;
	[tilespmem:v18+s20+$0x0] =	vst.idx.msk $0xffff, v17  }
0x452: {  	s31 =	simm.s32 $0x2;
	v16 =	vshrl.u32 v16, $0x3;
	[tilespmem:v15+s20+$0x0] =	vst.idx.msk $0xffff, v14  }
0x453: {  	v19 =	vmov s31;
	v16 =	vshll.u32 v16, v9;
	v35 =	vld [tilespmem:$0x1FC90]  }
0x454: {  	v19 =	vshrl.u32 v19, $0x3;
	v16 =	vbroadcast v16, $0x0  }
0x455: {  	v19 =	vshll.u32 v19, v9;
	v21 =	vadd.s32 v43, v6;
	v20 =	vld [tilespmem:s26+$0xFFFFFE30]  }
0x456: {  	v19 =	vbroadcast v19, $0x0;
	v12 =	vld [tilespmem:s28+$0xFFFFFF90];
	v13 =	vadd.s32 v4, v16  }
0x457: {  	v11 =	vadd.s32 v49, v11;
	v17 =	vld [tilespmem:s26+$0xFFFFFF40]  }
0x458: {  	v14 =	vld [tilespmem:s28+$0xFFFFFE90];
	v15 =	vadd.s32 v35, v19;
	_ =	sdelay $0x1  }
0x459: {  	[tilespmem:v21+s20+$0x0] =	vst.idx.msk $0xffff, v20  }
0x45a: {  	[tilespmem:v13+s20+$0x0] =	vst.idx.msk $0xffff, v12  }
0x45b: {  	s13 =	simm.s32 $0xD;
	[tilespmem:v11+s20+$0x0] =	vst.idx.msk $0xffff, v17  }
0x45c: {  	v6 =	vadd.s32 v59, v6;
	v20 =	vmov s13;
	v18 =	vld [tilespmem:s26+$0xFFFFFE40];
	[tilespmem:v15+s20+$0x0] =	vst.idx.msk $0xffff, v14  }
0x45d: {  	v20 =	vshrl.u32 v20, $0x3;
	v30 =	vld [tilespmem:$0x1FCA0]  }
0x45e: {  	v20 =	vshll.u32 v20, v9  }
0x45f: {  	v20 =	vbroadcast v20, $0x0  }
0x460: {  	v13 =	vld [tilespmem:s28+$0xFFFFFFA0];
	v14 =	vadd.s32 v7, v16  }
0x461: {  	s14 =	simm.s32 $0x9;
	v17 =	vadd.s32 v61, v20;
	[tilespmem:v6+s20+$0x0] =	vst.idx.msk $0xffff, v18;
	v6 =	vld [tilespmem:s26+$0xFFFFFF50]  }
0x462: {  	v21 =	vmov s14;
	v11 =	vld [tilespmem:s28+$0xFFFFFEA0];
	v15 =	vadd.s32 v30, v19  }
0x463: {  	v21 =	vshrl.u32 v21, $0x3  }
0x464: {  	v12 =	vshll.u32 v21, v9  }
0x465: {  	v12 =	vbroadcast v12, $0x0;
	[tilespmem:v14+s20+$0x0] =	vst.idx.msk $0xffff, v13  }
0x466: {  	[tilespmem:v17+s20+$0x0] =	vst.idx.msk $0xffff, v6  }
0x467: {  	v21 =	vadd.s32 v60, v12;
	v18 =	vld [tilespmem:s26+$0xFFFFFE50];
	[tilespmem:v15+s20+$0x0] =	vst.idx.msk $0xffff, v11  }
0x468: {  	v51 =	vld [tilespmem:$0x1FF20];
	_ =	sdelay $0x2  }
0x469: {  	v11 =	vld [tilespmem:s28+$0xFFFFFFB0];
	v15 =	vadd.s32 v2, v16  }
0x46a: {  	[tilespmem:v21+s20+$0x0] =	vst.idx.msk $0xffff, v18;
	v18 =	vld [tilespmem:s26+$0xFFFFFF60];
	v21 =	vadd.s32 v62, v20  }
0x46b: {  	v6 =	vld [tilespmem:s28+$0xFFFFFEB0];
	v17 =	vadd.s32 v51, v19;
	_ =	sdelay $0x1  }
0x46c: {  	s15 =	simm.s32 $0x14  }
0x46d: {  	s0 =	simm.s32 $0x10;
	v22 =	vmov s15;
	[tilespmem:v15+s20+$0x0] =	vst.idx.msk $0xffff, v11  }
0x46e: {  	v13 =	vmov s0;
	v14 =	vshrl.u32 v22, $0x3;
	[tilespmem:v21+s20+$0x0] =	vst.idx.msk $0xffff, v18  }
0x46f: {  	v13 =	vshrl.u32 v13, $0x3;
	v14 =	vshll.u32 v14, v9;
	[tilespmem:v17+s20+$0x0] =	vst.idx.msk $0xffff, v6  }
0x470: {  	v13 =	vshll.u32 v13, v9;
	v14 =	vbroadcast v14, $0x0;
	v36 =	vld [tilespmem:$0x1FF40]  }
0x471: {  	s29 =	simm.s32 $0x12DF0;
	v23 =	vadd.s32 v31, v12;
	v22 =	vbroadcast v13, $0x0;
	v13 =	vld [tilespmem:s26+$0xFFFFFE60]  }
0x472: {  	v24 =	vld [tilespmem:s29+$0xFFFFFF10];
	v25 =	vadd.s32 v34, v14  }
0x473: {  	v26 =	vld [tilespmem:s29+$0xFFFFFE10];
	v27 =	vadd.s32 v41, v22  }
0x474: {  	v11 =	vadd.s32 v0, v16;
	v6 =	vld [tilespmem:s28+$0xFFFFFFC0]  }
0x475: {  	v15 =	vld [tilespmem:s28+$0xFFFFFEC0];
	v16 =	vadd.s32 v36, v19  }
0x476: {  	v18 =	vld [tilespmem:s26+$0xFFFFFF70];
	[tilespmem:v23+s20+$0x0] =	vst.idx.msk $0xffff, v13;
	v19 =	vadd.s32 v63, v20  }
0x477: {  	[tilespmem:v25+s20+$0x0] =	vst.idx.msk $0xffff, v24  }
0x478: {  	[tilespmem:v27+s20+$0x0] =	vst.idx.msk $0xffff, v26  }
0x479: {  	s30 =	simm.s32 $0x7;
	[tilespmem:v11+s20+$0x0] =	vst.idx.msk $0xffff, v6  }
0x47a: {  	v17 =	vmov s30;
	[tilespmem:v16+s20+$0x0] =	vst.idx.msk $0xffff, v15  }
0x47b: {  	s31 =	simm.s32 $0x3;
	v17 =	vshrl.u32 v17, $0x3;
	v21 =	vld [tilespmem:s26+$0xFFFFFE70];
	[tilespmem:v19+s20+$0x0] =	vst.idx.msk $0xffff, v18  }
0x47c: {  	v13 =	vmov s31;
	v23 =	vadd.s32 v32, v12;
	v17 =	vshll.u32 v17, v9;
	v37 =	vld [tilespmem:$0x1FF60]  }
0x47d: {  	v25 =	vadd.s32 v45, v14;
	v13 =	vshrl.u32 v13, $0x3;
	v24 =	vld [tilespmem:s29+$0xFFFFFF20];
	v17 =	vbroadcast v17, $0x0  }
0x47e: {  	v27 =	vadd.s32 v42, v22;
	v26 =	vld [tilespmem:s29+$0xFFFFFE20];
	v13 =	vshll.u32 v13, v9  }
0x47f: {  	v13 =	vbroadcast v13, $0x0;
	v11 =	vadd.s32 v1, v17;
	v6 =	vld [tilespmem:s28+$0xFFFFFFD0]  }
0x480: {  	v19 =	vadd.s32 v3, v20;
	v18 =	vld [tilespmem:s26+$0xFFFFFF80]  }
0x481: {  	v15 =	vld [tilespmem:s28+$0xFFFFFED0];
	[tilespmem:v23+s20+$0x0] =	vst.idx.msk $0xffff, v21;
	v16 =	vadd.s32 v37, v13  }
0x482: {  	[tilespmem:v25+s20+$0x0] =	vst.idx.msk $0xffff, v24  }
0x483: {  	[tilespmem:v27+s20+$0x0] =	vst.idx.msk $0xffff, v26  }
0x484: {  	[tilespmem:v11+s20+$0x0] =	vst.idx.msk $0xffff, v6  }
0x485: {  	s14 =	simm.s32 $0xE;
	[tilespmem:v19+s20+$0x0] =	vst.idx.msk $0xffff, v18  }
0x486: {  	v21 =	vadd.s32 v33, v12;
	v12 =	vmov s14;
	v20 =	vld [tilespmem:s26+$0xFFFFFE80];
	[tilespmem:v16+s20+$0x0] =	vst.idx.msk $0xffff, v15  }
0x487: {  	v12 =	vshrl.u32 v12, $0x3;
	v38 =	vld [tilespmem:$0x1FF80]  }
0x488: {  	s15 =	simm.s32 $0xA;
	v24 =	vadd.s32 v48, v14;
	v23 =	vld [tilespmem:s29+$0xFFFFFF30];
	v12 =	vshll.u32 v12, v9  }
0x489: {  	v25 =	vmov s15;
	v27 =	vadd.s32 v43, v22;
	v26 =	vld [tilespmem:s29+$0xFFFFFE30];
	v11 =	vbroadcast v12, $0x0  }
0x48a: {  	v25 =	vshrl.u32 v25, $0x3;
	v15 =	vld [tilespmem:s28+$0xFFFFFFE0];
	v16 =	vadd.s32 v5, v17  }
0x48b: {  	v6 =	vshll.u32 v25, v9;
	v19 =	vld [tilespmem:s26+$0xFFFFFF90];
	[tilespmem:v21+s20+$0x0] =	vst.idx.msk $0xffff, v20;
	v20 =	vadd.s32 v4, v11  }
0x48c: {  	v12 =	vbroadcast v6, $0x0;
	v6 =	vld [tilespmem:s28+$0xFFFFFEE0];
	v18 =	vadd.s32 v38, v13  }
0x48d: {  	[tilespmem:v24+s20+$0x0] =	vst.idx.msk $0xffff, v23  }
0x48e: {  	[tilespmem:v27+s20+$0x0] =	vst.idx.msk $0xffff, v26  }
0x48f: {  	[tilespmem:v16+s20+$0x0] =	vst.idx.msk $0xffff, v15  }
0x490: {  	[tilespmem:v20+s20+$0x0] =	vst.idx.msk $0xffff, v19  }
0x491: {  	[tilespmem:v18+s20+$0x0] =	vst.idx.msk $0xffff, v6  }
0x492: {  	v39 =	vld [tilespmem:$0x1FFA0]  }
0x493: {  	v23 =	vadd.s32 v35, v12;
	v21 =	vld [tilespmem:s26+$0xFFFFFE90]  }
0x494: {  	v14 =	vadd.s32 v49, v14;
	v24 =	vld [tilespmem:s29+$0xFFFFFF40]  }
0x495: {  	v22 =	vadd.s32 v59, v22;
	v25 =	vld [tilespmem:s29+$0xFFFFFE40]  }
0x496: {  	v26 =	vadd.s32 v8, v17;
	v16 =	vld [tilespmem:s28+$0xFFFFFFF0]  }
0x497: {  	v27 =	vld [tilespmem:s28+$0xFFFFFEF0];
	v28 =	vadd.s32 v39, v13  }
0x498: {  	[tilespmem:v23+s20+$0x0] =	vst.idx.msk $0xffff, v21  }
0x499: {  	s30 =	simm.s32 $0x15;
	[tilespmem:v14+s20+$0x0] =	vst.idx.msk $0xffff, v24  }
0x49a: {  	s31 =	simm.s32 $0x11;
	v15 =	vmov s30;
	[tilespmem:v22+s20+$0x0] =	vst.idx.msk $0xffff, v25  }
0x49b: {  	v15 =	vshrl.u32 v15, $0x3;
	v6 =	vmov s31;
	[tilespmem:v26+s20+$0x0] =	vst.idx.msk $0xffff, v16  }
0x49c: {  	v15 =	vshll.u32 v15, v9;
	v19 =	vld [tilespmem:s26+$0xFFFFFFA0];
	v6 =	vshrl.u32 v6, $0x3;
	[tilespmem:v28+s20+$0x0] =	vst.idx.msk $0xffff, v27  }
0x49d: {  	v15 =	vbroadcast v15, $0x0;
	v21 =	vadd.s32 v7, v11;
	v6 =	vshll.u32 v6, v9;
	v40 =	vld [tilespmem:$0x1FCB0]  }
0x49e: {  	v20 =	vadd.s32 v30, v12;
	v18 =	vld [tilespmem:s26+$0xFFFFFEA0];
	v14 =	vbroadcast v6, $0x0  }
0x49f: {  	v23 =	vadd.s32 v61, v15;
	v22 =	vld [tilespmem:s29+$0xFFFFFF50]  }
0x4a0: {  	v6 =	vld [tilespmem:s29+$0xFFFFFE50];
	v24 =	vadd.s32 v60, v14  }
0x4a1: {  	s12 =	simm.s32 $0x18;
	s13 =	simm.s32 $0x20;
	s14 =	simm.s32 $0x1C;
	v17 =	vadd.s32 v10, v17;
	v16 =	vld [tilespmem:s28+$0x0]  }
.LBB2_17:
0x4a2: {  	p0 =	slt.u32 s13, $0x78;
	v25 =	vmov s14;
	[tilespmem:v21+s20+$0x0] =	vst.idx.msk $0xffff, v19;
	v19 =	vld [tilespmem:s28+$0xFFFFFF00];
	v13 =	vadd.s32 v40, v13;
	s28 =	smov.u32 s26;
	s26 =	smov.u32 s29  }
0x4a3: {  	v21 =	vmov s12;
	v25 =	vshrl.u32 v25, $0x3;
	[tilespmem:v20+s20+$0x0] =	vst.idx.msk $0xffff, v18;
	v18 =	vld [tilespmem:s28+$0xFFFFFFB0];
	v20 =	vadd.s32 v2, v11  }
0x4a4: {  	v21 =	vshrl.u32 v21, $0x3;
	v25 =	vshll.u32 v25, v9;
	[tilespmem:v23+s20+$0x0] =	vst.idx.msk $0xffff, v22;
	v22 =	vld [tilespmem:s28+$0xFFFFFEB0];
	v23 =	vadd.s32 v51, v12  }
0x4a5: {  	v21 =	vshll.u32 v21, v9;
	v25 =	vbroadcast v25, $0x0;
	[tilespmem:v24+s20+$0x0] =	vst.idx.msk $0xffff, v6;
	v6 =	vld [tilespmem:s29+$0xFFFFFF60];
	v24 =	vadd.s32 v62, v15  }
0x4a6: {  	v27 =	vadd.s32 v31, v14;
	v21 =	vbroadcast v21, $0x0;
	s29 =	sadd.s32 $0x200, s29;
	v26 =	vld [tilespmem:s26+$0xFFFFFE60];
	[tilespmem:v17+s20+$0x0] =	vst.idx.msk $0xffff, v16  }
0x4a7: {  	v16 =	vld [tilespmem:s29+$0xFFFFFF10];
	v17 =	vadd.s32 v34, v25;
	[tilespmem:v13+s20+$0x0] =	vst.idx.msk $0xffff, v19  }
0x4a8: {  	v19 =	vadd.s32 v41, v21;
	v13 =	vld [tilespmem:s29+$0xFFFFFE10];
	[tilespmem:v20+s20+$0x0] =	vst.idx.msk $0xffff, v18  }
0x4a9: {  	s14 =	sadd.s32 $0x7, s1;
	v11 =	vadd.s32 v0, v11;
	[tilespmem:v23+s20+$0x0] =	vst.idx.msk $0xffff, v22;
	v18 =	vld [tilespmem:s28+$0xFFFFFFC0]  }
0x4aa: {  	s15 =	sadd.s32 $0x3, s1;
	s1 =	smov.u32 s0;
	s0 =	smov.u32 s12;
	v12 =	vadd.s32 v36, v12;
	v20 =	vmov s14;
	[tilespmem:v24+s20+$0x0] =	vst.idx.msk $0xffff, v6;
	v6 =	vld [tilespmem:s28+$0xFFFFFEC0]  }
0x4ab: {  	s12 =	smov.u32 s13;
	v23 =	vadd.s32 v63, v15;
	v20 =	vshrl.u32 v20, $0x3;
	v24 =	vmov s15;
	[tilespmem:v27+s20+$0x0] =	vst.idx.msk $0xffff, v26;
	v22 =	vld [tilespmem:s26+$0xFFFFFF70]  }
0x4ac: {  	v20 =	vshll.u32 v20, v9;
	v24 =	vshrl.u32 v24, $0x3;
	[tilespmem:v17+s20+$0x0] =	vst.idx.msk $0xffff, v16;
	v16 =	vld [tilespmem:s26+$0xFFFFFE70];
	v17 =	vadd.s32 v32, v14  }
0x4ad: {  	v26 =	vadd.s32 v45, v25;
	v27 =	vbroadcast v20, $0x0;
	[tilespmem:v19+s20+$0x0] =	vst.idx.msk $0xffff, v13;
	v19 =	vld [tilespmem:s29+$0xFFFFFF20];
	v13 =	vshll.u32 v24, v9  }
0x4ae: {  	v24 =	vadd.s32 v42, v21;
	v20 =	vld [tilespmem:s29+$0xFFFFFE20];
	v13 =	vbroadcast v13, $0x0;
	[tilespmem:v11+s20+$0x0] =	vst.idx.msk $0xffff, v18  }
0x4af: {  	v11 =	vadd.s32 v1, v27;
	[tilespmem:v12+s20+$0x0] =	vst.idx.msk $0xffff, v6;
	v6 =	vld [tilespmem:s28+$0xFFFFFFD0]  }
0x4b0: {  	[tilespmem:v23+s20+$0x0] =	vst.idx.msk $0xffff, v22;
	v12 =	vld [tilespmem:s28+$0xFFFFFED0];
	v18 =	vadd.s32 v37, v13  }
0x4b1: {  	s14 =	sadd.s32 $0x6, s1;
	v15 =	vadd.s32 v3, v15;
	[tilespmem:v17+s20+$0x0] =	vst.idx.msk $0xffff, v16;
	v16 =	vld [tilespmem:s26+$0xFFFFFF80]  }
0x4b2: {  	s15 =	sadd.s32 $0x2, s1;
	v14 =	vadd.s32 v33, v14;
	[tilespmem:v26+s20+$0x0] =	vst.idx.msk $0xffff, v19;
	v17 =	vld [tilespmem:s26+$0xFFFFFE80];
	v19 =	vmov s14  }
0x4b3: {  	v22 =	vadd.s32 v48, v25;
	v23 =	vmov s15;
	[tilespmem:v24+s20+$0x0] =	vst.idx.msk $0xffff, v20;
	v20 =	vld [tilespmem:s29+$0xFFFFFF30];
	v19 =	vshrl.u32 v19, $0x3  }
0x4b4: {  	v23 =	vshrl.u32 v23, $0x3;
	v26 =	vadd.s32 v43, v21;
	v24 =	vld [tilespmem:s29+$0xFFFFFE30];
	v19 =	vshll.u32 v19, v9;
	[tilespmem:v11+s20+$0x0] =	vst.idx.msk $0xffff, v6  }
0x4b5: {  	v6 =	vshll.u32 v23, v9;
	v11 =	vbroadcast v19, $0x0;
	[tilespmem:v18+s20+$0x0] =	vst.idx.msk $0xffff, v12;
	v18 =	vld [tilespmem:s28+$0xFFFFFFE0];
	v19 =	vadd.s32 v5, v27  }
0x4b6: {  	v12 =	vbroadcast v6, $0x0;
	[tilespmem:v15+s20+$0x0] =	vst.idx.msk $0xffff, v16;
	v6 =	vld [tilespmem:s28+$0xFFFFFEE0];
	v15 =	vadd.s32 v38, v13  }
0x4b7: {  	[tilespmem:v14+s20+$0x0] =	vst.idx.msk $0xffff, v17;
	v14 =	vld [tilespmem:s26+$0xFFFFFF90];
	v16 =	vadd.s32 v4, v11  }
0x4b8: {  	[tilespmem:v22+s20+$0x0] =	vst.idx.msk $0xffff, v20;
	v17 =	vld [tilespmem:s26+$0xFFFFFE90];
	v20 =	vadd.s32 v35, v12  }
0x4b9: {  	s14 =	sadd.s32 $0x5, s0;
	v23 =	vadd.s32 v49, v25;
	[tilespmem:v26+s20+$0x0] =	vst.idx.msk $0xffff, v24;
	v22 =	vld [tilespmem:s29+$0xFFFFFF40]  }
0x4ba: {  	s15 =	sadd.s32 $0x1, s0;
	v25 =	vadd.s32 v59, v21;
	v21 =	vmov s14;
	v24 =	vld [tilespmem:s29+$0xFFFFFE40];
	[tilespmem:v19+s20+$0x0] =	vst.idx.msk $0xffff, v18  }
0x4bb: {  	v28 =	vadd.s32 v8, v27;
	v18 =	vmov s15;
	v19 =	vshrl.u32 v21, $0x3;
	[tilespmem:v15+s20+$0x0] =	vst.idx.msk $0xffff, v6;
	v26 =	vld [tilespmem:s28+$0xFFFFFFF0]  }
0x4bc: {  	v29 =	vadd.s32 v39, v13;
	v6 =	vshrl.u32 v18, $0x3;
	v15 =	vshll.u32 v19, v9;
	[tilespmem:v16+s20+$0x0] =	vst.idx.msk $0xffff, v14;
	v16 =	vld [tilespmem:s28+$0xFFFFFEF0]  }
.Ltmp7:
0x4bd: {  	v21 =	vadd.s32 v7, v11;
	v6 =	vshll.u32 v6, v9;
	v15 =	vbroadcast v15, $0x0;
	[tilespmem:v20+s20+$0x0] =	vst.idx.msk $0xffff, v17;
	v19 =	vld [tilespmem:s26+$0xFFFFFFA0];
	(pc) =	sbr.rel @p0 .LBB2_17-.Ltmp7, $4  }
0x4be: {  	v14 =	vbroadcast v6, $0x0;
	v20 =	vadd.s32 v30, v12;
	[tilespmem:v23+s20+$0x0] =	vst.idx.msk $0xffff, v22;
	v18 =	vld [tilespmem:s26+$0xFFFFFEA0]  }
0x4bf: {  	v23 =	vadd.s32 v61, v15;
	[tilespmem:v25+s20+$0x0] =	vst.idx.msk $0xffff, v24;
	v22 =	vld [tilespmem:s29+$0xFFFFFF50]  }
0x4c0: {  	v24 =	vadd.s32 v60, v14;
	v6 =	vld [tilespmem:s29+$0xFFFFFE50];
	[tilespmem:v28+s20+$0x0] =	vst.idx.msk $0xffff, v26  }
0x4c1: {  	s13 =	sadd.s32 $0x8, s13;
	s14 =	sadd.s32 $0x4, s12;
	v17 =	vadd.s32 v10, v27;
	[tilespmem:v29+s20+$0x0] =	vst.idx.msk $0xffff, v16;
	v16 =	vld [tilespmem:s28+$0x0]  }
0x4c2: {  	v25 =	vmov s14  }
0x4c3: {  	v26 =	vmov s12;
	v25 =	vshrl.u32 v25, $0x3  }
0x4c4: {  	v26 =	vshrl.u32 v26, $0x3;
	v25 =	vshll.u32 v25, v9  }
0x4c5: {  	v26 =	vshll.u32 v26, v9;
	v25 =	vbroadcast v25, $0x0  }
0x4c6: {  	s13 =	sadd.s32 $0x200, s29;
	v26 =	vbroadcast v26, $0x0  }
0x4c7: {  	v27 =	vld [tilespmem:s13+$0xFFFFFF10];
	v28 =	vadd.s32 v34, v25  }
0x4c8: {  	v29 =	vld [tilespmem:s13+$0xFFFFFE10];
	v30 =	vadd.s32 v41, v26;
	_ =	sdelay $0x3  }
0x4c9: {  	[tilespmem:v28+s20+$0x0] =	vst.idx.msk $0xffff, v27  }
0x4ca: {  	[tilespmem:v30+s20+$0x0] =	vst.idx.msk $0xffff, v29;
	v28 =	vadd.s32 v45, v25;
	v27 =	vld [tilespmem:s13+$0xFFFFFF20]  }
0x4cb: {  	v30 =	vadd.s32 v42, v26;
	v29 =	vld [tilespmem:s13+$0xFFFFFE20];
	_ =	sdelay $0x3  }
0x4cc: {  	[tilespmem:v28+s20+$0x0] =	vst.idx.msk $0xffff, v27  }
0x4cd: {  	[tilespmem:v30+s20+$0x0] =	vst.idx.msk $0xffff, v29;
	v28 =	vadd.s32 v48, v25;
	v27 =	vld [tilespmem:s13+$0xFFFFFF30]  }
0x4ce: {  	v30 =	vadd.s32 v43, v26;
	v29 =	vld [tilespmem:s13+$0xFFFFFE30];
	_ =	sdelay $0x3  }
0x4cf: {  	[tilespmem:v28+s20+$0x0] =	vst.idx.msk $0xffff, v27  }
0x4d0: {  	s31 =	sadd.s32 $0x5, s12;
	v25 =	vadd.s32 v49, v25;
	[tilespmem:v30+s20+$0x0] =	vst.idx.msk $0xffff, v29;
	v27 =	vld [tilespmem:s13+$0xFFFFFF40]  }
0x4d1: {  	s15 =	sadd.s32 $0x1, s12;
	v26 =	vadd.s32 v59, v26;
	v29 =	vmov s31;
	v28 =	vld [tilespmem:s13+$0xFFFFFE40]  }
0x4d2: {  	v30 =	vmov s15;
	v29 =	vshrl.u32 v29, $0x3  }
0x4d3: {  	v30 =	vshrl.u32 v30, $0x3;
	v29 =	vshll.u32 v29, v9  }
0x4d4: {  	v30 =	vshll.u32 v30, v9;
	v29 =	vbroadcast v29, $0x0  }
0x4d5: {  	v30 =	vbroadcast v30, $0x0;
	[tilespmem:v25+s20+$0x0] =	vst.idx.msk $0xffff, v27  }
0x4d6: {  	v57 =	vadd.s32 v61, v29;
	[tilespmem:v26+s20+$0x0] =	vst.idx.msk $0xffff, v28;
	v25 =	vld [tilespmem:s13+$0xFFFFFF50]  }
0x4d7: {  	v28 =	vadd.s32 v60, v30;
	v58 =	vld [tilespmem:s13+$0xFFFFFE50];
	_ =	sdelay $0x1  }
0x4d8: {  	[tilespmem:v23+s20+$0x0] =	vst.idx.msk $0xffff, v22  }
0x4d9: {  	v44 =	vadd.s32 v62, v15;
	[tilespmem:v24+s20+$0x0] =	vst.idx.msk $0xffff, v6;
	v34 =	vld [tilespmem:s29+$0xFFFFFF60]  }
0x4da: {  	v46 =	vadd.s32 v31, v14;
	v45 =	vld [tilespmem:s29+$0xFFFFFE60];
	[tilespmem:v57+s20+$0x0] =	vst.idx.msk $0xffff, v25  }
0x4db: {  	v47 =	vadd.s32 v62, v29;
	[tilespmem:v28+s20+$0x0] =	vst.idx.msk $0xffff, v58;
	v25 =	vld [tilespmem:s13+$0xFFFFFF60]  }
0x4dc: {  	v28 =	vadd.s32 v31, v30;
	v27 =	vld [tilespmem:s13+$0xFFFFFE60];
	_ =	sdelay $0x1  }
0x4dd: {  	[tilespmem:v44+s20+$0x0] =	vst.idx.msk $0xffff, v34  }
0x4de: {  	v6 =	vld [tilespmem:s29+$0xFFFFFF70];
	[tilespmem:v46+s20+$0x0] =	vst.idx.msk $0xffff, v45;
	v48 =	vadd.s32 v63, v15  }
0x4df: {  	v23 =	vld [tilespmem:s29+$0xFFFFFE70];
	v49 =	vadd.s32 v32, v14;
	[tilespmem:v47+s20+$0x0] =	vst.idx.msk $0xffff, v25  }
0x4e0: {  	v50 =	vadd.s32 v63, v29;
	[tilespmem:v28+s20+$0x0] =	vst.idx.msk $0xffff, v27;
	v25 =	vld [tilespmem:s13+$0xFFFFFF70]  }
0x4e1: {  	v28 =	vadd.s32 v32, v30;
	v27 =	vld [tilespmem:s13+$0xFFFFFE70];
	_ =	sdelay $0x1  }
0x4e2: {  	s30 =	sadd.s32 $0x6, s0;
	[tilespmem:v48+s20+$0x0] =	vst.idx.msk $0xffff, v6  }
0x4e3: {  	v52 =	vmov s30;
	s30 =	sadd.s32 $0x6, s12;
	v15 =	vadd.s32 v3, v15;
	[tilespmem:v49+s20+$0x0] =	vst.idx.msk $0xffff, v23;
	v6 =	vld [tilespmem:s29+$0xFFFFFF80]  }
0x4e4: {  	v55 =	vmov s30;
	v22 =	vshrl.u32 v52, $0x3;
	v14 =	vadd.s32 v33, v14;
	s31 =	sadd.s32 $0x2, s0;
	v24 =	vld [tilespmem:s29+$0xFFFFFE80];
	[tilespmem:v50+s20+$0x0] =	vst.idx.msk $0xffff, v25  }
0x4e5: {  	v22 =	vshll.u32 v22, v9;
	v53 =	vmov s31;
	v58 =	vadd.s32 v3, v29;
	[tilespmem:v28+s20+$0x0] =	vst.idx.msk $0xffff, v27;
	v57 =	vld [tilespmem:s13+$0xFFFFFF80]  }
0x4e6: {  	v22 =	vbroadcast v22, $0x0;
	s31 =	sadd.s32 $0x2, s12;
	v23 =	vshrl.u32 v53, $0x3;
	v29 =	vadd.s32 v33, v30;
	v28 =	vld [tilespmem:s13+$0xFFFFFE80]  }
0x4e7: {  	v56 =	vmov s31;
	v23 =	vshll.u32 v23, v9;
	v25 =	vshrl.u32 v55, $0x3  }
0x4e8: {  	v30 =	vld [tilespmem:$0x1FCA0];
	[tilespmem:v15+s20+$0x0] =	vst.idx.msk $0xffff, v6;
	v6 =	vbroadcast v23, $0x0;
	v15 =	vshrl.u32 v56, $0x3;
	v32 =	vshll.u32 v25, v9  }
0x4e9: {  	v33 =	vadd.s32 v4, v22;
	[tilespmem:v14+s20+$0x0] =	vst.idx.msk $0xffff, v24;
	v14 =	vld [tilespmem:s29+$0xFFFFFF90];
	v15 =	vshll.u32 v15, v9;
	v23 =	vbroadcast v32, $0x0  }
0x4ea: {  	v34 =	vld [tilespmem:s29+$0xFFFFFE90];
	v44 =	vadd.s32 v35, v6;
	v15 =	vbroadcast v15, $0x0;
	[tilespmem:v58+s20+$0x0] =	vst.idx.msk $0xffff, v57  }
0x4eb: {  	v46 =	vadd.s32 v4, v23;
	[tilespmem:v29+s20+$0x0] =	vst.idx.msk $0xffff, v28;
	v45 =	vld [tilespmem:s13+$0xFFFFFF90]  }
0x4ec: {  	[tilespmem:v21+s20+$0x0] =	vst.idx.msk $0xffff, v19;
	v47 =	vadd.s32 v35, v15;
	v19 =	vld [tilespmem:s13+$0xFFFFFE90]  }
0x4ed: {  	[tilespmem:v20+s20+$0x0] =	vst.idx.msk $0xffff, v18  }
0x4ee: {  	v13 =	vadd.s32 v40, v13;
	v18 =	vld [tilespmem:s28+$0xFFFFFF00];
	[tilespmem:v33+s20+$0x0] =	vst.idx.msk $0xffff, v14  }
0x4ef: {  	v14 =	vadd.s32 v7, v22;
	[tilespmem:v44+s20+$0x0] =	vst.idx.msk $0xffff, v34;
	v48 =	vld [tilespmem:s29+$0xFFFFFFA0]  }
0x4f0: {  	v49 =	vadd.s32 v30, v6;
	v20 =	vld [tilespmem:s29+$0xFFFFFEA0];
	[tilespmem:v46+s20+$0x0] =	vst.idx.msk $0xffff, v45  }
0x4f1: {  	v50 =	vadd.s32 v7, v23;
	[tilespmem:v47+s20+$0x0] =	vst.idx.msk $0xffff, v19;
	v4 =	vld [tilespmem:s13+$0xFFFFFFA0]  }
0x4f2: {  	[tilespmem:v17+s20+$0x0] =	vst.idx.msk $0xffff, v16;
	v17 =	vadd.s32 v30, v15;
	v16 =	vld [tilespmem:s13+$0xFFFFFEA0]  }
0x4f3: {  	v52 =	vadd.s32 v2, v11;
	[tilespmem:v13+s20+$0x0] =	vst.idx.msk $0xffff, v18;
	v19 =	vld [tilespmem:s26+$0xFFFFFFB0]  }
0x4f4: {  	s15 =	sadd.s32 $0x7, s1;
	v13 =	vld [tilespmem:s26+$0xFFFFFEB0];
	v18 =	vadd.s32 v51, v12;
	[tilespmem:v14+s20+$0x0] =	vst.idx.msk $0xffff, v48  }
0x4f5: {  	v53 =	vmov s15;
	[tilespmem:v49+s20+$0x0] =	vst.idx.msk $0xffff, v20;
	v14 =	vld [tilespmem:s29+$0xFFFFFFB0];
	v20 =	vadd.s32 v2, v22  }
0x4f6: {  	v3 =	vshrl.u32 v53, $0x3;
	v56 =	vadd.s32 v51, v6;
	v25 =	vld [tilespmem:s29+$0xFFFFFEB0];
	[tilespmem:v50+s20+$0x0] =	vst.idx.msk $0xffff, v4  }
0x4f7: {  	v3 =	vshll.u32 v3, v9;
	v58 =	vadd.s32 v2, v23;
	[tilespmem:v17+s20+$0x0] =	vst.idx.msk $0xffff, v16;
	v7 =	vld [tilespmem:s13+$0xFFFFFFB0]  }
0x4f8: {  	v11 =	vadd.s32 v0, v11;
	s31 =	sadd.s32 $0x3, s0;
	v3 =	vbroadcast v3, $0x0;
	s28 =	sadd.s32 $0x3, s1;
	[tilespmem:v52+s20+$0x0] =	vst.idx.msk $0xffff, v19;
	v17 =	vadd.s32 v51, v15;
	v16 =	vld [tilespmem:s13+$0xFFFFFEB0]  }
0x4f9: {  	s30 =	sadd.s32 $0x7, s0;
	v55 =	vmov s28;
	v32 =	vadd.s32 v0, v22;
	v35 =	vmov s31;
	[tilespmem:v18+s20+$0x0] =	vst.idx.msk $0xffff, v13;
	v13 =	vld [tilespmem:s26+$0xFFFFFFC0]  }
0x4fa: {  	v12 =	vadd.s32 v36, v12;
	v6 =	vadd.s32 v36, v6;
	v33 =	vmov s30;
	v18 =	vld [tilespmem:s26+$0xFFFFFEC0];
	[tilespmem:v20+s20+$0x0] =	vst.idx.msk $0xffff, v14  }
0x4fb: {  	v44 =	vshrl.u32 v35, $0x3;
	v46 =	vadd.s32 v0, v23;
	v22 =	vshrl.u32 v33, $0x3;
	[tilespmem:v56+s20+$0x0] =	vst.idx.msk $0xffff, v25;
	v20 =	vld [tilespmem:s29+$0xFFFFFFC0]  }
0x4fc: {  	v57 =	vshrl.u32 v55, $0x3;
	v2 =	vshll.u32 v44, v9;
	v45 =	vshll.u32 v22, v9;
	v34 =	vld [tilespmem:s29+$0xFFFFFEC0];
	[tilespmem:v58+s20+$0x0] =	vst.idx.msk $0xffff, v7  }
0x4fd: {  	s14 =	sadd.s32 $0x7, s12;
	v2 =	vbroadcast v2, $0x0;
	v19 =	vadd.s32 v1, v3;
	v4 =	vshll.u32 v57, v9;
	[tilespmem:v17+s20+$0x0] =	vst.idx.msk $0xffff, v16;
	v16 =	vld [tilespmem:s13+$0xFFFFFFC0]  }
0x4fe: {  	s15 =	sadd.s32 $0x3, s12;
	v4 =	vbroadcast v4, $0x0;
	[tilespmem:v11+s20+$0x0] =	vst.idx.msk $0xffff, v13;
	v13 =	vadd.s32 v36, v15;
	v15 =	vmov s14;
	v11 =	vld [tilespmem:s13+$0xFFFFFEC0]  }
0x4ff: {  	[tilespmem:v12+s20+$0x0] =	vst.idx.msk $0xffff, v18;
	v12 =	vld [tilespmem:s26+$0xFFFFFFD0];
	v7 =	vbroadcast v45, $0x0;
	v17 =	vmov s15;
	v15 =	vshrl.u32 v15, $0x3  }
0x500: {  	v18 =	vld [tilespmem:s26+$0xFFFFFED0];
	v14 =	vadd.s32 v37, v4;
	[tilespmem:v32+s20+$0x0] =	vst.idx.msk $0xffff, v20;
	v17 =	vshrl.u32 v17, $0x3;
	v15 =	vshll.u32 v15, v9  }
0x501: {  	[tilespmem:v6+s20+$0x0] =	vst.idx.msk $0xffff, v34;
	v47 =	vld [tilespmem:s29+$0xFFFFFFD0];
	v20 =	vadd.s32 v1, v7;
	v17 =	vshll.u32 v17, v9;
	v15 =	vbroadcast v15, $0x0  }
0x502: {  	v49 =	vadd.s32 v37, v2;
	v48 =	vld [tilespmem:s29+$0xFFFFFED0];
	v17 =	vbroadcast v17, $0x0;
	[tilespmem:v46+s20+$0x0] =	vst.idx.msk $0xffff, v16  }
0x503: {  	v50 =	vadd.s32 v1, v15;
	[tilespmem:v13+s20+$0x0] =	vst.idx.msk $0xffff, v11;
	v0 =	vld [tilespmem:s13+$0xFFFFFFD0]  }
0x504: {  	[tilespmem:v19+s20+$0x0] =	vst.idx.msk $0xffff, v12;
	v12 =	vadd.s32 v37, v17;
	v11 =	vld [tilespmem:s13+$0xFFFFFED0]  }
0x505: {  	[tilespmem:v14+s20+$0x0] =	vst.idx.msk $0xffff, v18;
	v14 =	vadd.s32 v5, v3;
	v13 =	vld [tilespmem:s26+$0xFFFFFFE0]  }
0x506: {  	v18 =	vadd.s32 v38, v4;
	v16 =	vld [tilespmem:s26+$0xFFFFFEE0];
	[tilespmem:v20+s20+$0x0] =	vst.idx.msk $0xffff, v47  }
0x507: {  	v19 =	vadd.s32 v5, v7;
	[tilespmem:v49+s20+$0x0] =	vst.idx.msk $0xffff, v48;
	v6 =	vld [tilespmem:s29+$0xFFFFFFE0]  }
0x508: {  	v51 =	vadd.s32 v38, v2;
	v20 =	vld [tilespmem:s29+$0xFFFFFEE0];
	[tilespmem:v50+s20+$0x0] =	vst.idx.msk $0xffff, v0  }
0x509: {  	v52 =	vadd.s32 v5, v15;
	[tilespmem:v12+s20+$0x0] =	vst.idx.msk $0xffff, v11;
	v0 =	vld [tilespmem:s13+$0xFFFFFFE0]  }
0x50a: {  	[tilespmem:v14+s20+$0x0] =	vst.idx.msk $0xffff, v13;
	v11 =	vadd.s32 v38, v17;
	v53 =	vld [tilespmem:s13+$0xFFFFFEE0]  }
0x50b: {  	[tilespmem:v18+s20+$0x0] =	vst.idx.msk $0xffff, v16;
	v13 =	vadd.s32 v8, v3;
	v12 =	vld [tilespmem:s26+$0xFFFFFFF0]  }
0x50c: {  	v16 =	vadd.s32 v39, v4;
	v14 =	vld [tilespmem:s26+$0xFFFFFEF0];
	[tilespmem:v19+s20+$0x0] =	vst.idx.msk $0xffff, v6  }
0x50d: {  	v18 =	vadd.s32 v8, v7;
	[tilespmem:v51+s20+$0x0] =	vst.idx.msk $0xffff, v20;
	v6 =	vld [tilespmem:s29+$0xFFFFFFF0]  }
0x50e: {  	v20 =	vadd.s32 v39, v2;
	v19 =	vld [tilespmem:s29+$0xFFFFFEF0];
	[tilespmem:v52+s20+$0x0] =	vst.idx.msk $0xffff, v0  }
0x50f: {  	v55 =	vadd.s32 v8, v15;
	[tilespmem:v11+s20+$0x0] =	vst.idx.msk $0xffff, v53;
	v0 =	vld [tilespmem:s13+$0xFFFFFFF0]  }
0x510: {  	v8 =	vadd.s32 v39, v17;
	[tilespmem:v13+s20+$0x0] =	vst.idx.msk $0xffff, v12;
	v5 =	vld [tilespmem:s13+$0xFFFFFEF0]  }
0x511: {  	v3 =	vadd.s32 v10, v3;
	[tilespmem:v16+s20+$0x0] =	vst.idx.msk $0xffff, v14;
	v11 =	vld [tilespmem:s26+$0x0]  }
0x512: {  	v4 =	vadd.s32 v40, v4;
	v12 =	vld [tilespmem:s26+$0xFFFFFF00];
	[tilespmem:v18+s20+$0x0] =	vst.idx.msk $0xffff, v6  }
0x513: {  	v7 =	vadd.s32 v10, v7;
	[tilespmem:v20+s20+$0x0] =	vst.idx.msk $0xffff, v19;
	v6 =	vld [tilespmem:s29+$0x0]  }
0x514: {  	v2 =	vadd.s32 v40, v2;
	v13 =	vld [tilespmem:s29+$0xFFFFFF00];
	[tilespmem:v55+s20+$0x0] =	vst.idx.msk $0xffff, v0  }
0x515: {  	v56 =	vadd.s32 v10, v15;
	[tilespmem:v8+s20+$0x0] =	vst.idx.msk $0xffff, v5;
	v0 =	vld [tilespmem:s13+$0x0]  }
0x516: {  	v58 =	vadd.s32 v40, v17;
	[tilespmem:v3+s20+$0x0] =	vst.idx.msk $0xffff, v11;
	v57 =	vld [tilespmem:s13+$0xFFFFFF00]  }
0x517: {  	[tilespmem:v4+s20+$0x0] =	vst.idx.msk $0xffff, v12  }
0x518: {  	[tilespmem:v7+s20+$0x0] =	vst.idx.msk $0xffff, v6  }
0x519: {  	s28 =	sshll.u32 s25, $0x12;
	[tilespmem:v2+s20+$0x0] =	vst.idx.msk $0xffff, v13  }
0x51a: {  	s0 =	sor.u32 s6, s28;
	[tilespmem:v56+s20+$0x0] =	vst.idx.msk $0xffff, v0  }
0x51b: {  	s0 =	sshrl.u32 s0, $0x3;
	[tilespmem:v58+s20+$0x0] =	vst.idx.msk $0xffff, v57  }
0x51c: {  	s1 =	sadd.s32 s2, s0;
	s29 =	simm.s32 $0x16A00;
	v44 =	vld [tilespmem:$0x1FDF0]  }
0x51d: {  	[hbm4b:s1+s3] =	stream.linear.scatter [tilespmem:s29], [sflag:$0x2], $0x80, $0x38;
	v30 =	vld [tilespmem:$0x1FE00]  }
0x51e: {  	s31 =	sadd.s32 $0x10, s1;
	s30 =	simm.s32 $0x16A88;
	v52 =	vld [tilespmem:$0x1FE10]  }
0x51f: {  	v56 =	vld [tilespmem:$0x1FE20];
	[hbm4b:s31+s3] =	stream.linear.scatter [tilespmem:s30], [sflag:$0x2], $0x80, $0x38  }
0x520: {  	s12 =	simm.s32 $0x16B10;
	s25 =	simm.s32 $0x16C20;
	s13 =	sadd.s32 $0x20, s1;
	v14 =	vld [tilespmem:$0x1FE30]  }
0x521: {  	v19 =	vld [tilespmem:$0x1FE40];
	[hbm4b:s13+s3] =	stream.linear.scatter [tilespmem:s12], [sflag:$0x2], $0x80, $0x38  }
0x522: {  	s28 =	simm.s32 $0x16CA8;
	s14 =	simm.s32 $0x16B98;
	s15 =	sadd.s32 $0x30, s1;
	v55 =	vld [tilespmem:$0x1FE50]  }
0x523: {  	v53 =	vld [tilespmem:$0x1FE60];
	[hbm4b:s15+s3] =	stream.linear.scatter [tilespmem:s14], [sflag:$0x2], $0x80, $0x38  }
0x524: {  	s0 =	simm.s32 $0x440;
	s26 =	sadd.s32 $0x40, s1;
	s29 =	sadd.s32 $0x50, s1;
	v46 =	vld [tilespmem:$0x1FE70]  }
0x525: {  	v15 =	vld [tilespmem:$0x1FE80];
	[hbm4b:s26+s3] =	stream.linear.scatter [tilespmem:s25], [sflag:$0x2], $0x80, $0x38  }
0x526: {  	v58 =	vld [tilespmem:$0x1FE90];
	s30 =	simm.s32 $0x16D30;
	s31 =	sadd.s32 $0x60, s1;
	s12 =	simm.s32 $0x2200  }
0x527: {  	v47 =	vld [tilespmem:$0x1FEA0];
	[hbm4b:s29+s3] =	stream.linear.scatter [tilespmem:s28], [sflag:$0x2], $0x80, $0x38  }
0x528: {  	v50 =	vld [tilespmem:$0x1FEB0];
	s13 =	simm.s32 $0x16DB8;
	s14 =	sadd.s32 $0x70, s1;
	s1 =	sadd.s32 $0x1000, s1  }
0x529: {  	v57 =	vld [tilespmem:$0x1FEC0];
	[hbm4b:s31+s3] =	stream.linear.scatter [tilespmem:s30], [sflag:$0x2], $0x80, $0x38  }
.LBB2_19:
0x52a: {  	[hbm4b:s14+s3] =	stream.linear.scatter [tilespmem:s13], [sflag:$0x2], $0x80, $0x38;
	[tilespmem:$0x18C00] =	vst v63  }
0x52b: {  	s13 =	smov.u32 s0;
	s0 =	smov.u32 s12  }
0x52c: {  	s15 =	sadd.s32 $0x1100, s12;
	s0 =	sshra.s32 s0, $0x2;
	s14 =	sadd.s32 $0x16A00, s13  }
0x52d: {  	[hbm4b:s1+s3] =	stream.linear.scatter [tilespmem:s14], [sflag:$0x2], $0x80, $0x38;
	[tilespmem:$0x18C00] =	vst v63  }
0x52e: {  	p0 =	sne.s32 s12, $0x7700;
	s12 =	sadd.s32 $0x16A88, s13;
	s14 =	sadd.s32 $0x10, s1  }
0x52f: {  	[hbm4b:s14+s3] =	stream.linear.scatter [tilespmem:s12], [sflag:$0x2], $0x80, $0x38;
	[tilespmem:$0x18C00] =	vst v63  }
0x530: {  	s12 =	sadd.s32 $0x16B10, s13;
	s14 =	sadd.s32 $0x20, s1  }
0x531: {  	[hbm4b:s14+s3] =	stream.linear.scatter [tilespmem:s12], [sflag:$0x2], $0x80, $0x38;
	[tilespmem:$0x18C00] =	vst v63  }
0x532: {  	s12 =	sadd.s32 $0x16B98, s13;
	s14 =	sadd.s32 $0x30, s1  }
0x533: {  	[hbm4b:s14+s3] =	stream.linear.scatter [tilespmem:s12], [sflag:$0x2], $0x80, $0x38;
	[tilespmem:$0x18C00] =	vst v63  }
0x534: {  	s12 =	sadd.s32 $0x16C20, s13;
	s14 =	sadd.s32 $0x40, s1  }
0x535: {  	[hbm4b:s14+s3] =	stream.linear.scatter [tilespmem:s12], [sflag:$0x2], $0x80, $0x38;
	[tilespmem:$0x18C00] =	vst v63  }
.Ltmp8:
0x536: {  	s12 =	sadd.s32 $0x16CA8, s13;
	s14 =	sadd.s32 $0x50, s1;
	(pc) =	sbr.rel @p0 .LBB2_19-.Ltmp8, $4  }
0x537: {  	[hbm4b:s14+s3] =	stream.linear.scatter [tilespmem:s12], [sflag:$0x2], $0x80, $0x38;
	[tilespmem:$0x18C00] =	vst v63  }
0x538: {  	s12 =	sadd.s32 $0x16D30, s13;
	s14 =	sadd.s32 $0x60, s1;
	s13 =	sadd.s32 $0x16DB8, s13  }
0x539: {  	[hbm4b:s14+s3] =	stream.linear.scatter [tilespmem:s12], [sflag:$0x2], $0x80, $0x38;
	[tilespmem:$0x18C00] =	vst v63  }
0x53a: {  	s14 =	sadd.s32 $0x70, s1;
	s1 =	sadd.s32 $0x1000, s1;
	s12 =	smov.u32 s15  }
0x53b: {  	[hbm4b:s14+s3] =	stream.linear.scatter [tilespmem:s13], [sflag:$0x2], $0x80, $0x38;
	[tilespmem:$0x18C00] =	vst v63  }
0x53c: {  	s12 =	sadd.s32 $0x16A00, s0  }
0x53d: {  	[hbm4b:s1+s3] =	stream.linear.scatter [tilespmem:s12], [sflag:$0x2], $0x80, $0x38;
	[tilespmem:$0x18C00] =	vst v63  }
0x53e: {  	s25 =	sadd.s32 $0x16A88, s0;
	s26 =	sadd.s32 $0x10, s1;
	v25 =	vld [tilespmem:$0x1FD20]  }
0x53f: {  	v22 =	vld [tilespmem:$0x1FD50];
	[hbm4b:s26+s3] =	stream.linear.scatter [tilespmem:s25], [sflag:$0x2], $0x80, $0x38  }
0x540: {  	s28 =	sadd.s32 $0x16B10, s0;
	s29 =	sadd.s32 $0x20, s1;
	v23 =	vld [tilespmem:$0x1FD60]  }
0x541: {  	v24 =	vld [tilespmem:$0x1FD80];
	[hbm4b:s29+s3] =	stream.linear.scatter [tilespmem:s28], [sflag:$0x2], $0x80, $0x38  }
0x542: {  	s30 =	sadd.s32 $0x16B98, s0;
	s31 =	sadd.s32 $0x30, s1;
	v26 =	vld [tilespmem:$0x1FDA0]  }
0x543: {  	v27 =	vld [tilespmem:$0x1FDD0];
	[hbm4b:s31+s3] =	stream.linear.scatter [tilespmem:s30], [sflag:$0x2], $0x80, $0x38  }
0x544: {  	s14 =	sadd.s32 $0x16C20, s0;
	s15 =	sadd.s32 $0x40, s1;
	s24 =	sadd.s32 $0x1, s24;
	v28 =	vld [tilespmem:$0x1FDE0]  }
0x545: {  	v29 =	vld [tilespmem:$0x1FD70];
	[hbm4b:s15+s3] =	stream.linear.scatter [tilespmem:s14], [sflag:$0x2], $0x80, $0x38  }
0x546: {  	v31 =	vld [tilespmem:$0x1FF90];
	p0 =	sne.s32 s24, $0x32;
	s25 =	sadd.s32 $0x16CA8, s0;
	s26 =	sadd.s32 $0x50, s1  }
0x547: {  	v32 =	vld [tilespmem:$0x1FF70];
	[hbm4b:s26+s3] =	stream.linear.scatter [tilespmem:s25], [sflag:$0x2], $0x80, $0x38  }
.Ltmp9:
0x548: {  	v33 =	vld [tilespmem:$0x1FD90];
	(pc) =	sbr.rel @p0 .LBB2_4-.Ltmp9, $4  }
0x549: {  	v35 =	vld [tilespmem:$0x1FF50];
	s28 =	sadd.s32 $0x16D30, s0;
	s29 =	sadd.s32 $0x60, s1  }
0x54a: {  	v40 =	vld [tilespmem:$0x1FF30];
	[hbm4b:s29+s3] =	stream.linear.scatter [tilespmem:s28], [sflag:$0x2], $0x80, $0x38  }
0x54b: {  	v21 =	vld [tilespmem:$0x1FDB0];
	s30 =	sadd.s32 $0x16DB8, s0;
	s31 =	sadd.s32 $0x70, s1  }
0x54c: {  	v20 =	vld [tilespmem:$0x1FDC0];
	[hbm4b:s31+s3] =	stream.linear.scatter [tilespmem:s30], [sflag:$0x2], $0x80, $0x38  }
0x54d: {  	_ =	swait.ge [sflag:s21], $0x2000  }
0x54e: {  	[sflag:s21] =	ssyncset.done $0x0  }
0x54f: {  	[sflag:s21] =	ssyncadd.s32 $0xFFFFE000  }
0x550: {  	_ =	swait.ge [sflag:s21], $0x2000  }
0x551: {  	v3 =	vld [tilespmem:$0x1FCC0]  }
0x552: {  	s22 =	sadd.s32 $0x1, s22;
	v4 =	vld [tilespmem:$0x1FCD0]  }
0x553: {  	p0 =	sne.s32 s22, s9;
	v5 =	vld [tilespmem:$0x1FCE0]  }
.Ltmp10:
0x554: {  	v6 =	vld [tilespmem:$0x1FCF0];
	(pc) =	sbr.rel @p0 .LBB2_1-.Ltmp10, $4  }
0x555: {  	v7 =	vld [tilespmem:$0x1FD00]  }
0x556: {  	v8 =	vld [tilespmem:$0x1FD10]  }
0x557: {  	[sflag:s21] =	ssyncset.done $0x0;
	v10 =	vld [tilespmem:$0x1FD30]  }
0x558: {  	v11 =	vld [tilespmem:$0x1FD40];
	[sflag:s21] =	ssyncadd.s32 $0xFFFFE000  }
0x559: {  	_ =	sfence.sel $0x180000  }
0x55a: {  	[bflag:$0x0] =	sbarrier.arrive $0xFFFF  }
0x55b: {  	_ =	strace $0x90000047  }
0x55c: {  	s0 =	stileid.u32;
	[bflag:$0x2] =	sbarrier.arrive $0xFFFF  }
0x55d: {  	p0 =	sne.s32 s0, $0x0;
	s0 =	rddreg [dreg:$0x2]  }
0x55e: {  	s0 =	sadd.s32 @!p0 $0x100000, s0  }
0x55f: {  	[sflag:s0] =	ssyncadd.tile.s32 @!p0 $0x1;
	_ =	shalt  }
.Lfunc_end2:
_tile_overlayer_lowered:
.L_overlay_start_2:
0x560: {  	(tag) =	ssettag $0x2  }
0x561: {  	s0 =	rddreg [dreg:$0x0];
	s2 =	stileid.u32  }
0x562: {  	s1 =	rddreg [dreg:$0x1];
	p0 =	sne.s32 s2, $0x0  }
0x563: {  	s3 =	rddreg [dreg:$0x2];
	[bflag:$0x3] =	sbarrier.arrive $0xFFFF;
	s2 =	simm.s32 @!p0 $0x1C03  }
0x564: {  	[timem:s3], [sflag:s2] =	dma.local @!p0 [hbm:s0], s1  }
0x565: {  	s0 =	simm.s32 @!p0 $0x3  }
0x566: {  	_ =	swait.ge @!p0 [sflag:s0], s1  }
0x567: {  	s1 =	ssub.s32 @!p0 $0x0, s1;
	[sflag:s0] =	ssyncset.done @!p0 $0x0  }
0x568: {  	[sflag:s0] =	ssyncadd.s32 @!p0 s1  }
0x569: {  	[bflag:$0x3] =	sbarrier.arrive $0xFFFF  }
0x56a: {  	_ =	shalt  }

</sc_bundles>
